<compile_context>
chip_gen: v7x
topology: tpu7x:2x2x1
jax: 0.10.2.dev20260603
libtpu: 0.0.44.dev20260713+nightly
codegen_flags: <defaults>
</compile_context>

<pallas_src>
import jax
import jax.numpy as jnp
from jax import lax
from jax.experimental import pallas as pl
from jax.experimental.pallas import tpu as pltpu
from jax.experimental.pallas import tpu_sc as plsc

N_NODES = 10000
D_IN_PAD = 168
D_HID = 128
D_OUT_PAD = 8

NC = 2
NS = 16
NW = NC * NS
CHUNK = 128
E_PAD = 327680
CHUNKS_PER_TILE = E_PAD // (NW * CHUNK)
G_C0 = 120
G_C1 = 2 * CHUNKS_PER_TILE - G_C0
GROUP = 8
ACC_ROWS = 10240
RPT = ACC_ROWS // NS

_mesh = plsc.VectorSubcoreMesh(core_axis_name="c", subcore_axis_name="s")

BM = 400
GRID = N_NODES // BM


def _tc_lin1(x_ref, wl_ref, wr_ref, b1_ref, y1_ref, xr_ref):
    xb = x_ref[...]
    y1_ref[...] = jnp.dot(xb, wl_ref[...], preferred_element_type=jnp.float32)
    xr_ref[...] = (
        jnp.dot(xb, wr_ref[...], preferred_element_type=jnp.float32) + b1_ref[...]
    )


def _tc_mid(a0_ref, a1_ref, c0_ref, c1_ref, xr_ref, wl_ref, wr_ref, b2_ref,
            y2_ref, hr_ref):
    cnt = jnp.maximum(c0_ref[...] + c1_ref[...], 1.0)
    mean = (a0_ref[...] + a1_ref[...]) / cnt
    h = jnp.maximum(mean + xr_ref[...], 0.0)
    y2_ref[...] = jnp.dot(h, wl_ref[...], preferred_element_type=jnp.float32)
    hr_ref[...] = (
        jnp.dot(h, wr_ref[...], preferred_element_type=jnp.float32) + b2_ref[...]
    )


def _tc_out(g00_ref, g01_ref, g10_ref, g11_ref, c0_ref, c1_ref, hr_ref, o_ref):
    cnt = jnp.maximum(c0_ref[...] + c1_ref[...], 1.0)
    z0 = (g00_ref[...] + g01_ref[...]) / cnt + hr_ref[...][:, 0:1]
    z1 = (g10_ref[...] + g11_ref[...]) / cnt + hr_ref[...][:, 1:2]
    m = jnp.maximum(z0, z1)
    lse = m + jnp.log(jnp.exp(z0 - m) + jnp.exp(z1 - m))
    o_ref[...] = jnp.concatenate([z0 - lse, z1 - lse], axis=1)


def _fill_vmem_2d(ref, nrows, value):
    v = jnp.full((16,), value, jnp.float32)

    def row(i, carry):
        for cg in range(8):
            ref[i, pl.ds(cg * 16, 16)] = v
        return carry

    lax.fori_loop(0, nrows, row, 0)


def _sc1_body(y_hbm, src_hbm, dst_hbm,
              acc_out, cnt_out,
              acc_sh, cnt_sh, src_v, dst_v, rows0_v, rows1_v, ones_v,
              semg0, semg1, sems0, sems1, semc):
    c = lax.axis_index("c")
    s = lax.axis_index("s")
    n_groups = lax.select(c == 0, G_C0 // GROUP, G_C1 // GROUP)
    tile_chunk0 = lax.select(c == 0, s * G_C0, NS * G_C0 + s * G_C1)
    _fill_vmem_2d(rows0_v, CHUNK, 0.0)
    one_v = jnp.full((16,), 1.0, jnp.float32)
    for cg in range(8):
        ones_v[pl.ds(cg * 16, 16)] = one_v
    for k in range(RPT // CHUNK):
        pltpu.sync_copy(rows0_v, acc_sh.at[pl.ds(s * RPT + k * CHUNK, CHUNK)])
        pltpu.sync_copy(rows0_v.at[0],
                        cnt_sh.at[pl.ds(s * RPT + k * CHUNK, CHUNK)])
    plsc.subcore_barrier()

    rows = (rows0_v, rows1_v)
    semg = (semg0, semg1)
    sems = (sems0, sems1)

    def body(g, carry):
        base = tile_chunk0 + g * GROUP
        pltpu.sync_copy(src_hbm.at[pl.ds(base, GROUP)], src_v)
        pltpu.sync_copy(dst_hbm.at[pl.ds(base, GROUP)], dst_v)
        gat = [None, None]
        sca = [None, None]
        gat[0] = pltpu.async_copy(y_hbm.at[src_v.at[0]], rows[0], semg[0])
        cnt_cps = []
        for jj in range(GROUP):
            b = jj % 2
            nb = (jj + 1) % 2
            if jj + 1 < GROUP:
                if sca[nb] is not None:
                    sca[nb].wait()
                    sca[nb] = None
                gat[nb] = pltpu.async_copy(
                    y_hbm.at[src_v.at[jj + 1]], rows[nb], semg[nb])
            gat[b].wait()
            sca[b] = pltpu.async_copy(rows[b], acc_sh.at[dst_v.at[jj]],
                                      sems[b], add=True)
            cnt_cps.append(
                pltpu.async_copy(ones_v, cnt_sh.at[dst_v.at[jj]], semc,
                                 add=True))
        for cp in sca:
            if cp is not None:
                cp.wait()
        for cp in cnt_cps:
            cp.wait()
        return carry

    lax.fori_loop(0, n_groups, body, 0)
    plsc.subcore_barrier()
    pltpu.sync_copy(acc_sh.at[pl.ds(s * RPT, RPT)],
                    acc_out.at[c, pl.ds(s * RPT, RPT)])
    pltpu.sync_copy(cnt_sh.at[pl.ds(s * RPT, RPT)],
                    cnt_out.at[pl.ds(c * ACC_ROWS + s * RPT, RPT)])


_sc1 = pl.kernel(
    _sc1_body,
    out_type=[
        jax.ShapeDtypeStruct((NC, ACC_ROWS, D_HID), jnp.float32),
        jax.ShapeDtypeStruct((NC * ACC_ROWS,), jnp.float32),
    ],
    scratch_types=[
        pltpu.VMEM_SHARED((ACC_ROWS, D_HID), jnp.float32),
        pltpu.VMEM_SHARED((ACC_ROWS,), jnp.float32),
        pltpu.VMEM((GROUP, CHUNK), jnp.int32),
        pltpu.VMEM((GROUP, CHUNK), jnp.int32),
        pltpu.VMEM((CHUNK, D_HID), jnp.float32),
        pltpu.VMEM((CHUNK, D_HID), jnp.float32),
        pltpu.VMEM((CHUNK,), jnp.float32),
        pltpu.SemaphoreType.DMA,
        pltpu.SemaphoreType.DMA,
        pltpu.SemaphoreType.DMA,
        pltpu.SemaphoreType.DMA,
        pltpu.SemaphoreType.DMA,
    ],
    mesh=_mesh,
)


GROUP2 = 8


def _sc2_body(ya_hbm, yb_hbm, src_hbm, dst_hbm,
              acc_out,
              acca_sh, accb_sh, src_v, dst_v, rowa_v, rowb_v, semg, sems):
    c = lax.axis_index("c")
    s = lax.axis_index("s")
    n_groups = lax.select(c == 0, G_C0 // GROUP2, G_C1 // GROUP2)
    tile_chunk0 = lax.select(c == 0, s * G_C0, NS * G_C0 + s * G_C1)
    _fill_vmem_2d(rowa_v, GROUP2, 0.0)
    for k in range(RPT // CHUNK):
        pltpu.sync_copy(rowa_v.at[0],
                        acca_sh.at[pl.ds(s * RPT + k * CHUNK, CHUNK)])
        pltpu.sync_copy(rowa_v.at[0],
                        accb_sh.at[pl.ds(s * RPT + k * CHUNK, CHUNK)])
    plsc.subcore_barrier()

    def body(g, carry):
        base = tile_chunk0 + g * GROUP2
        pltpu.sync_copy(src_hbm.at[pl.ds(base, GROUP2)], src_v)
        pltpu.sync_copy(dst_hbm.at[pl.ds(base, GROUP2)], dst_v)
        gcps = []
        for jj in range(GROUP2):
            gcps.append(
                pltpu.async_copy(ya_hbm.at[src_v.at[jj]], rowa_v.at[jj], semg))
            gcps.append(
                pltpu.async_copy(yb_hbm.at[src_v.at[jj]], rowb_v.at[jj], semg))
        for cp in gcps:
            cp.wait()
        scps = []
        for jj in range(GROUP2):
            scps.append(
                pltpu.async_copy(rowa_v.at[jj], acca_sh.at[dst_v.at[jj]],
                                 sems, add=True))
            scps.append(
                pltpu.async_copy(rowb_v.at[jj], accb_sh.at[dst_v.at[jj]],
                                 sems, add=True))
        for cp in scps:
            cp.wait()
        return carry

    lax.fori_loop(0, n_groups, body, 0)
    plsc.subcore_barrier()
    pltpu.sync_copy(acca_sh.at[pl.ds(s * RPT, RPT)],
                    acc_out.at[0, pl.ds(c * ACC_ROWS + s * RPT, RPT)])
    pltpu.sync_copy(accb_sh.at[pl.ds(s * RPT, RPT)],
                    acc_out.at[1, pl.ds(c * ACC_ROWS + s * RPT, RPT)])


_sc2 = pl.kernel(
    _sc2_body,
    out_type=jax.ShapeDtypeStruct((2, NC * ACC_ROWS), jnp.float32),
    scratch_types=[
        pltpu.VMEM_SHARED((ACC_ROWS,), jnp.float32),
        pltpu.VMEM_SHARED((ACC_ROWS,), jnp.float32),
        pltpu.VMEM((GROUP2, CHUNK), jnp.int32),
        pltpu.VMEM((GROUP2, CHUNK), jnp.int32),
        pltpu.VMEM((GROUP2, CHUNK), jnp.float32),
        pltpu.VMEM((GROUP2, CHUNK), jnp.float32),
        pltpu.SemaphoreType.DMA,
        pltpu.SemaphoreType.DMA,
    ],
    mesh=_mesh,
)


def kernel(x, edge_index, W1_l, b1, W1_r, W2_l, b2, W2_r):
    n_edges = edge_index.shape[1]
    ei = edge_index.astype(jnp.int32)
    pad = E_PAD - n_edges
    src = jnp.concatenate([ei[0], jnp.zeros((pad,), jnp.int32)])
    pad_dst = N_NODES + (jnp.arange(pad, dtype=jnp.int32) % (ACC_ROWS - N_NODES))
    dst = jnp.concatenate([ei[1], pad_dst])
    src2d = src.reshape(E_PAD // CHUNK, CHUNK)
    dst2d = dst.reshape(E_PAD // CHUNK, CHUNK)

    xp = jnp.pad(x, ((0, 0), (0, D_IN_PAD - x.shape[1])))
    W1l_p = jnp.pad(W1_l, ((0, D_IN_PAD - W1_l.shape[0]), (0, 0)))
    W1r_p = jnp.pad(W1_r, ((0, D_IN_PAD - W1_r.shape[0]), (0, 0)))
    b1_2d = b1[None, :]
    W2l_p = jnp.pad(W2_l, ((0, 0), (0, D_OUT_PAD - W2_l.shape[1])))
    W2r_p = jnp.pad(W2_r, ((0, 0), (0, D_OUT_PAD - W2_r.shape[1])))
    b2_2d = jnp.pad(b2, (0, D_OUT_PAD - b2.shape[0]))[None, :]

    y1, xr = pl.pallas_call(
        _tc_lin1,
        grid=(GRID,),
        in_specs=[
            pl.BlockSpec((BM, D_IN_PAD), lambda i: (i, 0)),
            pl.BlockSpec((D_IN_PAD, D_HID), lambda i: (0, 0)),
            pl.BlockSpec((D_IN_PAD, D_HID), lambda i: (0, 0)),
            pl.BlockSpec((1, D_HID), lambda i: (0, 0)),
        ],
        out_specs=[
            pl.BlockSpec((BM, D_HID), lambda i: (i, 0)),
            pl.BlockSpec((BM, D_HID), lambda i: (i, 0)),
        ],
        out_shape=[jax.ShapeDtypeStruct((N_NODES, D_HID), jnp.float32)] * 2,
    )(xp, W1l_p, W1r_p, b1_2d)

    acc1, cnt = _sc1(y1, src2d, dst2d)
    a0 = acc1[0, :N_NODES]
    a1 = acc1[1, :N_NODES]
    c0 = cnt[:N_NODES][:, None]
    c1 = cnt[ACC_ROWS:ACC_ROWS + N_NODES][:, None]

    y2, hr = pl.pallas_call(
        _tc_mid,
        grid=(GRID,),
        in_specs=[
            pl.BlockSpec((BM, D_HID), lambda i: (i, 0)),
            pl.BlockSpec((BM, D_HID), lambda i: (i, 0)),
            pl.BlockSpec((BM, 1), lambda i: (i, 0)),
            pl.BlockSpec((BM, 1), lambda i: (i, 0)),
            pl.BlockSpec((BM, D_HID), lambda i: (i, 0)),
            pl.BlockSpec((D_HID, D_OUT_PAD), lambda i: (0, 0)),
            pl.BlockSpec((D_HID, D_OUT_PAD), lambda i: (0, 0)),
            pl.BlockSpec((1, D_OUT_PAD), lambda i: (0, 0)),
        ],
        out_specs=[
            pl.BlockSpec((BM, D_OUT_PAD), lambda i: (i, 0)),
            pl.BlockSpec((BM, D_OUT_PAD), lambda i: (i, 0)),
        ],
        out_shape=[jax.ShapeDtypeStruct((N_NODES, D_OUT_PAD), jnp.float32)] * 2,
    )(a0, a1, c0, c1, xr, W2l_p, W2r_p, b2_2d)

    y2a = y2[:, 0]
    y2b = y2[:, 1]
    acc2 = _sc2(y2a, y2b, src2d, dst2d)
    g00 = acc2[0, :N_NODES][:, None]
    g01 = acc2[0, ACC_ROWS:ACC_ROWS + N_NODES][:, None]
    g10 = acc2[1, :N_NODES][:, None]
    g11 = acc2[1, ACC_ROWS:ACC_ROWS + N_NODES][:, None]

    out = pl.pallas_call(
        _tc_out,
        grid=(GRID,),
        in_specs=[
            pl.BlockSpec((BM, 1), lambda i: (i, 0)),
            pl.BlockSpec((BM, 1), lambda i: (i, 0)),
            pl.BlockSpec((BM, 1), lambda i: (i, 0)),
            pl.BlockSpec((BM, 1), lambda i: (i, 0)),
            pl.BlockSpec((BM, 1), lambda i: (i, 0)),
            pl.BlockSpec((BM, 1), lambda i: (i, 0)),
            pl.BlockSpec((BM, D_OUT_PAD), lambda i: (i, 0)),
        ],
        out_specs=pl.BlockSpec((BM, 2), lambda i: (i, 0)),
        out_shape=jax.ShapeDtypeStruct((N_NODES, 2), jnp.float32),
    )(g00, g01, g10, g11, c0, c1, hr)

    return out

# --- scband reference (transcript-rebuilt; emitter-appended) ---
"""Pipeline reference for scband-fraud-gnn-9732395893008 (READ-ONLY COPY).

The authoritative reference and input builder live on the scoring server;
editing this copy changes nothing except your own understanding.
"""

import jax, jax.numpy as jnp
import numpy as np

N_NODES = 10000
N_EDGES = 320000
D_IN = 165
D_HID = 128
D_OUT = 2


def setup_inputs(seed: int = 0) -> dict:
    key = jax.random.key(seed)
    ks = jax.random.split(key, 8)
    x = jax.random.normal(ks[0], (N_NODES, D_IN), dtype=jnp.float32)
    edge_index = jax.random.randint(ks[1], (2, N_EDGES), 0, N_NODES, dtype=jnp.int64)
    s1 = 1.0 / np.sqrt(D_IN)
    s2 = 1.0 / np.sqrt(D_HID)
    W1_l = jax.random.uniform(ks[2], (D_IN, D_HID), jnp.float32, -s1, s1)
    W1_r = jax.random.uniform(ks[3], (D_IN, D_HID), jnp.float32, -s1, s1)
    b1 = jnp.zeros((D_HID,), jnp.float32)
    W2_l = jax.random.uniform(ks[4], (D_HID, D_OUT), jnp.float32, -s2, s2)
    W2_r = jax.random.uniform(ks[5], (D_HID, D_OUT), jnp.float32, -s2, s2)
    b2 = jnp.zeros((D_OUT,), jnp.float32)
    return {"x": x, "edge_index": edge_index, "W1_l": W1_l, "b1": b1, "W1_r": W1_r, "W2_l": W2_l, "b2": b2, "W2_r": W2_r}


def _sage_conv(x, src, dst, Wl, b, Wr, num_nodes):
    # PyG SAGEConv with mean aggregation:
    # out = lin_l(mean_{j in N(i)} x_j) + lin_r(x_i)
    msgs = x[src]  # gather source node features (SparseCore gather)
    agg = jax.ops.segment_sum(msgs, dst, num_segments=num_nodes)
    cnt = jax.ops.segment_sum(jnp.ones((src.shape[0],), x.dtype), dst, num_segments=num_nodes)
    mean = agg / jnp.clip(cnt, 1.0, None)[:, None]
    return mean @ Wl + b + x @ Wr


def reference(x, edge_index, W1_l, b1, W1_r, W2_l, b2, W2_r):
    src = edge_index[0]
    dst = edge_index[1]
    n = x.shape[0]
    h = _sage_conv(x, src, dst, W1_l, b1, W1_r, n)
    h = jax.nn.relu(h)
    out = _sage_conv(h, src, dst, W2_l, b2, W2_r, n)
    return jax.nn.log_softmax(out, axis=1)

if __name__ == "__main__":
    import jax
    _d = setup_inputs()
    print(jax.jit(kernel)(*tuple(_d.values())))

</pallas_src>

<mosaic_0001>
#map = affine_map<(d0, d1) -> (0, 0)>
#map1 = affine_map<(d0, d1) -> (0, 0, 0)>
#map2 = affine_map<(d0, d1) -> (0)>
module attributes {stable_mosaic.version = 14 : i64} {
  func.func @_sc1_body(%arg0: i32, %arg1: i32, %arg2: memref<10000x128xf32, #tpu.memory_space<hbm>>, %arg3: memref<2560x128xi32, #tpu.memory_space<hbm>>, %arg4: memref<2560x128xi32, #tpu.memory_space<hbm>>, %arg5: memref<2x10240x128xf32, #tpu.memory_space<hbm>>, %arg6: memref<20480xf32, #tpu.memory_space<hbm>>, %arg7: memref<10240x128xf32, #tpu.memory_space<vmem_shared>>, %arg8: memref<10240xf32, #tpu.memory_space<vmem_shared>>, %arg9: memref<8x128xi32, #tpu.memory_space<vmem>>, %arg10: memref<8x128xi32, #tpu.memory_space<vmem>>, %arg11: memref<128x128xf32, #tpu.memory_space<vmem>>, %arg12: memref<128x128xf32, #tpu.memory_space<vmem>>, %arg13: memref<128xf32, #tpu.memory_space<vmem>>, %arg14: memref<!tpu.dma_semaphore, #tpu.memory_space<semaphore_mem>>, %arg15: memref<!tpu.dma_semaphore, #tpu.memory_space<semaphore_mem>>, %arg16: memref<!tpu.dma_semaphore, #tpu.memory_space<semaphore_mem>>, %arg17: memref<!tpu.dma_semaphore, #tpu.memory_space<semaphore_mem>>, %arg18: memref<!tpu.dma_semaphore, #tpu.memory_space<semaphore_mem>>) attributes {dimension_semantics = [#tpu.dimension_semantics<core_parallel>, #tpu.dimension_semantics<subcore_parallel>], iteration_bounds = array<i64: 2, 16>, scalar_prefetch = 0 : i64, scratch_operands = 12 : i64, tpu.core_type = #tpu.core_type<sc_vector_subcore>, window_params = [{transform_indices = #map}, {transform_indices = #map}, {transform_indices = #map}, {transform_indices = #map1}, {transform_indices = #map2}]} {
    %eq3A = arith.constant 0 : i32
    %eq3A_0 = arith.cmpi eq, %arg0, %eq3A : i32
    %select_n3A = arith.constant 5 : i32
    %select_n3A_1 = arith.constant 15 : i32
    %select_n3A_2 = arith.select %eq3A_0, %select_n3A_1, %select_n3A : i32
    %eq3A_3 = arith.constant 0 : i32
    %eq3A_4 = arith.cmpi eq, %arg0, %eq3A_3 : i32
    %mul3A = arith.constant 120 : i32
    %mul3A_5 = arith.muli %arg1, %mul3A : i32
    %mul3A_6 = arith.constant 40 : i32
    %mul3A_7 = arith.muli %arg1, %mul3A_6 : i32
    %add3A = arith.constant 1920 : i32
    %add3A_8 = arith.addi %add3A, %mul3A_7 : i32
    %select_n3A_9 = arith.select %eq3A_4, %mul3A_5, %add3A_8 : i32
    %broadcast_in_dim3A = arith.constant 0.000000e+00 : f32
    %broadcast_in_dim3A_10 = vector.broadcast %broadcast_in_dim3A : f32 to vector<16xf32>
    %scan3A = arith.constant 0 : i32
    %scan3A_11 = arith.constant 0 : i32
    %scan3A_12 = arith.constant 128 : i32
    %scan3A_13 = arith.addi %scan3A_11, %scan3A_12 : i32
    %scan3A_14 = arith.constant 1 : i32
    scf.for %scan3A_114 = %scan3A_11 to %scan3A_13 step %scan3A_14  : i32 {
      %swap3A_115 = arith.index_cast %scan3A_114 : i32 to index
      %swap3A_116 = arith.constant 0 : index
      %swap3A_117 = tpu.vector_load %arg11[%swap3A_115, %swap3A_116] {strides = array<i32>} : memref<128x128xf32, #tpu.memory_space<vmem>>, vector<1x16xf32>,
      %swap3A_118 = vector.shape_cast %swap3A_117 : vector<1x16xf32> to vector<16xf32>
      %swap3A_119 = vector.shape_cast %broadcast_in_dim3A_10 : vector<16xf32> to vector<1x16xf32>
      tpu.vector_store %arg11[%swap3A_115, %swap3A_116], %swap3A_119 {strides = array<i32>} : memref<128x128xf32, #tpu.memory_space<vmem>>, vector<1x16xf32>,
      %swap3A_120 = arith.index_cast %scan3A_114 : i32 to index
      %swap3A_121 = arith.constant 16 : index
      %swap3A_122 = tpu.vector_load %arg11[%swap3A_120, %swap3A_121] {strides = array<i32>} : memref<128x128xf32, #tpu.memory_space<vmem>>, vector<1x16xf32>,
      %swap3A_123 = vector.shape_cast %swap3A_122 : vector<1x16xf32> to vector<16xf32>
      %swap3A_124 = vector.shape_cast %broadcast_in_dim3A_10 : vector<16xf32> to vector<1x16xf32>
      tpu.vector_store %arg11[%swap3A_120, %swap3A_121], %swap3A_124 {strides = array<i32>} : memref<128x128xf32, #tpu.memory_space<vmem>>, vector<1x16xf32>,
      %swap3A_125 = arith.index_cast %scan3A_114 : i32 to index
      %swap3A_126 = arith.constant 32 : index
      %swap3A_127 = tpu.vector_load %arg11[%swap3A_125, %swap3A_126] {strides = array<i32>} : memref<128x128xf32, #tpu.memory_space<vmem>>, vector<1x16xf32>,
      %swap3A_128 = vector.shape_cast %swap3A_127 : vector<1x16xf32> to vector<16xf32>
      %swap3A_129 = vector.shape_cast %broadcast_in_dim3A_10 : vector<16xf32> to vector<1x16xf32>
      tpu.vector_store %arg11[%swap3A_125, %swap3A_126], %swap3A_129 {strides = array<i32>} : memref<128x128xf32, #tpu.memory_space<vmem>>, vector<1x16xf32>,
      %swap3A_130 = arith.index_cast %scan3A_114 : i32 to index
      %swap3A_131 = arith.constant 48 : index
      %swap3A_132 = tpu.vector_load %arg11[%swap3A_130, %swap3A_131] {strides = array<i32>} : memref<128x128xf32, #tpu.memory_space<vmem>>, vector<1x16xf32>,
      %swap3A_133 = vector.shape_cast %swap3A_132 : vector<1x16xf32> to vector<16xf32>
      %swap3A_134 = vector.shape_cast %broadcast_in_dim3A_10 : vector<16xf32> to vector<1x16xf32>
      tpu.vector_store %arg11[%swap3A_130, %swap3A_131], %swap3A_134 {strides = array<i32>} : memref<128x128xf32, #tpu.memory_space<vmem>>, vector<1x16xf32>,
      %swap3A_135 = arith.index_cast %scan3A_114 : i32 to index
      %swap3A_136 = arith.constant 64 : index
      %swap3A_137 = tpu.vector_load %arg11[%swap3A_135, %swap3A_136] {strides = array<i32>} : memref<128x128xf32, #tpu.memory_space<vmem>>, vector<1x16xf32>,
      %swap3A_138 = vector.shape_cast %swap3A_137 : vector<1x16xf32> to vector<16xf32>
      %swap3A_139 = vector.shape_cast %broadcast_in_dim3A_10 : vector<16xf32> to vector<1x16xf32>
      tpu.vector_store %arg11[%swap3A_135, %swap3A_136], %swap3A_139 {strides = array<i32>} : memref<128x128xf32, #tpu.memory_space<vmem>>, vector<1x16xf32>,
      %swap3A_140 = arith.index_cast %scan3A_114 : i32 to index
      %swap3A_141 = arith.constant 80 : index
      %swap3A_142 = tpu.vector_load %arg11[%swap3A_140, %swap3A_141] {strides = array<i32>} : memref<128x128xf32, #tpu.memory_space<vmem>>, vector<1x16xf32>,
      %swap3A_143 = vector.shape_cast %swap3A_142 : vector<1x16xf32> to vector<16xf32>
      %swap3A_144 = vector.shape_cast %broadcast_in_dim3A_10 : vector<16xf32> to vector<1x16xf32>
      tpu.vector_store %arg11[%swap3A_140, %swap3A_141], %swap3A_144 {strides = array<i32>} : memref<128x128xf32, #tpu.memory_space<vmem>>, vector<1x16xf32>,
      %swap3A_145 = arith.index_cast %scan3A_114 : i32 to index
      %swap3A_146 = arith.constant 96 : index
      %swap3A_147 = tpu.vector_load %arg11[%swap3A_145, %swap3A_146] {strides = array<i32>} : memref<128x128xf32, #tpu.memory_space<vmem>>, vector<1x16xf32>,
      %swap3A_148 = vector.shape_cast %swap3A_147 : vector<1x16xf32> to vector<16xf32>
      %swap3A_149 = vector.shape_cast %broadcast_in_dim3A_10 : vector<16xf32> to vector<1x16xf32>
      tpu.vector_store %arg11[%swap3A_145, %swap3A_146], %swap3A_149 {strides = array<i32>} : memref<128x128xf32, #tpu.memory_space<vmem>>, vector<1x16xf32>,
      %swap3A_150 = arith.index_cast %scan3A_114 : i32 to index
      %swap3A_151 = arith.constant 112 : index
      %swap3A_152 = tpu.vector_load %arg11[%swap3A_150, %swap3A_151] {strides = array<i32>} : memref<128x128xf32, #tpu.memory_space<vmem>>, vector<1x16xf32>,
      %swap3A_153 = vector.shape_cast %swap3A_152 : vector<1x16xf32> to vector<16xf32>
      %swap3A_154 = vector.shape_cast %broadcast_in_dim3A_10 : vector<16xf32> to vector<1x16xf32>
      tpu.vector_store %arg11[%swap3A_150, %swap3A_151], %swap3A_154 {strides = array<i32>} : memref<128x128xf32, #tpu.memory_space<vmem>>, vector<1x16xf32>,
    }
    %scan3A_15 = arith.constant 128 : i32
    %broadcast_in_dim3A_16 = arith.constant 1.000000e+00 : f32
    %broadcast_in_dim3A_17 = vector.broadcast %broadcast_in_dim3A_16 : f32 to vector<16xf32>
    %swap3A = arith.constant 0 : index
    %swap3A_18 = tpu.vector_load %arg13[%swap3A] {strides = array<i32>} : memref<128xf32, #tpu.memory_space<vmem>>, vector<16xf32>,
    %swap3A_19 = vector.shape_cast %swap3A_18 : vector<16xf32> to vector<16xf32>
    %swap3A_20 = vector.shape_cast %broadcast_in_dim3A_17 : vector<16xf32> to vector<16xf32>
    tpu.vector_store %arg13[%swap3A], %swap3A_20 {strides = array<i32>} : memref<128xf32, #tpu.memory_space<vmem>>, vector<16xf32>,
    %swap3A_21 = arith.constant 16 : index
    %swap3A_22 = tpu.vector_load %arg13[%swap3A_21] {strides = array<i32>} : memref<128xf32, #tpu.memory_space<vmem>>, vector<16xf32>,
    %swap3A_23 = vector.shape_cast %swap3A_22 : vector<16xf32> to vector<16xf32>
    %swap3A_24 = vector.shape_cast %broadcast_in_dim3A_17 : vector<16xf32> to vector<16xf32>
    tpu.vector_store %arg13[%swap3A_21], %swap3A_24 {strides = array<i32>} : memref<128xf32, #tpu.memory_space<vmem>>, vector<16xf32>,
    %swap3A_25 = arith.constant 32 : index
    %swap3A_26 = tpu.vector_load %arg13[%swap3A_25] {strides = array<i32>} : memref<128xf32, #tpu.memory_space<vmem>>, vector<16xf32>,
    %swap3A_27 = vector.shape_cast %swap3A_26 : vector<16xf32> to vector<16xf32>
    %swap3A_28 = vector.shape_cast %broadcast_in_dim3A_17 : vector<16xf32> to vector<16xf32>
    tpu.vector_store %arg13[%swap3A_25], %swap3A_28 {strides = array<i32>} : memref<128xf32, #tpu.memory_space<vmem>>, vector<16xf32>,
    %swap3A_29 = arith.constant 48 : index
    %swap3A_30 = tpu.vector_load %arg13[%swap3A_29] {strides = array<i32>} : memref<128xf32, #tpu.memory_space<vmem>>, vector<16xf32>,
    %swap3A_31 = vector.shape_cast %swap3A_30 : vector<16xf32> to vector<16xf32>
    %swap3A_32 = vector.shape_cast %broadcast_in_dim3A_17 : vector<16xf32> to vector<16xf32>
    tpu.vector_store %arg13[%swap3A_29], %swap3A_32 {strides = array<i32>} : memref<128xf32, #tpu.memory_space<vmem>>, vector<16xf32>,
    %swap3A_33 = arith.constant 64 : index
    %swap3A_34 = tpu.vector_load %arg13[%swap3A_33] {strides = array<i32>} : memref<128xf32, #tpu.memory_space<vmem>>, vector<16xf32>,
    %swap3A_35 = vector.shape_cast %swap3A_34 : vector<16xf32> to vector<16xf32>
    %swap3A_36 = vector.shape_cast %broadcast_in_dim3A_17 : vector<16xf32> to vector<16xf32>
    tpu.vector_store %arg13[%swap3A_33], %swap3A_36 {strides = array<i32>} : memref<128xf32, #tpu.memory_space<vmem>>, vector<16xf32>,
    %swap3A_37 = arith.constant 80 : index
    %swap3A_38 = tpu.vector_load %arg13[%swap3A_37] {strides = array<i32>} : memref<128xf32, #tpu.memory_space<vmem>>, vector<16xf32>,
    %swap3A_39 = vector.shape_cast %swap3A_38 : vector<16xf32> to vector<16xf32>
    %swap3A_40 = vector.shape_cast %broadcast_in_dim3A_17 : vector<16xf32> to vector<16xf32>
    tpu.vector_store %arg13[%swap3A_37], %swap3A_40 {strides = array<i32>} : memref<128xf32, #tpu.memory_space<vmem>>, vector<16xf32>,
    %swap3A_41 = arith.constant 96 : index
    %swap3A_42 = tpu.vector_load %arg13[%swap3A_41] {strides = array<i32>} : memref<128xf32, #tpu.memory_space<vmem>>, vector<16xf32>,
    %swap3A_43 = vector.shape_cast %swap3A_42 : vector<16xf32> to vector<16xf32>
    %swap3A_44 = vector.shape_cast %broadcast_in_dim3A_17 : vector<16xf32> to vector<16xf32>
    tpu.vector_store %arg13[%swap3A_41], %swap3A_44 {strides = array<i32>} : memref<128xf32, #tpu.memory_space<vmem>>, vector<16xf32>,
    %swap3A_45 = arith.constant 112 : index
    %swap3A_46 = tpu.vector_load %arg13[%swap3A_45] {strides = array<i32>} : memref<128xf32, #tpu.memory_space<vmem>>, vector<16xf32>,
    %swap3A_47 = vector.shape_cast %swap3A_46 : vector<16xf32> to vector<16xf32>
    %swap3A_48 = vector.shape_cast %broadcast_in_dim3A_17 : vector<16xf32> to vector<16xf32>
    tpu.vector_store %arg13[%swap3A_45], %swap3A_48 {strides = array<i32>} : memref<128xf32, #tpu.memory_space<vmem>>, vector<16xf32>,
    %mul3A_49 = arith.constant 640 : i32
    %mul3A_50 = arith.muli %arg1, %mul3A_49 : i32
    %add3A_51 = arith.constant 0 : i32
    %add3A_52 = arith.addi %mul3A_50, %add3A_51 : i32
    "tpu.region"() ({
      %run_scoped3A_114 = tpu.sem_alloc : memref<!tpu.dma_semaphore, #tpu.memory_space<semaphore_mem>>
      %dma_start3A = arith.constant 0 : i32
      %dma_start3A_115 = tpu.memref_slice %arg7[%add3A_52, %dma_start3A] : memref<10240x128xf32, #tpu.memory_space<vmem_shared>> -> memref<128x128xf32, #tpu.memory_space<vmem_shared>>
      %dma_start3A_116 = arith.constant 0 : i32
      %dma_start3A_117 = tpu.memref_slice %arg7[%add3A_52, %dma_start3A_116] : memref<10240x128xf32, #tpu.memory_space<vmem_shared>> -> memref<128x128xf32, #tpu.memory_space<vmem_shared>>
      tpu.enqueue_dma source(%arg11 : memref<128x128xf32, #tpu.memory_space<vmem>>) target(%dma_start3A_117 : memref<128x128xf32, #tpu.memory_space<vmem_shared>>) target_semaphore(%run_scoped3A_114 : memref<!tpu.dma_semaphore, #tpu.memory_space<semaphore_mem>>)
      %dma_wait3A = arith.constant 0 : i32
      %dma_wait3A_118 = tpu.memref_slice %arg7[%add3A_52, %dma_wait3A] : memref<10240x128xf32, #tpu.memory_space<vmem_shared>> -> memref<128x128xf32, #tpu.memory_space<vmem_shared>>
      %dma_wait3A_119 = arith.constant 0 : i32
      %dma_wait3A_120 = tpu.memref_slice %arg7[%add3A_52, %dma_wait3A_119] : memref<10240x128xf32, #tpu.memory_space<vmem_shared>> -> memref<128x128xf32, #tpu.memory_space<vmem_shared>>
      tpu.wait_dma2 semaphore(%run_scoped3A_114 : memref<!tpu.dma_semaphore, #tpu.memory_space<semaphore_mem>>) src(%arg11 : memref<128x128xf32, #tpu.memory_space<vmem>>) dst(%dma_wait3A_120 : memref<128x128xf32, #tpu.memory_space<vmem_shared>>)
      tpu.yield
    }) : () -> ()
    %mul3A_53 = arith.constant 640 : i32
    %mul3A_54 = arith.muli %arg1, %mul3A_53 : i32
    %add3A_55 = arith.constant 0 : i32
    %add3A_56 = arith.addi %mul3A_54, %add3A_55 : i32
    %run_scoped3A = arith.constant 0 : i32
    "tpu.region"() ({
      %run_scoped3A_114 = tpu.sem_alloc : memref<!tpu.dma_semaphore, #tpu.memory_space<semaphore_mem>>
      %dma_start3A = arith.constant 0 : i32
      %dma_start3A_115 = tpu.memref_slice %arg11[%run_scoped3A, %dma_start3A] : memref<128x128xf32, #tpu.memory_space<vmem>> -> memref<1x128xf32, #tpu.memory_space<vmem>>
      %dma_start3A_116 = tpu.memref_squeeze %dma_start3A_115 : memref<1x128xf32, #tpu.memory_space<vmem>> -> memref<128xf32, #tpu.memory_space<vmem>>
      %dma_start3A_117 = tpu.memref_slice %arg8[%add3A_56] : memref<10240xf32, #tpu.memory_space<vmem_shared>> -> memref<128xf32, #tpu.memory_space<vmem_shared>>
      %dma_start3A_118 = tpu.memref_slice %arg8[%add3A_56] : memref<10240xf32, #tpu.memory_space<vmem_shared>> -> memref<128xf32, #tpu.memory_space<vmem_shared>>
      %dma_start3A_119 = arith.constant 0 : i32
      %dma_start3A_120 = tpu.memref_slice %arg11[%run_scoped3A, %dma_start3A_119] : memref<128x128xf32, #tpu.memory_space<vmem>> -> memref<1x128xf32, #tpu.memory_space<vmem>>
      %dma_start3A_121 = tpu.memref_squeeze %dma_start3A_120 : memref<1x128xf32, #tpu.memory_space<vmem>> -> memref<128xf32, #tpu.memory_space<vmem>>
      tpu.enqueue_dma source(%dma_start3A_121 : memref<128xf32, #tpu.memory_space<vmem>>) target(%dma_start3A_118 : memref<128xf32, #tpu.memory_space<vmem_shared>>) target_semaphore(%run_scoped3A_114 : memref<!tpu.dma_semaphore, #tpu.memory_space<semaphore_mem>>)
      %dma_wait3A = arith.constant 0 : i32
      %dma_wait3A_122 = tpu.memref_slice %arg11[%run_scoped3A, %dma_wait3A] : memref<128x128xf32, #tpu.memory_space<vmem>> -> memref<1x128xf32, #tpu.memory_space<vmem>>
      %dma_wait3A_123 = tpu.memref_squeeze %dma_wait3A_122 : memref<1x128xf32, #tpu.memory_space<vmem>> -> memref<128xf32, #tpu.memory_space<vmem>>
      %dma_wait3A_124 = tpu.memref_slice %arg8[%add3A_56] : memref<10240xf32, #tpu.memory_space<vmem_shared>> -> memref<128xf32, #tpu.memory_space<vmem_shared>>
      %dma_wait3A_125 = tpu.memref_slice %arg8[%add3A_56] : memref<10240xf32, #tpu.memory_space<vmem_shared>> -> memref<128xf32, #tpu.memory_space<vmem_shared>>
      %dma_wait3A_126 = arith.constant 0 : i32
      %dma_wait3A_127 = tpu.memref_slice %arg11[%run_scoped3A, %dma_wait3A_126] : memref<128x128xf32, #tpu.memory_space<vmem>> -> memref<1x128xf32, #tpu.memory_space<vmem>>
      %dma_wait3A_128 = tpu.memref_squeeze %dma_wait3A_127 : memref<1x128xf32, #tpu.memory_space<vmem>> -> memref<128xf32, #tpu.memory_space<vmem>>
      tpu.wait_dma2 semaphore(%run_scoped3A_114 : memref<!tpu.dma_semaphore, #tpu.memory_space<semaphore_mem>>) src(%dma_wait3A_128 : memref<128xf32, #tpu.memory_space<vmem>>) dst(%dma_wait3A_125 : memref<128xf32, #tpu.memory_space<vmem_shared>>)
      tpu.yield
    }) : () -> ()
    %mul3A_57 = arith.constant 640 : i32
    %mul3A_58 = arith.muli %arg1, %mul3A_57 : i32
    %add3A_59 = arith.constant 128 : i32
    %add3A_60 = arith.addi %mul3A_58, %add3A_59 : i32
    "tpu.region"() ({
      %run_scoped3A_114 = tpu.sem_alloc : memref<!tpu.dma_semaphore, #tpu.memory_space<semaphore_mem>>
      %dma_start3A = arith.constant 0 : i32
      %dma_start3A_115 = tpu.memref_slice %arg7[%add3A_60, %dma_start3A] : memref<10240x128xf32, #tpu.memory_space<vmem_shared>> -> memref<128x128xf32, #tpu.memory_space<vmem_shared>>
      %dma_start3A_116 = arith.constant 0 : i32
      %dma_start3A_117 = tpu.memref_slice %arg7[%add3A_60, %dma_start3A_116] : memref<10240x128xf32, #tpu.memory_space<vmem_shared>> -> memref<128x128xf32, #tpu.memory_space<vmem_shared>>
      tpu.enqueue_dma source(%arg11 : memref<128x128xf32, #tpu.memory_space<vmem>>) target(%dma_start3A_117 : memref<128x128xf32, #tpu.memory_space<vmem_shared>>) target_semaphore(%run_scoped3A_114 : memref<!tpu.dma_semaphore, #tpu.memory_space<semaphore_mem>>)
      %dma_wait3A = arith.constant 0 : i32
      %dma_wait3A_118 = tpu.memref_slice %arg7[%add3A_60, %dma_wait3A] : memref<10240x128xf32, #tpu.memory_space<vmem_shared>> -> memref<128x128xf32, #tpu.memory_space<vmem_shared>>
      %dma_wait3A_119 = arith.constant 0 : i32
      %dma_wait3A_120 = tpu.memref_slice %arg7[%add3A_60, %dma_wait3A_119] : memref<10240x128xf32, #tpu.memory_space<vmem_shared>> -> memref<128x128xf32, #tpu.memory_space<vmem_shared>>
      tpu.wait_dma2 semaphore(%run_scoped3A_114 : memref<!tpu.dma_semaphore, #tpu.memory_space<semaphore_mem>>) src(%arg11 : memref<128x128xf32, #tpu.memory_space<vmem>>) dst(%dma_wait3A_120 : memref<128x128xf32, #tpu.memory_space<vmem_shared>>)
      tpu.yield
    }) : () -> ()
    %mul3A_61 = arith.constant 640 : i32
    %mul3A_62 = arith.muli %arg1, %mul3A_61 : i32
    %add3A_63 = arith.constant 128 : i32
    %add3A_64 = arith.addi %mul3A_62, %add3A_63 : i32
    %run_scoped3A_65 = arith.constant 0 : i32
    "tpu.region"() ({
      %run_scoped3A_114 = tpu.sem_alloc : memref<!tpu.dma_semaphore, #tpu.memory_space<semaphore_mem>>
      %dma_start3A = arith.constant 0 : i32
      %dma_start3A_115 = tpu.memref_slice %arg11[%run_scoped3A_65, %dma_start3A] : memref<128x128xf32, #tpu.memory_space<vmem>> -> memref<1x128xf32, #tpu.memory_space<vmem>>
      %dma_start3A_116 = tpu.memref_squeeze %dma_start3A_115 : memref<1x128xf32, #tpu.memory_space<vmem>> -> memref<128xf32, #tpu.memory_space<vmem>>
      %dma_start3A_117 = tpu.memref_slice %arg8[%add3A_64] : memref<10240xf32, #tpu.memory_space<vmem_shared>> -> memref<128xf32, #tpu.memory_space<vmem_shared>>
      %dma_start3A_118 = tpu.memref_slice %arg8[%add3A_64] : memref<10240xf32, #tpu.memory_space<vmem_shared>> -> memref<128xf32, #tpu.memory_space<vmem_shared>>
      %dma_start3A_119 = arith.constant 0 : i32
      %dma_start3A_120 = tpu.memref_slice %arg11[%run_scoped3A_65, %dma_start3A_119] : memref<128x128xf32, #tpu.memory_space<vmem>> -> memref<1x128xf32, #tpu.memory_space<vmem>>
      %dma_start3A_121 = tpu.memref_squeeze %dma_start3A_120 : memref<1x128xf32, #tpu.memory_space<vmem>> -> memref<128xf32, #tpu.memory_space<vmem>>
      tpu.enqueue_dma source(%dma_start3A_121 : memref<128xf32, #tpu.memory_space<vmem>>) target(%dma_start3A_118 : memref<128xf32, #tpu.memory_space<vmem_shared>>) target_semaphore(%run_scoped3A_114 : memref<!tpu.dma_semaphore, #tpu.memory_space<semaphore_mem>>)
      %dma_wait3A = arith.constant 0 : i32
      %dma_wait3A_122 = tpu.memref_slice %arg11[%run_scoped3A_65, %dma_wait3A] : memref<128x128xf32, #tpu.memory_space<vmem>> -> memref<1x128xf32, #tpu.memory_space<vmem>>
      %dma_wait3A_123 = tpu.memref_squeeze %dma_wait3A_122 : memref<1x128xf32, #tpu.memory_space<vmem>> -> memref<128xf32, #tpu.memory_space<vmem>>
      %dma_wait3A_124 = tpu.memref_slice %arg8[%add3A_64] : memref<10240xf32, #tpu.memory_space<vmem_shared>> -> memref<128xf32, #tpu.memory_space<vmem_shared>>
      %dma_wait3A_125 = tpu.memref_slice %arg8[%add3A_64] : memref<10240xf32, #tpu.memory_space<vmem_shared>> -> memref<128xf32, #tpu.memory_space<vmem_shared>>
      %dma_wait3A_126 = arith.constant 0 : i32
      %dma_wait3A_127 = tpu.memref_slice %arg11[%run_scoped3A_65, %dma_wait3A_126] : memref<128x128xf32, #tpu.memory_space<vmem>> -> memref<1x128xf32, #tpu.memory_space<vmem>>
      %dma_wait3A_128 = tpu.memref_squeeze %dma_wait3A_127 : memref<1x128xf32, #tpu.memory_space<vmem>> -> memref<128xf32, #tpu.memory_space<vmem>>
      tpu.wait_dma2 semaphore(%run_scoped3A_114 : memref<!tpu.dma_semaphore, #tpu.memory_space<semaphore_mem>>) src(%dma_wait3A_128 : memref<128xf32, #tpu.memory_space<vmem>>) dst(%dma_wait3A_125 : memref<128xf32, #tpu.memory_space<vmem_shared>>)
      tpu.yield
    }) : () -> ()
    %mul3A_66 = arith.constant 640 : i32
    %mul3A_67 = arith.muli %arg1, %mul3A_66 : i32
    %add3A_68 = arith.constant 256 : i32
    %add3A_69 = arith.addi %mul3A_67, %add3A_68 : i32
    "tpu.region"() ({
      %run_scoped3A_114 = tpu.sem_alloc : memref<!tpu.dma_semaphore, #tpu.memory_space<semaphore_mem>>
      %dma_start3A = arith.constant 0 : i32
      %dma_start3A_115 = tpu.memref_slice %arg7[%add3A_69, %dma_start3A] : memref<10240x128xf32, #tpu.memory_space<vmem_shared>> -> memref<128x128xf32, #tpu.memory_space<vmem_shared>>
      %dma_start3A_116 = arith.constant 0 : i32
      %dma_start3A_117 = tpu.memref_slice %arg7[%add3A_69, %dma_start3A_116] : memref<10240x128xf32, #tpu.memory_space<vmem_shared>> -> memref<128x128xf32, #tpu.memory_space<vmem_shared>>
      tpu.enqueue_dma source(%arg11 : memref<128x128xf32, #tpu.memory_space<vmem>>) target(%dma_start3A_117 : memref<128x128xf32, #tpu.memory_space<vmem_shared>>) target_semaphore(%run_scoped3A_114 : memref<!tpu.dma_semaphore, #tpu.memory_space<semaphore_mem>>)
      %dma_wait3A = arith.constant 0 : i32
      %dma_wait3A_118 = tpu.memref_slice %arg7[%add3A_69, %dma_wait3A] : memref<10240x128xf32, #tpu.memory_space<vmem_shared>> -> memref<128x128xf32, #tpu.memory_space<vmem_shared>>
      %dma_wait3A_119 = arith.constant 0 : i32
      %dma_wait3A_120 = tpu.memref_slice %arg7[%add3A_69, %dma_wait3A_119] : memref<10240x128xf32, #tpu.memory_space<vmem_shared>> -> memref<128x128xf32, #tpu.memory_space<vmem_shared>>
      tpu.wait_dma2 semaphore(%run_scoped3A_114 : memref<!tpu.dma_semaphore, #tpu.memory_space<semaphore_mem>>) src(%arg11 : memref<128x128xf32, #tpu.memory_space<vmem>>) dst(%dma_wait3A_120 : memref<128x128xf32, #tpu.memory_space<vmem_shared>>)
      tpu.yield
    }) : () -> ()
    %mul3A_70 = arith.constant 640 : i32
    %mul3A_71 = arith.muli %arg1, %mul3A_70 : i32
    %add3A_72 = arith.constant 256 : i32
    %add3A_73 = arith.addi %mul3A_71, %add3A_72 : i32
    %run_scoped3A_74 = arith.constant 0 : i32
    "tpu.region"() ({
      %run_scoped3A_114 = tpu.sem_alloc : memref<!tpu.dma_semaphore, #tpu.memory_space<semaphore_mem>>
      %dma_start3A = arith.constant 0 : i32
      %dma_start3A_115 = tpu.memref_slice %arg11[%run_scoped3A_74, %dma_start3A] : memref<128x128xf32, #tpu.memory_space<vmem>> -> memref<1x128xf32, #tpu.memory_space<vmem>>
      %dma_start3A_116 = tpu.memref_squeeze %dma_start3A_115 : memref<1x128xf32, #tpu.memory_space<vmem>> -> memref<128xf32, #tpu.memory_space<vmem>>
      %dma_start3A_117 = tpu.memref_slice %arg8[%add3A_73] : memref<10240xf32, #tpu.memory_space<vmem_shared>> -> memref<128xf32, #tpu.memory_space<vmem_shared>>
      %dma_start3A_118 = tpu.memref_slice %arg8[%add3A_73] : memref<10240xf32, #tpu.memory_space<vmem_shared>> -> memref<128xf32, #tpu.memory_space<vmem_shared>>
      %dma_start3A_119 = arith.constant 0 : i32
      %dma_start3A_120 = tpu.memref_slice %arg11[%run_scoped3A_74, %dma_start3A_119] : memref<128x128xf32, #tpu.memory_space<vmem>> -> memref<1x128xf32, #tpu.memory_space<vmem>>
      %dma_start3A_121 = tpu.memref_squeeze %dma_start3A_120 : memref<1x128xf32, #tpu.memory_space<vmem>> -> memref<128xf32, #tpu.memory_space<vmem>>
      tpu.enqueue_dma source(%dma_start3A_121 : memref<128xf32, #tpu.memory_space<vmem>>) target(%dma_start3A_118 : memref<128xf32, #tpu.memory_space<vmem_shared>>) target_semaphore(%run_scoped3A_114 : memref<!tpu.dma_semaphore, #tpu.memory_space<semaphore_mem>>)
      %dma_wait3A = arith.constant 0 : i32
      %dma_wait3A_122 = tpu.memref_slice %arg11[%run_scoped3A_74, %dma_wait3A] : memref<128x128xf32, #tpu.memory_space<vmem>> -> memref<1x128xf32, #tpu.memory_space<vmem>>
      %dma_wait3A_123 = tpu.memref_squeeze %dma_wait3A_122 : memref<1x128xf32, #tpu.memory_space<vmem>> -> memref<128xf32, #tpu.memory_space<vmem>>
      %dma_wait3A_124 = tpu.memref_slice %arg8[%add3A_73] : memref<10240xf32, #tpu.memory_space<vmem_shared>> -> memref<128xf32, #tpu.memory_space<vmem_shared>>
      %dma_wait3A_125 = tpu.memref_slice %arg8[%add3A_73] : memref<10240xf32, #tpu.memory_space<vmem_shared>> -> memref<128xf32, #tpu.memory_space<vmem_shared>>
      %dma_wait3A_126 = arith.constant 0 : i32
      %dma_wait3A_127 = tpu.memref_slice %arg11[%run_scoped3A_74, %dma_wait3A_126] : memref<128x128xf32, #tpu.memory_space<vmem>> -> memref<1x128xf32, #tpu.memory_space<vmem>>
      %dma_wait3A_128 = tpu.memref_squeeze %dma_wait3A_127 : memref<1x128xf32, #tpu.memory_space<vmem>> -> memref<128xf32, #tpu.memory_space<vmem>>
      tpu.wait_dma2 semaphore(%run_scoped3A_114 : memref<!tpu.dma_semaphore, #tpu.memory_space<semaphore_mem>>) src(%dma_wait3A_128 : memref<128xf32, #tpu.memory_space<vmem>>) dst(%dma_wait3A_125 : memref<128xf32, #tpu.memory_space<vmem_shared>>)
      tpu.yield
    }) : () -> ()
    %mul3A_75 = arith.constant 640 : i32
    %mul3A_76 = arith.muli %arg1, %mul3A_75 : i32
    %add3A_77 = arith.constant 384 : i32
    %add3A_78 = arith.addi %mul3A_76, %add3A_77 : i32
    "tpu.region"() ({
      %run_scoped3A_114 = tpu.sem_alloc : memref<!tpu.dma_semaphore, #tpu.memory_space<semaphore_mem>>
      %dma_start3A = arith.constant 0 : i32
      %dma_start3A_115 = tpu.memref_slice %arg7[%add3A_78, %dma_start3A] : memref<10240x128xf32, #tpu.memory_space<vmem_shared>> -> memref<128x128xf32, #tpu.memory_space<vmem_shared>>
      %dma_start3A_116 = arith.constant 0 : i32
      %dma_start3A_117 = tpu.memref_slice %arg7[%add3A_78, %dma_start3A_116] : memref<10240x128xf32, #tpu.memory_space<vmem_shared>> -> memref<128x128xf32, #tpu.memory_space<vmem_shared>>
      tpu.enqueue_dma source(%arg11 : memref<128x128xf32, #tpu.memory_space<vmem>>) target(%dma_start3A_117 : memref<128x128xf32, #tpu.memory_space<vmem_shared>>) target_semaphore(%run_scoped3A_114 : memref<!tpu.dma_semaphore, #tpu.memory_space<semaphore_mem>>)
      %dma_wait3A = arith.constant 0 : i32
      %dma_wait3A_118 = tpu.memref_slice %arg7[%add3A_78, %dma_wait3A] : memref<10240x128xf32, #tpu.memory_space<vmem_shared>> -> memref<128x128xf32, #tpu.memory_space<vmem_shared>>
      %dma_wait3A_119 = arith.constant 0 : i32
      %dma_wait3A_120 = tpu.memref_slice %arg7[%add3A_78, %dma_wait3A_119] : memref<10240x128xf32, #tpu.memory_space<vmem_shared>> -> memref<128x128xf32, #tpu.memory_space<vmem_shared>>
      tpu.wait_dma2 semaphore(%run_scoped3A_114 : memref<!tpu.dma_semaphore, #tpu.memory_space<semaphore_mem>>) src(%arg11 : memref<128x128xf32, #tpu.memory_space<vmem>>) dst(%dma_wait3A_120 : memref<128x128xf32, #tpu.memory_space<vmem_shared>>)
      tpu.yield
    }) : () -> ()
    %mul3A_79 = arith.constant 640 : i32
    %mul3A_80 = arith.muli %arg1, %mul3A_79 : i32
    %add3A_81 = arith.constant 384 : i32
    %add3A_82 = arith.addi %mul3A_80, %add3A_81 : i32
    %run_scoped3A_83 = arith.constant 0 : i32
    "tpu.region"() ({
      %run_scoped3A_114 = tpu.sem_alloc : memref<!tpu.dma_semaphore, #tpu.memory_space<semaphore_mem>>
      %dma_start3A = arith.constant 0 : i32
      %dma_start3A_115 = tpu.memref_slice %arg11[%run_scoped3A_83, %dma_start3A] : memref<128x128xf32, #tpu.memory_space<vmem>> -> memref<1x128xf32, #tpu.memory_space<vmem>>
      %dma_start3A_116 = tpu.memref_squeeze %dma_start3A_115 : memref<1x128xf32, #tpu.memory_space<vmem>> -> memref<128xf32, #tpu.memory_space<vmem>>
      %dma_start3A_117 = tpu.memref_slice %arg8[%add3A_82] : memref<10240xf32, #tpu.memory_space<vmem_shared>> -> memref<128xf32, #tpu.memory_space<vmem_shared>>
      %dma_start3A_118 = tpu.memref_slice %arg8[%add3A_82] : memref<10240xf32, #tpu.memory_space<vmem_shared>> -> memref<128xf32, #tpu.memory_space<vmem_shared>>
      %dma_start3A_119 = arith.constant 0 : i32
      %dma_start3A_120 = tpu.memref_slice %arg11[%run_scoped3A_83, %dma_start3A_119] : memref<128x128xf32, #tpu.memory_space<vmem>> -> memref<1x128xf32, #tpu.memory_space<vmem>>
      %dma_start3A_121 = tpu.memref_squeeze %dma_start3A_120 : memref<1x128xf32, #tpu.memory_space<vmem>> -> memref<128xf32, #tpu.memory_space<vmem>>
      tpu.enqueue_dma source(%dma_start3A_121 : memref<128xf32, #tpu.memory_space<vmem>>) target(%dma_start3A_118 : memref<128xf32, #tpu.memory_space<vmem_shared>>) target_semaphore(%run_scoped3A_114 : memref<!tpu.dma_semaphore, #tpu.memory_space<semaphore_mem>>)
      %dma_wait3A = arith.constant 0 : i32
      %dma_wait3A_122 = tpu.memref_slice %arg11[%run_scoped3A_83, %dma_wait3A] : memref<128x128xf32, #tpu.memory_space<vmem>> -> memref<1x128xf32, #tpu.memory_space<vmem>>
      %dma_wait3A_123 = tpu.memref_squeeze %dma_wait3A_122 : memref<1x128xf32, #tpu.memory_space<vmem>> -> memref<128xf32, #tpu.memory_space<vmem>>
      %dma_wait3A_124 = tpu.memref_slice %arg8[%add3A_82] : memref<10240xf32, #tpu.memory_space<vmem_shared>> -> memref<128xf32, #tpu.memory_space<vmem_shared>>
      %dma_wait3A_125 = tpu.memref_slice %arg8[%add3A_82] : memref<10240xf32, #tpu.memory_space<vmem_shared>> -> memref<128xf32, #tpu.memory_space<vmem_shared>>
      %dma_wait3A_126 = arith.constant 0 : i32
      %dma_wait3A_127 = tpu.memref_slice %arg11[%run_scoped3A_83, %dma_wait3A_126] : memref<128x128xf32, #tpu.memory_space<vmem>> -> memref<1x128xf32, #tpu.memory_space<vmem>>
      %dma_wait3A_128 = tpu.memref_squeeze %dma_wait3A_127 : memref<1x128xf32, #tpu.memory_space<vmem>> -> memref<128xf32, #tpu.memory_space<vmem>>
      tpu.wait_dma2 semaphore(%run_scoped3A_114 : memref<!tpu.dma_semaphore, #tpu.memory_space<semaphore_mem>>) src(%dma_wait3A_128 : memref<128xf32, #tpu.memory_space<vmem>>) dst(%dma_wait3A_125 : memref<128xf32, #tpu.memory_space<vmem_shared>>)
      tpu.yield
    }) : () -> ()
    %mul3A_84 = arith.constant 640 : i32
    %mul3A_85 = arith.muli %arg1, %mul3A_84 : i32
    %add3A_86 = arith.constant 512 : i32
    %add3A_87 = arith.addi %mul3A_85, %add3A_86 : i32
    "tpu.region"() ({
      %run_scoped3A_114 = tpu.sem_alloc : memref<!tpu.dma_semaphore, #tpu.memory_space<semaphore_mem>>
      %dma_start3A = arith.constant 0 : i32
      %dma_start3A_115 = tpu.memref_slice %arg7[%add3A_87, %dma_start3A] : memref<10240x128xf32, #tpu.memory_space<vmem_shared>> -> memref<128x128xf32, #tpu.memory_space<vmem_shared>>
      %dma_start3A_116 = arith.constant 0 : i32
      %dma_start3A_117 = tpu.memref_slice %arg7[%add3A_87, %dma_start3A_116] : memref<10240x128xf32, #tpu.memory_space<vmem_shared>> -> memref<128x128xf32, #tpu.memory_space<vmem_shared>>
      tpu.enqueue_dma source(%arg11 : memref<128x128xf32, #tpu.memory_space<vmem>>) target(%dma_start3A_117 : memref<128x128xf32, #tpu.memory_space<vmem_shared>>) target_semaphore(%run_scoped3A_114 : memref<!tpu.dma_semaphore, #tpu.memory_space<semaphore_mem>>)
      %dma_wait3A = arith.constant 0 : i32
      %dma_wait3A_118 = tpu.memref_slice %arg7[%add3A_87, %dma_wait3A] : memref<10240x128xf32, #tpu.memory_space<vmem_shared>> -> memref<128x128xf32, #tpu.memory_space<vmem_shared>>
      %dma_wait3A_119 = arith.constant 0 : i32
      %dma_wait3A_120 = tpu.memref_slice %arg7[%add3A_87, %dma_wait3A_119] : memref<10240x128xf32, #tpu.memory_space<vmem_shared>> -> memref<128x128xf32, #tpu.memory_space<vmem_shared>>
      tpu.wait_dma2 semaphore(%run_scoped3A_114 : memref<!tpu.dma_semaphore, #tpu.memory_space<semaphore_mem>>) src(%arg11 : memref<128x128xf32, #tpu.memory_space<vmem>>) dst(%dma_wait3A_120 : memref<128x128xf32, #tpu.memory_space<vmem_shared>>)
      tpu.yield
    }) : () -> ()
    %mul3A_88 = arith.constant 640 : i32
    %mul3A_89 = arith.muli %arg1, %mul3A_88 : i32
    %add3A_90 = arith.constant 512 : i32
    %add3A_91 = arith.addi %mul3A_89, %add3A_90 : i32
    %run_scoped3A_92 = arith.constant 0 : i32
    "tpu.region"() ({
      %run_scoped3A_114 = tpu.sem_alloc : memref<!tpu.dma_semaphore, #tpu.memory_space<semaphore_mem>>
      %dma_start3A = arith.constant 0 : i32
      %dma_start3A_115 = tpu.memref_slice %arg11[%run_scoped3A_92, %dma_start3A] : memref<128x128xf32, #tpu.memory_space<vmem>> -> memref<1x128xf32, #tpu.memory_space<vmem>>
      %dma_start3A_116 = tpu.memref_squeeze %dma_start3A_115 : memref<1x128xf32, #tpu.memory_space<vmem>> -> memref<128xf32, #tpu.memory_space<vmem>>
      %dma_start3A_117 = tpu.memref_slice %arg8[%add3A_91] : memref<10240xf32, #tpu.memory_space<vmem_shared>> -> memref<128xf32, #tpu.memory_space<vmem_shared>>
      %dma_start3A_118 = tpu.memref_slice %arg8[%add3A_91] : memref<10240xf32, #tpu.memory_space<vmem_shared>> -> memref<128xf32, #tpu.memory_space<vmem_shared>>
      %dma_start3A_119 = arith.constant 0 : i32
      %dma_start3A_120 = tpu.memref_slice %arg11[%run_scoped3A_92, %dma_start3A_119] : memref<128x128xf32, #tpu.memory_space<vmem>> -> memref<1x128xf32, #tpu.memory_space<vmem>>
      %dma_start3A_121 = tpu.memref_squeeze %dma_start3A_120 : memref<1x128xf32, #tpu.memory_space<vmem>> -> memref<128xf32, #tpu.memory_space<vmem>>
      tpu.enqueue_dma source(%dma_start3A_121 : memref<128xf32, #tpu.memory_space<vmem>>) target(%dma_start3A_118 : memref<128xf32, #tpu.memory_space<vmem_shared>>) target_semaphore(%run_scoped3A_114 : memref<!tpu.dma_semaphore, #tpu.memory_space<semaphore_mem>>)
      %dma_wait3A = arith.constant 0 : i32
      %dma_wait3A_122 = tpu.memref_slice %arg11[%run_scoped3A_92, %dma_wait3A] : memref<128x128xf32, #tpu.memory_space<vmem>> -> memref<1x128xf32, #tpu.memory_space<vmem>>
      %dma_wait3A_123 = tpu.memref_squeeze %dma_wait3A_122 : memref<1x128xf32, #tpu.memory_space<vmem>> -> memref<128xf32, #tpu.memory_space<vmem>>
      %dma_wait3A_124 = tpu.memref_slice %arg8[%add3A_91] : memref<10240xf32, #tpu.memory_space<vmem_shared>> -> memref<128xf32, #tpu.memory_space<vmem_shared>>
      %dma_wait3A_125 = tpu.memref_slice %arg8[%add3A_91] : memref<10240xf32, #tpu.memory_space<vmem_shared>> -> memref<128xf32, #tpu.memory_space<vmem_shared>>
      %dma_wait3A_126 = arith.constant 0 : i32
      %dma_wait3A_127 = tpu.memref_slice %arg11[%run_scoped3A_92, %dma_wait3A_126] : memref<128x128xf32, #tpu.memory_space<vmem>> -> memref<1x128xf32, #tpu.memory_space<vmem>>
      %dma_wait3A_128 = tpu.memref_squeeze %dma_wait3A_127 : memref<1x128xf32, #tpu.memory_space<vmem>> -> memref<128xf32, #tpu.memory_space<vmem>>
      tpu.wait_dma2 semaphore(%run_scoped3A_114 : memref<!tpu.dma_semaphore, #tpu.memory_space<semaphore_mem>>) src(%dma_wait3A_128 : memref<128xf32, #tpu.memory_space<vmem>>) dst(%dma_wait3A_125 : memref<128xf32, #tpu.memory_space<vmem_shared>>)
      tpu.yield
    }) : () -> ()
    %barrier3A = arith.constant 0 : index
    tpu.barrier barrier_id(%barrier3A)
    %while3A = arith.constant 0 : i32
    %while3A_93 = arith.constant 0 : i32
    %while3A_94 = arith.subi %select_n3A_2, %while3A_93 : i32
    %while3A_95 = arith.addi %while3A_93, %while3A_94 : i32
    %while3A_96 = arith.constant 1 : i32
    %while3A_97 = arith.divsi %while3A_94, %while3A_96 : i32
    %while3A_98 = arith.muli %while3A_97, %while3A_96 : i32
    %while3A_99 = arith.addi %while3A_93, %while3A_98 : i32
    %while3A_100 = arith.constant 1 : i32
    scf.for %while3A_114 = %while3A_93 to %while3A_99 step %while3A_100  : i32 {
      %mul3A_115 = arith.constant 8 : i32
      %mul3A_116 = arith.muli %while3A_114, %mul3A_115 : i32
      %add3A_117 = arith.addi %select_n3A_9, %mul3A_116 : i32
      "tpu.region"() ({
        %run_scoped3A_436 = tpu.sem_alloc : memref<!tpu.dma_semaphore, #tpu.memory_space<semaphore_mem>>
        %dma_start3A_437 = arith.constant 0 : i32
        %dma_start3A_438 = tpu.memref_slice %arg3[%add3A_117, %dma_start3A_437] : memref<2560x128xi32, #tpu.memory_space<hbm>> -> memref<8x128xi32, #tpu.memory_space<hbm>>
        %dma_start3A_439 = arith.constant 0 : i32
        %dma_start3A_440 = tpu.memref_slice %arg3[%add3A_117, %dma_start3A_439] : memref<2560x128xi32, #tpu.memory_space<hbm>> -> memref<8x128xi32, #tpu.memory_space<hbm>>
        tpu.enqueue_dma source(%dma_start3A_440 : memref<8x128xi32, #tpu.memory_space<hbm>>) target(%arg9 : memref<8x128xi32, #tpu.memory_space<vmem>>) target_semaphore(%run_scoped3A_436 : memref<!tpu.dma_semaphore, #tpu.memory_space<semaphore_mem>>)
        %dma_wait3A_441 = arith.constant 0 : i32
        %dma_wait3A_442 = tpu.memref_slice %arg3[%add3A_117, %dma_wait3A_441] : memref<2560x128xi32, #tpu.memory_space<hbm>> -> memref<8x128xi32, #tpu.memory_space<hbm>>
        %dma_wait3A_443 = arith.constant 0 : i32
        %dma_wait3A_444 = tpu.memref_slice %arg3[%add3A_117, %dma_wait3A_443] : memref<2560x128xi32, #tpu.memory_space<hbm>> -> memref<8x128xi32, #tpu.memory_space<hbm>>
        tpu.wait_dma2 semaphore(%run_scoped3A_436 : memref<!tpu.dma_semaphore, #tpu.memory_space<semaphore_mem>>) src(%dma_wait3A_444 : memref<8x128xi32, #tpu.memory_space<hbm>>) dst(%arg9 : memref<8x128xi32, #tpu.memory_space<vmem>>)
        tpu.yield
      }) : () -> ()
      "tpu.region"() ({
        %run_scoped3A_436 = tpu.sem_alloc : memref<!tpu.dma_semaphore, #tpu.memory_space<semaphore_mem>>
        %dma_start3A_437 = arith.constant 0 : i32
        %dma_start3A_438 = tpu.memref_slice %arg4[%add3A_117, %dma_start3A_437] : memref<2560x128xi32, #tpu.memory_space<hbm>> -> memref<8x128xi32, #tpu.memory_space<hbm>>
        %dma_start3A_439 = arith.constant 0 : i32
        %dma_start3A_440 = tpu.memref_slice %arg4[%add3A_117, %dma_start3A_439] : memref<2560x128xi32, #tpu.memory_space<hbm>> -> memref<8x128xi32, #tpu.memory_space<hbm>>
        tpu.enqueue_dma source(%dma_start3A_440 : memref<8x128xi32, #tpu.memory_space<hbm>>) target(%arg10 : memref<8x128xi32, #tpu.memory_space<vmem>>) target_semaphore(%run_scoped3A_436 : memref<!tpu.dma_semaphore, #tpu.memory_space<semaphore_mem>>)
        %dma_wait3A_441 = arith.constant 0 : i32
        %dma_wait3A_442 = tpu.memref_slice %arg4[%add3A_117, %dma_wait3A_441] : memref<2560x128xi32, #tpu.memory_space<hbm>> -> memref<8x128xi32, #tpu.memory_space<hbm>>
        %dma_wait3A_443 = arith.constant 0 : i32
        %dma_wait3A_444 = tpu.memref_slice %arg4[%add3A_117, %dma_wait3A_443] : memref<2560x128xi32, #tpu.memory_space<hbm>> -> memref<8x128xi32, #tpu.memory_space<hbm>>
        tpu.wait_dma2 semaphore(%run_scoped3A_436 : memref<!tpu.dma_semaphore, #tpu.memory_space<semaphore_mem>>) src(%dma_wait3A_444 : memref<8x128xi32, #tpu.memory_space<hbm>>) dst(%arg10 : memref<8x128xi32, #tpu.memory_space<vmem>>)
        tpu.yield
      }) : () -> ()
      %dma_start3A = arith.constant 0 : i32
      %dma_start3A_118 = arith.constant 0 : i32
      %dma_start3A_119 = tpu.memref_slice %arg9[%dma_start3A, %dma_start3A_118] : memref<8x128xi32, #tpu.memory_space<vmem>> -> memref<1x128xi32, #tpu.memory_space<vmem>>
      %dma_start3A_120 = tpu.memref_squeeze %dma_start3A_119 : memref<1x128xi32, #tpu.memory_space<vmem>> -> memref<128xi32, #tpu.memory_space<vmem>>
      %dma_start3A_121 = arith.constant 0 : i32
      %dma_start3A_122 = arith.constant 0 : i32
      %dma_start3A_123 = tpu.memref_slice %arg2[%dma_start3A_121, %dma_start3A_122] : memref<10000x128xf32, #tpu.memory_space<hbm>> -> memref<10000x128xf32, #tpu.memory_space<hbm>>
      tpu.enqueue_indirect_dma source(%dma_start3A_123 : memref<10000x128xf32, #tpu.memory_space<hbm>>) target(%arg11 : memref<128x128xf32, #tpu.memory_space<vmem>>) offsets(%dma_start3A_120 : memref<128xi32, #tpu.memory_space<vmem>>) semaphore(%arg14 : memref<!tpu.dma_semaphore, #tpu.memory_space<semaphore_mem>>)
      %dma_start3A_124 = arith.constant 1 : i32
      %dma_start3A_125 = arith.constant 0 : i32
      %dma_start3A_126 = tpu.memref_slice %arg9[%dma_start3A_124, %dma_start3A_125] : memref<8x128xi32, #tpu.memory_space<vmem>> -> memref<1x128xi32, #tpu.memory_space<vmem>>
      %dma_start3A_127 = tpu.memref_squeeze %dma_start3A_126 : memref<1x128xi32, #tpu.memory_space<vmem>> -> memref<128xi32, #tpu.memory_space<vmem>>
      %dma_start3A_128 = arith.constant 0 : i32
      %dma_start3A_129 = arith.constant 0 : i32
      %dma_start3A_130 = tpu.memref_slice %arg2[%dma_start3A_128, %dma_start3A_129] : memref<10000x128xf32, #tpu.memory_space<hbm>> -> memref<10000x128xf32, #tpu.memory_space<hbm>>
      tpu.enqueue_indirect_dma source(%dma_start3A_130 : memref<10000x128xf32, #tpu.memory_space<hbm>>) target(%arg12 : memref<128x128xf32, #tpu.memory_space<vmem>>) offsets(%dma_start3A_127 : memref<128xi32, #tpu.memory_space<vmem>>) semaphore(%arg15 : memref<!tpu.dma_semaphore, #tpu.memory_space<semaphore_mem>>)
      %dma_wait3A = arith.constant 0 : i32
      %dma_wait3A_131 = arith.constant 0 : i32
      %dma_wait3A_132 = tpu.memref_slice %arg9[%dma_wait3A, %dma_wait3A_131] : memref<8x128xi32, #tpu.memory_space<vmem>> -> memref<1x128xi32, #tpu.memory_space<vmem>>
      %dma_wait3A_133 = tpu.memref_squeeze %dma_wait3A_132 : memref<1x128xi32, #tpu.memory_space<vmem>> -> memref<128xi32, #tpu.memory_space<vmem>>
      %dma_wait3A_134 = arith.constant 0 : i32
      %dma_wait3A_135 = arith.constant 0 : i32
      %dma_wait3A_136 = tpu.memref_slice %arg2[%dma_wait3A_134, %dma_wait3A_135] : memref<10000x128xf32, #tpu.memory_space<hbm>> -> memref<10000x128xf32, #tpu.memory_space<hbm>>
      tpu.wait_indirect_dma semaphore(%arg14 : memref<!tpu.dma_semaphore, #tpu.memory_space<semaphore_mem>>) src(%dma_wait3A_136 : memref<10000x128xf32, #tpu.memory_space<hbm>>) dst(%arg11 : memref<128x128xf32, #tpu.memory_space<vmem>>)
      %dma_start3A_137 = arith.constant 0 : i32
      %dma_start3A_138 = arith.constant 0 : i32
      %dma_start3A_139 = tpu.memref_slice %arg10[%dma_start3A_137, %dma_start3A_138] : memref<8x128xi32, #tpu.memory_space<vmem>> -> memref<1x128xi32, #tpu.memory_space<vmem>>
      %dma_start3A_140 = tpu.memref_squeeze %dma_start3A_139 : memref<1x128xi32, #tpu.memory_space<vmem>> -> memref<128xi32, #tpu.memory_space<vmem>>
      %dma_start3A_141 = arith.constant 0 : i32
      %dma_start3A_142 = arith.constant 0 : i32
      %dma_start3A_143 = tpu.memref_slice %arg7[%dma_start3A_141, %dma_start3A_142] : memref<10240x128xf32, #tpu.memory_space<vmem_shared>> -> memref<10240x128xf32, #tpu.memory_space<vmem_shared>>
      tpu.enqueue_indirect_dma source(%arg11 : memref<128x128xf32, #tpu.memory_space<vmem>>) target(%dma_start3A_143 : memref<10240x128xf32, #tpu.memory_space<vmem_shared>>) offsets(%dma_start3A_140 : memref<128xi32, #tpu.memory_space<vmem>>) semaphore(%arg16 : memref<!tpu.dma_semaphore, #tpu.memory_space<semaphore_mem>>) {add = true}
      %dma_start3A_144 = arith.constant 0 : i32
      %dma_start3A_145 = arith.constant 0 : i32
      %dma_start3A_146 = tpu.memref_slice %arg10[%dma_start3A_144, %dma_start3A_145] : memref<8x128xi32, #tpu.memory_space<vmem>> -> memref<1x128xi32, #tpu.memory_space<vmem>>
      %dma_start3A_147 = tpu.memref_squeeze %dma_start3A_146 : memref<1x128xi32, #tpu.memory_space<vmem>> -> memref<128xi32, #tpu.memory_space<vmem>>
      %dma_start3A_148 = arith.constant 0 : i32
      %dma_start3A_149 = tpu.memref_slice %arg8[%dma_start3A_148] : memref<10240xf32, #tpu.memory_space<vmem_shared>> -> memref<10240xf32, #tpu.memory_space<vmem_shared>>
      tpu.enqueue_indirect_dma source(%arg13 : memref<128xf32, #tpu.memory_space<vmem>>) target(%dma_start3A_149 : memref<10240xf32, #tpu.memory_space<vmem_shared>>) offsets(%dma_start3A_147 : memref<128xi32, #tpu.memory_space<vmem>>) semaphore(%arg18 : memref<!tpu.dma_semaphore, #tpu.memory_space<semaphore_mem>>) {add = true}
      %dma_wait3A_150 = arith.constant 0 : i32
      %dma_wait3A_151 = arith.constant 0 : i32
      %dma_wait3A_152 = tpu.memref_slice %arg10[%dma_wait3A_150, %dma_wait3A_151] : memref<8x128xi32, #tpu.memory_space<vmem>> -> memref<1x128xi32, #tpu.memory_space<vmem>>
      %dma_wait3A_153 = tpu.memref_squeeze %dma_wait3A_152 : memref<1x128xi32, #tpu.memory_space<vmem>> -> memref<128xi32, #tpu.memory_space<vmem>>
      %dma_wait3A_154 = arith.constant 0 : i32
      %dma_wait3A_155 = arith.constant 0 : i32
      %dma_wait3A_156 = tpu.memref_slice %arg7[%dma_wait3A_154, %dma_wait3A_155] : memref<10240x128xf32, #tpu.memory_space<vmem_shared>> -> memref<10240x128xf32, #tpu.memory_space<vmem_shared>>
      tpu.wait_indirect_dma semaphore(%arg16 : memref<!tpu.dma_semaphore, #tpu.memory_space<semaphore_mem>>) src(%arg11 : memref<128x128xf32, #tpu.memory_space<vmem>>) dst(%dma_wait3A_156 : memref<10240x128xf32, #tpu.memory_space<vmem_shared>>)
      %dma_start3A_157 = arith.constant 2 : i32
      %dma_start3A_158 = arith.constant 0 : i32
      %dma_start3A_159 = tpu.memref_slice %arg9[%dma_start3A_157, %dma_start3A_158] : memref<8x128xi32, #tpu.memory_space<vmem>> -> memref<1x128xi32, #tpu.memory_space<vmem>>
      %dma_start3A_160 = tpu.memref_squeeze %dma_start3A_159 : memref<1x128xi32, #tpu.memory_space<vmem>> -> memref<128xi32, #tpu.memory_space<vmem>>
      %dma_start3A_161 = arith.constant 0 : i32
      %dma_start3A_162 = arith.constant 0 : i32
      %dma_start3A_163 = tpu.memref_slice %arg2[%dma_start3A_161, %dma_start3A_162] : memref<10000x128xf32, #tpu.memory_space<hbm>> -> memref<10000x128xf32, #tpu.memory_space<hbm>>
      tpu.enqueue_indirect_dma source(%dma_start3A_163 : memref<10000x128xf32, #tpu.memory_space<hbm>>) target(%arg11 : memref<128x128xf32, #tpu.memory_space<vmem>>) offsets(%dma_start3A_160 : memref<128xi32, #tpu.memory_space<vmem>>) semaphore(%arg14 : memref<!tpu.dma_semaphore, #tpu.memory_space<semaphore_mem>>)
      %dma_wait3A_164 = arith.constant 1 : i32
      %dma_wait3A_165 = arith.constant 0 : i32
      %dma_wait3A_166 = tpu.memref_slice %arg9[%dma_wait3A_164, %dma_wait3A_165] : memref<8x128xi32, #tpu.memory_space<vmem>> -> memref<1x128xi32, #tpu.memory_space<vmem>>
      %dma_wait3A_167 = tpu.memref_squeeze %dma_wait3A_166 : memref<1x128xi32, #tpu.memory_space<vmem>> -> memref<128xi32, #tpu.memory_space<vmem>>
      %dma_wait3A_168 = arith.constant 0 : i32
      %dma_wait3A_169 = arith.constant 0 : i32
      %dma_wait3A_170 = tpu.memref_slice %arg2[%dma_wait3A_168, %dma_wait3A_169] : memref<10000x128xf32, #tpu.memory_space<hbm>> -> memref<10000x128xf32, #tpu.memory_space<hbm>>
      tpu.wait_indirect_dma semaphore(%arg15 : memref<!tpu.dma_semaphore, #tpu.memory_space<semaphore_mem>>) src(%dma_wait3A_170 : memref<10000x128xf32, #tpu.memory_space<hbm>>) dst(%arg12 : memref<128x128xf32, #tpu.memory_space<vmem>>)
      %dma_start3A_171 = arith.constant 1 : i32
      %dma_start3A_172 = arith.constant 0 : i32
      %dma_start3A_173 = tpu.memref_slice %arg10[%dma_start3A_171, %dma_start3A_172] : memref<8x128xi32, #tpu.memory_space<vmem>> -> memref<1x128xi32, #tpu.memory_space<vmem>>
      %dma_start3A_174 = tpu.memref_squeeze %dma_start3A_173 : memref<1x128xi32, #tpu.memory_space<vmem>> -> memref<128xi32, #tpu.memory_space<vmem>>
      %dma_start3A_175 = arith.constant 0 : i32
      %dma_start3A_176 = arith.constant 0 : i32
      %dma_start3A_177 = tpu.memref_slice %arg7[%dma_start3A_175, %dma_start3A_176] : memref<10240x128xf32, #tpu.memory_space<vmem_shared>> -> memref<10240x128xf32, #tpu.memory_space<vmem_shared>>
      tpu.enqueue_indirect_dma source(%arg12 : memref<128x128xf32, #tpu.memory_space<vmem>>) target(%dma_start3A_177 : memref<10240x128xf32, #tpu.memory_space<vmem_shared>>) offsets(%dma_start3A_174 : memref<128xi32, #tpu.memory_space<vmem>>) semaphore(%arg17 : memref<!tpu.dma_semaphore, #tpu.memory_space<semaphore_mem>>) {add = true}
      %dma_start3A_178 = arith.constant 1 : i32
      %dma_start3A_179 = arith.constant 0 : i32
      %dma_start3A_180 = tpu.memref_slice %arg10[%dma_start3A_178, %dma_start3A_179] : memref<8x128xi32, #tpu.memory_space<vmem>> -> memref<1x128xi32, #tpu.memory_space<vmem>>
      %dma_start3A_181 = tpu.memref_squeeze %dma_start3A_180 : memref<1x128xi32, #tpu.memory_space<vmem>> -> memref<128xi32, #tpu.memory_space<vmem>>
      %dma_start3A_182 = arith.constant 0 : i32
      %dma_start3A_183 = tpu.memref_slice %arg8[%dma_start3A_182] : memref<10240xf32, #tpu.memory_space<vmem_shared>> -> memref<10240xf32, #tpu.memory_space<vmem_shared>>
      tpu.enqueue_indirect_dma source(%arg13 : memref<128xf32, #tpu.memory_space<vmem>>) target(%dma_start3A_183 : memref<10240xf32, #tpu.memory_space<vmem_shared>>) offsets(%dma_start3A_181 : memref<128xi32, #tpu.memory_space<vmem>>) semaphore(%arg18 : memref<!tpu.dma_semaphore, #tpu.memory_space<semaphore_mem>>) {add = true}
      %dma_wait3A_184 = arith.constant 1 : i32
      %dma_wait3A_185 = arith.constant 0 : i32
      %dma_wait3A_186 = tpu.memref_slice %arg10[%dma_wait3A_184, %dma_wait3A_185] : memref<8x128xi32, #tpu.memory_space<vmem>> -> memref<1x128xi32, #tpu.memory_space<vmem>>
      %dma_wait3A_187 = tpu.memref_squeeze %dma_wait3A_186 : memref<1x128xi32, #tpu.memory_space<vmem>> -> memref<128xi32, #tpu.memory_space<vmem>>
      %dma_wait3A_188 = arith.constant 0 : i32
      %dma_wait3A_189 = arith.constant 0 : i32
      %dma_wait3A_190 = tpu.memref_slice %arg7[%dma_wait3A_188, %dma_wait3A_189] : memref<10240x128xf32, #tpu.memory_space<vmem_shared>> -> memref<10240x128xf32, #tpu.memory_space<vmem_shared>>
      tpu.wait_indirect_dma semaphore(%arg17 : memref<!tpu.dma_semaphore, #tpu.memory_space<semaphore_mem>>) src(%arg12 : memref<128x128xf32, #tpu.memory_space<vmem>>) dst(%dma_wait3A_190 : memref<10240x128xf32, #tpu.memory_space<vmem_shared>>)
      %dma_start3A_191 = arith.constant 3 : i32
      %dma_start3A_192 = arith.constant 0 : i32
      %dma_start3A_193 = tpu.memref_slice %arg9[%dma_start3A_191, %dma_start3A_192] : memref<8x128xi32, #tpu.memory_space<vmem>> -> memref<1x128xi32, #tpu.memory_space<vmem>>
      %dma_start3A_194 = tpu.memref_squeeze %dma_start3A_193 : memref<1x128xi32, #tpu.memory_space<vmem>> -> memref<128xi32, #tpu.memory_space<vmem>>
      %dma_start3A_195 = arith.constant 0 : i32
      %dma_start3A_196 = arith.constant 0 : i32
      %dma_start3A_197 = tpu.memref_slice %arg2[%dma_start3A_195, %dma_start3A_196] : memref<10000x128xf32, #tpu.memory_space<hbm>> -> memref<10000x128xf32, #tpu.memory_space<hbm>>
      tpu.enqueue_indirect_dma source(%dma_start3A_197 : memref<10000x128xf32, #tpu.memory_space<hbm>>) target(%arg12 : memref<128x128xf32, #tpu.memory_space<vmem>>) offsets(%dma_start3A_194 : memref<128xi32, #tpu.memory_space<vmem>>) semaphore(%arg15 : memref<!tpu.dma_semaphore, #tpu.memory_space<semaphore_mem>>)
      %dma_wait3A_198 = arith.constant 2 : i32
      %dma_wait3A_199 = arith.constant 0 : i32
      %dma_wait3A_200 = tpu.memref_slice %arg9[%dma_wait3A_198, %dma_wait3A_199] : memref<8x128xi32, #tpu.memory_space<vmem>> -> memref<1x128xi32, #tpu.memory_space<vmem>>
      %dma_wait3A_201 = tpu.memref_squeeze %dma_wait3A_200 : memref<1x128xi32, #tpu.memory_space<vmem>> -> memref<128xi32, #tpu.memory_space<vmem>>
      %dma_wait3A_202 = arith.constant 0 : i32
      %dma_wait3A_203 = arith.constant 0 : i32
      %dma_wait3A_204 = tpu.memref_slice %arg2[%dma_wait3A_202, %dma_wait3A_203] : memref<10000x128xf32, #tpu.memory_space<hbm>> -> memref<10000x128xf32, #tpu.memory_space<hbm>>
      tpu.wait_indirect_dma semaphore(%arg14 : memref<!tpu.dma_semaphore, #tpu.memory_space<semaphore_mem>>) src(%dma_wait3A_204 : memref<10000x128xf32, #tpu.memory_space<hbm>>) dst(%arg11 : memref<128x128xf32, #tpu.memory_space<vmem>>)
      %dma_start3A_205 = arith.constant 2 : i32
      %dma_start3A_206 = arith.constant 0 : i32
      %dma_start3A_207 = tpu.memref_slice %arg10[%dma_start3A_205, %dma_start3A_206] : memref<8x128xi32, #tpu.memory_space<vmem>> -> memref<1x128xi32, #tpu.memory_space<vmem>>
      %dma_start3A_208 = tpu.memref_squeeze %dma_start3A_207 : memref<1x128xi32, #tpu.memory_space<vmem>> -> memref<128xi32, #tpu.memory_space<vmem>>
      %dma_start3A_209 = arith.constant 0 : i32
      %dma_start3A_210 = arith.constant 0 : i32
      %dma_start3A_211 = tpu.memref_slice %arg7[%dma_start3A_209, %dma_start3A_210] : memref<10240x128xf32, #tpu.memory_space<vmem_shared>> -> memref<10240x128xf32, #tpu.memory_space<vmem_shared>>
      tpu.enqueue_indirect_dma source(%arg11 : memref<128x128xf32, #tpu.memory_space<vmem>>) target(%dma_start3A_211 : memref<10240x128xf32, #tpu.memory_space<vmem_shared>>) offsets(%dma_start3A_208 : memref<128xi32, #tpu.memory_space<vmem>>) semaphore(%arg16 : memref<!tpu.dma_semaphore, #tpu.memory_space<semaphore_mem>>) {add = true}
      %dma_start3A_212 = arith.constant 2 : i32
      %dma_start3A_213 = arith.constant 0 : i32
      %dma_start3A_214 = tpu.memref_slice %arg10[%dma_start3A_212, %dma_start3A_213] : memref<8x128xi32, #tpu.memory_space<vmem>> -> memref<1x128xi32, #tpu.memory_space<vmem>>
      %dma_start3A_215 = tpu.memref_squeeze %dma_start3A_214 : memref<1x128xi32, #tpu.memory_space<vmem>> -> memref<128xi32, #tpu.memory_space<vmem>>
      %dma_start3A_216 = arith.constant 0 : i32
      %dma_start3A_217 = tpu.memref_slice %arg8[%dma_start3A_216] : memref<10240xf32, #tpu.memory_space<vmem_shared>> -> memref<10240xf32, #tpu.memory_space<vmem_shared>>
      tpu.enqueue_indirect_dma source(%arg13 : memref<128xf32, #tpu.memory_space<vmem>>) target(%dma_start3A_217 : memref<10240xf32, #tpu.memory_space<vmem_shared>>) offsets(%dma_start3A_215 : memref<128xi32, #tpu.memory_space<vmem>>) semaphore(%arg18 : memref<!tpu.dma_semaphore, #tpu.memory_space<semaphore_mem>>) {add = true}
      %dma_wait3A_218 = arith.constant 2 : i32
      %dma_wait3A_219 = arith.constant 0 : i32
      %dma_wait3A_220 = tpu.memref_slice %arg10[%dma_wait3A_218, %dma_wait3A_219] : memref<8x128xi32, #tpu.memory_space<vmem>> -> memref<1x128xi32, #tpu.memory_space<vmem>>
      %dma_wait3A_221 = tpu.memref_squeeze %dma_wait3A_220 : memref<1x128xi32, #tpu.memory_space<vmem>> -> memref<128xi32, #tpu.memory_space<vmem>>
      %dma_wait3A_222 = arith.constant 0 : i32
      %dma_wait3A_223 = arith.constant 0 : i32
      %dma_wait3A_224 = tpu.memref_slice %arg7[%dma_wait3A_222, %dma_wait3A_223] : memref<10240x128xf32, #tpu.memory_space<vmem_shared>> -> memref<10240x128xf32, #tpu.memory_space<vmem_shared>>
      tpu.wait_indirect_dma semaphore(%arg16 : memref<!tpu.dma_semaphore, #tpu.memory_space<semaphore_mem>>) src(%arg11 : memref<128x128xf32, #tpu.memory_space<vmem>>) dst(%dma_wait3A_224 : memref<10240x128xf32, #tpu.memory_space<vmem_shared>>)
      %dma_start3A_225 = arith.constant 4 : i32
      %dma_start3A_226 = arith.constant 0 : i32
      %dma_start3A_227 = tpu.memref_slice %arg9[%dma_start3A_225, %dma_start3A_226] : memref<8x128xi32, #tpu.memory_space<vmem>> -> memref<1x128xi32, #tpu.memory_space<vmem>>
      %dma_start3A_228 = tpu.memref_squeeze %dma_start3A_227 : memref<1x128xi32, #tpu.memory_space<vmem>> -> memref<128xi32, #tpu.memory_space<vmem>>
      %dma_start3A_229 = arith.constant 0 : i32
      %dma_start3A_230 = arith.constant 0 : i32
      %dma_start3A_231 = tpu.memref_slice %arg2[%dma_start3A_229, %dma_start3A_230] : memref<10000x128xf32, #tpu.memory_space<hbm>> -> memref<10000x128xf32, #tpu.memory_space<hbm>>
      tpu.enqueue_indirect_dma source(%dma_start3A_231 : memref<10000x128xf32, #tpu.memory_space<hbm>>) target(%arg11 : memref<128x128xf32, #tpu.memory_space<vmem>>) offsets(%dma_start3A_228 : memref<128xi32, #tpu.memory_space<vmem>>) semaphore(%arg14 : memref<!tpu.dma_semaphore, #tpu.memory_space<semaphore_mem>>)
      %dma_wait3A_232 = arith.constant 3 : i32
      %dma_wait3A_233 = arith.constant 0 : i32
      %dma_wait3A_234 = tpu.memref_slice %arg9[%dma_wait3A_232, %dma_wait3A_233] : memref<8x128xi32, #tpu.memory_space<vmem>> -> memref<1x128xi32, #tpu.memory_space<vmem>>
      %dma_wait3A_235 = tpu.memref_squeeze %dma_wait3A_234 : memref<1x128xi32, #tpu.memory_space<vmem>> -> memref<128xi32, #tpu.memory_space<vmem>>
      %dma_wait3A_236 = arith.constant 0 : i32
      %dma_wait3A_237 = arith.constant 0 : i32
      %dma_wait3A_238 = tpu.memref_slice %arg2[%dma_wait3A_236, %dma_wait3A_237] : memref<10000x128xf32, #tpu.memory_space<hbm>> -> memref<10000x128xf32, #tpu.memory_space<hbm>>
      tpu.wait_indirect_dma semaphore(%arg15 : memref<!tpu.dma_semaphore, #tpu.memory_space<semaphore_mem>>) src(%dma_wait3A_238 : memref<10000x128xf32, #tpu.memory_space<hbm>>) dst(%arg12 : memref<128x128xf32, #tpu.memory_space<vmem>>)
      %dma_start3A_239 = arith.constant 3 : i32
      %dma_start3A_240 = arith.constant 0 : i32
      %dma_start3A_241 = tpu.memref_slice %arg10[%dma_start3A_239, %dma_start3A_240] : memref<8x128xi32, #tpu.memory_space<vmem>> -> memref<1x128xi32, #tpu.memory_space<vmem>>
      %dma_start3A_242 = tpu.memref_squeeze %dma_start3A_241 : memref<1x128xi32, #tpu.memory_space<vmem>> -> memref<128xi32, #tpu.memory_space<vmem>>
      %dma_start3A_243 = arith.constant 0 : i32
      %dma_start3A_244 = arith.constant 0 : i32
      %dma_start3A_245 = tpu.memref_slice %arg7[%dma_start3A_243, %dma_start3A_244] : memref<10240x128xf32, #tpu.memory_space<vmem_shared>> -> memref<10240x128xf32, #tpu.memory_space<vmem_shared>>
      tpu.enqueue_indirect_dma source(%arg12 : memref<128x128xf32, #tpu.memory_space<vmem>>) target(%dma_start3A_245 : memref<10240x128xf32, #tpu.memory_space<vmem_shared>>) offsets(%dma_start3A_242 : memref<128xi32, #tpu.memory_space<vmem>>) semaphore(%arg17 : memref<!tpu.dma_semaphore, #tpu.memory_space<semaphore_mem>>) {add = true}
      %dma_start3A_246 = arith.constant 3 : i32
      %dma_start3A_247 = arith.constant 0 : i32
      %dma_start3A_248 = tpu.memref_slice %arg10[%dma_start3A_246, %dma_start3A_247] : memref<8x128xi32, #tpu.memory_space<vmem>> -> memref<1x128xi32, #tpu.memory_space<vmem>>
      %dma_start3A_249 = tpu.memref_squeeze %dma_start3A_248 : memref<1x128xi32, #tpu.memory_space<vmem>> -> memref<128xi32, #tpu.memory_space<vmem>>
      %dma_start3A_250 = arith.constant 0 : i32
      %dma_start3A_251 = tpu.memref_slice %arg8[%dma_start3A_250] : memref<10240xf32, #tpu.memory_space<vmem_shared>> -> memref<10240xf32, #tpu.memory_space<vmem_shared>>
      tpu.enqueue_indirect_dma source(%arg13 : memref<128xf32, #tpu.memory_space<vmem>>) target(%dma_start3A_251 : memref<10240xf32, #tpu.memory_space<vmem_shared>>) offsets(%dma_start3A_249 : memref<128xi32, #tpu.memory_space<vmem>>) semaphore(%arg18 : memref<!tpu.dma_semaphore, #tpu.memory_space<semaphore_mem>>) {add = true}
      %dma_wait3A_252 = arith.constant 3 : i32
      %dma_wait3A_253 = arith.constant 0 : i32
      %dma_wait3A_254 = tpu.memref_slice %arg10[%dma_wait3A_252, %dma_wait3A_253] : memref<8x128xi32, #tpu.memory_space<vmem>> -> memref<1x128xi32, #tpu.memory_space<vmem>>
      %dma_wait3A_255 = tpu.memref_squeeze %dma_wait3A_254 : memref<1x128xi32, #tpu.memory_space<vmem>> -> memref<128xi32, #tpu.memory_space<vmem>>
      %dma_wait3A_256 = arith.constant 0 : i32
      %dma_wait3A_257 = arith.constant 0 : i32
      %dma_wait3A_258 = tpu.memref_slice %arg7[%dma_wait3A_256, %dma_wait3A_257] : memref<10240x128xf32, #tpu.memory_space<vmem_shared>> -> memref<10240x128xf32, #tpu.memory_space<vmem_shared>>
      tpu.wait_indirect_dma semaphore(%arg17 : memref<!tpu.dma_semaphore, #tpu.memory_space<semaphore_mem>>) src(%arg12 : memref<128x128xf32, #tpu.memory_space<vmem>>) dst(%dma_wait3A_258 : memref<10240x128xf32, #tpu.memory_space<vmem_shared>>)
      %dma_start3A_259 = arith.constant 5 : i32
      %dma_start3A_260 = arith.constant 0 : i32
      %dma_start3A_261 = tpu.memref_slice %arg9[%dma_start3A_259, %dma_start3A_260] : memref<8x128xi32, #tpu.memory_space<vmem>> -> memref<1x128xi32, #tpu.memory_space<vmem>>
      %dma_start3A_262 = tpu.memref_squeeze %dma_start3A_261 : memref<1x128xi32, #tpu.memory_space<vmem>> -> memref<128xi32, #tpu.memory_space<vmem>>
      %dma_start3A_263 = arith.constant 0 : i32
      %dma_start3A_264 = arith.constant 0 : i32
      %dma_start3A_265 = tpu.memref_slice %arg2[%dma_start3A_263, %dma_start3A_264] : memref<10000x128xf32, #tpu.memory_space<hbm>> -> memref<10000x128xf32, #tpu.memory_space<hbm>>
      tpu.enqueue_indirect_dma source(%dma_start3A_265 : memref<10000x128xf32, #tpu.memory_space<hbm>>) target(%arg12 : memref<128x128xf32, #tpu.memory_space<vmem>>) offsets(%dma_start3A_262 : memref<128xi32, #tpu.memory_space<vmem>>) semaphore(%arg15 : memref<!tpu.dma_semaphore, #tpu.memory_space<semaphore_mem>>)
      %dma_wait3A_266 = arith.constant 4 : i32
      %dma_wait3A_267 = arith.constant 0 : i32
      %dma_wait3A_268 = tpu.memref_slice %arg9[%dma_wait3A_266, %dma_wait3A_267] : memref<8x128xi32, #tpu.memory_space<vmem>> -> memref<1x128xi32, #tpu.memory_space<vmem>>
      %dma_wait3A_269 = tpu.memref_squeeze %dma_wait3A_268 : memref<1x128xi32, #tpu.memory_space<vmem>> -> memref<128xi32, #tpu.memory_space<vmem>>
      %dma_wait3A_270 = arith.constant 0 : i32
      %dma_wait3A_271 = arith.constant 0 : i32
      %dma_wait3A_272 = tpu.memref_slice %arg2[%dma_wait3A_270, %dma_wait3A_271] : memref<10000x128xf32, #tpu.memory_space<hbm>> -> memref<10000x128xf32, #tpu.memory_space<hbm>>
      tpu.wait_indirect_dma semaphore(%arg14 : memref<!tpu.dma_semaphore, #tpu.memory_space<semaphore_mem>>) src(%dma_wait3A_272 : memref<10000x128xf32, #tpu.memory_space<hbm>>) dst(%arg11 : memref<128x128xf32, #tpu.memory_space<vmem>>)
      %dma_start3A_273 = arith.constant 4 : i32
      %dma_start3A_274 = arith.constant 0 : i32
      %dma_start3A_275 = tpu.memref_slice %arg10[%dma_start3A_273, %dma_start3A_274] : memref<8x128xi32, #tpu.memory_space<vmem>> -> memref<1x128xi32, #tpu.memory_space<vmem>>
      %dma_start3A_276 = tpu.memref_squeeze %dma_start3A_275 : memref<1x128xi32, #tpu.memory_space<vmem>> -> memref<128xi32, #tpu.memory_space<vmem>>
      %dma_start3A_277 = arith.constant 0 : i32
      %dma_start3A_278 = arith.constant 0 : i32
      %dma_start3A_279 = tpu.memref_slice %arg7[%dma_start3A_277, %dma_start3A_278] : memref<10240x128xf32, #tpu.memory_space<vmem_shared>> -> memref<10240x128xf32, #tpu.memory_space<vmem_shared>>
      tpu.enqueue_indirect_dma source(%arg11 : memref<128x128xf32, #tpu.memory_space<vmem>>) target(%dma_start3A_279 : memref<10240x128xf32, #tpu.memory_space<vmem_shared>>) offsets(%dma_start3A_276 : memref<128xi32, #tpu.memory_space<vmem>>) semaphore(%arg16 : memref<!tpu.dma_semaphore, #tpu.memory_space<semaphore_mem>>) {add = true}
      %dma_start3A_280 = arith.constant 4 : i32
      %dma_start3A_281 = arith.constant 0 : i32
      %dma_start3A_282 = tpu.memref_slice %arg10[%dma_start3A_280, %dma_start3A_281] : memref<8x128xi32, #tpu.memory_space<vmem>> -> memref<1x128xi32, #tpu.memory_space<vmem>>
      %dma_start3A_283 = tpu.memref_squeeze %dma_start3A_282 : memref<1x128xi32, #tpu.memory_space<vmem>> -> memref<128xi32, #tpu.memory_space<vmem>>
      %dma_start3A_284 = arith.constant 0 : i32
      %dma_start3A_285 = tpu.memref_slice %arg8[%dma_start3A_284] : memref<10240xf32, #tpu.memory_space<vmem_shared>> -> memref<10240xf32, #tpu.memory_space<vmem_shared>>
      tpu.enqueue_indirect_dma source(%arg13 : memref<128xf32, #tpu.memory_space<vmem>>) target(%dma_start3A_285 : memref<10240xf32, #tpu.memory_space<vmem_shared>>) offsets(%dma_start3A_283 : memref<128xi32, #tpu.memory_space<vmem>>) semaphore(%arg18 : memref<!tpu.dma_semaphore, #tpu.memory_space<semaphore_mem>>) {add = true}
      %dma_wait3A_286 = arith.constant 4 : i32
      %dma_wait3A_287 = arith.constant 0 : i32
      %dma_wait3A_288 = tpu.memref_slice %arg10[%dma_wait3A_286, %dma_wait3A_287] : memref<8x128xi32, #tpu.memory_space<vmem>> -> memref<1x128xi32, #tpu.memory_space<vmem>>
      %dma_wait3A_289 = tpu.memref_squeeze %dma_wait3A_288 : memref<1x128xi32, #tpu.memory_space<vmem>> -> memref<128xi32, #tpu.memory_space<vmem>>
      %dma_wait3A_290 = arith.constant 0 : i32
      %dma_wait3A_291 = arith.constant 0 : i32
      %dma_wait3A_292 = tpu.memref_slice %arg7[%dma_wait3A_290, %dma_wait3A_291] : memref<10240x128xf32, #tpu.memory_space<vmem_shared>> -> memref<10240x128xf32, #tpu.memory_space<vmem_shared>>
      tpu.wait_indirect_dma semaphore(%arg16 : memref<!tpu.dma_semaphore, #tpu.memory_space<semaphore_mem>>) src(%arg11 : memref<128x128xf32, #tpu.memory_space<vmem>>) dst(%dma_wait3A_292 : memref<10240x128xf32, #tpu.memory_space<vmem_shared>>)
      %dma_start3A_293 = arith.constant 6 : i32
      %dma_start3A_294 = arith.constant 0 : i32
      %dma_start3A_295 = tpu.memref_slice %arg9[%dma_start3A_293, %dma_start3A_294] : memref<8x128xi32, #tpu.memory_space<vmem>> -> memref<1x128xi32, #tpu.memory_space<vmem>>
      %dma_start3A_296 = tpu.memref_squeeze %dma_start3A_295 : memref<1x128xi32, #tpu.memory_space<vmem>> -> memref<128xi32, #tpu.memory_space<vmem>>
      %dma_start3A_297 = arith.constant 0 : i32
      %dma_start3A_298 = arith.constant 0 : i32
      %dma_start3A_299 = tpu.memref_slice %arg2[%dma_start3A_297, %dma_start3A_298] : memref<10000x128xf32, #tpu.memory_space<hbm>> -> memref<10000x128xf32, #tpu.memory_space<hbm>>
      tpu.enqueue_indirect_dma source(%dma_start3A_299 : memref<10000x128xf32, #tpu.memory_space<hbm>>) target(%arg11 : memref<128x128xf32, #tpu.memory_space<vmem>>) offsets(%dma_start3A_296 : memref<128xi32, #tpu.memory_space<vmem>>) semaphore(%arg14 : memref<!tpu.dma_semaphore, #tpu.memory_space<semaphore_mem>>)
      %dma_wait3A_300 = arith.constant 5 : i32
      %dma_wait3A_301 = arith.constant 0 : i32
      %dma_wait3A_302 = tpu.memref_slice %arg9[%dma_wait3A_300, %dma_wait3A_301] : memref<8x128xi32, #tpu.memory_space<vmem>> -> memref<1x128xi32, #tpu.memory_space<vmem>>
      %dma_wait3A_303 = tpu.memref_squeeze %dma_wait3A_302 : memref<1x128xi32, #tpu.memory_space<vmem>> -> memref<128xi32, #tpu.memory_space<vmem>>
      %dma_wait3A_304 = arith.constant 0 : i32
      %dma_wait3A_305 = arith.constant 0 : i32
      %dma_wait3A_306 = tpu.memref_slice %arg2[%dma_wait3A_304, %dma_wait3A_305] : memref<10000x128xf32, #tpu.memory_space<hbm>> -> memref<10000x128xf32, #tpu.memory_space<hbm>>
      tpu.wait_indirect_dma semaphore(%arg15 : memref<!tpu.dma_semaphore, #tpu.memory_space<semaphore_mem>>) src(%dma_wait3A_306 : memref<10000x128xf32, #tpu.memory_space<hbm>>) dst(%arg12 : memref<128x128xf32, #tpu.memory_space<vmem>>)
      %dma_start3A_307 = arith.constant 5 : i32
      %dma_start3A_308 = arith.constant 0 : i32
      %dma_start3A_309 = tpu.memref_slice %arg10[%dma_start3A_307, %dma_start3A_308] : memref<8x128xi32, #tpu.memory_space<vmem>> -> memref<1x128xi32, #tpu.memory_space<vmem>>
      %dma_start3A_310 = tpu.memref_squeeze %dma_start3A_309 : memref<1x128xi32, #tpu.memory_space<vmem>> -> memref<128xi32, #tpu.memory_space<vmem>>
      %dma_start3A_311 = arith.constant 0 : i32
      %dma_start3A_312 = arith.constant 0 : i32
      %dma_start3A_313 = tpu.memref_slice %arg7[%dma_start3A_311, %dma_start3A_312] : memref<10240x128xf32, #tpu.memory_space<vmem_shared>> -> memref<10240x128xf32, #tpu.memory_space<vmem_shared>>
      tpu.enqueue_indirect_dma source(%arg12 : memref<128x128xf32, #tpu.memory_space<vmem>>) target(%dma_start3A_313 : memref<10240x128xf32, #tpu.memory_space<vmem_shared>>) offsets(%dma_start3A_310 : memref<128xi32, #tpu.memory_space<vmem>>) semaphore(%arg17 : memref<!tpu.dma_semaphore, #tpu.memory_space<semaphore_mem>>) {add = true}
      %dma_start3A_314 = arith.constant 5 : i32
      %dma_start3A_315 = arith.constant 0 : i32
      %dma_start3A_316 = tpu.memref_slice %arg10[%dma_start3A_314, %dma_start3A_315] : memref<8x128xi32, #tpu.memory_space<vmem>> -> memref<1x128xi32, #tpu.memory_space<vmem>>
      %dma_start3A_317 = tpu.memref_squeeze %dma_start3A_316 : memref<1x128xi32, #tpu.memory_space<vmem>> -> memref<128xi32, #tpu.memory_space<vmem>>
      %dma_start3A_318 = arith.constant 0 : i32
      %dma_start3A_319 = tpu.memref_slice %arg8[%dma_start3A_318] : memref<10240xf32, #tpu.memory_space<vmem_shared>> -> memref<10240xf32, #tpu.memory_space<vmem_shared>>
      tpu.enqueue_indirect_dma source(%arg13 : memref<128xf32, #tpu.memory_space<vmem>>) target(%dma_start3A_319 : memref<10240xf32, #tpu.memory_space<vmem_shared>>) offsets(%dma_start3A_317 : memref<128xi32, #tpu.memory_space<vmem>>) semaphore(%arg18 : memref<!tpu.dma_semaphore, #tpu.memory_space<semaphore_mem>>) {add = true}
      %dma_wait3A_320 = arith.constant 5 : i32
      %dma_wait3A_321 = arith.constant 0 : i32
      %dma_wait3A_322 = tpu.memref_slice %arg10[%dma_wait3A_320, %dma_wait3A_321] : memref<8x128xi32, #tpu.memory_space<vmem>> -> memref<1x128xi32, #tpu.memory_space<vmem>>
      %dma_wait3A_323 = tpu.memref_squeeze %dma_wait3A_322 : memref<1x128xi32, #tpu.memory_space<vmem>> -> memref<128xi32, #tpu.memory_space<vmem>>
      %dma_wait3A_324 = arith.constant 0 : i32
      %dma_wait3A_325 = arith.constant 0 : i32
      %dma_wait3A_326 = tpu.memref_slice %arg7[%dma_wait3A_324, %dma_wait3A_325] : memref<10240x128xf32, #tpu.memory_space<vmem_shared>> -> memref<10240x128xf32, #tpu.memory_space<vmem_shared>>
      tpu.wait_indirect_dma semaphore(%arg17 : memref<!tpu.dma_semaphore, #tpu.memory_space<semaphore_mem>>) src(%arg12 : memref<128x128xf32, #tpu.memory_space<vmem>>) dst(%dma_wait3A_326 : memref<10240x128xf32, #tpu.memory_space<vmem_shared>>)
      %dma_start3A_327 = arith.constant 7 : i32
      %dma_start3A_328 = arith.constant 0 : i32
      %dma_start3A_329 = tpu.memref_slice %arg9[%dma_start3A_327, %dma_start3A_328] : memref<8x128xi32, #tpu.memory_space<vmem>> -> memref<1x128xi32, #tpu.memory_space<vmem>>
      %dma_start3A_330 = tpu.memref_squeeze %dma_start3A_329 : memref<1x128xi32, #tpu.memory_space<vmem>> -> memref<128xi32, #tpu.memory_space<vmem>>
      %dma_start3A_331 = arith.constant 0 : i32
      %dma_start3A_332 = arith.constant 0 : i32
      %dma_start3A_333 = tpu.memref_slice %arg2[%dma_start3A_331, %dma_start3A_332] : memref<10000x128xf32, #tpu.memory_space<hbm>> -> memref<10000x128xf32, #tpu.memory_space<hbm>>
      tpu.enqueue_indirect_dma source(%dma_start3A_333 : memref<10000x128xf32, #tpu.memory_space<hbm>>) target(%arg12 : memref<128x128xf32, #tpu.memory_space<vmem>>) offsets(%dma_start3A_330 : memref<128xi32, #tpu.memory_space<vmem>>) semaphore(%arg15 : memref<!tpu.dma_semaphore, #tpu.memory_space<semaphore_mem>>)
      %dma_wait3A_334 = arith.constant 6 : i32
      %dma_wait3A_335 = arith.constant 0 : i32
      %dma_wait3A_336 = tpu.memref_slice %arg9[%dma_wait3A_334, %dma_wait3A_335] : memref<8x128xi32, #tpu.memory_space<vmem>> -> memref<1x128xi32, #tpu.memory_space<vmem>>
      %dma_wait3A_337 = tpu.memref_squeeze %dma_wait3A_336 : memref<1x128xi32, #tpu.memory_space<vmem>> -> memref<128xi32, #tpu.memory_space<vmem>>
      %dma_wait3A_338 = arith.constant 0 : i32
      %dma_wait3A_339 = arith.constant 0 : i32
      %dma_wait3A_340 = tpu.memref_slice %arg2[%dma_wait3A_338, %dma_wait3A_339] : memref<10000x128xf32, #tpu.memory_space<hbm>> -> memref<10000x128xf32, #tpu.memory_space<hbm>>
      tpu.wait_indirect_dma semaphore(%arg14 : memref<!tpu.dma_semaphore, #tpu.memory_space<semaphore_mem>>) src(%dma_wait3A_340 : memref<10000x128xf32, #tpu.memory_space<hbm>>) dst(%arg11 : memref<128x128xf32, #tpu.memory_space<vmem>>)
      %dma_start3A_341 = arith.constant 6 : i32
      %dma_start3A_342 = arith.constant 0 : i32
      %dma_start3A_343 = tpu.memref_slice %arg10[%dma_start3A_341, %dma_start3A_342] : memref<8x128xi32, #tpu.memory_space<vmem>> -> memref<1x128xi32, #tpu.memory_space<vmem>>
      %dma_start3A_344 = tpu.memref_squeeze %dma_start3A_343 : memref<1x128xi32, #tpu.memory_space<vmem>> -> memref<128xi32, #tpu.memory_space<vmem>>
      %dma_start3A_345 = arith.constant 0 : i32
      %dma_start3A_346 = arith.constant 0 : i32
      %dma_start3A_347 = tpu.memref_slice %arg7[%dma_start3A_345, %dma_start3A_346] : memref<10240x128xf32, #tpu.memory_space<vmem_shared>> -> memref<10240x128xf32, #tpu.memory_space<vmem_shared>>
      tpu.enqueue_indirect_dma source(%arg11 : memref<128x128xf32, #tpu.memory_space<vmem>>) target(%dma_start3A_347 : memref<10240x128xf32, #tpu.memory_space<vmem_shared>>) offsets(%dma_start3A_344 : memref<128xi32, #tpu.memory_space<vmem>>) semaphore(%arg16 : memref<!tpu.dma_semaphore, #tpu.memory_space<semaphore_mem>>) {add = true}
      %dma_start3A_348 = arith.constant 6 : i32
      %dma_start3A_349 = arith.constant 0 : i32
      %dma_start3A_350 = tpu.memref_slice %arg10[%dma_start3A_348, %dma_start3A_349] : memref<8x128xi32, #tpu.memory_space<vmem>> -> memref<1x128xi32, #tpu.memory_space<vmem>>
      %dma_start3A_351 = tpu.memref_squeeze %dma_start3A_350 : memref<1x128xi32, #tpu.memory_space<vmem>> -> memref<128xi32, #tpu.memory_space<vmem>>
      %dma_start3A_352 = arith.constant 0 : i32
      %dma_start3A_353 = tpu.memref_slice %arg8[%dma_start3A_352] : memref<10240xf32, #tpu.memory_space<vmem_shared>> -> memref<10240xf32, #tpu.memory_space<vmem_shared>>
      tpu.enqueue_indirect_dma source(%arg13 : memref<128xf32, #tpu.memory_space<vmem>>) target(%dma_start3A_353 : memref<10240xf32, #tpu.memory_space<vmem_shared>>) offsets(%dma_start3A_351 : memref<128xi32, #tpu.memory_space<vmem>>) semaphore(%arg18 : memref<!tpu.dma_semaphore, #tpu.memory_space<semaphore_mem>>) {add = true}
      %dma_wait3A_354 = arith.constant 7 : i32
      %dma_wait3A_355 = arith.constant 0 : i32
      %dma_wait3A_356 = tpu.memref_slice %arg9[%dma_wait3A_354, %dma_wait3A_355] : memref<8x128xi32, #tpu.memory_space<vmem>> -> memref<1x128xi32, #tpu.memory_space<vmem>>
      %dma_wait3A_357 = tpu.memref_squeeze %dma_wait3A_356 : memref<1x128xi32, #tpu.memory_space<vmem>> -> memref<128xi32, #tpu.memory_space<vmem>>
      %dma_wait3A_358 = arith.constant 0 : i32
      %dma_wait3A_359 = arith.constant 0 : i32
      %dma_wait3A_360 = tpu.memref_slice %arg2[%dma_wait3A_358, %dma_wait3A_359] : memref<10000x128xf32, #tpu.memory_space<hbm>> -> memref<10000x128xf32, #tpu.memory_space<hbm>>
      tpu.wait_indirect_dma semaphore(%arg15 : memref<!tpu.dma_semaphore, #tpu.memory_space<semaphore_mem>>) src(%dma_wait3A_360 : memref<10000x128xf32, #tpu.memory_space<hbm>>) dst(%arg12 : memref<128x128xf32, #tpu.memory_space<vmem>>)
      %dma_start3A_361 = arith.constant 7 : i32
      %dma_start3A_362 = arith.constant 0 : i32
      %dma_start3A_363 = tpu.memref_slice %arg10[%dma_start3A_361, %dma_start3A_362] : memref<8x128xi32, #tpu.memory_space<vmem>> -> memref<1x128xi32, #tpu.memory_space<vmem>>
      %dma_start3A_364 = tpu.memref_squeeze %dma_start3A_363 : memref<1x128xi32, #tpu.memory_space<vmem>> -> memref<128xi32, #tpu.memory_space<vmem>>
      %dma_start3A_365 = arith.constant 0 : i32
      %dma_start3A_366 = arith.constant 0 : i32
      %dma_start3A_367 = tpu.memref_slice %arg7[%dma_start3A_365, %dma_start3A_366] : memref<10240x128xf32, #tpu.memory_space<vmem_shared>> -> memref<10240x128xf32, #tpu.memory_space<vmem_shared>>
      tpu.enqueue_indirect_dma source(%arg12 : memref<128x128xf32, #tpu.memory_space<vmem>>) target(%dma_start3A_367 : memref<10240x128xf32, #tpu.memory_space<vmem_shared>>) offsets(%dma_start3A_364 : memref<128xi32, #tpu.memory_space<vmem>>) semaphore(%arg17 : memref<!tpu.dma_semaphore, #tpu.memory_space<semaphore_mem>>) {add = true}
      %dma_start3A_368 = arith.constant 7 : i32
      %dma_start3A_369 = arith.constant 0 : i32
      %dma_start3A_370 = tpu.memref_slice %arg10[%dma_start3A_368, %dma_start3A_369] : memref<8x128xi32, #tpu.memory_space<vmem>> -> memref<1x128xi32, #tpu.memory_space<vmem>>
      %dma_start3A_371 = tpu.memref_squeeze %dma_start3A_370 : memref<1x128xi32, #tpu.memory_space<vmem>> -> memref<128xi32, #tpu.memory_space<vmem>>
      %dma_start3A_372 = arith.constant 0 : i32
      %dma_start3A_373 = tpu.memref_slice %arg8[%dma_start3A_372] : memref<10240xf32, #tpu.memory_space<vmem_shared>> -> memref<10240xf32, #tpu.memory_space<vmem_shared>>
      tpu.enqueue_indirect_dma source(%arg13 : memref<128xf32, #tpu.memory_space<vmem>>) target(%dma_start3A_373 : memref<10240xf32, #tpu.memory_space<vmem_shared>>) offsets(%dma_start3A_371 : memref<128xi32, #tpu.memory_space<vmem>>) semaphore(%arg18 : memref<!tpu.dma_semaphore, #tpu.memory_space<semaphore_mem>>) {add = true}
      %dma_wait3A_374 = arith.constant 6 : i32
      %dma_wait3A_375 = arith.constant 0 : i32
      %dma_wait3A_376 = tpu.memref_slice %arg10[%dma_wait3A_374, %dma_wait3A_375] : memref<8x128xi32, #tpu.memory_space<vmem>> -> memref<1x128xi32, #tpu.memory_space<vmem>>
      %dma_wait3A_377 = tpu.memref_squeeze %dma_wait3A_376 : memref<1x128xi32, #tpu.memory_space<vmem>> -> memref<128xi32, #tpu.memory_space<vmem>>
      %dma_wait3A_378 = arith.constant 0 : i32
      %dma_wait3A_379 = arith.constant 0 : i32
      %dma_wait3A_380 = tpu.memref_slice %arg7[%dma_wait3A_378, %dma_wait3A_379] : memref<10240x128xf32, #tpu.memory_space<vmem_shared>> -> memref<10240x128xf32, #tpu.memory_space<vmem_shared>>
      tpu.wait_indirect_dma semaphore(%arg16 : memref<!tpu.dma_semaphore, #tpu.memory_space<semaphore_mem>>) src(%arg11 : memref<128x128xf32, #tpu.memory_space<vmem>>) dst(%dma_wait3A_380 : memref<10240x128xf32, #tpu.memory_space<vmem_shared>>)
      %dma_wait3A_381 = arith.constant 7 : i32
      %dma_wait3A_382 = arith.constant 0 : i32
      %dma_wait3A_383 = tpu.memref_slice %arg10[%dma_wait3A_381, %dma_wait3A_382] : memref<8x128xi32, #tpu.memory_space<vmem>> -> memref<1x128xi32, #tpu.memory_space<vmem>>
      %dma_wait3A_384 = tpu.memref_squeeze %dma_wait3A_383 : memref<1x128xi32, #tpu.memory_space<vmem>> -> memref<128xi32, #tpu.memory_space<vmem>>
      %dma_wait3A_385 = arith.constant 0 : i32
      %dma_wait3A_386 = arith.constant 0 : i32
      %dma_wait3A_387 = tpu.memref_slice %arg7[%dma_wait3A_385, %dma_wait3A_386] : memref<10240x128xf32, #tpu.memory_space<vmem_shared>> -> memref<10240x128xf32, #tpu.memory_space<vmem_shared>>
      tpu.wait_indirect_dma semaphore(%arg17 : memref<!tpu.dma_semaphore, #tpu.memory_space<semaphore_mem>>) src(%arg12 : memref<128x128xf32, #tpu.memory_space<vmem>>) dst(%dma_wait3A_387 : memref<10240x128xf32, #tpu.memory_space<vmem_shared>>)
      %dma_wait3A_388 = arith.constant 0 : i32
      %dma_wait3A_389 = arith.constant 0 : i32
      %dma_wait3A_390 = tpu.memref_slice %arg10[%dma_wait3A_388, %dma_wait3A_389] : memref<8x128xi32, #tpu.memory_space<vmem>> -> memref<1x128xi32, #tpu.memory_space<vmem>>
      %dma_wait3A_391 = tpu.memref_squeeze %dma_wait3A_390 : memref<1x128xi32, #tpu.memory_space<vmem>> -> memref<128xi32, #tpu.memory_space<vmem>>
      %dma_wait3A_392 = arith.constant 0 : i32
      %dma_wait3A_393 = tpu.memref_slice %arg8[%dma_wait3A_392] : memref<10240xf32, #tpu.memory_space<vmem_shared>> -> memref<10240xf32, #tpu.memory_space<vmem_shared>>
      tpu.wait_indirect_dma semaphore(%arg18 : memref<!tpu.dma_semaphore, #tpu.memory_space<semaphore_mem>>) src(%arg13 : memref<128xf32, #tpu.memory_space<vmem>>) dst(%dma_wait3A_393 : memref<10240xf32, #tpu.memory_space<vmem_shared>>)
      %dma_wait3A_394 = arith.constant 1 : i32
      %dma_wait3A_395 = arith.constant 0 : i32
      %dma_wait3A_396 = tpu.memref_slice %arg10[%dma_wait3A_394, %dma_wait3A_395] : memref<8x128xi32, #tpu.memory_space<vmem>> -> memref<1x128xi32, #tpu.memory_space<vmem>>
      %dma_wait3A_397 = tpu.memref_squeeze %dma_wait3A_396 : memref<1x128xi32, #tpu.memory_space<vmem>> -> memref<128xi32, #tpu.memory_space<vmem>>
      %dma_wait3A_398 = arith.constant 0 : i32
      %dma_wait3A_399 = tpu.memref_slice %arg8[%dma_wait3A_398] : memref<10240xf32, #tpu.memory_space<vmem_shared>> -> memref<10240xf32, #tpu.memory_space<vmem_shared>>
      tpu.wait_indirect_dma semaphore(%arg18 : memref<!tpu.dma_semaphore, #tpu.memory_space<semaphore_mem>>) src(%arg13 : memref<128xf32, #tpu.memory_space<vmem>>) dst(%dma_wait3A_399 : memref<10240xf32, #tpu.memory_space<vmem_shared>>)
      %dma_wait3A_400 = arith.constant 2 : i32
      %dma_wait3A_401 = arith.constant 0 : i32
      %dma_wait3A_402 = tpu.memref_slice %arg10[%dma_wait3A_400, %dma_wait3A_401] : memref<8x128xi32, #tpu.memory_space<vmem>> -> memref<1x128xi32, #tpu.memory_space<vmem>>
      %dma_wait3A_403 = tpu.memref_squeeze %dma_wait3A_402 : memref<1x128xi32, #tpu.memory_space<vmem>> -> memref<128xi32, #tpu.memory_space<vmem>>
      %dma_wait3A_404 = arith.constant 0 : i32
      %dma_wait3A_405 = tpu.memref_slice %arg8[%dma_wait3A_404] : memref<10240xf32, #tpu.memory_space<vmem_shared>> -> memref<10240xf32, #tpu.memory_space<vmem_shared>>
      tpu.wait_indirect_dma semaphore(%arg18 : memref<!tpu.dma_semaphore, #tpu.memory_space<semaphore_mem>>) src(%arg13 : memref<128xf32, #tpu.memory_space<vmem>>) dst(%dma_wait3A_405 : memref<10240xf32, #tpu.memory_space<vmem_shared>>)
      %dma_wait3A_406 = arith.constant 3 : i32
      %dma_wait3A_407 = arith.constant 0 : i32
      %dma_wait3A_408 = tpu.memref_slice %arg10[%dma_wait3A_406, %dma_wait3A_407] : memref<8x128xi32, #tpu.memory_space<vmem>> -> memref<1x128xi32, #tpu.memory_space<vmem>>
      %dma_wait3A_409 = tpu.memref_squeeze %dma_wait3A_408 : memref<1x128xi32, #tpu.memory_space<vmem>> -> memref<128xi32, #tpu.memory_space<vmem>>
      %dma_wait3A_410 = arith.constant 0 : i32
      %dma_wait3A_411 = tpu.memref_slice %arg8[%dma_wait3A_410] : memref<10240xf32, #tpu.memory_space<vmem_shared>> -> memref<10240xf32, #tpu.memory_space<vmem_shared>>
      tpu.wait_indirect_dma semaphore(%arg18 : memref<!tpu.dma_semaphore, #tpu.memory_space<semaphore_mem>>) src(%arg13 : memref<128xf32, #tpu.memory_space<vmem>>) dst(%dma_wait3A_411 : memref<10240xf32, #tpu.memory_space<vmem_shared>>)
      %dma_wait3A_412 = arith.constant 4 : i32
      %dma_wait3A_413 = arith.constant 0 : i32
      %dma_wait3A_414 = tpu.memref_slice %arg10[%dma_wait3A_412, %dma_wait3A_413] : memref<8x128xi32, #tpu.memory_space<vmem>> -> memref<1x128xi32, #tpu.memory_space<vmem>>
      %dma_wait3A_415 = tpu.memref_squeeze %dma_wait3A_414 : memref<1x128xi32, #tpu.memory_space<vmem>> -> memref<128xi32, #tpu.memory_space<vmem>>
      %dma_wait3A_416 = arith.constant 0 : i32
      %dma_wait3A_417 = tpu.memref_slice %arg8[%dma_wait3A_416] : memref<10240xf32, #tpu.memory_space<vmem_shared>> -> memref<10240xf32, #tpu.memory_space<vmem_shared>>
      tpu.wait_indirect_dma semaphore(%arg18 : memref<!tpu.dma_semaphore, #tpu.memory_space<semaphore_mem>>) src(%arg13 : memref<128xf32, #tpu.memory_space<vmem>>) dst(%dma_wait3A_417 : memref<10240xf32, #tpu.memory_space<vmem_shared>>)
      %dma_wait3A_418 = arith.constant 5 : i32
      %dma_wait3A_419 = arith.constant 0 : i32
      %dma_wait3A_420 = tpu.memref_slice %arg10[%dma_wait3A_418, %dma_wait3A_419] : memref<8x128xi32, #tpu.memory_space<vmem>> -> memref<1x128xi32, #tpu.memory_space<vmem>>
      %dma_wait3A_421 = tpu.memref_squeeze %dma_wait3A_420 : memref<1x128xi32, #tpu.memory_space<vmem>> -> memref<128xi32, #tpu.memory_space<vmem>>
      %dma_wait3A_422 = arith.constant 0 : i32
      %dma_wait3A_423 = tpu.memref_slice %arg8[%dma_wait3A_422] : memref<10240xf32, #tpu.memory_space<vmem_shared>> -> memref<10240xf32, #tpu.memory_space<vmem_shared>>
      tpu.wait_indirect_dma semaphore(%arg18 : memref<!tpu.dma_semaphore, #tpu.memory_space<semaphore_mem>>) src(%arg13 : memref<128xf32, #tpu.memory_space<vmem>>) dst(%dma_wait3A_423 : memref<10240xf32, #tpu.memory_space<vmem_shared>>)
      %dma_wait3A_424 = arith.constant 6 : i32
      %dma_wait3A_425 = arith.constant 0 : i32
      %dma_wait3A_426 = tpu.memref_slice %arg10[%dma_wait3A_424, %dma_wait3A_425] : memref<8x128xi32, #tpu.memory_space<vmem>> -> memref<1x128xi32, #tpu.memory_space<vmem>>
      %dma_wait3A_427 = tpu.memref_squeeze %dma_wait3A_426 : memref<1x128xi32, #tpu.memory_space<vmem>> -> memref<128xi32, #tpu.memory_space<vmem>>
      %dma_wait3A_428 = arith.constant 0 : i32
      %dma_wait3A_429 = tpu.memref_slice %arg8[%dma_wait3A_428] : memref<10240xf32, #tpu.memory_space<vmem_shared>> -> memref<10240xf32, #tpu.memory_space<vmem_shared>>
      tpu.wait_indirect_dma semaphore(%arg18 : memref<!tpu.dma_semaphore, #tpu.memory_space<semaphore_mem>>) src(%arg13 : memref<128xf32, #tpu.memory_space<vmem>>) dst(%dma_wait3A_429 : memref<10240xf32, #tpu.memory_space<vmem_shared>>)
      %dma_wait3A_430 = arith.constant 7 : i32
      %dma_wait3A_431 = arith.constant 0 : i32
      %dma_wait3A_432 = tpu.memref_slice %arg10[%dma_wait3A_430, %dma_wait3A_431] : memref<8x128xi32, #tpu.memory_space<vmem>> -> memref<1x128xi32, #tpu.memory_space<vmem>>
      %dma_wait3A_433 = tpu.memref_squeeze %dma_wait3A_432 : memref<1x128xi32, #tpu.memory_space<vmem>> -> memref<128xi32, #tpu.memory_space<vmem>>
      %dma_wait3A_434 = arith.constant 0 : i32
      %dma_wait3A_435 = tpu.memref_slice %arg8[%dma_wait3A_434] : memref<10240xf32, #tpu.memory_space<vmem_shared>> -> memref<10240xf32, #tpu.memory_space<vmem_shared>>
      tpu.wait_indirect_dma semaphore(%arg18 : memref<!tpu.dma_semaphore, #tpu.memory_space<semaphore_mem>>) src(%arg13 : memref<128xf32, #tpu.memory_space<vmem>>) dst(%dma_wait3A_435 : memref<10240xf32, #tpu.memory_space<vmem_shared>>)
    }
    %while3A_101 = arith.constant 1 : i32
    scf.for %while3A_114 = %while3A_99 to %while3A_95 step %while3A_101  : i32 {
      %mul3A_115 = arith.constant 8 : i32
      %mul3A_116 = arith.muli %while3A_114, %mul3A_115 : i32
      %add3A_117 = arith.addi %select_n3A_9, %mul3A_116 : i32
      "tpu.region"() ({
        %run_scoped3A_436 = tpu.sem_alloc : memref<!tpu.dma_semaphore, #tpu.memory_space<semaphore_mem>>
        %dma_start3A_437 = arith.constant 0 : i32
        %dma_start3A_438 = tpu.memref_slice %arg3[%add3A_117, %dma_start3A_437] : memref<2560x128xi32, #tpu.memory_space<hbm>> -> memref<8x128xi32, #tpu.memory_space<hbm>>
        %dma_start3A_439 = arith.constant 0 : i32
        %dma_start3A_440 = tpu.memref_slice %arg3[%add3A_117, %dma_start3A_439] : memref<2560x128xi32, #tpu.memory_space<hbm>> -> memref<8x128xi32, #tpu.memory_space<hbm>>
        tpu.enqueue_dma source(%dma_start3A_440 : memref<8x128xi32, #tpu.memory_space<hbm>>) target(%arg9 : memref<8x128xi32, #tpu.memory_space<vmem>>) target_semaphore(%run_scoped3A_436 : memref<!tpu.dma_semaphore, #tpu.memory_space<semaphore_mem>>)
        %dma_wait3A_441 = arith.constant 0 : i32
        %dma_wait3A_442 = tpu.memref_slice %arg3[%add3A_117, %dma_wait3A_441] : memref<2560x128xi32, #tpu.memory_space<hbm>> -> memref<8x128xi32, #tpu.memory_space<hbm>>
        %dma_wait3A_443 = arith.constant 0 : i32
        %dma_wait3A_444 = tpu.memref_slice %arg3[%add3A_117, %dma_wait3A_443] : memref<2560x128xi32, #tpu.memory_space<hbm>> -> memref<8x128xi32, #tpu.memory_space<hbm>>
        tpu.wait_dma2 semaphore(%run_scoped3A_436 : memref<!tpu.dma_semaphore, #tpu.memory_space<semaphore_mem>>) src(%dma_wait3A_444 : memref<8x128xi32, #tpu.memory_space<hbm>>) dst(%arg9 : memref<8x128xi32, #tpu.memory_space<vmem>>)
        tpu.yield
      }) : () -> ()
      "tpu.region"() ({
        %run_scoped3A_436 = tpu.sem_alloc : memref<!tpu.dma_semaphore, #tpu.memory_space<semaphore_mem>>
        %dma_start3A_437 = arith.constant 0 : i32
        %dma_start3A_438 = tpu.memref_slice %arg4[%add3A_117, %dma_start3A_437] : memref<2560x128xi32, #tpu.memory_space<hbm>> -> memref<8x128xi32, #tpu.memory_space<hbm>>
        %dma_start3A_439 = arith.constant 0 : i32
        %dma_start3A_440 = tpu.memref_slice %arg4[%add3A_117, %dma_start3A_439] : memref<2560x128xi32, #tpu.memory_space<hbm>> -> memref<8x128xi32, #tpu.memory_space<hbm>>
        tpu.enqueue_dma source(%dma_start3A_440 : memref<8x128xi32, #tpu.memory_space<hbm>>) target(%arg10 : memref<8x128xi32, #tpu.memory_space<vmem>>) target_semaphore(%run_scoped3A_436 : memref<!tpu.dma_semaphore, #tpu.memory_space<semaphore_mem>>)
        %dma_wait3A_441 = arith.constant 0 : i32
        %dma_wait3A_442 = tpu.memref_slice %arg4[%add3A_117, %dma_wait3A_441] : memref<2560x128xi32, #tpu.memory_space<hbm>> -> memref<8x128xi32, #tpu.memory_space<hbm>>
        %dma_wait3A_443 = arith.constant 0 : i32
        %dma_wait3A_444 = tpu.memref_slice %arg4[%add3A_117, %dma_wait3A_443] : memref<2560x128xi32, #tpu.memory_space<hbm>> -> memref<8x128xi32, #tpu.memory_space<hbm>>
        tpu.wait_dma2 semaphore(%run_scoped3A_436 : memref<!tpu.dma_semaphore, #tpu.memory_space<semaphore_mem>>) src(%dma_wait3A_444 : memref<8x128xi32, #tpu.memory_space<hbm>>) dst(%arg10 : memref<8x128xi32, #tpu.memory_space<vmem>>)
        tpu.yield
      }) : () -> ()
      %dma_start3A = arith.constant 0 : i32
      %dma_start3A_118 = arith.constant 0 : i32
      %dma_start3A_119 = tpu.memref_slice %arg9[%dma_start3A, %dma_start3A_118] : memref<8x128xi32, #tpu.memory_space<vmem>> -> memref<1x128xi32, #tpu.memory_space<vmem>>
      %dma_start3A_120 = tpu.memref_squeeze %dma_start3A_119 : memref<1x128xi32, #tpu.memory_space<vmem>> -> memref<128xi32, #tpu.memory_space<vmem>>
      %dma_start3A_121 = arith.constant 0 : i32
      %dma_start3A_122 = arith.constant 0 : i32
      %dma_start3A_123 = tpu.memref_slice %arg2[%dma_start3A_121, %dma_start3A_122] : memref<10000x128xf32, #tpu.memory_space<hbm>> -> memref<10000x128xf32, #tpu.memory_space<hbm>>
      tpu.enqueue_indirect_dma source(%dma_start3A_123 : memref<10000x128xf32, #tpu.memory_space<hbm>>) target(%arg11 : memref<128x128xf32, #tpu.memory_space<vmem>>) offsets(%dma_start3A_120 : memref<128xi32, #tpu.memory_space<vmem>>) semaphore(%arg14 : memref<!tpu.dma_semaphore, #tpu.memory_space<semaphore_mem>>)
      %dma_start3A_124 = arith.constant 1 : i32
      %dma_start3A_125 = arith.constant 0 : i32
      %dma_start3A_126 = tpu.memref_slice %arg9[%dma_start3A_124, %dma_start3A_125] : memref<8x128xi32, #tpu.memory_space<vmem>> -> memref<1x128xi32, #tpu.memory_space<vmem>>
      %dma_start3A_127 = tpu.memref_squeeze %dma_start3A_126 : memref<1x128xi32, #tpu.memory_space<vmem>> -> memref<128xi32, #tpu.memory_space<vmem>>
      %dma_start3A_128 = arith.constant 0 : i32
      %dma_start3A_129 = arith.constant 0 : i32
      %dma_start3A_130 = tpu.memref_slice %arg2[%dma_start3A_128, %dma_start3A_129] : memref<10000x128xf32, #tpu.memory_space<hbm>> -> memref<10000x128xf32, #tpu.memory_space<hbm>>
      tpu.enqueue_indirect_dma source(%dma_start3A_130 : memref<10000x128xf32, #tpu.memory_space<hbm>>) target(%arg12 : memref<128x128xf32, #tpu.memory_space<vmem>>) offsets(%dma_start3A_127 : memref<128xi32, #tpu.memory_space<vmem>>) semaphore(%arg15 : memref<!tpu.dma_semaphore, #tpu.memory_space<semaphore_mem>>)
      %dma_wait3A = arith.constant 0 : i32
      %dma_wait3A_131 = arith.constant 0 : i32
      %dma_wait3A_132 = tpu.memref_slice %arg9[%dma_wait3A, %dma_wait3A_131] : memref<8x128xi32, #tpu.memory_space<vmem>> -> memref<1x128xi32, #tpu.memory_space<vmem>>
      %dma_wait3A_133 = tpu.memref_squeeze %dma_wait3A_132 : memref<1x128xi32, #tpu.memory_space<vmem>> -> memref<128xi32, #tpu.memory_space<vmem>>
      %dma_wait3A_134 = arith.constant 0 : i32
      %dma_wait3A_135 = arith.constant 0 : i32
      %dma_wait3A_136 = tpu.memref_slice %arg2[%dma_wait3A_134, %dma_wait3A_135] : memref<10000x128xf32, #tpu.memory_space<hbm>> -> memref<10000x128xf32, #tpu.memory_space<hbm>>
      tpu.wait_indirect_dma semaphore(%arg14 : memref<!tpu.dma_semaphore, #tpu.memory_space<semaphore_mem>>) src(%dma_wait3A_136 : memref<10000x128xf32, #tpu.memory_space<hbm>>) dst(%arg11 : memref<128x128xf32, #tpu.memory_space<vmem>>)
      %dma_start3A_137 = arith.constant 0 : i32
      %dma_start3A_138 = arith.constant 0 : i32
      %dma_start3A_139 = tpu.memref_slice %arg10[%dma_start3A_137, %dma_start3A_138] : memref<8x128xi32, #tpu.memory_space<vmem>> -> memref<1x128xi32, #tpu.memory_space<vmem>>
      %dma_start3A_140 = tpu.memref_squeeze %dma_start3A_139 : memref<1x128xi32, #tpu.memory_space<vmem>> -> memref<128xi32, #tpu.memory_space<vmem>>
      %dma_start3A_141 = arith.constant 0 : i32
      %dma_start3A_142 = arith.constant 0 : i32
      %dma_start3A_143 = tpu.memref_slice %arg7[%dma_start3A_141, %dma_start3A_142] : memref<10240x128xf32, #tpu.memory_space<vmem_shared>> -> memref<10240x128xf32, #tpu.memory_space<vmem_shared>>
      tpu.enqueue_indirect_dma source(%arg11 : memref<128x128xf32, #tpu.memory_space<vmem>>) target(%dma_start3A_143 : memref<10240x128xf32, #tpu.memory_space<vmem_shared>>) offsets(%dma_start3A_140 : memref<128xi32, #tpu.memory_space<vmem>>) semaphore(%arg16 : memref<!tpu.dma_semaphore, #tpu.memory_space<semaphore_mem>>) {add = true}
      %dma_start3A_144 = arith.constant 0 : i32
      %dma_start3A_145 = arith.constant 0 : i32
      %dma_start3A_146 = tpu.memref_slice %arg10[%dma_start3A_144, %dma_start3A_145] : memref<8x128xi32, #tpu.memory_space<vmem>> -> memref<1x128xi32, #tpu.memory_space<vmem>>
      %dma_start3A_147 = tpu.memref_squeeze %dma_start3A_146 : memref<1x128xi32, #tpu.memory_space<vmem>> -> memref<128xi32, #tpu.memory_space<vmem>>
      %dma_start3A_148 = arith.constant 0 : i32
      %dma_start3A_149 = tpu.memref_slice %arg8[%dma_start3A_148] : memref<10240xf32, #tpu.memory_space<vmem_shared>> -> memref<10240xf32, #tpu.memory_space<vmem_shared>>
      tpu.enqueue_indirect_dma source(%arg13 : memref<128xf32, #tpu.memory_space<vmem>>) target(%dma_start3A_149 : memref<10240xf32, #tpu.memory_space<vmem_shared>>) offsets(%dma_start3A_147 : memref<128xi32, #tpu.memory_space<vmem>>) semaphore(%arg18 : memref<!tpu.dma_semaphore, #tpu.memory_space<semaphore_mem>>) {add = true}
      %dma_wait3A_150 = arith.constant 0 : i32
      %dma_wait3A_151 = arith.constant 0 : i32
      %dma_wait3A_152 = tpu.memref_slice %arg10[%dma_wait3A_150, %dma_wait3A_151] : memref<8x128xi32, #tpu.memory_space<vmem>> -> memref<1x128xi32, #tpu.memory_space<vmem>>
      %dma_wait3A_153 = tpu.memref_squeeze %dma_wait3A_152 : memref<1x128xi32, #tpu.memory_space<vmem>> -> memref<128xi32, #tpu.memory_space<vmem>>
      %dma_wait3A_154 = arith.constant 0 : i32
      %dma_wait3A_155 = arith.constant 0 : i32
      %dma_wait3A_156 = tpu.memref_slice %arg7[%dma_wait3A_154, %dma_wait3A_155] : memref<10240x128xf32, #tpu.memory_space<vmem_shared>> -> memref<10240x128xf32, #tpu.memory_space<vmem_shared>>
      tpu.wait_indirect_dma semaphore(%arg16 : memref<!tpu.dma_semaphore, #tpu.memory_space<semaphore_mem>>) src(%arg11 : memref<128x128xf32, #tpu.memory_space<vmem>>) dst(%dma_wait3A_156 : memref<10240x128xf32, #tpu.memory_space<vmem_shared>>)
      %dma_start3A_157 = arith.constant 2 : i32
      %dma_start3A_158 = arith.constant 0 : i32
      %dma_start3A_159 = tpu.memref_slice %arg9[%dma_start3A_157, %dma_start3A_158] : memref<8x128xi32, #tpu.memory_space<vmem>> -> memref<1x128xi32, #tpu.memory_space<vmem>>
      %dma_start3A_160 = tpu.memref_squeeze %dma_start3A_159 : memref<1x128xi32, #tpu.memory_space<vmem>> -> memref<128xi32, #tpu.memory_space<vmem>>
      %dma_start3A_161 = arith.constant 0 : i32
      %dma_start3A_162 = arith.constant 0 : i32
      %dma_start3A_163 = tpu.memref_slice %arg2[%dma_start3A_161, %dma_start3A_162] : memref<10000x128xf32, #tpu.memory_space<hbm>> -> memref<10000x128xf32, #tpu.memory_space<hbm>>
      tpu.enqueue_indirect_dma source(%dma_start3A_163 : memref<10000x128xf32, #tpu.memory_space<hbm>>) target(%arg11 : memref<128x128xf32, #tpu.memory_space<vmem>>) offsets(%dma_start3A_160 : memref<128xi32, #tpu.memory_space<vmem>>) semaphore(%arg14 : memref<!tpu.dma_semaphore, #tpu.memory_space<semaphore_mem>>)
      %dma_wait3A_164 = arith.constant 1 : i32
      %dma_wait3A_165 = arith.constant 0 : i32
      %dma_wait3A_166 = tpu.memref_slice %arg9[%dma_wait3A_164, %dma_wait3A_165] : memref<8x128xi32, #tpu.memory_space<vmem>> -> memref<1x128xi32, #tpu.memory_space<vmem>>
      %dma_wait3A_167 = tpu.memref_squeeze %dma_wait3A_166 : memref<1x128xi32, #tpu.memory_space<vmem>> -> memref<128xi32, #tpu.memory_space<vmem>>
      %dma_wait3A_168 = arith.constant 0 : i32
      %dma_wait3A_169 = arith.constant 0 : i32
      %dma_wait3A_170 = tpu.memref_slice %arg2[%dma_wait3A_168, %dma_wait3A_169] : memref<10000x128xf32, #tpu.memory_space<hbm>> -> memref<10000x128xf32, #tpu.memory_space<hbm>>
      tpu.wait_indirect_dma semaphore(%arg15 : memref<!tpu.dma_semaphore, #tpu.memory_space<semaphore_mem>>) src(%dma_wait3A_170 : memref<10000x128xf32, #tpu.memory_space<hbm>>) dst(%arg12 : memref<128x128xf32, #tpu.memory_space<vmem>>)
      %dma_start3A_171 = arith.constant 1 : i32
      %dma_start3A_172 = arith.constant 0 : i32
      %dma_start3A_173 = tpu.memref_slice %arg10[%dma_start3A_171, %dma_start3A_172] : memref<8x128xi32, #tpu.memory_space<vmem>> -> memref<1x128xi32, #tpu.memory_space<vmem>>
      %dma_start3A_174 = tpu.memref_squeeze %dma_start3A_173 : memref<1x128xi32, #tpu.memory_space<vmem>> -> memref<128xi32, #tpu.memory_space<vmem>>
      %dma_start3A_175 = arith.constant 0 : i32
      %dma_start3A_176 = arith.constant 0 : i32
      %dma_start3A_177 = tpu.memref_slice %arg7[%dma_start3A_175, %dma_start3A_176] : memref<10240x128xf32, #tpu.memory_space<vmem_shared>> -> memref<10240x128xf32, #tpu.memory_space<vmem_shared>>
      tpu.enqueue_indirect_dma source(%arg12 : memref<128x128xf32, #tpu.memory_space<vmem>>) target(%dma_start3A_177 : memref<10240x128xf32, #tpu.memory_space<vmem_shared>>) offsets(%dma_start3A_174 : memref<128xi32, #tpu.memory_space<vmem>>) semaphore(%arg17 : memref<!tpu.dma_semaphore, #tpu.memory_space<semaphore_mem>>) {add = true}
      %dma_start3A_178 = arith.constant 1 : i32
      %dma_start3A_179 = arith.constant 0 : i32
      %dma_start3A_180 = tpu.memref_slice %arg10[%dma_start3A_178, %dma_start3A_179] : memref<8x128xi32, #tpu.memory_space<vmem>> -> memref<1x128xi32, #tpu.memory_space<vmem>>
      %dma_start3A_181 = tpu.memref_squeeze %dma_start3A_180 : memref<1x128xi32, #tpu.memory_space<vmem>> -> memref<128xi32, #tpu.memory_space<vmem>>
      %dma_start3A_182 = arith.constant 0 : i32
      %dma_start3A_183 = tpu.memref_slice %arg8[%dma_start3A_182] : memref<10240xf32, #tpu.memory_space<vmem_shared>> -> memref<10240xf32, #tpu.memory_space<vmem_shared>>
      tpu.enqueue_indirect_dma source(%arg13 : memref<128xf32, #tpu.memory_space<vmem>>) target(%dma_start3A_183 : memref<10240xf32, #tpu.memory_space<vmem_shared>>) offsets(%dma_start3A_181 : memref<128xi32, #tpu.memory_space<vmem>>) semaphore(%arg18 : memref<!tpu.dma_semaphore, #tpu.memory_space<semaphore_mem>>) {add = true}
      %dma_wait3A_184 = arith.constant 1 : i32
      %dma_wait3A_185 = arith.constant 0 : i32
      %dma_wait3A_186 = tpu.memref_slice %arg10[%dma_wait3A_184, %dma_wait3A_185] : memref<8x128xi32, #tpu.memory_space<vmem>> -> memref<1x128xi32, #tpu.memory_space<vmem>>
      %dma_wait3A_187 = tpu.memref_squeeze %dma_wait3A_186 : memref<1x128xi32, #tpu.memory_space<vmem>> -> memref<128xi32, #tpu.memory_space<vmem>>
      %dma_wait3A_188 = arith.constant 0 : i32
      %dma_wait3A_189 = arith.constant 0 : i32
      %dma_wait3A_190 = tpu.memref_slice %arg7[%dma_wait3A_188, %dma_wait3A_189] : memref<10240x128xf32, #tpu.memory_space<vmem_shared>> -> memref<10240x128xf32, #tpu.memory_space<vmem_shared>>
      tpu.wait_indirect_dma semaphore(%arg17 : memref<!tpu.dma_semaphore, #tpu.memory_space<semaphore_mem>>) src(%arg12 : memref<128x128xf32, #tpu.memory_space<vmem>>) dst(%dma_wait3A_190 : memref<10240x128xf32, #tpu.memory_space<vmem_shared>>)
      %dma_start3A_191 = arith.constant 3 : i32
      %dma_start3A_192 = arith.constant 0 : i32
      %dma_start3A_193 = tpu.memref_slice %arg9[%dma_start3A_191, %dma_start3A_192] : memref<8x128xi32, #tpu.memory_space<vmem>> -> memref<1x128xi32, #tpu.memory_space<vmem>>
      %dma_start3A_194 = tpu.memref_squeeze %dma_start3A_193 : memref<1x128xi32, #tpu.memory_space<vmem>> -> memref<128xi32, #tpu.memory_space<vmem>>
      %dma_start3A_195 = arith.constant 0 : i32
      %dma_start3A_196 = arith.constant 0 : i32
      %dma_start3A_197 = tpu.memref_slice %arg2[%dma_start3A_195, %dma_start3A_196] : memref<10000x128xf32, #tpu.memory_space<hbm>> -> memref<10000x128xf32, #tpu.memory_space<hbm>>
      tpu.enqueue_indirect_dma source(%dma_start3A_197 : memref<10000x128xf32, #tpu.memory_space<hbm>>) target(%arg12 : memref<128x128xf32, #tpu.memory_space<vmem>>) offsets(%dma_start3A_194 : memref<128xi32, #tpu.memory_space<vmem>>) semaphore(%arg15 : memref<!tpu.dma_semaphore, #tpu.memory_space<semaphore_mem>>)
      %dma_wait3A_198 = arith.constant 2 : i32
      %dma_wait3A_199 = arith.constant 0 : i32
      %dma_wait3A_200 = tpu.memref_slice %arg9[%dma_wait3A_198, %dma_wait3A_199] : memref<8x128xi32, #tpu.memory_space<vmem>> -> memref<1x128xi32, #tpu.memory_space<vmem>>
      %dma_wait3A_201 = tpu.memref_squeeze %dma_wait3A_200 : memref<1x128xi32, #tpu.memory_space<vmem>> -> memref<128xi32, #tpu.memory_space<vmem>>
      %dma_wait3A_202 = arith.constant 0 : i32
      %dma_wait3A_203 = arith.constant 0 : i32
      %dma_wait3A_204 = tpu.memref_slice %arg2[%dma_wait3A_202, %dma_wait3A_203] : memref<10000x128xf32, #tpu.memory_space<hbm>> -> memref<10000x128xf32, #tpu.memory_space<hbm>>
      tpu.wait_indirect_dma semaphore(%arg14 : memref<!tpu.dma_semaphore, #tpu.memory_space<semaphore_mem>>) src(%dma_wait3A_204 : memref<10000x128xf32, #tpu.memory_space<hbm>>) dst(%arg11 : memref<128x128xf32, #tpu.memory_space<vmem>>)
      %dma_start3A_205 = arith.constant 2 : i32
      %dma_start3A_206 = arith.constant 0 : i32
      %dma_start3A_207 = tpu.memref_slice %arg10[%dma_start3A_205, %dma_start3A_206] : memref<8x128xi32, #tpu.memory_space<vmem>> -> memref<1x128xi32, #tpu.memory_space<vmem>>
      %dma_start3A_208 = tpu.memref_squeeze %dma_start3A_207 : memref<1x128xi32, #tpu.memory_space<vmem>> -> memref<128xi32, #tpu.memory_space<vmem>>
      %dma_start3A_209 = arith.constant 0 : i32
      %dma_start3A_210 = arith.constant 0 : i32
      %dma_start3A_211 = tpu.memref_slice %arg7[%dma_start3A_209, %dma_start3A_210] : memref<10240x128xf32, #tpu.memory_space<vmem_shared>> -> memref<10240x128xf32, #tpu.memory_space<vmem_shared>>
      tpu.enqueue_indirect_dma source(%arg11 : memref<128x128xf32, #tpu.memory_space<vmem>>) target(%dma_start3A_211 : memref<10240x128xf32, #tpu.memory_space<vmem_shared>>) offsets(%dma_start3A_208 : memref<128xi32, #tpu.memory_space<vmem>>) semaphore(%arg16 : memref<!tpu.dma_semaphore, #tpu.memory_space<semaphore_mem>>) {add = true}
      %dma_start3A_212 = arith.constant 2 : i32
      %dma_start3A_213 = arith.constant 0 : i32
      %dma_start3A_214 = tpu.memref_slice %arg10[%dma_start3A_212, %dma_start3A_213] : memref<8x128xi32, #tpu.memory_space<vmem>> -> memref<1x128xi32, #tpu.memory_space<vmem>>
      %dma_start3A_215 = tpu.memref_squeeze %dma_start3A_214 : memref<1x128xi32, #tpu.memory_space<vmem>> -> memref<128xi32, #tpu.memory_space<vmem>>
      %dma_start3A_216 = arith.constant 0 : i32
      %dma_start3A_217 = tpu.memref_slice %arg8[%dma_start3A_216] : memref<10240xf32, #tpu.memory_space<vmem_shared>> -> memref<10240xf32, #tpu.memory_space<vmem_shared>>
      tpu.enqueue_indirect_dma source(%arg13 : memref<128xf32, #tpu.memory_space<vmem>>) target(%dma_start3A_217 : memref<10240xf32, #tpu.memory_space<vmem_shared>>) offsets(%dma_start3A_215 : memref<128xi32, #tpu.memory_space<vmem>>) semaphore(%arg18 : memref<!tpu.dma_semaphore, #tpu.memory_space<semaphore_mem>>) {add = true}
      %dma_wait3A_218 = arith.constant 2 : i32
      %dma_wait3A_219 = arith.constant 0 : i32
      %dma_wait3A_220 = tpu.memref_slice %arg10[%dma_wait3A_218, %dma_wait3A_219] : memref<8x128xi32, #tpu.memory_space<vmem>> -> memref<1x128xi32, #tpu.memory_space<vmem>>
      %dma_wait3A_221 = tpu.memref_squeeze %dma_wait3A_220 : memref<1x128xi32, #tpu.memory_space<vmem>> -> memref<128xi32, #tpu.memory_space<vmem>>
      %dma_wait3A_222 = arith.constant 0 : i32
      %dma_wait3A_223 = arith.constant 0 : i32
      %dma_wait3A_224 = tpu.memref_slice %arg7[%dma_wait3A_222, %dma_wait3A_223] : memref<10240x128xf32, #tpu.memory_space<vmem_shared>> -> memref<10240x128xf32, #tpu.memory_space<vmem_shared>>
      tpu.wait_indirect_dma semaphore(%arg16 : memref<!tpu.dma_semaphore, #tpu.memory_space<semaphore_mem>>) src(%arg11 : memref<128x128xf32, #tpu.memory_space<vmem>>) dst(%dma_wait3A_224 : memref<10240x128xf32, #tpu.memory_space<vmem_shared>>)
      %dma_start3A_225 = arith.constant 4 : i32
      %dma_start3A_226 = arith.constant 0 : i32
      %dma_start3A_227 = tpu.memref_slice %arg9[%dma_start3A_225, %dma_start3A_226] : memref<8x128xi32, #tpu.memory_space<vmem>> -> memref<1x128xi32, #tpu.memory_space<vmem>>
      %dma_start3A_228 = tpu.memref_squeeze %dma_start3A_227 : memref<1x128xi32, #tpu.memory_space<vmem>> -> memref<128xi32, #tpu.memory_space<vmem>>
      %dma_start3A_229 = arith.constant 0 : i32
      %dma_start3A_230 = arith.constant 0 : i32
      %dma_start3A_231 = tpu.memref_slice %arg2[%dma_start3A_229, %dma_start3A_230] : memref<10000x128xf32, #tpu.memory_space<hbm>> -> memref<10000x128xf32, #tpu.memory_space<hbm>>
      tpu.enqueue_indirect_dma source(%dma_start3A_231 : memref<10000x128xf32, #tpu.memory_space<hbm>>) target(%arg11 : memref<128x128xf32, #tpu.memory_space<vmem>>) offsets(%dma_start3A_228 : memref<128xi32, #tpu.memory_space<vmem>>) semaphore(%arg14 : memref<!tpu.dma_semaphore, #tpu.memory_space<semaphore_mem>>)
      %dma_wait3A_232 = arith.constant 3 : i32
      %dma_wait3A_233 = arith.constant 0 : i32
      %dma_wait3A_234 = tpu.memref_slice %arg9[%dma_wait3A_232, %dma_wait3A_233] : memref<8x128xi32, #tpu.memory_space<vmem>> -> memref<1x128xi32, #tpu.memory_space<vmem>>
      %dma_wait3A_235 = tpu.memref_squeeze %dma_wait3A_234 : memref<1x128xi32, #tpu.memory_space<vmem>> -> memref<128xi32, #tpu.memory_space<vmem>>
      %dma_wait3A_236 = arith.constant 0 : i32
      %dma_wait3A_237 = arith.constant 0 : i32
      %dma_wait3A_238 = tpu.memref_slice %arg2[%dma_wait3A_236, %dma_wait3A_237] : memref<10000x128xf32, #tpu.memory_space<hbm>> -> memref<10000x128xf32, #tpu.memory_space<hbm>>
      tpu.wait_indirect_dma semaphore(%arg15 : memref<!tpu.dma_semaphore, #tpu.memory_space<semaphore_mem>>) src(%dma_wait3A_238 : memref<10000x128xf32, #tpu.memory_space<hbm>>) dst(%arg12 : memref<128x128xf32, #tpu.memory_space<vmem>>)
      %dma_start3A_239 = arith.constant 3 : i32
      %dma_start3A_240 = arith.constant 0 : i32
      %dma_start3A_241 = tpu.memref_slice %arg10[%dma_start3A_239, %dma_start3A_240] : memref<8x128xi32, #tpu.memory_space<vmem>> -> memref<1x128xi32, #tpu.memory_space<vmem>>
      %dma_start3A_242 = tpu.memref_squeeze %dma_start3A_241 : memref<1x128xi32, #tpu.memory_space<vmem>> -> memref<128xi32, #tpu.memory_space<vmem>>
      %dma_start3A_243 = arith.constant 0 : i32
      %dma_start3A_244 = arith.constant 0 : i32
      %dma_start3A_245 = tpu.memref_slice %arg7[%dma_start3A_243, %dma_start3A_244] : memref<10240x128xf32, #tpu.memory_space<vmem_shared>> -> memref<10240x128xf32, #tpu.memory_space<vmem_shared>>
      tpu.enqueue_indirect_dma source(%arg12 : memref<128x128xf32, #tpu.memory_space<vmem>>) target(%dma_start3A_245 : memref<10240x128xf32, #tpu.memory_space<vmem_shared>>) offsets(%dma_start3A_242 : memref<128xi32, #tpu.memory_space<vmem>>) semaphore(%arg17 : memref<!tpu.dma_semaphore, #tpu.memory_space<semaphore_mem>>) {add = true}
      %dma_start3A_246 = arith.constant 3 : i32
      %dma_start3A_247 = arith.constant 0 : i32
      %dma_start3A_248 = tpu.memref_slice %arg10[%dma_start3A_246, %dma_start3A_247] : memref<8x128xi32, #tpu.memory_space<vmem>> -> memref<1x128xi32, #tpu.memory_space<vmem>>
      %dma_start3A_249 = tpu.memref_squeeze %dma_start3A_248 : memref<1x128xi32, #tpu.memory_space<vmem>> -> memref<128xi32, #tpu.memory_space<vmem>>
      %dma_start3A_250 = arith.constant 0 : i32
      %dma_start3A_251 = tpu.memref_slice %arg8[%dma_start3A_250] : memref<10240xf32, #tpu.memory_space<vmem_shared>> -> memref<10240xf32, #tpu.memory_space<vmem_shared>>
      tpu.enqueue_indirect_dma source(%arg13 : memref<128xf32, #tpu.memory_space<vmem>>) target(%dma_start3A_251 : memref<10240xf32, #tpu.memory_space<vmem_shared>>) offsets(%dma_start3A_249 : memref<128xi32, #tpu.memory_space<vmem>>) semaphore(%arg18 : memref<!tpu.dma_semaphore, #tpu.memory_space<semaphore_mem>>) {add = true}
      %dma_wait3A_252 = arith.constant 3 : i32
      %dma_wait3A_253 = arith.constant 0 : i32
      %dma_wait3A_254 = tpu.memref_slice %arg10[%dma_wait3A_252, %dma_wait3A_253] : memref<8x128xi32, #tpu.memory_space<vmem>> -> memref<1x128xi32, #tpu.memory_space<vmem>>
      %dma_wait3A_255 = tpu.memref_squeeze %dma_wait3A_254 : memref<1x128xi32, #tpu.memory_space<vmem>> -> memref<128xi32, #tpu.memory_space<vmem>>
      %dma_wait3A_256 = arith.constant 0 : i32
      %dma_wait3A_257 = arith.constant 0 : i32
      %dma_wait3A_258 = tpu.memref_slice %arg7[%dma_wait3A_256, %dma_wait3A_257] : memref<10240x128xf32, #tpu.memory_space<vmem_shared>> -> memref<10240x128xf32, #tpu.memory_space<vmem_shared>>
      tpu.wait_indirect_dma semaphore(%arg17 : memref<!tpu.dma_semaphore, #tpu.memory_space<semaphore_mem>>) src(%arg12 : memref<128x128xf32, #tpu.memory_space<vmem>>) dst(%dma_wait3A_258 : memref<10240x128xf32, #tpu.memory_space<vmem_shared>>)
      %dma_start3A_259 = arith.constant 5 : i32
      %dma_start3A_260 = arith.constant 0 : i32
      %dma_start3A_261 = tpu.memref_slice %arg9[%dma_start3A_259, %dma_start3A_260] : memref<8x128xi32, #tpu.memory_space<vmem>> -> memref<1x128xi32, #tpu.memory_space<vmem>>
      %dma_start3A_262 = tpu.memref_squeeze %dma_start3A_261 : memref<1x128xi32, #tpu.memory_space<vmem>> -> memref<128xi32, #tpu.memory_space<vmem>>
      %dma_start3A_263 = arith.constant 0 : i32
      %dma_start3A_264 = arith.constant 0 : i32
      %dma_start3A_265 = tpu.memref_slice %arg2[%dma_start3A_263, %dma_start3A_264] : memref<10000x128xf32, #tpu.memory_space<hbm>> -> memref<10000x128xf32, #tpu.memory_space<hbm>>
      tpu.enqueue_indirect_dma source(%dma_start3A_265 : memref<10000x128xf32, #tpu.memory_space<hbm>>) target(%arg12 : memref<128x128xf32, #tpu.memory_space<vmem>>) offsets(%dma_start3A_262 : memref<128xi32, #tpu.memory_space<vmem>>) semaphore(%arg15 : memref<!tpu.dma_semaphore, #tpu.memory_space<semaphore_mem>>)
      %dma_wait3A_266 = arith.constant 4 : i32
      %dma_wait3A_267 = arith.constant 0 : i32
      %dma_wait3A_268 = tpu.memref_slice %arg9[%dma_wait3A_266, %dma_wait3A_267] : memref<8x128xi32, #tpu.memory_space<vmem>> -> memref<1x128xi32, #tpu.memory_space<vmem>>
      %dma_wait3A_269 = tpu.memref_squeeze %dma_wait3A_268 : memref<1x128xi32, #tpu.memory_space<vmem>> -> memref<128xi32, #tpu.memory_space<vmem>>
      %dma_wait3A_270 = arith.constant 0 : i32
      %dma_wait3A_271 = arith.constant 0 : i32
      %dma_wait3A_272 = tpu.memref_slice %arg2[%dma_wait3A_270, %dma_wait3A_271] : memref<10000x128xf32, #tpu.memory_space<hbm>> -> memref<10000x128xf32, #tpu.memory_space<hbm>>
      tpu.wait_indirect_dma semaphore(%arg14 : memref<!tpu.dma_semaphore, #tpu.memory_space<semaphore_mem>>) src(%dma_wait3A_272 : memref<10000x128xf32, #tpu.memory_space<hbm>>) dst(%arg11 : memref<128x128xf32, #tpu.memory_space<vmem>>)
      %dma_start3A_273 = arith.constant 4 : i32
      %dma_start3A_274 = arith.constant 0 : i32
      %dma_start3A_275 = tpu.memref_slice %arg10[%dma_start3A_273, %dma_start3A_274] : memref<8x128xi32, #tpu.memory_space<vmem>> -> memref<1x128xi32, #tpu.memory_space<vmem>>
      %dma_start3A_276 = tpu.memref_squeeze %dma_start3A_275 : memref<1x128xi32, #tpu.memory_space<vmem>> -> memref<128xi32, #tpu.memory_space<vmem>>
      %dma_start3A_277 = arith.constant 0 : i32
      %dma_start3A_278 = arith.constant 0 : i32
      %dma_start3A_279 = tpu.memref_slice %arg7[%dma_start3A_277, %dma_start3A_278] : memref<10240x128xf32, #tpu.memory_space<vmem_shared>> -> memref<10240x128xf32, #tpu.memory_space<vmem_shared>>
      tpu.enqueue_indirect_dma source(%arg11 : memref<128x128xf32, #tpu.memory_space<vmem>>) target(%dma_start3A_279 : memref<10240x128xf32, #tpu.memory_space<vmem_shared>>) offsets(%dma_start3A_276 : memref<128xi32, #tpu.memory_space<vmem>>) semaphore(%arg16 : memref<!tpu.dma_semaphore, #tpu.memory_space<semaphore_mem>>) {add = true}
      %dma_start3A_280 = arith.constant 4 : i32
      %dma_start3A_281 = arith.constant 0 : i32
      %dma_start3A_282 = tpu.memref_slice %arg10[%dma_start3A_280, %dma_start3A_281] : memref<8x128xi32, #tpu.memory_space<vmem>> -> memref<1x128xi32, #tpu.memory_space<vmem>>
      %dma_start3A_283 = tpu.memref_squeeze %dma_start3A_282 : memref<1x128xi32, #tpu.memory_space<vmem>> -> memref<128xi32, #tpu.memory_space<vmem>>
      %dma_start3A_284 = arith.constant 0 : i32
      %dma_start3A_285 = tpu.memref_slice %arg8[%dma_start3A_284] : memref<10240xf32, #tpu.memory_space<vmem_shared>> -> memref<10240xf32, #tpu.memory_space<vmem_shared>>
      tpu.enqueue_indirect_dma source(%arg13 : memref<128xf32, #tpu.memory_space<vmem>>) target(%dma_start3A_285 : memref<10240xf32, #tpu.memory_space<vmem_shared>>) offsets(%dma_start3A_283 : memref<128xi32, #tpu.memory_space<vmem>>) semaphore(%arg18 : memref<!tpu.dma_semaphore, #tpu.memory_space<semaphore_mem>>) {add = true}
      %dma_wait3A_286 = arith.constant 4 : i32
      %dma_wait3A_287 = arith.constant 0 : i32
      %dma_wait3A_288 = tpu.memref_slice %arg10[%dma_wait3A_286, %dma_wait3A_287] : memref<8x128xi32, #tpu.memory_space<vmem>> -> memref<1x128xi32, #tpu.memory_space<vmem>>
      %dma_wait3A_289 = tpu.memref_squeeze %dma_wait3A_288 : memref<1x128xi32, #tpu.memory_space<vmem>> -> memref<128xi32, #tpu.memory_space<vmem>>
      %dma_wait3A_290 = arith.constant 0 : i32
      %dma_wait3A_291 = arith.constant 0 : i32
      %dma_wait3A_292 = tpu.memref_slice %arg7[%dma_wait3A_290, %dma_wait3A_291] : memref<10240x128xf32, #tpu.memory_space<vmem_shared>> -> memref<10240x128xf32, #tpu.memory_space<vmem_shared>>
      tpu.wait_indirect_dma semaphore(%arg16 : memref<!tpu.dma_semaphore, #tpu.memory_space<semaphore_mem>>) src(%arg11 : memref<128x128xf32, #tpu.memory_space<vmem>>) dst(%dma_wait3A_292 : memref<10240x128xf32, #tpu.memory_space<vmem_shared>>)
      %dma_start3A_293 = arith.constant 6 : i32
      %dma_start3A_294 = arith.constant 0 : i32
      %dma_start3A_295 = tpu.memref_slice %arg9[%dma_start3A_293, %dma_start3A_294] : memref<8x128xi32, #tpu.memory_space<vmem>> -> memref<1x128xi32, #tpu.memory_space<vmem>>
      %dma_start3A_296 = tpu.memref_squeeze %dma_start3A_295 : memref<1x128xi32, #tpu.memory_space<vmem>> -> memref<128xi32, #tpu.memory_space<vmem>>
      %dma_start3A_297 = arith.constant 0 : i32
      %dma_start3A_298 = arith.constant 0 : i32
      %dma_start3A_299 = tpu.memref_slice %arg2[%dma_start3A_297, %dma_start3A_298] : memref<10000x128xf32, #tpu.memory_space<hbm>> -> memref<10000x128xf32, #tpu.memory_space<hbm>>
      tpu.enqueue_indirect_dma source(%dma_start3A_299 : memref<10000x128xf32, #tpu.memory_space<hbm>>) target(%arg11 : memref<128x128xf32, #tpu.memory_space<vmem>>) offsets(%dma_start3A_296 : memref<128xi32, #tpu.memory_space<vmem>>) semaphore(%arg14 : memref<!tpu.dma_semaphore, #tpu.memory_space<semaphore_mem>>)
      %dma_wait3A_300 = arith.constant 5 : i32
      %dma_wait3A_301 = arith.constant 0 : i32
      %dma_wait3A_302 = tpu.memref_slice %arg9[%dma_wait3A_300, %dma_wait3A_301] : memref<8x128xi32, #tpu.memory_space<vmem>> -> memref<1x128xi32, #tpu.memory_space<vmem>>
      %dma_wait3A_303 = tpu.memref_squeeze %dma_wait3A_302 : memref<1x128xi32, #tpu.memory_space<vmem>> -> memref<128xi32, #tpu.memory_space<vmem>>
      %dma_wait3A_304 = arith.constant 0 : i32
      %dma_wait3A_305 = arith.constant 0 : i32
      %dma_wait3A_306 = tpu.memref_slice %arg2[%dma_wait3A_304, %dma_wait3A_305] : memref<10000x128xf32, #tpu.memory_space<hbm>> -> memref<10000x128xf32, #tpu.memory_space<hbm>>
      tpu.wait_indirect_dma semaphore(%arg15 : memref<!tpu.dma_semaphore, #tpu.memory_space<semaphore_mem>>) src(%dma_wait3A_306 : memref<10000x128xf32, #tpu.memory_space<hbm>>) dst(%arg12 : memref<128x128xf32, #tpu.memory_space<vmem>>)
      %dma_start3A_307 = arith.constant 5 : i32
      %dma_start3A_308 = arith.constant 0 : i32
      %dma_start3A_309 = tpu.memref_slice %arg10[%dma_start3A_307, %dma_start3A_308] : memref<8x128xi32, #tpu.memory_space<vmem>> -> memref<1x128xi32, #tpu.memory_space<vmem>>
      %dma_start3A_310 = tpu.memref_squeeze %dma_start3A_309 : memref<1x128xi32, #tpu.memory_space<vmem>> -> memref<128xi32, #tpu.memory_space<vmem>>
      %dma_start3A_311 = arith.constant 0 : i32
      %dma_start3A_312 = arith.constant 0 : i32
      %dma_start3A_313 = tpu.memref_slice %arg7[%dma_start3A_311, %dma_start3A_312] : memref<10240x128xf32, #tpu.memory_space<vmem_shared>> -> memref<10240x128xf32, #tpu.memory_space<vmem_shared>>
      tpu.enqueue_indirect_dma source(%arg12 : memref<128x128xf32, #tpu.memory_space<vmem>>) target(%dma_start3A_313 : memref<10240x128xf32, #tpu.memory_space<vmem_shared>>) offsets(%dma_start3A_310 : memref<128xi32, #tpu.memory_space<vmem>>) semaphore(%arg17 : memref<!tpu.dma_semaphore, #tpu.memory_space<semaphore_mem>>) {add = true}
      %dma_start3A_314 = arith.constant 5 : i32
      %dma_start3A_315 = arith.constant 0 : i32
      %dma_start3A_316 = tpu.memref_slice %arg10[%dma_start3A_314, %dma_start3A_315] : memref<8x128xi32, #tpu.memory_space<vmem>> -> memref<1x128xi32, #tpu.memory_space<vmem>>
      %dma_start3A_317 = tpu.memref_squeeze %dma_start3A_316 : memref<1x128xi32, #tpu.memory_space<vmem>> -> memref<128xi32, #tpu.memory_space<vmem>>
      %dma_start3A_318 = arith.constant 0 : i32
      %dma_start3A_319 = tpu.memref_slice %arg8[%dma_start3A_318] : memref<10240xf32, #tpu.memory_space<vmem_shared>> -> memref<10240xf32, #tpu.memory_space<vmem_shared>>
      tpu.enqueue_indirect_dma source(%arg13 : memref<128xf32, #tpu.memory_space<vmem>>) target(%dma_start3A_319 : memref<10240xf32, #tpu.memory_space<vmem_shared>>) offsets(%dma_start3A_317 : memref<128xi32, #tpu.memory_space<vmem>>) semaphore(%arg18 : memref<!tpu.dma_semaphore, #tpu.memory_space<semaphore_mem>>) {add = true}
      %dma_wait3A_320 = arith.constant 5 : i32
      %dma_wait3A_321 = arith.constant 0 : i32
      %dma_wait3A_322 = tpu.memref_slice %arg10[%dma_wait3A_320, %dma_wait3A_321] : memref<8x128xi32, #tpu.memory_space<vmem>> -> memref<1x128xi32, #tpu.memory_space<vmem>>
      %dma_wait3A_323 = tpu.memref_squeeze %dma_wait3A_322 : memref<1x128xi32, #tpu.memory_space<vmem>> -> memref<128xi32, #tpu.memory_space<vmem>>
      %dma_wait3A_324 = arith.constant 0 : i32
      %dma_wait3A_325 = arith.constant 0 : i32
      %dma_wait3A_326 = tpu.memref_slice %arg7[%dma_wait3A_324, %dma_wait3A_325] : memref<10240x128xf32, #tpu.memory_space<vmem_shared>> -> memref<10240x128xf32, #tpu.memory_space<vmem_shared>>
      tpu.wait_indirect_dma semaphore(%arg17 : memref<!tpu.dma_semaphore, #tpu.memory_space<semaphore_mem>>) src(%arg12 : memref<128x128xf32, #tpu.memory_space<vmem>>) dst(%dma_wait3A_326 : memref<10240x128xf32, #tpu.memory_space<vmem_shared>>)
      %dma_start3A_327 = arith.constant 7 : i32
      %dma_start3A_328 = arith.constant 0 : i32
      %dma_start3A_329 = tpu.memref_slice %arg9[%dma_start3A_327, %dma_start3A_328] : memref<8x128xi32, #tpu.memory_space<vmem>> -> memref<1x128xi32, #tpu.memory_space<vmem>>
      %dma_start3A_330 = tpu.memref_squeeze %dma_start3A_329 : memref<1x128xi32, #tpu.memory_space<vmem>> -> memref<128xi32, #tpu.memory_space<vmem>>
      %dma_start3A_331 = arith.constant 0 : i32
      %dma_start3A_332 = arith.constant 0 : i32
      %dma_start3A_333 = tpu.memref_slice %arg2[%dma_start3A_331, %dma_start3A_332] : memref<10000x128xf32, #tpu.memory_space<hbm>> -> memref<10000x128xf32, #tpu.memory_space<hbm>>
      tpu.enqueue_indirect_dma source(%dma_start3A_333 : memref<10000x128xf32, #tpu.memory_space<hbm>>) target(%arg12 : memref<128x128xf32, #tpu.memory_space<vmem>>) offsets(%dma_start3A_330 : memref<128xi32, #tpu.memory_space<vmem>>) semaphore(%arg15 : memref<!tpu.dma_semaphore, #tpu.memory_space<semaphore_mem>>)
      %dma_wait3A_334 = arith.constant 6 : i32
      %dma_wait3A_335 = arith.constant 0 : i32
      %dma_wait3A_336 = tpu.memref_slice %arg9[%dma_wait3A_334, %dma_wait3A_335] : memref<8x128xi32, #tpu.memory_space<vmem>> -> memref<1x128xi32, #tpu.memory_space<vmem>>
      %dma_wait3A_337 = tpu.memref_squeeze %dma_wait3A_336 : memref<1x128xi32, #tpu.memory_space<vmem>> -> memref<128xi32, #tpu.memory_space<vmem>>
      %dma_wait3A_338 = arith.constant 0 : i32
      %dma_wait3A_339 = arith.constant 0 : i32
      %dma_wait3A_340 = tpu.memref_slice %arg2[%dma_wait3A_338, %dma_wait3A_339] : memref<10000x128xf32, #tpu.memory_space<hbm>> -> memref<10000x128xf32, #tpu.memory_space<hbm>>
      tpu.wait_indirect_dma semaphore(%arg14 : memref<!tpu.dma_semaphore, #tpu.memory_space<semaphore_mem>>) src(%dma_wait3A_340 : memref<10000x128xf32, #tpu.memory_space<hbm>>) dst(%arg11 : memref<128x128xf32, #tpu.memory_space<vmem>>)
      %dma_start3A_341 = arith.constant 6 : i32
      %dma_start3A_342 = arith.constant 0 : i32
      %dma_start3A_343 = tpu.memref_slice %arg10[%dma_start3A_341, %dma_start3A_342] : memref<8x128xi32, #tpu.memory_space<vmem>> -> memref<1x128xi32, #tpu.memory_space<vmem>>
      %dma_start3A_344 = tpu.memref_squeeze %dma_start3A_343 : memref<1x128xi32, #tpu.memory_space<vmem>> -> memref<128xi32, #tpu.memory_space<vmem>>
      %dma_start3A_345 = arith.constant 0 : i32
      %dma_start3A_346 = arith.constant 0 : i32
      %dma_start3A_347 = tpu.memref_slice %arg7[%dma_start3A_345, %dma_start3A_346] : memref<10240x128xf32, #tpu.memory_space<vmem_shared>> -> memref<10240x128xf32, #tpu.memory_space<vmem_shared>>
      tpu.enqueue_indirect_dma source(%arg11 : memref<128x128xf32, #tpu.memory_space<vmem>>) target(%dma_start3A_347 : memref<10240x128xf32, #tpu.memory_space<vmem_shared>>) offsets(%dma_start3A_344 : memref<128xi32, #tpu.memory_space<vmem>>) semaphore(%arg16 : memref<!tpu.dma_semaphore, #tpu.memory_space<semaphore_mem>>) {add = true}
      %dma_start3A_348 = arith.constant 6 : i32
      %dma_start3A_349 = arith.constant 0 : i32
      %dma_start3A_350 = tpu.memref_slice %arg10[%dma_start3A_348, %dma_start3A_349] : memref<8x128xi32, #tpu.memory_space<vmem>> -> memref<1x128xi32, #tpu.memory_space<vmem>>
      %dma_start3A_351 = tpu.memref_squeeze %dma_start3A_350 : memref<1x128xi32, #tpu.memory_space<vmem>> -> memref<128xi32, #tpu.memory_space<vmem>>
      %dma_start3A_352 = arith.constant 0 : i32
      %dma_start3A_353 = tpu.memref_slice %arg8[%dma_start3A_352] : memref<10240xf32, #tpu.memory_space<vmem_shared>> -> memref<10240xf32, #tpu.memory_space<vmem_shared>>
      tpu.enqueue_indirect_dma source(%arg13 : memref<128xf32, #tpu.memory_space<vmem>>) target(%dma_start3A_353 : memref<10240xf32, #tpu.memory_space<vmem_shared>>) offsets(%dma_start3A_351 : memref<128xi32, #tpu.memory_space<vmem>>) semaphore(%arg18 : memref<!tpu.dma_semaphore, #tpu.memory_space<semaphore_mem>>) {add = true}
      %dma_wait3A_354 = arith.constant 7 : i32
      %dma_wait3A_355 = arith.constant 0 : i32
      %dma_wait3A_356 = tpu.memref_slice %arg9[%dma_wait3A_354, %dma_wait3A_355] : memref<8x128xi32, #tpu.memory_space<vmem>> -> memref<1x128xi32, #tpu.memory_space<vmem>>
      %dma_wait3A_357 = tpu.memref_squeeze %dma_wait3A_356 : memref<1x128xi32, #tpu.memory_space<vmem>> -> memref<128xi32, #tpu.memory_space<vmem>>
      %dma_wait3A_358 = arith.constant 0 : i32
      %dma_wait3A_359 = arith.constant 0 : i32
      %dma_wait3A_360 = tpu.memref_slice %arg2[%dma_wait3A_358, %dma_wait3A_359] : memref<10000x128xf32, #tpu.memory_space<hbm>> -> memref<10000x128xf32, #tpu.memory_space<hbm>>
      tpu.wait_indirect_dma semaphore(%arg15 : memref<!tpu.dma_semaphore, #tpu.memory_space<semaphore_mem>>) src(%dma_wait3A_360 : memref<10000x128xf32, #tpu.memory_space<hbm>>) dst(%arg12 : memref<128x128xf32, #tpu.memory_space<vmem>>)
      %dma_start3A_361 = arith.constant 7 : i32
      %dma_start3A_362 = arith.constant 0 : i32
      %dma_start3A_363 = tpu.memref_slice %arg10[%dma_start3A_361, %dma_start3A_362] : memref<8x128xi32, #tpu.memory_space<vmem>> -> memref<1x128xi32, #tpu.memory_space<vmem>>
      %dma_start3A_364 = tpu.memref_squeeze %dma_start3A_363 : memref<1x128xi32, #tpu.memory_space<vmem>> -> memref<128xi32, #tpu.memory_space<vmem>>
      %dma_start3A_365 = arith.constant 0 : i32
      %dma_start3A_366 = arith.constant 0 : i32
      %dma_start3A_367 = tpu.memref_slice %arg7[%dma_start3A_365, %dma_start3A_366] : memref<10240x128xf32, #tpu.memory_space<vmem_shared>> -> memref<10240x128xf32, #tpu.memory_space<vmem_shared>>
      tpu.enqueue_indirect_dma source(%arg12 : memref<128x128xf32, #tpu.memory_space<vmem>>) target(%dma_start3A_367 : memref<10240x128xf32, #tpu.memory_space<vmem_shared>>) offsets(%dma_start3A_364 : memref<128xi32, #tpu.memory_space<vmem>>) semaphore(%arg17 : memref<!tpu.dma_semaphore, #tpu.memory_space<semaphore_mem>>) {add = true}
      %dma_start3A_368 = arith.constant 7 : i32
      %dma_start3A_369 = arith.constant 0 : i32
      %dma_start3A_370 = tpu.memref_slice %arg10[%dma_start3A_368, %dma_start3A_369] : memref<8x128xi32, #tpu.memory_space<vmem>> -> memref<1x128xi32, #tpu.memory_space<vmem>>
      %dma_start3A_371 = tpu.memref_squeeze %dma_start3A_370 : memref<1x128xi32, #tpu.memory_space<vmem>> -> memref<128xi32, #tpu.memory_space<vmem>>
      %dma_start3A_372 = arith.constant 0 : i32
      %dma_start3A_373 = tpu.memref_slice %arg8[%dma_start3A_372] : memref<10240xf32, #tpu.memory_space<vmem_shared>> -> memref<10240xf32, #tpu.memory_space<vmem_shared>>
      tpu.enqueue_indirect_dma source(%arg13 : memref<128xf32, #tpu.memory_space<vmem>>) target(%dma_start3A_373 : memref<10240xf32, #tpu.memory_space<vmem_shared>>) offsets(%dma_start3A_371 : memref<128xi32, #tpu.memory_space<vmem>>) semaphore(%arg18 : memref<!tpu.dma_semaphore, #tpu.memory_space<semaphore_mem>>) {add = true}
      %dma_wait3A_374 = arith.constant 6 : i32
      %dma_wait3A_375 = arith.constant 0 : i32
      %dma_wait3A_376 = tpu.memref_slice %arg10[%dma_wait3A_374, %dma_wait3A_375] : memref<8x128xi32, #tpu.memory_space<vmem>> -> memref<1x128xi32, #tpu.memory_space<vmem>>
      %dma_wait3A_377 = tpu.memref_squeeze %dma_wait3A_376 : memref<1x128xi32, #tpu.memory_space<vmem>> -> memref<128xi32, #tpu.memory_space<vmem>>
      %dma_wait3A_378 = arith.constant 0 : i32
      %dma_wait3A_379 = arith.constant 0 : i32
      %dma_wait3A_380 = tpu.memref_slice %arg7[%dma_wait3A_378, %dma_wait3A_379] : memref<10240x128xf32, #tpu.memory_space<vmem_shared>> -> memref<10240x128xf32, #tpu.memory_space<vmem_shared>>
      tpu.wait_indirect_dma semaphore(%arg16 : memref<!tpu.dma_semaphore, #tpu.memory_space<semaphore_mem>>) src(%arg11 : memref<128x128xf32, #tpu.memory_space<vmem>>) dst(%dma_wait3A_380 : memref<10240x128xf32, #tpu.memory_space<vmem_shared>>)
      %dma_wait3A_381 = arith.constant 7 : i32
      %dma_wait3A_382 = arith.constant 0 : i32
      %dma_wait3A_383 = tpu.memref_slice %arg10[%dma_wait3A_381, %dma_wait3A_382] : memref<8x128xi32, #tpu.memory_space<vmem>> -> memref<1x128xi32, #tpu.memory_space<vmem>>
      %dma_wait3A_384 = tpu.memref_squeeze %dma_wait3A_383 : memref<1x128xi32, #tpu.memory_space<vmem>> -> memref<128xi32, #tpu.memory_space<vmem>>
      %dma_wait3A_385 = arith.constant 0 : i32
      %dma_wait3A_386 = arith.constant 0 : i32
      %dma_wait3A_387 = tpu.memref_slice %arg7[%dma_wait3A_385, %dma_wait3A_386] : memref<10240x128xf32, #tpu.memory_space<vmem_shared>> -> memref<10240x128xf32, #tpu.memory_space<vmem_shared>>
      tpu.wait_indirect_dma semaphore(%arg17 : memref<!tpu.dma_semaphore, #tpu.memory_space<semaphore_mem>>) src(%arg12 : memref<128x128xf32, #tpu.memory_space<vmem>>) dst(%dma_wait3A_387 : memref<10240x128xf32, #tpu.memory_space<vmem_shared>>)
      %dma_wait3A_388 = arith.constant 0 : i32
      %dma_wait3A_389 = arith.constant 0 : i32
      %dma_wait3A_390 = tpu.memref_slice %arg10[%dma_wait3A_388, %dma_wait3A_389] : memref<8x128xi32, #tpu.memory_space<vmem>> -> memref<1x128xi32, #tpu.memory_space<vmem>>
      %dma_wait3A_391 = tpu.memref_squeeze %dma_wait3A_390 : memref<1x128xi32, #tpu.memory_space<vmem>> -> memref<128xi32, #tpu.memory_space<vmem>>
      %dma_wait3A_392 = arith.constant 0 : i32
      %dma_wait3A_393 = tpu.memref_slice %arg8[%dma_wait3A_392] : memref<10240xf32, #tpu.memory_space<vmem_shared>> -> memref<10240xf32, #tpu.memory_space<vmem_shared>>
      tpu.wait_indirect_dma semaphore(%arg18 : memref<!tpu.dma_semaphore, #tpu.memory_space<semaphore_mem>>) src(%arg13 : memref<128xf32, #tpu.memory_space<vmem>>) dst(%dma_wait3A_393 : memref<10240xf32, #tpu.memory_space<vmem_shared>>)
      %dma_wait3A_394 = arith.constant 1 : i32
      %dma_wait3A_395 = arith.constant 0 : i32
      %dma_wait3A_396 = tpu.memref_slice %arg10[%dma_wait3A_394, %dma_wait3A_395] : memref<8x128xi32, #tpu.memory_space<vmem>> -> memref<1x128xi32, #tpu.memory_space<vmem>>
      %dma_wait3A_397 = tpu.memref_squeeze %dma_wait3A_396 : memref<1x128xi32, #tpu.memory_space<vmem>> -> memref<128xi32, #tpu.memory_space<vmem>>
      %dma_wait3A_398 = arith.constant 0 : i32
      %dma_wait3A_399 = tpu.memref_slice %arg8[%dma_wait3A_398] : memref<10240xf32, #tpu.memory_space<vmem_shared>> -> memref<10240xf32, #tpu.memory_space<vmem_shared>>
      tpu.wait_indirect_dma semaphore(%arg18 : memref<!tpu.dma_semaphore, #tpu.memory_space<semaphore_mem>>) src(%arg13 : memref<128xf32, #tpu.memory_space<vmem>>) dst(%dma_wait3A_399 : memref<10240xf32, #tpu.memory_space<vmem_shared>>)
      %dma_wait3A_400 = arith.constant 2 : i32
      %dma_wait3A_401 = arith.constant 0 : i32
      %dma_wait3A_402 = tpu.memref_slice %arg10[%dma_wait3A_400, %dma_wait3A_401] : memref<8x128xi32, #tpu.memory_space<vmem>> -> memref<1x128xi32, #tpu.memory_space<vmem>>
      %dma_wait3A_403 = tpu.memref_squeeze %dma_wait3A_402 : memref<1x128xi32, #tpu.memory_space<vmem>> -> memref<128xi32, #tpu.memory_space<vmem>>
      %dma_wait3A_404 = arith.constant 0 : i32
      %dma_wait3A_405 = tpu.memref_slice %arg8[%dma_wait3A_404] : memref<10240xf32, #tpu.memory_space<vmem_shared>> -> memref<10240xf32, #tpu.memory_space<vmem_shared>>
      tpu.wait_indirect_dma semaphore(%arg18 : memref<!tpu.dma_semaphore, #tpu.memory_space<semaphore_mem>>) src(%arg13 : memref<128xf32, #tpu.memory_space<vmem>>) dst(%dma_wait3A_405 : memref<10240xf32, #tpu.memory_space<vmem_shared>>)
      %dma_wait3A_406 = arith.constant 3 : i32
      %dma_wait3A_407 = arith.constant 0 : i32
      %dma_wait3A_408 = tpu.memref_slice %arg10[%dma_wait3A_406, %dma_wait3A_407] : memref<8x128xi32, #tpu.memory_space<vmem>> -> memref<1x128xi32, #tpu.memory_space<vmem>>
      %dma_wait3A_409 = tpu.memref_squeeze %dma_wait3A_408 : memref<1x128xi32, #tpu.memory_space<vmem>> -> memref<128xi32, #tpu.memory_space<vmem>>
      %dma_wait3A_410 = arith.constant 0 : i32
      %dma_wait3A_411 = tpu.memref_slice %arg8[%dma_wait3A_410] : memref<10240xf32, #tpu.memory_space<vmem_shared>> -> memref<10240xf32, #tpu.memory_space<vmem_shared>>
      tpu.wait_indirect_dma semaphore(%arg18 : memref<!tpu.dma_semaphore, #tpu.memory_space<semaphore_mem>>) src(%arg13 : memref<128xf32, #tpu.memory_space<vmem>>) dst(%dma_wait3A_411 : memref<10240xf32, #tpu.memory_space<vmem_shared>>)
      %dma_wait3A_412 = arith.constant 4 : i32
      %dma_wait3A_413 = arith.constant 0 : i32
      %dma_wait3A_414 = tpu.memref_slice %arg10[%dma_wait3A_412, %dma_wait3A_413] : memref<8x128xi32, #tpu.memory_space<vmem>> -> memref<1x128xi32, #tpu.memory_space<vmem>>
      %dma_wait3A_415 = tpu.memref_squeeze %dma_wait3A_414 : memref<1x128xi32, #tpu.memory_space<vmem>> -> memref<128xi32, #tpu.memory_space<vmem>>
      %dma_wait3A_416 = arith.constant 0 : i32
      %dma_wait3A_417 = tpu.memref_slice %arg8[%dma_wait3A_416] : memref<10240xf32, #tpu.memory_space<vmem_shared>> -> memref<10240xf32, #tpu.memory_space<vmem_shared>>
      tpu.wait_indirect_dma semaphore(%arg18 : memref<!tpu.dma_semaphore, #tpu.memory_space<semaphore_mem>>) src(%arg13 : memref<128xf32, #tpu.memory_space<vmem>>) dst(%dma_wait3A_417 : memref<10240xf32, #tpu.memory_space<vmem_shared>>)
      %dma_wait3A_418 = arith.constant 5 : i32
      %dma_wait3A_419 = arith.constant 0 : i32
      %dma_wait3A_420 = tpu.memref_slice %arg10[%dma_wait3A_418, %dma_wait3A_419] : memref<8x128xi32, #tpu.memory_space<vmem>> -> memref<1x128xi32, #tpu.memory_space<vmem>>
      %dma_wait3A_421 = tpu.memref_squeeze %dma_wait3A_420 : memref<1x128xi32, #tpu.memory_space<vmem>> -> memref<128xi32, #tpu.memory_space<vmem>>
      %dma_wait3A_422 = arith.constant 0 : i32
      %dma_wait3A_423 = tpu.memref_slice %arg8[%dma_wait3A_422] : memref<10240xf32, #tpu.memory_space<vmem_shared>> -> memref<10240xf32, #tpu.memory_space<vmem_shared>>
      tpu.wait_indirect_dma semaphore(%arg18 : memref<!tpu.dma_semaphore, #tpu.memory_space<semaphore_mem>>) src(%arg13 : memref<128xf32, #tpu.memory_space<vmem>>) dst(%dma_wait3A_423 : memref<10240xf32, #tpu.memory_space<vmem_shared>>)
      %dma_wait3A_424 = arith.constant 6 : i32
      %dma_wait3A_425 = arith.constant 0 : i32
      %dma_wait3A_426 = tpu.memref_slice %arg10[%dma_wait3A_424, %dma_wait3A_425] : memref<8x128xi32, #tpu.memory_space<vmem>> -> memref<1x128xi32, #tpu.memory_space<vmem>>
      %dma_wait3A_427 = tpu.memref_squeeze %dma_wait3A_426 : memref<1x128xi32, #tpu.memory_space<vmem>> -> memref<128xi32, #tpu.memory_space<vmem>>
      %dma_wait3A_428 = arith.constant 0 : i32
      %dma_wait3A_429 = tpu.memref_slice %arg8[%dma_wait3A_428] : memref<10240xf32, #tpu.memory_space<vmem_shared>> -> memref<10240xf32, #tpu.memory_space<vmem_shared>>
      tpu.wait_indirect_dma semaphore(%arg18 : memref<!tpu.dma_semaphore, #tpu.memory_space<semaphore_mem>>) src(%arg13 : memref<128xf32, #tpu.memory_space<vmem>>) dst(%dma_wait3A_429 : memref<10240xf32, #tpu.memory_space<vmem_shared>>)
      %dma_wait3A_430 = arith.constant 7 : i32
      %dma_wait3A_431 = arith.constant 0 : i32
      %dma_wait3A_432 = tpu.memref_slice %arg10[%dma_wait3A_430, %dma_wait3A_431] : memref<8x128xi32, #tpu.memory_space<vmem>> -> memref<1x128xi32, #tpu.memory_space<vmem>>
      %dma_wait3A_433 = tpu.memref_squeeze %dma_wait3A_432 : memref<1x128xi32, #tpu.memory_space<vmem>> -> memref<128xi32, #tpu.memory_space<vmem>>
      %dma_wait3A_434 = arith.constant 0 : i32
      %dma_wait3A_435 = tpu.memref_slice %arg8[%dma_wait3A_434] : memref<10240xf32, #tpu.memory_space<vmem_shared>> -> memref<10240xf32, #tpu.memory_space<vmem_shared>>
      tpu.wait_indirect_dma semaphore(%arg18 : memref<!tpu.dma_semaphore, #tpu.memory_space<semaphore_mem>>) src(%arg13 : memref<128xf32, #tpu.memory_space<vmem>>) dst(%dma_wait3A_435 : memref<10240xf32, #tpu.memory_space<vmem_shared>>)
    }
    %barrier3A_102 = arith.constant 0 : index
    tpu.barrier barrier_id(%barrier3A_102)
    %mul3A_103 = arith.constant 640 : i32
    %mul3A_104 = arith.muli %arg1, %mul3A_103 : i32
    %mul3A_105 = arith.constant 640 : i32
    %mul3A_106 = arith.muli %arg1, %mul3A_105 : i32
    "tpu.region"() ({
      %run_scoped3A_114 = tpu.sem_alloc : memref<!tpu.dma_semaphore, #tpu.memory_space<semaphore_mem>>
      %dma_start3A = arith.constant 0 : i32
      %dma_start3A_115 = tpu.memref_slice %arg5[%arg0, %mul3A_106, %dma_start3A] : memref<2x10240x128xf32, #tpu.memory_space<hbm>> -> memref<1x640x128xf32, #tpu.memory_space<hbm>>
      %dma_start3A_116 = tpu.memref_squeeze %dma_start3A_115 : memref<1x640x128xf32, #tpu.memory_space<hbm>> -> memref<640x128xf32, #tpu.memory_space<hbm>>
      %dma_start3A_117 = arith.constant 0 : i32
      %dma_start3A_118 = tpu.memref_slice %arg7[%mul3A_104, %dma_start3A_117] : memref<10240x128xf32, #tpu.memory_space<vmem_shared>> -> memref<640x128xf32, #tpu.memory_space<vmem_shared>>
      tpu.enqueue_dma source(%dma_start3A_118 : memref<640x128xf32, #tpu.memory_space<vmem_shared>>) target(%dma_start3A_116 : memref<640x128xf32, #tpu.memory_space<hbm>>) target_semaphore(%run_scoped3A_114 : memref<!tpu.dma_semaphore, #tpu.memory_space<semaphore_mem>>)
      %dma_wait3A = arith.constant 0 : i32
      %dma_wait3A_119 = tpu.memref_slice %arg5[%arg0, %mul3A_106, %dma_wait3A] : memref<2x10240x128xf32, #tpu.memory_space<hbm>> -> memref<1x640x128xf32, #tpu.memory_space<hbm>>
      %dma_wait3A_120 = tpu.memref_squeeze %dma_wait3A_119 : memref<1x640x128xf32, #tpu.memory_space<hbm>> -> memref<640x128xf32, #tpu.memory_space<hbm>>
      %dma_wait3A_121 = arith.constant 0 : i32
      %dma_wait3A_122 = tpu.memref_slice %arg7[%mul3A_104, %dma_wait3A_121] : memref<10240x128xf32, #tpu.memory_space<vmem_shared>> -> memref<640x128xf32, #tpu.memory_space<vmem_shared>>
      tpu.wait_dma2 semaphore(%run_scoped3A_114 : memref<!tpu.dma_semaphore, #tpu.memory_space<semaphore_mem>>) src(%dma_wait3A_122 : memref<640x128xf32, #tpu.memory_space<vmem_shared>>) dst(%dma_wait3A_120 : memref<640x128xf32, #tpu.memory_space<hbm>>)
      tpu.yield
    }) : () -> ()
    %mul3A_107 = arith.constant 640 : i32
    %mul3A_108 = arith.muli %arg1, %mul3A_107 : i32
    %mul3A_109 = arith.constant 10240 : i32
    %mul3A_110 = arith.muli %arg0, %mul3A_109 : i32
    %mul3A_111 = arith.constant 640 : i32
    %mul3A_112 = arith.muli %arg1, %mul3A_111 : i32
    %add3A_113 = arith.addi %mul3A_110, %mul3A_112 : i32
    "tpu.region"() ({
      %run_scoped3A_114 = tpu.sem_alloc : memref<!tpu.dma_semaphore, #tpu.memory_space<semaphore_mem>>
      %dma_start3A = tpu.memref_slice %arg6[%add3A_113] : memref<20480xf32, #tpu.memory_space<hbm>> -> memref<640xf32, #tpu.memory_space<hbm>>
      %dma_start3A_115 = tpu.memref_slice %arg8[%mul3A_108] : memref<10240xf32, #tpu.memory_space<vmem_shared>> -> memref<640xf32, #tpu.memory_space<vmem_shared>>
      tpu.enqueue_dma source(%dma_start3A_115 : memref<640xf32, #tpu.memory_space<vmem_shared>>) target(%dma_start3A : memref<640xf32, #tpu.memory_space<hbm>>) target_semaphore(%run_scoped3A_114 : memref<!tpu.dma_semaphore, #tpu.memory_space<semaphore_mem>>)
      %dma_wait3A = tpu.memref_slice %arg6[%add3A_113] : memref<20480xf32, #tpu.memory_space<hbm>> -> memref<640xf32, #tpu.memory_space<hbm>>
      %dma_wait3A_116 = tpu.memref_slice %arg8[%mul3A_108] : memref<10240xf32, #tpu.memory_space<vmem_shared>> -> memref<640xf32, #tpu.memory_space<vmem_shared>>
      tpu.wait_dma2 semaphore(%run_scoped3A_114 : memref<!tpu.dma_semaphore, #tpu.memory_space<semaphore_mem>>) src(%dma_wait3A_116 : memref<640xf32, #tpu.memory_space<vmem_shared>>) dst(%dma_wait3A : memref<640xf32, #tpu.memory_space<hbm>>)
      tpu.yield
    }) : () -> ()
    return
  }
}

#map = affine_map<(d0, d1) -> (0)>
#map1 = affine_map<(d0, d1) -> (0, 0)>
module attributes {stable_mosaic.version = 14 : i64} {
  func.func @_sc2_body(%arg0: i32, %arg1: i32, %arg2: memref<10000xf32, #tpu.memory_space<hbm>>, %arg3: memref<10000xf32, #tpu.memory_space<hbm>>, %arg4: memref<2560x128xi32, #tpu.memory_space<hbm>>, %arg5: memref<2560x128xi32, #tpu.memory_space<hbm>>, %arg6: memref<2x20480xf32, #tpu.memory_space<hbm>>, %arg7: memref<10240xf32, #tpu.memory_space<vmem_shared>>, %arg8: memref<10240xf32, #tpu.memory_space<vmem_shared>>, %arg9: memref<8x128xi32, #tpu.memory_space<vmem>>, %arg10: memref<8x128xi32, #tpu.memory_space<vmem>>, %arg11: memref<8x128xf32, #tpu.memory_space<vmem>>, %arg12: memref<8x128xf32, #tpu.memory_space<vmem>>, %arg13: memref<!tpu.dma_semaphore, #tpu.memory_space<semaphore_mem>>, %arg14: memref<!tpu.dma_semaphore, #tpu.memory_space<semaphore_mem>>) attributes {dimension_semantics = [#tpu.dimension_semantics<core_parallel>, #tpu.dimension_semantics<subcore_parallel>], iteration_bounds = array<i64: 2, 16>, scalar_prefetch = 0 : i64, scratch_operands = 8 : i64, tpu.core_type = #tpu.core_type<sc_vector_subcore>, window_params = [{transform_indices = #map}, {transform_indices = #map}, {transform_indices = #map1}, {transform_indices = #map1}, {transform_indices = #map1}]} {
    %eq3A = arith.constant 0 : i32
    %eq3A_0 = arith.cmpi eq, %arg0, %eq3A : i32
    %select_n3A = arith.constant 5 : i32
    %select_n3A_1 = arith.constant 15 : i32
    %select_n3A_2 = arith.select %eq3A_0, %select_n3A_1, %select_n3A : i32
    %eq3A_3 = arith.constant 0 : i32
    %eq3A_4 = arith.cmpi eq, %arg0, %eq3A_3 : i32
    %mul3A = arith.constant 120 : i32
    %mul3A_5 = arith.muli %arg1, %mul3A : i32
    %mul3A_6 = arith.constant 40 : i32
    %mul3A_7 = arith.muli %arg1, %mul3A_6 : i32
    %add3A = arith.constant 1920 : i32
    %add3A_8 = arith.addi %add3A, %mul3A_7 : i32
    %select_n3A_9 = arith.select %eq3A_4, %mul3A_5, %add3A_8 : i32
    %broadcast_in_dim3A = arith.constant 0.000000e+00 : f32
    %broadcast_in_dim3A_10 = vector.broadcast %broadcast_in_dim3A : f32 to vector<16xf32>
    %scan3A = arith.constant 0 : i32
    %scan3A_11 = arith.constant 0 : i32
    %scan3A_12 = arith.constant 8 : i32
    %scan3A_13 = arith.addi %scan3A_11, %scan3A_12 : i32
    %scan3A_14 = arith.constant 1 : i32
    scf.for %scan3A_91 = %scan3A_11 to %scan3A_13 step %scan3A_14  : i32 {
      %swap3A = arith.index_cast %scan3A_91 : i32 to index
      %swap3A_92 = arith.constant 0 : index
      %swap3A_93 = tpu.vector_load %arg11[%swap3A, %swap3A_92] {strides = array<i32>} : memref<8x128xf32, #tpu.memory_space<vmem>>, vector<1x16xf32>,
      %swap3A_94 = vector.shape_cast %swap3A_93 : vector<1x16xf32> to vector<16xf32>
      %swap3A_95 = vector.shape_cast %broadcast_in_dim3A_10 : vector<16xf32> to vector<1x16xf32>
      tpu.vector_store %arg11[%swap3A, %swap3A_92], %swap3A_95 {strides = array<i32>} : memref<8x128xf32, #tpu.memory_space<vmem>>, vector<1x16xf32>,
      %swap3A_96 = arith.index_cast %scan3A_91 : i32 to index
      %swap3A_97 = arith.constant 16 : index
      %swap3A_98 = tpu.vector_load %arg11[%swap3A_96, %swap3A_97] {strides = array<i32>} : memref<8x128xf32, #tpu.memory_space<vmem>>, vector<1x16xf32>,
      %swap3A_99 = vector.shape_cast %swap3A_98 : vector<1x16xf32> to vector<16xf32>
      %swap3A_100 = vector.shape_cast %broadcast_in_dim3A_10 : vector<16xf32> to vector<1x16xf32>
      tpu.vector_store %arg11[%swap3A_96, %swap3A_97], %swap3A_100 {strides = array<i32>} : memref<8x128xf32, #tpu.memory_space<vmem>>, vector<1x16xf32>,
      %swap3A_101 = arith.index_cast %scan3A_91 : i32 to index
      %swap3A_102 = arith.constant 32 : index
      %swap3A_103 = tpu.vector_load %arg11[%swap3A_101, %swap3A_102] {strides = array<i32>} : memref<8x128xf32, #tpu.memory_space<vmem>>, vector<1x16xf32>,
      %swap3A_104 = vector.shape_cast %swap3A_103 : vector<1x16xf32> to vector<16xf32>
      %swap3A_105 = vector.shape_cast %broadcast_in_dim3A_10 : vector<16xf32> to vector<1x16xf32>
      tpu.vector_store %arg11[%swap3A_101, %swap3A_102], %swap3A_105 {strides = array<i32>} : memref<8x128xf32, #tpu.memory_space<vmem>>, vector<1x16xf32>,
      %swap3A_106 = arith.index_cast %scan3A_91 : i32 to index
      %swap3A_107 = arith.constant 48 : index
      %swap3A_108 = tpu.vector_load %arg11[%swap3A_106, %swap3A_107] {strides = array<i32>} : memref<8x128xf32, #tpu.memory_space<vmem>>, vector<1x16xf32>,
      %swap3A_109 = vector.shape_cast %swap3A_108 : vector<1x16xf32> to vector<16xf32>
      %swap3A_110 = vector.shape_cast %broadcast_in_dim3A_10 : vector<16xf32> to vector<1x16xf32>
      tpu.vector_store %arg11[%swap3A_106, %swap3A_107], %swap3A_110 {strides = array<i32>} : memref<8x128xf32, #tpu.memory_space<vmem>>, vector<1x16xf32>,
      %swap3A_111 = arith.index_cast %scan3A_91 : i32 to index
      %swap3A_112 = arith.constant 64 : index
      %swap3A_113 = tpu.vector_load %arg11[%swap3A_111, %swap3A_112] {strides = array<i32>} : memref<8x128xf32, #tpu.memory_space<vmem>>, vector<1x16xf32>,
      %swap3A_114 = vector.shape_cast %swap3A_113 : vector<1x16xf32> to vector<16xf32>
      %swap3A_115 = vector.shape_cast %broadcast_in_dim3A_10 : vector<16xf32> to vector<1x16xf32>
      tpu.vector_store %arg11[%swap3A_111, %swap3A_112], %swap3A_115 {strides = array<i32>} : memref<8x128xf32, #tpu.memory_space<vmem>>, vector<1x16xf32>,
      %swap3A_116 = arith.index_cast %scan3A_91 : i32 to index
      %swap3A_117 = arith.constant 80 : index
      %swap3A_118 = tpu.vector_load %arg11[%swap3A_116, %swap3A_117] {strides = array<i32>} : memref<8x128xf32, #tpu.memory_space<vmem>>, vector<1x16xf32>,
      %swap3A_119 = vector.shape_cast %swap3A_118 : vector<1x16xf32> to vector<16xf32>
      %swap3A_120 = vector.shape_cast %broadcast_in_dim3A_10 : vector<16xf32> to vector<1x16xf32>
      tpu.vector_store %arg11[%swap3A_116, %swap3A_117], %swap3A_120 {strides = array<i32>} : memref<8x128xf32, #tpu.memory_space<vmem>>, vector<1x16xf32>,
      %swap3A_121 = arith.index_cast %scan3A_91 : i32 to index
      %swap3A_122 = arith.constant 96 : index
      %swap3A_123 = tpu.vector_load %arg11[%swap3A_121, %swap3A_122] {strides = array<i32>} : memref<8x128xf32, #tpu.memory_space<vmem>>, vector<1x16xf32>,
      %swap3A_124 = vector.shape_cast %swap3A_123 : vector<1x16xf32> to vector<16xf32>
      %swap3A_125 = vector.shape_cast %broadcast_in_dim3A_10 : vector<16xf32> to vector<1x16xf32>
      tpu.vector_store %arg11[%swap3A_121, %swap3A_122], %swap3A_125 {strides = array<i32>} : memref<8x128xf32, #tpu.memory_space<vmem>>, vector<1x16xf32>,
      %swap3A_126 = arith.index_cast %scan3A_91 : i32 to index
      %swap3A_127 = arith.constant 112 : index
      %swap3A_128 = tpu.vector_load %arg11[%swap3A_126, %swap3A_127] {strides = array<i32>} : memref<8x128xf32, #tpu.memory_space<vmem>>, vector<1x16xf32>,
      %swap3A_129 = vector.shape_cast %swap3A_128 : vector<1x16xf32> to vector<16xf32>
      %swap3A_130 = vector.shape_cast %broadcast_in_dim3A_10 : vector<16xf32> to vector<1x16xf32>
      tpu.vector_store %arg11[%swap3A_126, %swap3A_127], %swap3A_130 {strides = array<i32>} : memref<8x128xf32, #tpu.memory_space<vmem>>, vector<1x16xf32>,
    }
    %scan3A_15 = arith.constant 8 : i32
    %mul3A_16 = arith.constant 640 : i32
    %mul3A_17 = arith.muli %arg1, %mul3A_16 : i32
    %add3A_18 = arith.constant 0 : i32
    %add3A_19 = arith.addi %mul3A_17, %add3A_18 : i32
    %run_scoped3A = arith.constant 0 : i32
    "tpu.region"() ({
      %run_scoped3A_91 = tpu.sem_alloc : memref<!tpu.dma_semaphore, #tpu.memory_space<semaphore_mem>>
      %dma_start3A = arith.constant 0 : i32
      %dma_start3A_92 = tpu.memref_slice %arg11[%run_scoped3A, %dma_start3A] : memref<8x128xf32, #tpu.memory_space<vmem>> -> memref<1x128xf32, #tpu.memory_space<vmem>>
      %dma_start3A_93 = tpu.memref_squeeze %dma_start3A_92 : memref<1x128xf32, #tpu.memory_space<vmem>> -> memref<128xf32, #tpu.memory_space<vmem>>
      %dma_start3A_94 = tpu.memref_slice %arg7[%add3A_19] : memref<10240xf32, #tpu.memory_space<vmem_shared>> -> memref<128xf32, #tpu.memory_space<vmem_shared>>
      %dma_start3A_95 = tpu.memref_slice %arg7[%add3A_19] : memref<10240xf32, #tpu.memory_space<vmem_shared>> -> memref<128xf32, #tpu.memory_space<vmem_shared>>
      %dma_start3A_96 = arith.constant 0 : i32
      %dma_start3A_97 = tpu.memref_slice %arg11[%run_scoped3A, %dma_start3A_96] : memref<8x128xf32, #tpu.memory_space<vmem>> -> memref<1x128xf32, #tpu.memory_space<vmem>>
      %dma_start3A_98 = tpu.memref_squeeze %dma_start3A_97 : memref<1x128xf32, #tpu.memory_space<vmem>> -> memref<128xf32, #tpu.memory_space<vmem>>
      tpu.enqueue_dma source(%dma_start3A_98 : memref<128xf32, #tpu.memory_space<vmem>>) target(%dma_start3A_95 : memref<128xf32, #tpu.memory_space<vmem_shared>>) target_semaphore(%run_scoped3A_91 : memref<!tpu.dma_semaphore, #tpu.memory_space<semaphore_mem>>)
      %dma_wait3A = arith.constant 0 : i32
      %dma_wait3A_99 = tpu.memref_slice %arg11[%run_scoped3A, %dma_wait3A] : memref<8x128xf32, #tpu.memory_space<vmem>> -> memref<1x128xf32, #tpu.memory_space<vmem>>
      %dma_wait3A_100 = tpu.memref_squeeze %dma_wait3A_99 : memref<1x128xf32, #tpu.memory_space<vmem>> -> memref<128xf32, #tpu.memory_space<vmem>>
      %dma_wait3A_101 = tpu.memref_slice %arg7[%add3A_19] : memref<10240xf32, #tpu.memory_space<vmem_shared>> -> memref<128xf32, #tpu.memory_space<vmem_shared>>
      %dma_wait3A_102 = tpu.memref_slice %arg7[%add3A_19] : memref<10240xf32, #tpu.memory_space<vmem_shared>> -> memref<128xf32, #tpu.memory_space<vmem_shared>>
      %dma_wait3A_103 = arith.constant 0 : i32
      %dma_wait3A_104 = tpu.memref_slice %arg11[%run_scoped3A, %dma_wait3A_103] : memref<8x128xf32, #tpu.memory_space<vmem>> -> memref<1x128xf32, #tpu.memory_space<vmem>>
      %dma_wait3A_105 = tpu.memref_squeeze %dma_wait3A_104 : memref<1x128xf32, #tpu.memory_space<vmem>> -> memref<128xf32, #tpu.memory_space<vmem>>
      tpu.wait_dma2 semaphore(%run_scoped3A_91 : memref<!tpu.dma_semaphore, #tpu.memory_space<semaphore_mem>>) src(%dma_wait3A_105 : memref<128xf32, #tpu.memory_space<vmem>>) dst(%dma_wait3A_102 : memref<128xf32, #tpu.memory_space<vmem_shared>>)
      tpu.yield
    }) : () -> ()
    %mul3A_20 = arith.constant 640 : i32
    %mul3A_21 = arith.muli %arg1, %mul3A_20 : i32
    %add3A_22 = arith.constant 0 : i32
    %add3A_23 = arith.addi %mul3A_21, %add3A_22 : i32
    %run_scoped3A_24 = arith.constant 0 : i32
    "tpu.region"() ({
      %run_scoped3A_91 = tpu.sem_alloc : memref<!tpu.dma_semaphore, #tpu.memory_space<semaphore_mem>>
      %dma_start3A = arith.constant 0 : i32
      %dma_start3A_92 = tpu.memref_slice %arg11[%run_scoped3A_24, %dma_start3A] : memref<8x128xf32, #tpu.memory_space<vmem>> -> memref<1x128xf32, #tpu.memory_space<vmem>>
      %dma_start3A_93 = tpu.memref_squeeze %dma_start3A_92 : memref<1x128xf32, #tpu.memory_space<vmem>> -> memref<128xf32, #tpu.memory_space<vmem>>
      %dma_start3A_94 = tpu.memref_slice %arg8[%add3A_23] : memref<10240xf32, #tpu.memory_space<vmem_shared>> -> memref<128xf32, #tpu.memory_space<vmem_shared>>
      %dma_start3A_95 = tpu.memref_slice %arg8[%add3A_23] : memref<10240xf32, #tpu.memory_space<vmem_shared>> -> memref<128xf32, #tpu.memory_space<vmem_shared>>
      %dma_start3A_96 = arith.constant 0 : i32
      %dma_start3A_97 = tpu.memref_slice %arg11[%run_scoped3A_24, %dma_start3A_96] : memref<8x128xf32, #tpu.memory_space<vmem>> -> memref<1x128xf32, #tpu.memory_space<vmem>>
      %dma_start3A_98 = tpu.memref_squeeze %dma_start3A_97 : memref<1x128xf32, #tpu.memory_space<vmem>> -> memref<128xf32, #tpu.memory_space<vmem>>
      tpu.enqueue_dma source(%dma_start3A_98 : memref<128xf32, #tpu.memory_space<vmem>>) target(%dma_start3A_95 : memref<128xf32, #tpu.memory_space<vmem_shared>>) target_semaphore(%run_scoped3A_91 : memref<!tpu.dma_semaphore, #tpu.memory_space<semaphore_mem>>)
      %dma_wait3A = arith.constant 0 : i32
      %dma_wait3A_99 = tpu.memref_slice %arg11[%run_scoped3A_24, %dma_wait3A] : memref<8x128xf32, #tpu.memory_space<vmem>> -> memref<1x128xf32, #tpu.memory_space<vmem>>
      %dma_wait3A_100 = tpu.memref_squeeze %dma_wait3A_99 : memref<1x128xf32, #tpu.memory_space<vmem>> -> memref<128xf32, #tpu.memory_space<vmem>>
      %dma_wait3A_101 = tpu.memref_slice %arg8[%add3A_23] : memref<10240xf32, #tpu.memory_space<vmem_shared>> -> memref<128xf32, #tpu.memory_space<vmem_shared>>
      %dma_wait3A_102 = tpu.memref_slice %arg8[%add3A_23] : memref<10240xf32, #tpu.memory_space<vmem_shared>> -> memref<128xf32, #tpu.memory_space<vmem_shared>>
      %dma_wait3A_103 = arith.constant 0 : i32
      %dma_wait3A_104 = tpu.memref_slice %arg11[%run_scoped3A_24, %dma_wait3A_103] : memref<8x128xf32, #tpu.memory_space<vmem>> -> memref<1x128xf32, #tpu.memory_space<vmem>>
      %dma_wait3A_105 = tpu.memref_squeeze %dma_wait3A_104 : memref<1x128xf32, #tpu.memory_space<vmem>> -> memref<128xf32, #tpu.memory_space<vmem>>
      tpu.wait_dma2 semaphore(%run_scoped3A_91 : memref<!tpu.dma_semaphore, #tpu.memory_space<semaphore_mem>>) src(%dma_wait3A_105 : memref<128xf32, #tpu.memory_space<vmem>>) dst(%dma_wait3A_102 : memref<128xf32, #tpu.memory_space<vmem_shared>>)
      tpu.yield
    }) : () -> ()
    %mul3A_25 = arith.constant 640 : i32
    %mul3A_26 = arith.muli %arg1, %mul3A_25 : i32
    %add3A_27 = arith.constant 128 : i32
    %add3A_28 = arith.addi %mul3A_26, %add3A_27 : i32
    %run_scoped3A_29 = arith.constant 0 : i32
    "tpu.region"() ({
      %run_scoped3A_91 = tpu.sem_alloc : memref<!tpu.dma_semaphore, #tpu.memory_space<semaphore_mem>>
      %dma_start3A = arith.constant 0 : i32
      %dma_start3A_92 = tpu.memref_slice %arg11[%run_scoped3A_29, %dma_start3A] : memref<8x128xf32, #tpu.memory_space<vmem>> -> memref<1x128xf32, #tpu.memory_space<vmem>>
      %dma_start3A_93 = tpu.memref_squeeze %dma_start3A_92 : memref<1x128xf32, #tpu.memory_space<vmem>> -> memref<128xf32, #tpu.memory_space<vmem>>
      %dma_start3A_94 = tpu.memref_slice %arg7[%add3A_28] : memref<10240xf32, #tpu.memory_space<vmem_shared>> -> memref<128xf32, #tpu.memory_space<vmem_shared>>
      %dma_start3A_95 = tpu.memref_slice %arg7[%add3A_28] : memref<10240xf32, #tpu.memory_space<vmem_shared>> -> memref<128xf32, #tpu.memory_space<vmem_shared>>
      %dma_start3A_96 = arith.constant 0 : i32
      %dma_start3A_97 = tpu.memref_slice %arg11[%run_scoped3A_29, %dma_start3A_96] : memref<8x128xf32, #tpu.memory_space<vmem>> -> memref<1x128xf32, #tpu.memory_space<vmem>>
      %dma_start3A_98 = tpu.memref_squeeze %dma_start3A_97 : memref<1x128xf32, #tpu.memory_space<vmem>> -> memref<128xf32, #tpu.memory_space<vmem>>
      tpu.enqueue_dma source(%dma_start3A_98 : memref<128xf32, #tpu.memory_space<vmem>>) target(%dma_start3A_95 : memref<128xf32, #tpu.memory_space<vmem_shared>>) target_semaphore(%run_scoped3A_91 : memref<!tpu.dma_semaphore, #tpu.memory_space<semaphore_mem>>)
      %dma_wait3A = arith.constant 0 : i32
      %dma_wait3A_99 = tpu.memref_slice %arg11[%run_scoped3A_29, %dma_wait3A] : memref<8x128xf32, #tpu.memory_space<vmem>> -> memref<1x128xf32, #tpu.memory_space<vmem>>
      %dma_wait3A_100 = tpu.memref_squeeze %dma_wait3A_99 : memref<1x128xf32, #tpu.memory_space<vmem>> -> memref<128xf32, #tpu.memory_space<vmem>>
      %dma_wait3A_101 = tpu.memref_slice %arg7[%add3A_28] : memref<10240xf32, #tpu.memory_space<vmem_shared>> -> memref<128xf32, #tpu.memory_space<vmem_shared>>
      %dma_wait3A_102 = tpu.memref_slice %arg7[%add3A_28] : memref<10240xf32, #tpu.memory_space<vmem_shared>> -> memref<128xf32, #tpu.memory_space<vmem_shared>>
      %dma_wait3A_103 = arith.constant 0 : i32
      %dma_wait3A_104 = tpu.memref_slice %arg11[%run_scoped3A_29, %dma_wait3A_103] : memref<8x128xf32, #tpu.memory_space<vmem>> -> memref<1x128xf32, #tpu.memory_space<vmem>>
      %dma_wait3A_105 = tpu.memref_squeeze %dma_wait3A_104 : memref<1x128xf32, #tpu.memory_space<vmem>> -> memref<128xf32, #tpu.memory_space<vmem>>
      tpu.wait_dma2 semaphore(%run_scoped3A_91 : memref<!tpu.dma_semaphore, #tpu.memory_space<semaphore_mem>>) src(%dma_wait3A_105 : memref<128xf32, #tpu.memory_space<vmem>>) dst(%dma_wait3A_102 : memref<128xf32, #tpu.memory_space<vmem_shared>>)
      tpu.yield
    }) : () -> ()
    %mul3A_30 = arith.constant 640 : i32
    %mul3A_31 = arith.muli %arg1, %mul3A_30 : i32
    %add3A_32 = arith.constant 128 : i32
    %add3A_33 = arith.addi %mul3A_31, %add3A_32 : i32
    %run_scoped3A_34 = arith.constant 0 : i32
    "tpu.region"() ({
      %run_scoped3A_91 = tpu.sem_alloc : memref<!tpu.dma_semaphore, #tpu.memory_space<semaphore_mem>>
      %dma_start3A = arith.constant 0 : i32
      %dma_start3A_92 = tpu.memref_slice %arg11[%run_scoped3A_34, %dma_start3A] : memref<8x128xf32, #tpu.memory_space<vmem>> -> memref<1x128xf32, #tpu.memory_space<vmem>>
      %dma_start3A_93 = tpu.memref_squeeze %dma_start3A_92 : memref<1x128xf32, #tpu.memory_space<vmem>> -> memref<128xf32, #tpu.memory_space<vmem>>
      %dma_start3A_94 = tpu.memref_slice %arg8[%add3A_33] : memref<10240xf32, #tpu.memory_space<vmem_shared>> -> memref<128xf32, #tpu.memory_space<vmem_shared>>
      %dma_start3A_95 = tpu.memref_slice %arg8[%add3A_33] : memref<10240xf32, #tpu.memory_space<vmem_shared>> -> memref<128xf32, #tpu.memory_space<vmem_shared>>
      %dma_start3A_96 = arith.constant 0 : i32
      %dma_start3A_97 = tpu.memref_slice %arg11[%run_scoped3A_34, %dma_start3A_96] : memref<8x128xf32, #tpu.memory_space<vmem>> -> memref<1x128xf32, #tpu.memory_space<vmem>>
      %dma_start3A_98 = tpu.memref_squeeze %dma_start3A_97 : memref<1x128xf32, #tpu.memory_space<vmem>> -> memref<128xf32, #tpu.memory_space<vmem>>
      tpu.enqueue_dma source(%dma_start3A_98 : memref<128xf32, #tpu.memory_space<vmem>>) target(%dma_start3A_95 : memref<128xf32, #tpu.memory_space<vmem_shared>>) target_semaphore(%run_scoped3A_91 : memref<!tpu.dma_semaphore, #tpu.memory_space<semaphore_mem>>)
      %dma_wait3A = arith.constant 0 : i32
      %dma_wait3A_99 = tpu.memref_slice %arg11[%run_scoped3A_34, %dma_wait3A] : memref<8x128xf32, #tpu.memory_space<vmem>> -> memref<1x128xf32, #tpu.memory_space<vmem>>
      %dma_wait3A_100 = tpu.memref_squeeze %dma_wait3A_99 : memref<1x128xf32, #tpu.memory_space<vmem>> -> memref<128xf32, #tpu.memory_space<vmem>>
      %dma_wait3A_101 = tpu.memref_slice %arg8[%add3A_33] : memref<10240xf32, #tpu.memory_space<vmem_shared>> -> memref<128xf32, #tpu.memory_space<vmem_shared>>
      %dma_wait3A_102 = tpu.memref_slice %arg8[%add3A_33] : memref<10240xf32, #tpu.memory_space<vmem_shared>> -> memref<128xf32, #tpu.memory_space<vmem_shared>>
      %dma_wait3A_103 = arith.constant 0 : i32
      %dma_wait3A_104 = tpu.memref_slice %arg11[%run_scoped3A_34, %dma_wait3A_103] : memref<8x128xf32, #tpu.memory_space<vmem>> -> memref<1x128xf32, #tpu.memory_space<vmem>>
      %dma_wait3A_105 = tpu.memref_squeeze %dma_wait3A_104 : memref<1x128xf32, #tpu.memory_space<vmem>> -> memref<128xf32, #tpu.memory_space<vmem>>
      tpu.wait_dma2 semaphore(%run_scoped3A_91 : memref<!tpu.dma_semaphore, #tpu.memory_space<semaphore_mem>>) src(%dma_wait3A_105 : memref<128xf32, #tpu.memory_space<vmem>>) dst(%dma_wait3A_102 : memref<128xf32, #tpu.memory_space<vmem_shared>>)
      tpu.yield
    }) : () -> ()
    %mul3A_35 = arith.constant 640 : i32
    %mul3A_36 = arith.muli %arg1, %mul3A_35 : i32
    %add3A_37 = arith.constant 256 : i32
    %add3A_38 = arith.addi %mul3A_36, %add3A_37 : i32
    %run_scoped3A_39 = arith.constant 0 : i32
    "tpu.region"() ({
      %run_scoped3A_91 = tpu.sem_alloc : memref<!tpu.dma_semaphore, #tpu.memory_space<semaphore_mem>>
      %dma_start3A = arith.constant 0 : i32
      %dma_start3A_92 = tpu.memref_slice %arg11[%run_scoped3A_39, %dma_start3A] : memref<8x128xf32, #tpu.memory_space<vmem>> -> memref<1x128xf32, #tpu.memory_space<vmem>>
      %dma_start3A_93 = tpu.memref_squeeze %dma_start3A_92 : memref<1x128xf32, #tpu.memory_space<vmem>> -> memref<128xf32, #tpu.memory_space<vmem>>
      %dma_start3A_94 = tpu.memref_slice %arg7[%add3A_38] : memref<10240xf32, #tpu.memory_space<vmem_shared>> -> memref<128xf32, #tpu.memory_space<vmem_shared>>
      %dma_start3A_95 = tpu.memref_slice %arg7[%add3A_38] : memref<10240xf32, #tpu.memory_space<vmem_shared>> -> memref<128xf32, #tpu.memory_space<vmem_shared>>
      %dma_start3A_96 = arith.constant 0 : i32
      %dma_start3A_97 = tpu.memref_slice %arg11[%run_scoped3A_39, %dma_start3A_96] : memref<8x128xf32, #tpu.memory_space<vmem>> -> memref<1x128xf32, #tpu.memory_space<vmem>>
      %dma_start3A_98 = tpu.memref_squeeze %dma_start3A_97 : memref<1x128xf32, #tpu.memory_space<vmem>> -> memref<128xf32, #tpu.memory_space<vmem>>
      tpu.enqueue_dma source(%dma_start3A_98 : memref<128xf32, #tpu.memory_space<vmem>>) target(%dma_start3A_95 : memref<128xf32, #tpu.memory_space<vmem_shared>>) target_semaphore(%run_scoped3A_91 : memref<!tpu.dma_semaphore, #tpu.memory_space<semaphore_mem>>)
      %dma_wait3A = arith.constant 0 : i32
      %dma_wait3A_99 = tpu.memref_slice %arg11[%run_scoped3A_39, %dma_wait3A] : memref<8x128xf32, #tpu.memory_space<vmem>> -> memref<1x128xf32, #tpu.memory_space<vmem>>
      %dma_wait3A_100 = tpu.memref_squeeze %dma_wait3A_99 : memref<1x128xf32, #tpu.memory_space<vmem>> -> memref<128xf32, #tpu.memory_space<vmem>>
      %dma_wait3A_101 = tpu.memref_slice %arg7[%add3A_38] : memref<10240xf32, #tpu.memory_space<vmem_shared>> -> memref<128xf32, #tpu.memory_space<vmem_shared>>
      %dma_wait3A_102 = tpu.memref_slice %arg7[%add3A_38] : memref<10240xf32, #tpu.memory_space<vmem_shared>> -> memref<128xf32, #tpu.memory_space<vmem_shared>>
      %dma_wait3A_103 = arith.constant 0 : i32
      %dma_wait3A_104 = tpu.memref_slice %arg11[%run_scoped3A_39, %dma_wait3A_103] : memref<8x128xf32, #tpu.memory_space<vmem>> -> memref<1x128xf32, #tpu.memory_space<vmem>>
      %dma_wait3A_105 = tpu.memref_squeeze %dma_wait3A_104 : memref<1x128xf32, #tpu.memory_space<vmem>> -> memref<128xf32, #tpu.memory_space<vmem>>
      tpu.wait_dma2 semaphore(%run_scoped3A_91 : memref<!tpu.dma_semaphore, #tpu.memory_space<semaphore_mem>>) src(%dma_wait3A_105 : memref<128xf32, #tpu.memory_space<vmem>>) dst(%dma_wait3A_102 : memref<128xf32, #tpu.memory_space<vmem_shared>>)
      tpu.yield
    }) : () -> ()
    %mul3A_40 = arith.constant 640 : i32
    %mul3A_41 = arith.muli %arg1, %mul3A_40 : i32
    %add3A_42 = arith.constant 256 : i32
    %add3A_43 = arith.addi %mul3A_41, %add3A_42 : i32
    %run_scoped3A_44 = arith.constant 0 : i32
    "tpu.region"() ({
      %run_scoped3A_91 = tpu.sem_alloc : memref<!tpu.dma_semaphore, #tpu.memory_space<semaphore_mem>>
      %dma_start3A = arith.constant 0 : i32
      %dma_start3A_92 = tpu.memref_slice %arg11[%run_scoped3A_44, %dma_start3A] : memref<8x128xf32, #tpu.memory_space<vmem>> -> memref<1x128xf32, #tpu.memory_space<vmem>>
      %dma_start3A_93 = tpu.memref_squeeze %dma_start3A_92 : memref<1x128xf32, #tpu.memory_space<vmem>> -> memref<128xf32, #tpu.memory_space<vmem>>
      %dma_start3A_94 = tpu.memref_slice %arg8[%add3A_43] : memref<10240xf32, #tpu.memory_space<vmem_shared>> -> memref<128xf32, #tpu.memory_space<vmem_shared>>
      %dma_start3A_95 = tpu.memref_slice %arg8[%add3A_43] : memref<10240xf32, #tpu.memory_space<vmem_shared>> -> memref<128xf32, #tpu.memory_space<vmem_shared>>
      %dma_start3A_96 = arith.constant 0 : i32
      %dma_start3A_97 = tpu.memref_slice %arg11[%run_scoped3A_44, %dma_start3A_96] : memref<8x128xf32, #tpu.memory_space<vmem>> -> memref<1x128xf32, #tpu.memory_space<vmem>>
      %dma_start3A_98 = tpu.memref_squeeze %dma_start3A_97 : memref<1x128xf32, #tpu.memory_space<vmem>> -> memref<128xf32, #tpu.memory_space<vmem>>
      tpu.enqueue_dma source(%dma_start3A_98 : memref<128xf32, #tpu.memory_space<vmem>>) target(%dma_start3A_95 : memref<128xf32, #tpu.memory_space<vmem_shared>>) target_semaphore(%run_scoped3A_91 : memref<!tpu.dma_semaphore, #tpu.memory_space<semaphore_mem>>)
      %dma_wait3A = arith.constant 0 : i32
      %dma_wait3A_99 = tpu.memref_slice %arg11[%run_scoped3A_44, %dma_wait3A] : memref<8x128xf32, #tpu.memory_space<vmem>> -> memref<1x128xf32, #tpu.memory_space<vmem>>
      %dma_wait3A_100 = tpu.memref_squeeze %dma_wait3A_99 : memref<1x128xf32, #tpu.memory_space<vmem>> -> memref<128xf32, #tpu.memory_space<vmem>>
      %dma_wait3A_101 = tpu.memref_slice %arg8[%add3A_43] : memref<10240xf32, #tpu.memory_space<vmem_shared>> -> memref<128xf32, #tpu.memory_space<vmem_shared>>
      %dma_wait3A_102 = tpu.memref_slice %arg8[%add3A_43] : memref<10240xf32, #tpu.memory_space<vmem_shared>> -> memref<128xf32, #tpu.memory_space<vmem_shared>>
      %dma_wait3A_103 = arith.constant 0 : i32
      %dma_wait3A_104 = tpu.memref_slice %arg11[%run_scoped3A_44, %dma_wait3A_103] : memref<8x128xf32, #tpu.memory_space<vmem>> -> memref<1x128xf32, #tpu.memory_space<vmem>>
      %dma_wait3A_105 = tpu.memref_squeeze %dma_wait3A_104 : memref<1x128xf32, #tpu.memory_space<vmem>> -> memref<128xf32, #tpu.memory_space<vmem>>
      tpu.wait_dma2 semaphore(%run_scoped3A_91 : memref<!tpu.dma_semaphore, #tpu.memory_space<semaphore_mem>>) src(%dma_wait3A_105 : memref<128xf32, #tpu.memory_space<vmem>>) dst(%dma_wait3A_102 : memref<128xf32, #tpu.memory_space<vmem_shared>>)
      tpu.yield
    }) : () -> ()
    %mul3A_45 = arith.constant 640 : i32
    %mul3A_46 = arith.muli %arg1, %mul3A_45 : i32
    %add3A_47 = arith.constant 384 : i32
    %add3A_48 = arith.addi %mul3A_46, %add3A_47 : i32
    %run_scoped3A_49 = arith.constant 0 : i32
    "tpu.region"() ({
      %run_scoped3A_91 = tpu.sem_alloc : memref<!tpu.dma_semaphore, #tpu.memory_space<semaphore_mem>>
      %dma_start3A = arith.constant 0 : i32
      %dma_start3A_92 = tpu.memref_slice %arg11[%run_scoped3A_49, %dma_start3A] : memref<8x128xf32, #tpu.memory_space<vmem>> -> memref<1x128xf32, #tpu.memory_space<vmem>>
      %dma_start3A_93 = tpu.memref_squeeze %dma_start3A_92 : memref<1x128xf32, #tpu.memory_space<vmem>> -> memref<128xf32, #tpu.memory_space<vmem>>
      %dma_start3A_94 = tpu.memref_slice %arg7[%add3A_48] : memref<10240xf32, #tpu.memory_space<vmem_shared>> -> memref<128xf32, #tpu.memory_space<vmem_shared>>
      %dma_start3A_95 = tpu.memref_slice %arg7[%add3A_48] : memref<10240xf32, #tpu.memory_space<vmem_shared>> -> memref<128xf32, #tpu.memory_space<vmem_shared>>
      %dma_start3A_96 = arith.constant 0 : i32
      %dma_start3A_97 = tpu.memref_slice %arg11[%run_scoped3A_49, %dma_start3A_96] : memref<8x128xf32, #tpu.memory_space<vmem>> -> memref<1x128xf32, #tpu.memory_space<vmem>>
      %dma_start3A_98 = tpu.memref_squeeze %dma_start3A_97 : memref<1x128xf32, #tpu.memory_space<vmem>> -> memref<128xf32, #tpu.memory_space<vmem>>
      tpu.enqueue_dma source(%dma_start3A_98 : memref<128xf32, #tpu.memory_space<vmem>>) target(%dma_start3A_95 : memref<128xf32, #tpu.memory_space<vmem_shared>>) target_semaphore(%run_scoped3A_91 : memref<!tpu.dma_semaphore, #tpu.memory_space<semaphore_mem>>)
      %dma_wait3A = arith.constant 0 : i32
      %dma_wait3A_99 = tpu.memref_slice %arg11[%run_scoped3A_49, %dma_wait3A] : memref<8x128xf32, #tpu.memory_space<vmem>> -> memref<1x128xf32, #tpu.memory_space<vmem>>
      %dma_wait3A_100 = tpu.memref_squeeze %dma_wait3A_99 : memref<1x128xf32, #tpu.memory_space<vmem>> -> memref<128xf32, #tpu.memory_space<vmem>>
      %dma_wait3A_101 = tpu.memref_slice %arg7[%add3A_48] : memref<10240xf32, #tpu.memory_space<vmem_shared>> -> memref<128xf32, #tpu.memory_space<vmem_shared>>
      %dma_wait3A_102 = tpu.memref_slice %arg7[%add3A_48] : memref<10240xf32, #tpu.memory_space<vmem_shared>> -> memref<128xf32, #tpu.memory_space<vmem_shared>>
      %dma_wait3A_103 = arith.constant 0 : i32
      %dma_wait3A_104 = tpu.memref_slice %arg11[%run_scoped3A_49, %dma_wait3A_103] : memref<8x128xf32, #tpu.memory_space<vmem>> -> memref<1x128xf32, #tpu.memory_space<vmem>>
      %dma_wait3A_105 = tpu.memref_squeeze %dma_wait3A_104 : memref<1x128xf32, #tpu.memory_space<vmem>> -> memref<128xf32, #tpu.memory_space<vmem>>
      tpu.wait_dma2 semaphore(%run_scoped3A_91 : memref<!tpu.dma_semaphore, #tpu.memory_space<semaphore_mem>>) src(%dma_wait3A_105 : memref<128xf32, #tpu.memory_space<vmem>>) dst(%dma_wait3A_102 : memref<128xf32, #tpu.memory_space<vmem_shared>>)
      tpu.yield
    }) : () -> ()
    %mul3A_50 = arith.constant 640 : i32
    %mul3A_51 = arith.muli %arg1, %mul3A_50 : i32
    %add3A_52 = arith.constant 384 : i32
    %add3A_53 = arith.addi %mul3A_51, %add3A_52 : i32
    %run_scoped3A_54 = arith.constant 0 : i32
    "tpu.region"() ({
      %run_scoped3A_91 = tpu.sem_alloc : memref<!tpu.dma_semaphore, #tpu.memory_space<semaphore_mem>>
      %dma_start3A = arith.constant 0 : i32
      %dma_start3A_92 = tpu.memref_slice %arg11[%run_scoped3A_54, %dma_start3A] : memref<8x128xf32, #tpu.memory_space<vmem>> -> memref<1x128xf32, #tpu.memory_space<vmem>>
      %dma_start3A_93 = tpu.memref_squeeze %dma_start3A_92 : memref<1x128xf32, #tpu.memory_space<vmem>> -> memref<128xf32, #tpu.memory_space<vmem>>
      %dma_start3A_94 = tpu.memref_slice %arg8[%add3A_53] : memref<10240xf32, #tpu.memory_space<vmem_shared>> -> memref<128xf32, #tpu.memory_space<vmem_shared>>
      %dma_start3A_95 = tpu.memref_slice %arg8[%add3A_53] : memref<10240xf32, #tpu.memory_space<vmem_shared>> -> memref<128xf32, #tpu.memory_space<vmem_shared>>
      %dma_start3A_96 = arith.constant 0 : i32
      %dma_start3A_97 = tpu.memref_slice %arg11[%run_scoped3A_54, %dma_start3A_96] : memref<8x128xf32, #tpu.memory_space<vmem>> -> memref<1x128xf32, #tpu.memory_space<vmem>>
      %dma_start3A_98 = tpu.memref_squeeze %dma_start3A_97 : memref<1x128xf32, #tpu.memory_space<vmem>> -> memref<128xf32, #tpu.memory_space<vmem>>
      tpu.enqueue_dma source(%dma_start3A_98 : memref<128xf32, #tpu.memory_space<vmem>>) target(%dma_start3A_95 : memref<128xf32, #tpu.memory_space<vmem_shared>>) target_semaphore(%run_scoped3A_91 : memref<!tpu.dma_semaphore, #tpu.memory_space<semaphore_mem>>)
      %dma_wait3A = arith.constant 0 : i32
      %dma_wait3A_99 = tpu.memref_slice %arg11[%run_scoped3A_54, %dma_wait3A] : memref<8x128xf32, #tpu.memory_space<vmem>> -> memref<1x128xf32, #tpu.memory_space<vmem>>
      %dma_wait3A_100 = tpu.memref_squeeze %dma_wait3A_99 : memref<1x128xf32, #tpu.memory_space<vmem>> -> memref<128xf32, #tpu.memory_space<vmem>>
      %dma_wait3A_101 = tpu.memref_slice %arg8[%add3A_53] : memref<10240xf32, #tpu.memory_space<vmem_shared>> -> memref<128xf32, #tpu.memory_space<vmem_shared>>
      %dma_wait3A_102 = tpu.memref_slice %arg8[%add3A_53] : memref<10240xf32, #tpu.memory_space<vmem_shared>> -> memref<128xf32, #tpu.memory_space<vmem_shared>>
      %dma_wait3A_103 = arith.constant 0 : i32
      %dma_wait3A_104 = tpu.memref_slice %arg11[%run_scoped3A_54, %dma_wait3A_103] : memref<8x128xf32, #tpu.memory_space<vmem>> -> memref<1x128xf32, #tpu.memory_space<vmem>>
      %dma_wait3A_105 = tpu.memref_squeeze %dma_wait3A_104 : memref<1x128xf32, #tpu.memory_space<vmem>> -> memref<128xf32, #tpu.memory_space<vmem>>
      tpu.wait_dma2 semaphore(%run_scoped3A_91 : memref<!tpu.dma_semaphore, #tpu.memory_space<semaphore_mem>>) src(%dma_wait3A_105 : memref<128xf32, #tpu.memory_space<vmem>>) dst(%dma_wait3A_102 : memref<128xf32, #tpu.memory_space<vmem_shared>>)
      tpu.yield
    }) : () -> ()
    %mul3A_55 = arith.constant 640 : i32
    %mul3A_56 = arith.muli %arg1, %mul3A_55 : i32
    %add3A_57 = arith.constant 512 : i32
    %add3A_58 = arith.addi %mul3A_56, %add3A_57 : i32
    %run_scoped3A_59 = arith.constant 0 : i32
    "tpu.region"() ({
      %run_scoped3A_91 = tpu.sem_alloc : memref<!tpu.dma_semaphore, #tpu.memory_space<semaphore_mem>>
      %dma_start3A = arith.constant 0 : i32
      %dma_start3A_92 = tpu.memref_slice %arg11[%run_scoped3A_59, %dma_start3A] : memref<8x128xf32, #tpu.memory_space<vmem>> -> memref<1x128xf32, #tpu.memory_space<vmem>>
      %dma_start3A_93 = tpu.memref_squeeze %dma_start3A_92 : memref<1x128xf32, #tpu.memory_space<vmem>> -> memref<128xf32, #tpu.memory_space<vmem>>
      %dma_start3A_94 = tpu.memref_slice %arg7[%add3A_58] : memref<10240xf32, #tpu.memory_space<vmem_shared>> -> memref<128xf32, #tpu.memory_space<vmem_shared>>
      %dma_start3A_95 = tpu.memref_slice %arg7[%add3A_58] : memref<10240xf32, #tpu.memory_space<vmem_shared>> -> memref<128xf32, #tpu.memory_space<vmem_shared>>
      %dma_start3A_96 = arith.constant 0 : i32
      %dma_start3A_97 = tpu.memref_slice %arg11[%run_scoped3A_59, %dma_start3A_96] : memref<8x128xf32, #tpu.memory_space<vmem>> -> memref<1x128xf32, #tpu.memory_space<vmem>>
      %dma_start3A_98 = tpu.memref_squeeze %dma_start3A_97 : memref<1x128xf32, #tpu.memory_space<vmem>> -> memref<128xf32, #tpu.memory_space<vmem>>
      tpu.enqueue_dma source(%dma_start3A_98 : memref<128xf32, #tpu.memory_space<vmem>>) target(%dma_start3A_95 : memref<128xf32, #tpu.memory_space<vmem_shared>>) target_semaphore(%run_scoped3A_91 : memref<!tpu.dma_semaphore, #tpu.memory_space<semaphore_mem>>)
      %dma_wait3A = arith.constant 0 : i32
      %dma_wait3A_99 = tpu.memref_slice %arg11[%run_scoped3A_59, %dma_wait3A] : memref<8x128xf32, #tpu.memory_space<vmem>> -> memref<1x128xf32, #tpu.memory_space<vmem>>
      %dma_wait3A_100 = tpu.memref_squeeze %dma_wait3A_99 : memref<1x128xf32, #tpu.memory_space<vmem>> -> memref<128xf32, #tpu.memory_space<vmem>>
      %dma_wait3A_101 = tpu.memref_slice %arg7[%add3A_58] : memref<10240xf32, #tpu.memory_space<vmem_shared>> -> memref<128xf32, #tpu.memory_space<vmem_shared>>
      %dma_wait3A_102 = tpu.memref_slice %arg7[%add3A_58] : memref<10240xf32, #tpu.memory_space<vmem_shared>> -> memref<128xf32, #tpu.memory_space<vmem_shared>>
      %dma_wait3A_103 = arith.constant 0 : i32
      %dma_wait3A_104 = tpu.memref_slice %arg11[%run_scoped3A_59, %dma_wait3A_103] : memref<8x128xf32, #tpu.memory_space<vmem>> -> memref<1x128xf32, #tpu.memory_space<vmem>>
      %dma_wait3A_105 = tpu.memref_squeeze %dma_wait3A_104 : memref<1x128xf32, #tpu.memory_space<vmem>> -> memref<128xf32, #tpu.memory_space<vmem>>
      tpu.wait_dma2 semaphore(%run_scoped3A_91 : memref<!tpu.dma_semaphore, #tpu.memory_space<semaphore_mem>>) src(%dma_wait3A_105 : memref<128xf32, #tpu.memory_space<vmem>>) dst(%dma_wait3A_102 : memref<128xf32, #tpu.memory_space<vmem_shared>>)
      tpu.yield
    }) : () -> ()
    %mul3A_60 = arith.constant 640 : i32
    %mul3A_61 = arith.muli %arg1, %mul3A_60 : i32
    %add3A_62 = arith.constant 512 : i32
    %add3A_63 = arith.addi %mul3A_61, %add3A_62 : i32
    %run_scoped3A_64 = arith.constant 0 : i32
    "tpu.region"() ({
      %run_scoped3A_91 = tpu.sem_alloc : memref<!tpu.dma_semaphore, #tpu.memory_space<semaphore_mem>>
      %dma_start3A = arith.constant 0 : i32
      %dma_start3A_92 = tpu.memref_slice %arg11[%run_scoped3A_64, %dma_start3A] : memref<8x128xf32, #tpu.memory_space<vmem>> -> memref<1x128xf32, #tpu.memory_space<vmem>>
      %dma_start3A_93 = tpu.memref_squeeze %dma_start3A_92 : memref<1x128xf32, #tpu.memory_space<vmem>> -> memref<128xf32, #tpu.memory_space<vmem>>
      %dma_start3A_94 = tpu.memref_slice %arg8[%add3A_63] : memref<10240xf32, #tpu.memory_space<vmem_shared>> -> memref<128xf32, #tpu.memory_space<vmem_shared>>
      %dma_start3A_95 = tpu.memref_slice %arg8[%add3A_63] : memref<10240xf32, #tpu.memory_space<vmem_shared>> -> memref<128xf32, #tpu.memory_space<vmem_shared>>
      %dma_start3A_96 = arith.constant 0 : i32
      %dma_start3A_97 = tpu.memref_slice %arg11[%run_scoped3A_64, %dma_start3A_96] : memref<8x128xf32, #tpu.memory_space<vmem>> -> memref<1x128xf32, #tpu.memory_space<vmem>>
      %dma_start3A_98 = tpu.memref_squeeze %dma_start3A_97 : memref<1x128xf32, #tpu.memory_space<vmem>> -> memref<128xf32, #tpu.memory_space<vmem>>
      tpu.enqueue_dma source(%dma_start3A_98 : memref<128xf32, #tpu.memory_space<vmem>>) target(%dma_start3A_95 : memref<128xf32, #tpu.memory_space<vmem_shared>>) target_semaphore(%run_scoped3A_91 : memref<!tpu.dma_semaphore, #tpu.memory_space<semaphore_mem>>)
      %dma_wait3A = arith.constant 0 : i32
      %dma_wait3A_99 = tpu.memref_slice %arg11[%run_scoped3A_64, %dma_wait3A] : memref<8x128xf32, #tpu.memory_space<vmem>> -> memref<1x128xf32, #tpu.memory_space<vmem>>
      %dma_wait3A_100 = tpu.memref_squeeze %dma_wait3A_99 : memref<1x128xf32, #tpu.memory_space<vmem>> -> memref<128xf32, #tpu.memory_space<vmem>>
      %dma_wait3A_101 = tpu.memref_slice %arg8[%add3A_63] : memref<10240xf32, #tpu.memory_space<vmem_shared>> -> memref<128xf32, #tpu.memory_space<vmem_shared>>
      %dma_wait3A_102 = tpu.memref_slice %arg8[%add3A_63] : memref<10240xf32, #tpu.memory_space<vmem_shared>> -> memref<128xf32, #tpu.memory_space<vmem_shared>>
      %dma_wait3A_103 = arith.constant 0 : i32
      %dma_wait3A_104 = tpu.memref_slice %arg11[%run_scoped3A_64, %dma_wait3A_103] : memref<8x128xf32, #tpu.memory_space<vmem>> -> memref<1x128xf32, #tpu.memory_space<vmem>>
      %dma_wait3A_105 = tpu.memref_squeeze %dma_wait3A_104 : memref<1x128xf32, #tpu.memory_space<vmem>> -> memref<128xf32, #tpu.memory_space<vmem>>
      tpu.wait_dma2 semaphore(%run_scoped3A_91 : memref<!tpu.dma_semaphore, #tpu.memory_space<semaphore_mem>>) src(%dma_wait3A_105 : memref<128xf32, #tpu.memory_space<vmem>>) dst(%dma_wait3A_102 : memref<128xf32, #tpu.memory_space<vmem_shared>>)
      tpu.yield
    }) : () -> ()
    %barrier3A = arith.constant 0 : index
    tpu.barrier barrier_id(%barrier3A)
    %while3A = arith.constant 0 : i32
    %while3A_65 = arith.constant 0 : i32
    %while3A_66 = arith.subi %select_n3A_2, %while3A_65 : i32
    %while3A_67 = arith.addi %while3A_65, %while3A_66 : i32
    %while3A_68 = arith.constant 1 : i32
    %while3A_69 = arith.divsi %while3A_66, %while3A_68 : i32
    %while3A_70 = arith.muli %while3A_69, %while3A_68 : i32
    %while3A_71 = arith.addi %while3A_65, %while3A_70 : i32
    %while3A_72 = arith.constant 1 : i32
    scf.for %while3A_91 = %while3A_65 to %while3A_71 step %while3A_72  : i32 {
      %mul3A_92 = arith.constant 8 : i32
      %mul3A_93 = arith.muli %while3A_91, %mul3A_92 : i32
      %add3A_94 = arith.addi %select_n3A_9, %mul3A_93 : i32
      "tpu.region"() ({
        %run_scoped3A_733 = tpu.sem_alloc : memref<!tpu.dma_semaphore, #tpu.memory_space<semaphore_mem>>
        %dma_start3A_734 = arith.constant 0 : i32
        %dma_start3A_735 = tpu.memref_slice %arg4[%add3A_94, %dma_start3A_734] : memref<2560x128xi32, #tpu.memory_space<hbm>> -> memref<8x128xi32, #tpu.memory_space<hbm>>
        %dma_start3A_736 = arith.constant 0 : i32
        %dma_start3A_737 = tpu.memref_slice %arg4[%add3A_94, %dma_start3A_736] : memref<2560x128xi32, #tpu.memory_space<hbm>> -> memref<8x128xi32, #tpu.memory_space<hbm>>
        tpu.enqueue_dma source(%dma_start3A_737 : memref<8x128xi32, #tpu.memory_space<hbm>>) target(%arg9 : memref<8x128xi32, #tpu.memory_space<vmem>>) target_semaphore(%run_scoped3A_733 : memref<!tpu.dma_semaphore, #tpu.memory_space<semaphore_mem>>)
        %dma_wait3A_738 = arith.constant 0 : i32
        %dma_wait3A_739 = tpu.memref_slice %arg4[%add3A_94, %dma_wait3A_738] : memref<2560x128xi32, #tpu.memory_space<hbm>> -> memref<8x128xi32, #tpu.memory_space<hbm>>
        %dma_wait3A_740 = arith.constant 0 : i32
        %dma_wait3A_741 = tpu.memref_slice %arg4[%add3A_94, %dma_wait3A_740] : memref<2560x128xi32, #tpu.memory_space<hbm>> -> memref<8x128xi32, #tpu.memory_space<hbm>>
        tpu.wait_dma2 semaphore(%run_scoped3A_733 : memref<!tpu.dma_semaphore, #tpu.memory_space<semaphore_mem>>) src(%dma_wait3A_741 : memref<8x128xi32, #tpu.memory_space<hbm>>) dst(%arg9 : memref<8x128xi32, #tpu.memory_space<vmem>>)
        tpu.yield
      }) : () -> ()
      "tpu.region"() ({
        %run_scoped3A_733 = tpu.sem_alloc : memref<!tpu.dma_semaphore, #tpu.memory_space<semaphore_mem>>
        %dma_start3A_734 = arith.constant 0 : i32
        %dma_start3A_735 = tpu.memref_slice %arg5[%add3A_94, %dma_start3A_734] : memref<2560x128xi32, #tpu.memory_space<hbm>> -> memref<8x128xi32, #tpu.memory_space<hbm>>
        %dma_start3A_736 = arith.constant 0 : i32
        %dma_start3A_737 = tpu.memref_slice %arg5[%add3A_94, %dma_start3A_736] : memref<2560x128xi32, #tpu.memory_space<hbm>> -> memref<8x128xi32, #tpu.memory_space<hbm>>
        tpu.enqueue_dma source(%dma_start3A_737 : memref<8x128xi32, #tpu.memory_space<hbm>>) target(%arg10 : memref<8x128xi32, #tpu.memory_space<vmem>>) target_semaphore(%run_scoped3A_733 : memref<!tpu.dma_semaphore, #tpu.memory_space<semaphore_mem>>)
        %dma_wait3A_738 = arith.constant 0 : i32
        %dma_wait3A_739 = tpu.memref_slice %arg5[%add3A_94, %dma_wait3A_738] : memref<2560x128xi32, #tpu.memory_space<hbm>> -> memref<8x128xi32, #tpu.memory_space<hbm>>
        %dma_wait3A_740 = arith.constant 0 : i32
        %dma_wait3A_741 = tpu.memref_slice %arg5[%add3A_94, %dma_wait3A_740] : memref<2560x128xi32, #tpu.memory_space<hbm>> -> memref<8x128xi32, #tpu.memory_space<hbm>>
        tpu.wait_dma2 semaphore(%run_scoped3A_733 : memref<!tpu.dma_semaphore, #tpu.memory_space<semaphore_mem>>) src(%dma_wait3A_741 : memref<8x128xi32, #tpu.memory_space<hbm>>) dst(%arg10 : memref<8x128xi32, #tpu.memory_space<vmem>>)
        tpu.yield
      }) : () -> ()
      %dma_start3A = arith.constant 0 : i32
      %dma_start3A_95 = arith.constant 0 : i32
      %dma_start3A_96 = arith.constant 0 : i32
      %dma_start3A_97 = tpu.memref_slice %arg11[%dma_start3A_95, %dma_start3A_96] : memref<8x128xf32, #tpu.memory_space<vmem>> -> memref<1x128xf32, #tpu.memory_space<vmem>>
      %dma_start3A_98 = tpu.memref_squeeze %dma_start3A_97 : memref<1x128xf32, #tpu.memory_space<vmem>> -> memref<128xf32, #tpu.memory_space<vmem>>
      %dma_start3A_99 = arith.constant 0 : i32
      %dma_start3A_100 = tpu.memref_slice %arg9[%dma_start3A, %dma_start3A_99] : memref<8x128xi32, #tpu.memory_space<vmem>> -> memref<1x128xi32, #tpu.memory_space<vmem>>
      %dma_start3A_101 = tpu.memref_squeeze %dma_start3A_100 : memref<1x128xi32, #tpu.memory_space<vmem>> -> memref<128xi32, #tpu.memory_space<vmem>>
      %dma_start3A_102 = arith.constant 0 : i32
      %dma_start3A_103 = tpu.memref_slice %arg2[%dma_start3A_102] : memref<10000xf32, #tpu.memory_space<hbm>> -> memref<10000xf32, #tpu.memory_space<hbm>>
      tpu.enqueue_indirect_dma source(%dma_start3A_103 : memref<10000xf32, #tpu.memory_space<hbm>>) target(%dma_start3A_98 : memref<128xf32, #tpu.memory_space<vmem>>) offsets(%dma_start3A_101 : memref<128xi32, #tpu.memory_space<vmem>>) semaphore(%arg13 : memref<!tpu.dma_semaphore, #tpu.memory_space<semaphore_mem>>)
      %dma_start3A_104 = arith.constant 0 : i32
      %dma_start3A_105 = arith.constant 0 : i32
      %dma_start3A_106 = arith.constant 0 : i32
      %dma_start3A_107 = tpu.memref_slice %arg12[%dma_start3A_105, %dma_start3A_106] : memref<8x128xf32, #tpu.memory_space<vmem>> -> memref<1x128xf32, #tpu.memory_space<vmem>>
      %dma_start3A_108 = tpu.memref_squeeze %dma_start3A_107 : memref<1x128xf32, #tpu.memory_space<vmem>> -> memref<128xf32, #tpu.memory_space<vmem>>
      %dma_start3A_109 = arith.constant 0 : i32
      %dma_start3A_110 = tpu.memref_slice %arg9[%dma_start3A_104, %dma_start3A_109] : memref<8x128xi32, #tpu.memory_space<vmem>> -> memref<1x128xi32, #tpu.memory_space<vmem>>
      %dma_start3A_111 = tpu.memref_squeeze %dma_start3A_110 : memref<1x128xi32, #tpu.memory_space<vmem>> -> memref<128xi32, #tpu.memory_space<vmem>>
      %dma_start3A_112 = arith.constant 0 : i32
      %dma_start3A_113 = tpu.memref_slice %arg3[%dma_start3A_112] : memref<10000xf32, #tpu.memory_space<hbm>> -> memref<10000xf32, #tpu.memory_space<hbm>>
      tpu.enqueue_indirect_dma source(%dma_start3A_113 : memref<10000xf32, #tpu.memory_space<hbm>>) target(%dma_start3A_108 : memref<128xf32, #tpu.memory_space<vmem>>) offsets(%dma_start3A_111 : memref<128xi32, #tpu.memory_space<vmem>>) semaphore(%arg13 : memref<!tpu.dma_semaphore, #tpu.memory_space<semaphore_mem>>)
      %dma_start3A_114 = arith.constant 1 : i32
      %dma_start3A_115 = arith.constant 1 : i32
      %dma_start3A_116 = arith.constant 0 : i32
      %dma_start3A_117 = tpu.memref_slice %arg11[%dma_start3A_115, %dma_start3A_116] : memref<8x128xf32, #tpu.memory_space<vmem>> -> memref<1x128xf32, #tpu.memory_space<vmem>>
      %dma_start3A_118 = tpu.memref_squeeze %dma_start3A_117 : memref<1x128xf32, #tpu.memory_space<vmem>> -> memref<128xf32, #tpu.memory_space<vmem>>
      %dma_start3A_119 = arith.constant 0 : i32
      %dma_start3A_120 = tpu.memref_slice %arg9[%dma_start3A_114, %dma_start3A_119] : memref<8x128xi32, #tpu.memory_space<vmem>> -> memref<1x128xi32, #tpu.memory_space<vmem>>
      %dma_start3A_121 = tpu.memref_squeeze %dma_start3A_120 : memref<1x128xi32, #tpu.memory_space<vmem>> -> memref<128xi32, #tpu.memory_space<vmem>>
      %dma_start3A_122 = arith.constant 0 : i32
      %dma_start3A_123 = tpu.memref_slice %arg2[%dma_start3A_122] : memref<10000xf32, #tpu.memory_space<hbm>> -> memref<10000xf32, #tpu.memory_space<hbm>>
      tpu.enqueue_indirect_dma source(%dma_start3A_123 : memref<10000xf32, #tpu.memory_space<hbm>>) target(%dma_start3A_118 : memref<128xf32, #tpu.memory_space<vmem>>) offsets(%dma_start3A_121 : memref<128xi32, #tpu.memory_space<vmem>>) semaphore(%arg13 : memref<!tpu.dma_semaphore, #tpu.memory_space<semaphore_mem>>)
      %dma_start3A_124 = arith.constant 1 : i32
      %dma_start3A_125 = arith.constant 1 : i32
      %dma_start3A_126 = arith.constant 0 : i32
      %dma_start3A_127 = tpu.memref_slice %arg12[%dma_start3A_125, %dma_start3A_126] : memref<8x128xf32, #tpu.memory_space<vmem>> -> memref<1x128xf32, #tpu.memory_space<vmem>>
      %dma_start3A_128 = tpu.memref_squeeze %dma_start3A_127 : memref<1x128xf32, #tpu.memory_space<vmem>> -> memref<128xf32, #tpu.memory_space<vmem>>
      %dma_start3A_129 = arith.constant 0 : i32
      %dma_start3A_130 = tpu.memref_slice %arg9[%dma_start3A_124, %dma_start3A_129] : memref<8x128xi32, #tpu.memory_space<vmem>> -> memref<1x128xi32, #tpu.memory_space<vmem>>
      %dma_start3A_131 = tpu.memref_squeeze %dma_start3A_130 : memref<1x128xi32, #tpu.memory_space<vmem>> -> memref<128xi32, #tpu.memory_space<vmem>>
      %dma_start3A_132 = arith.constant 0 : i32
      %dma_start3A_133 = tpu.memref_slice %arg3[%dma_start3A_132] : memref<10000xf32, #tpu.memory_space<hbm>> -> memref<10000xf32, #tpu.memory_space<hbm>>
      tpu.enqueue_indirect_dma source(%dma_start3A_133 : memref<10000xf32, #tpu.memory_space<hbm>>) target(%dma_start3A_128 : memref<128xf32, #tpu.memory_space<vmem>>) offsets(%dma_start3A_131 : memref<128xi32, #tpu.memory_space<vmem>>) semaphore(%arg13 : memref<!tpu.dma_semaphore, #tpu.memory_space<semaphore_mem>>)
      %dma_start3A_134 = arith.constant 2 : i32
      %dma_start3A_135 = arith.constant 2 : i32
      %dma_start3A_136 = arith.constant 0 : i32
      %dma_start3A_137 = tpu.memref_slice %arg11[%dma_start3A_135, %dma_start3A_136] : memref<8x128xf32, #tpu.memory_space<vmem>> -> memref<1x128xf32, #tpu.memory_space<vmem>>
      %dma_start3A_138 = tpu.memref_squeeze %dma_start3A_137 : memref<1x128xf32, #tpu.memory_space<vmem>> -> memref<128xf32, #tpu.memory_space<vmem>>
      %dma_start3A_139 = arith.constant 0 : i32
      %dma_start3A_140 = tpu.memref_slice %arg9[%dma_start3A_134, %dma_start3A_139] : memref<8x128xi32, #tpu.memory_space<vmem>> -> memref<1x128xi32, #tpu.memory_space<vmem>>
      %dma_start3A_141 = tpu.memref_squeeze %dma_start3A_140 : memref<1x128xi32, #tpu.memory_space<vmem>> -> memref<128xi32, #tpu.memory_space<vmem>>
      %dma_start3A_142 = arith.constant 0 : i32
      %dma_start3A_143 = tpu.memref_slice %arg2[%dma_start3A_142] : memref<10000xf32, #tpu.memory_space<hbm>> -> memref<10000xf32, #tpu.memory_space<hbm>>
      tpu.enqueue_indirect_dma source(%dma_start3A_143 : memref<10000xf32, #tpu.memory_space<hbm>>) target(%dma_start3A_138 : memref<128xf32, #tpu.memory_space<vmem>>) offsets(%dma_start3A_141 : memref<128xi32, #tpu.memory_space<vmem>>) semaphore(%arg13 : memref<!tpu.dma_semaphore, #tpu.memory_space<semaphore_mem>>)
      %dma_start3A_144 = arith.constant 2 : i32
      %dma_start3A_145 = arith.constant 2 : i32
      %dma_start3A_146 = arith.constant 0 : i32
      %dma_start3A_147 = tpu.memref_slice %arg12[%dma_start3A_145, %dma_start3A_146] : memref<8x128xf32, #tpu.memory_space<vmem>> -> memref<1x128xf32, #tpu.memory_space<vmem>>
      %dma_start3A_148 = tpu.memref_squeeze %dma_start3A_147 : memref<1x128xf32, #tpu.memory_space<vmem>> -> memref<128xf32, #tpu.memory_space<vmem>>
      %dma_start3A_149 = arith.constant 0 : i32
      %dma_start3A_150 = tpu.memref_slice %arg9[%dma_start3A_144, %dma_start3A_149] : memref<8x128xi32, #tpu.memory_space<vmem>> -> memref<1x128xi32, #tpu.memory_space<vmem>>
      %dma_start3A_151 = tpu.memref_squeeze %dma_start3A_150 : memref<1x128xi32, #tpu.memory_space<vmem>> -> memref<128xi32, #tpu.memory_space<vmem>>
      %dma_start3A_152 = arith.constant 0 : i32
      %dma_start3A_153 = tpu.memref_slice %arg3[%dma_start3A_152] : memref<10000xf32, #tpu.memory_space<hbm>> -> memref<10000xf32, #tpu.memory_space<hbm>>
      tpu.enqueue_indirect_dma source(%dma_start3A_153 : memref<10000xf32, #tpu.memory_space<hbm>>) target(%dma_start3A_148 : memref<128xf32, #tpu.memory_space<vmem>>) offsets(%dma_start3A_151 : memref<128xi32, #tpu.memory_space<vmem>>) semaphore(%arg13 : memref<!tpu.dma_semaphore, #tpu.memory_space<semaphore_mem>>)
      %dma_start3A_154 = arith.constant 3 : i32
      %dma_start3A_155 = arith.constant 3 : i32
      %dma_start3A_156 = arith.constant 0 : i32
      %dma_start3A_157 = tpu.memref_slice %arg11[%dma_start3A_155, %dma_start3A_156] : memref<8x128xf32, #tpu.memory_space<vmem>> -> memref<1x128xf32, #tpu.memory_space<vmem>>
      %dma_start3A_158 = tpu.memref_squeeze %dma_start3A_157 : memref<1x128xf32, #tpu.memory_space<vmem>> -> memref<128xf32, #tpu.memory_space<vmem>>
      %dma_start3A_159 = arith.constant 0 : i32
      %dma_start3A_160 = tpu.memref_slice %arg9[%dma_start3A_154, %dma_start3A_159] : memref<8x128xi32, #tpu.memory_space<vmem>> -> memref<1x128xi32, #tpu.memory_space<vmem>>
      %dma_start3A_161 = tpu.memref_squeeze %dma_start3A_160 : memref<1x128xi32, #tpu.memory_space<vmem>> -> memref<128xi32, #tpu.memory_space<vmem>>
      %dma_start3A_162 = arith.constant 0 : i32
      %dma_start3A_163 = tpu.memref_slice %arg2[%dma_start3A_162] : memref<10000xf32, #tpu.memory_space<hbm>> -> memref<10000xf32, #tpu.memory_space<hbm>>
      tpu.enqueue_indirect_dma source(%dma_start3A_163 : memref<10000xf32, #tpu.memory_space<hbm>>) target(%dma_start3A_158 : memref<128xf32, #tpu.memory_space<vmem>>) offsets(%dma_start3A_161 : memref<128xi32, #tpu.memory_space<vmem>>) semaphore(%arg13 : memref<!tpu.dma_semaphore, #tpu.memory_space<semaphore_mem>>)
      %dma_start3A_164 = arith.constant 3 : i32
      %dma_start3A_165 = arith.constant 3 : i32
      %dma_start3A_166 = arith.constant 0 : i32
      %dma_start3A_167 = tpu.memref_slice %arg12[%dma_start3A_165, %dma_start3A_166] : memref<8x128xf32, #tpu.memory_space<vmem>> -> memref<1x128xf32, #tpu.memory_space<vmem>>
      %dma_start3A_168 = tpu.memref_squeeze %dma_start3A_167 : memref<1x128xf32, #tpu.memory_space<vmem>> -> memref<128xf32, #tpu.memory_space<vmem>>
      %dma_start3A_169 = arith.constant 0 : i32
      %dma_start3A_170 = tpu.memref_slice %arg9[%dma_start3A_164, %dma_start3A_169] : memref<8x128xi32, #tpu.memory_space<vmem>> -> memref<1x128xi32, #tpu.memory_space<vmem>>
      %dma_start3A_171 = tpu.memref_squeeze %dma_start3A_170 : memref<1x128xi32, #tpu.memory_space<vmem>> -> memref<128xi32, #tpu.memory_space<vmem>>
      %dma_start3A_172 = arith.constant 0 : i32
      %dma_start3A_173 = tpu.memref_slice %arg3[%dma_start3A_172] : memref<10000xf32, #tpu.memory_space<hbm>> -> memref<10000xf32, #tpu.memory_space<hbm>>
      tpu.enqueue_indirect_dma source(%dma_start3A_173 : memref<10000xf32, #tpu.memory_space<hbm>>) target(%dma_start3A_168 : memref<128xf32, #tpu.memory_space<vmem>>) offsets(%dma_start3A_171 : memref<128xi32, #tpu.memory_space<vmem>>) semaphore(%arg13 : memref<!tpu.dma_semaphore, #tpu.memory_space<semaphore_mem>>)
      %dma_start3A_174 = arith.constant 4 : i32
      %dma_start3A_175 = arith.constant 4 : i32
      %dma_start3A_176 = arith.constant 0 : i32
      %dma_start3A_177 = tpu.memref_slice %arg11[%dma_start3A_175, %dma_start3A_176] : memref<8x128xf32, #tpu.memory_space<vmem>> -> memref<1x128xf32, #tpu.memory_space<vmem>>
      %dma_start3A_178 = tpu.memref_squeeze %dma_start3A_177 : memref<1x128xf32, #tpu.memory_space<vmem>> -> memref<128xf32, #tpu.memory_space<vmem>>
      %dma_start3A_179 = arith.constant 0 : i32
      %dma_start3A_180 = tpu.memref_slice %arg9[%dma_start3A_174, %dma_start3A_179] : memref<8x128xi32, #tpu.memory_space<vmem>> -> memref<1x128xi32, #tpu.memory_space<vmem>>
      %dma_start3A_181 = tpu.memref_squeeze %dma_start3A_180 : memref<1x128xi32, #tpu.memory_space<vmem>> -> memref<128xi32, #tpu.memory_space<vmem>>
      %dma_start3A_182 = arith.constant 0 : i32
      %dma_start3A_183 = tpu.memref_slice %arg2[%dma_start3A_182] : memref<10000xf32, #tpu.memory_space<hbm>> -> memref<10000xf32, #tpu.memory_space<hbm>>
      tpu.enqueue_indirect_dma source(%dma_start3A_183 : memref<10000xf32, #tpu.memory_space<hbm>>) target(%dma_start3A_178 : memref<128xf32, #tpu.memory_space<vmem>>) offsets(%dma_start3A_181 : memref<128xi32, #tpu.memory_space<vmem>>) semaphore(%arg13 : memref<!tpu.dma_semaphore, #tpu.memory_space<semaphore_mem>>)
      %dma_start3A_184 = arith.constant 4 : i32
      %dma_start3A_185 = arith.constant 4 : i32
      %dma_start3A_186 = arith.constant 0 : i32
      %dma_start3A_187 = tpu.memref_slice %arg12[%dma_start3A_185, %dma_start3A_186] : memref<8x128xf32, #tpu.memory_space<vmem>> -> memref<1x128xf32, #tpu.memory_space<vmem>>
      %dma_start3A_188 = tpu.memref_squeeze %dma_start3A_187 : memref<1x128xf32, #tpu.memory_space<vmem>> -> memref<128xf32, #tpu.memory_space<vmem>>
      %dma_start3A_189 = arith.constant 0 : i32
      %dma_start3A_190 = tpu.memref_slice %arg9[%dma_start3A_184, %dma_start3A_189] : memref<8x128xi32, #tpu.memory_space<vmem>> -> memref<1x128xi32, #tpu.memory_space<vmem>>
      %dma_start3A_191 = tpu.memref_squeeze %dma_start3A_190 : memref<1x128xi32, #tpu.memory_space<vmem>> -> memref<128xi32, #tpu.memory_space<vmem>>
      %dma_start3A_192 = arith.constant 0 : i32
      %dma_start3A_193 = tpu.memref_slice %arg3[%dma_start3A_192] : memref<10000xf32, #tpu.memory_space<hbm>> -> memref<10000xf32, #tpu.memory_space<hbm>>
      tpu.enqueue_indirect_dma source(%dma_start3A_193 : memref<10000xf32, #tpu.memory_space<hbm>>) target(%dma_start3A_188 : memref<128xf32, #tpu.memory_space<vmem>>) offsets(%dma_start3A_191 : memref<128xi32, #tpu.memory_space<vmem>>) semaphore(%arg13 : memref<!tpu.dma_semaphore, #tpu.memory_space<semaphore_mem>>)
      %dma_start3A_194 = arith.constant 5 : i32
      %dma_start3A_195 = arith.constant 5 : i32
      %dma_start3A_196 = arith.constant 0 : i32
      %dma_start3A_197 = tpu.memref_slice %arg11[%dma_start3A_195, %dma_start3A_196] : memref<8x128xf32, #tpu.memory_space<vmem>> -> memref<1x128xf32, #tpu.memory_space<vmem>>
      %dma_start3A_198 = tpu.memref_squeeze %dma_start3A_197 : memref<1x128xf32, #tpu.memory_space<vmem>> -> memref<128xf32, #tpu.memory_space<vmem>>
      %dma_start3A_199 = arith.constant 0 : i32
      %dma_start3A_200 = tpu.memref_slice %arg9[%dma_start3A_194, %dma_start3A_199] : memref<8x128xi32, #tpu.memory_space<vmem>> -> memref<1x128xi32, #tpu.memory_space<vmem>>
      %dma_start3A_201 = tpu.memref_squeeze %dma_start3A_200 : memref<1x128xi32, #tpu.memory_space<vmem>> -> memref<128xi32, #tpu.memory_space<vmem>>
      %dma_start3A_202 = arith.constant 0 : i32
      %dma_start3A_203 = tpu.memref_slice %arg2[%dma_start3A_202] : memref<10000xf32, #tpu.memory_space<hbm>> -> memref<10000xf32, #tpu.memory_space<hbm>>
      tpu.enqueue_indirect_dma source(%dma_start3A_203 : memref<10000xf32, #tpu.memory_space<hbm>>) target(%dma_start3A_198 : memref<128xf32, #tpu.memory_space<vmem>>) offsets(%dma_start3A_201 : memref<128xi32, #tpu.memory_space<vmem>>) semaphore(%arg13 : memref<!tpu.dma_semaphore, #tpu.memory_space<semaphore_mem>>)
      %dma_start3A_204 = arith.constant 5 : i32
      %dma_start3A_205 = arith.constant 5 : i32
      %dma_start3A_206 = arith.constant 0 : i32
      %dma_start3A_207 = tpu.memref_slice %arg12[%dma_start3A_205, %dma_start3A_206] : memref<8x128xf32, #tpu.memory_space<vmem>> -> memref<1x128xf32, #tpu.memory_space<vmem>>
      %dma_start3A_208 = tpu.memref_squeeze %dma_start3A_207 : memref<1x128xf32, #tpu.memory_space<vmem>> -> memref<128xf32, #tpu.memory_space<vmem>>
      %dma_start3A_209 = arith.constant 0 : i32
      %dma_start3A_210 = tpu.memref_slice %arg9[%dma_start3A_204, %dma_start3A_209] : memref<8x128xi32, #tpu.memory_space<vmem>> -> memref<1x128xi32, #tpu.memory_space<vmem>>
      %dma_start3A_211 = tpu.memref_squeeze %dma_start3A_210 : memref<1x128xi32, #tpu.memory_space<vmem>> -> memref<128xi32, #tpu.memory_space<vmem>>
      %dma_start3A_212 = arith.constant 0 : i32
      %dma_start3A_213 = tpu.memref_slice %arg3[%dma_start3A_212] : memref<10000xf32, #tpu.memory_space<hbm>> -> memref<10000xf32, #tpu.memory_space<hbm>>
      tpu.enqueue_indirect_dma source(%dma_start3A_213 : memref<10000xf32, #tpu.memory_space<hbm>>) target(%dma_start3A_208 : memref<128xf32, #tpu.memory_space<vmem>>) offsets(%dma_start3A_211 : memref<128xi32, #tpu.memory_space<vmem>>) semaphore(%arg13 : memref<!tpu.dma_semaphore, #tpu.memory_space<semaphore_mem>>)
      %dma_start3A_214 = arith.constant 6 : i32
      %dma_start3A_215 = arith.constant 6 : i32
      %dma_start3A_216 = arith.constant 0 : i32
      %dma_start3A_217 = tpu.memref_slice %arg11[%dma_start3A_215, %dma_start3A_216] : memref<8x128xf32, #tpu.memory_space<vmem>> -> memref<1x128xf32, #tpu.memory_space<vmem>>
      %dma_start3A_218 = tpu.memref_squeeze %dma_start3A_217 : memref<1x128xf32, #tpu.memory_space<vmem>> -> memref<128xf32, #tpu.memory_space<vmem>>
      %dma_start3A_219 = arith.constant 0 : i32
      %dma_start3A_220 = tpu.memref_slice %arg9[%dma_start3A_214, %dma_start3A_219] : memref<8x128xi32, #tpu.memory_space<vmem>> -> memref<1x128xi32, #tpu.memory_space<vmem>>
      %dma_start3A_221 = tpu.memref_squeeze %dma_start3A_220 : memref<1x128xi32, #tpu.memory_space<vmem>> -> memref<128xi32, #tpu.memory_space<vmem>>
      %dma_start3A_222 = arith.constant 0 : i32
      %dma_start3A_223 = tpu.memref_slice %arg2[%dma_start3A_222] : memref<10000xf32, #tpu.memory_space<hbm>> -> memref<10000xf32, #tpu.memory_space<hbm>>
      tpu.enqueue_indirect_dma source(%dma_start3A_223 : memref<10000xf32, #tpu.memory_space<hbm>>) target(%dma_start3A_218 : memref<128xf32, #tpu.memory_space<vmem>>) offsets(%dma_start3A_221 : memref<128xi32, #tpu.memory_space<vmem>>) semaphore(%arg13 : memref<!tpu.dma_semaphore, #tpu.memory_space<semaphore_mem>>)
      %dma_start3A_224 = arith.constant 6 : i32
      %dma_start3A_225 = arith.constant 6 : i32
      %dma_start3A_226 = arith.constant 0 : i32
      %dma_start3A_227 = tpu.memref_slice %arg12[%dma_start3A_225, %dma_start3A_226] : memref<8x128xf32, #tpu.memory_space<vmem>> -> memref<1x128xf32, #tpu.memory_space<vmem>>
      %dma_start3A_228 = tpu.memref_squeeze %dma_start3A_227 : memref<1x128xf32, #tpu.memory_space<vmem>> -> memref<128xf32, #tpu.memory_space<vmem>>
      %dma_start3A_229 = arith.constant 0 : i32
      %dma_start3A_230 = tpu.memref_slice %arg9[%dma_start3A_224, %dma_start3A_229] : memref<8x128xi32, #tpu.memory_space<vmem>> -> memref<1x128xi32, #tpu.memory_space<vmem>>
      %dma_start3A_231 = tpu.memref_squeeze %dma_start3A_230 : memref<1x128xi32, #tpu.memory_space<vmem>> -> memref<128xi32, #tpu.memory_space<vmem>>
      %dma_start3A_232 = arith.constant 0 : i32
      %dma_start3A_233 = tpu.memref_slice %arg3[%dma_start3A_232] : memref<10000xf32, #tpu.memory_space<hbm>> -> memref<10000xf32, #tpu.memory_space<hbm>>
      tpu.enqueue_indirect_dma source(%dma_start3A_233 : memref<10000xf32, #tpu.memory_space<hbm>>) target(%dma_start3A_228 : memref<128xf32, #tpu.memory_space<vmem>>) offsets(%dma_start3A_231 : memref<128xi32, #tpu.memory_space<vmem>>) semaphore(%arg13 : memref<!tpu.dma_semaphore, #tpu.memory_space<semaphore_mem>>)
      %dma_start3A_234 = arith.constant 7 : i32
      %dma_start3A_235 = arith.constant 7 : i32
      %dma_start3A_236 = arith.constant 0 : i32
      %dma_start3A_237 = tpu.memref_slice %arg11[%dma_start3A_235, %dma_start3A_236] : memref<8x128xf32, #tpu.memory_space<vmem>> -> memref<1x128xf32, #tpu.memory_space<vmem>>
      %dma_start3A_238 = tpu.memref_squeeze %dma_start3A_237 : memref<1x128xf32, #tpu.memory_space<vmem>> -> memref<128xf32, #tpu.memory_space<vmem>>
      %dma_start3A_239 = arith.constant 0 : i32
      %dma_start3A_240 = tpu.memref_slice %arg9[%dma_start3A_234, %dma_start3A_239] : memref<8x128xi32, #tpu.memory_space<vmem>> -> memref<1x128xi32, #tpu.memory_space<vmem>>
      %dma_start3A_241 = tpu.memref_squeeze %dma_start3A_240 : memref<1x128xi32, #tpu.memory_space<vmem>> -> memref<128xi32, #tpu.memory_space<vmem>>
      %dma_start3A_242 = arith.constant 0 : i32
      %dma_start3A_243 = tpu.memref_slice %arg2[%dma_start3A_242] : memref<10000xf32, #tpu.memory_space<hbm>> -> memref<10000xf32, #tpu.memory_space<hbm>>
      tpu.enqueue_indirect_dma source(%dma_start3A_243 : memref<10000xf32, #tpu.memory_space<hbm>>) target(%dma_start3A_238 : memref<128xf32, #tpu.memory_space<vmem>>) offsets(%dma_start3A_241 : memref<128xi32, #tpu.memory_space<vmem>>) semaphore(%arg13 : memref<!tpu.dma_semaphore, #tpu.memory_space<semaphore_mem>>)
      %dma_start3A_244 = arith.constant 7 : i32
      %dma_start3A_245 = arith.constant 7 : i32
      %dma_start3A_246 = arith.constant 0 : i32
      %dma_start3A_247 = tpu.memref_slice %arg12[%dma_start3A_245, %dma_start3A_246] : memref<8x128xf32, #tpu.memory_space<vmem>> -> memref<1x128xf32, #tpu.memory_space<vmem>>
      %dma_start3A_248 = tpu.memref_squeeze %dma_start3A_247 : memref<1x128xf32, #tpu.memory_space<vmem>> -> memref<128xf32, #tpu.memory_space<vmem>>
      %dma_start3A_249 = arith.constant 0 : i32
      %dma_start3A_250 = tpu.memref_slice %arg9[%dma_start3A_244, %dma_start3A_249] : memref<8x128xi32, #tpu.memory_space<vmem>> -> memref<1x128xi32, #tpu.memory_space<vmem>>
      %dma_start3A_251 = tpu.memref_squeeze %dma_start3A_250 : memref<1x128xi32, #tpu.memory_space<vmem>> -> memref<128xi32, #tpu.memory_space<vmem>>
      %dma_start3A_252 = arith.constant 0 : i32
      %dma_start3A_253 = tpu.memref_slice %arg3[%dma_start3A_252] : memref<10000xf32, #tpu.memory_space<hbm>> -> memref<10000xf32, #tpu.memory_space<hbm>>
      tpu.enqueue_indirect_dma source(%dma_start3A_253 : memref<10000xf32, #tpu.memory_space<hbm>>) target(%dma_start3A_248 : memref<128xf32, #tpu.memory_space<vmem>>) offsets(%dma_start3A_251 : memref<128xi32, #tpu.memory_space<vmem>>) semaphore(%arg13 : memref<!tpu.dma_semaphore, #tpu.memory_space<semaphore_mem>>)
      %dma_wait3A = arith.constant 0 : i32
      %dma_wait3A_254 = arith.constant 0 : i32
      %dma_wait3A_255 = arith.constant 0 : i32
      %dma_wait3A_256 = tpu.memref_slice %arg11[%dma_wait3A_254, %dma_wait3A_255] : memref<8x128xf32, #tpu.memory_space<vmem>> -> memref<1x128xf32, #tpu.memory_space<vmem>>
      %dma_wait3A_257 = tpu.memref_squeeze %dma_wait3A_256 : memref<1x128xf32, #tpu.memory_space<vmem>> -> memref<128xf32, #tpu.memory_space<vmem>>
      %dma_wait3A_258 = arith.constant 0 : i32
      %dma_wait3A_259 = tpu.memref_slice %arg9[%dma_wait3A, %dma_wait3A_258] : memref<8x128xi32, #tpu.memory_space<vmem>> -> memref<1x128xi32, #tpu.memory_space<vmem>>
      %dma_wait3A_260 = tpu.memref_squeeze %dma_wait3A_259 : memref<1x128xi32, #tpu.memory_space<vmem>> -> memref<128xi32, #tpu.memory_space<vmem>>
      %dma_wait3A_261 = arith.constant 0 : i32
      %dma_wait3A_262 = tpu.memref_slice %arg2[%dma_wait3A_261] : memref<10000xf32, #tpu.memory_space<hbm>> -> memref<10000xf32, #tpu.memory_space<hbm>>
      tpu.wait_indirect_dma semaphore(%arg13 : memref<!tpu.dma_semaphore, #tpu.memory_space<semaphore_mem>>) src(%dma_wait3A_262 : memref<10000xf32, #tpu.memory_space<hbm>>) dst(%dma_wait3A_257 : memref<128xf32, #tpu.memory_space<vmem>>)
      %dma_wait3A_263 = arith.constant 0 : i32
      %dma_wait3A_264 = arith.constant 0 : i32
      %dma_wait3A_265 = arith.constant 0 : i32
      %dma_wait3A_266 = tpu.memref_slice %arg12[%dma_wait3A_264, %dma_wait3A_265] : memref<8x128xf32, #tpu.memory_space<vmem>> -> memref<1x128xf32, #tpu.memory_space<vmem>>
      %dma_wait3A_267 = tpu.memref_squeeze %dma_wait3A_266 : memref<1x128xf32, #tpu.memory_space<vmem>> -> memref<128xf32, #tpu.memory_space<vmem>>
      %dma_wait3A_268 = arith.constant 0 : i32
      %dma_wait3A_269 = tpu.memref_slice %arg9[%dma_wait3A_263, %dma_wait3A_268] : memref<8x128xi32, #tpu.memory_space<vmem>> -> memref<1x128xi32, #tpu.memory_space<vmem>>
      %dma_wait3A_270 = tpu.memref_squeeze %dma_wait3A_269 : memref<1x128xi32, #tpu.memory_space<vmem>> -> memref<128xi32, #tpu.memory_space<vmem>>
      %dma_wait3A_271 = arith.constant 0 : i32
      %dma_wait3A_272 = tpu.memref_slice %arg3[%dma_wait3A_271] : memref<10000xf32, #tpu.memory_space<hbm>> -> memref<10000xf32, #tpu.memory_space<hbm>>
      tpu.wait_indirect_dma semaphore(%arg13 : memref<!tpu.dma_semaphore, #tpu.memory_space<semaphore_mem>>) src(%dma_wait3A_272 : memref<10000xf32, #tpu.memory_space<hbm>>) dst(%dma_wait3A_267 : memref<128xf32, #tpu.memory_space<vmem>>)
      %dma_wait3A_273 = arith.constant 1 : i32
      %dma_wait3A_274 = arith.constant 1 : i32
      %dma_wait3A_275 = arith.constant 0 : i32
      %dma_wait3A_276 = tpu.memref_slice %arg11[%dma_wait3A_274, %dma_wait3A_275] : memref<8x128xf32, #tpu.memory_space<vmem>> -> memref<1x128xf32, #tpu.memory_space<vmem>>
      %dma_wait3A_277 = tpu.memref_squeeze %dma_wait3A_276 : memref<1x128xf32, #tpu.memory_space<vmem>> -> memref<128xf32, #tpu.memory_space<vmem>>
      %dma_wait3A_278 = arith.constant 0 : i32
      %dma_wait3A_279 = tpu.memref_slice %arg9[%dma_wait3A_273, %dma_wait3A_278] : memref<8x128xi32, #tpu.memory_space<vmem>> -> memref<1x128xi32, #tpu.memory_space<vmem>>
      %dma_wait3A_280 = tpu.memref_squeeze %dma_wait3A_279 : memref<1x128xi32, #tpu.memory_space<vmem>> -> memref<128xi32, #tpu.memory_space<vmem>>
      %dma_wait3A_281 = arith.constant 0 : i32
      %dma_wait3A_282 = tpu.memref_slice %arg2[%dma_wait3A_281] : memref<10000xf32, #tpu.memory_space<hbm>> -> memref<10000xf32, #tpu.memory_space<hbm>>
      tpu.wait_indirect_dma semaphore(%arg13 : memref<!tpu.dma_semaphore, #tpu.memory_space<semaphore_mem>>) src(%dma_wait3A_282 : memref<10000xf32, #tpu.memory_space<hbm>>) dst(%dma_wait3A_277 : memref<128xf32, #tpu.memory_space<vmem>>)
      %dma_wait3A_283 = arith.constant 1 : i32
      %dma_wait3A_284 = arith.constant 1 : i32
      %dma_wait3A_285 = arith.constant 0 : i32
      %dma_wait3A_286 = tpu.memref_slice %arg12[%dma_wait3A_284, %dma_wait3A_285] : memref<8x128xf32, #tpu.memory_space<vmem>> -> memref<1x128xf32, #tpu.memory_space<vmem>>
      %dma_wait3A_287 = tpu.memref_squeeze %dma_wait3A_286 : memref<1x128xf32, #tpu.memory_space<vmem>> -> memref<128xf32, #tpu.memory_space<vmem>>
      %dma_wait3A_288 = arith.constant 0 : i32
      %dma_wait3A_289 = tpu.memref_slice %arg9[%dma_wait3A_283, %dma_wait3A_288] : memref<8x128xi32, #tpu.memory_space<vmem>> -> memref<1x128xi32, #tpu.memory_space<vmem>>
      %dma_wait3A_290 = tpu.memref_squeeze %dma_wait3A_289 : memref<1x128xi32, #tpu.memory_space<vmem>> -> memref<128xi32, #tpu.memory_space<vmem>>
      %dma_wait3A_291 = arith.constant 0 : i32
      %dma_wait3A_292 = tpu.memref_slice %arg3[%dma_wait3A_291] : memref<10000xf32, #tpu.memory_space<hbm>> -> memref<10000xf32, #tpu.memory_space<hbm>>
      tpu.wait_indirect_dma semaphore(%arg13 : memref<!tpu.dma_semaphore, #tpu.memory_space<semaphore_mem>>) src(%dma_wait3A_292 : memref<10000xf32, #tpu.memory_space<hbm>>) dst(%dma_wait3A_287 : memref<128xf32, #tpu.memory_space<vmem>>)
      %dma_wait3A_293 = arith.constant 2 : i32
      %dma_wait3A_294 = arith.constant 2 : i32
      %dma_wait3A_295 = arith.constant 0 : i32
      %dma_wait3A_296 = tpu.memref_slice %arg11[%dma_wait3A_294, %dma_wait3A_295] : memref<8x128xf32, #tpu.memory_space<vmem>> -> memref<1x128xf32, #tpu.memory_space<vmem>>
      %dma_wait3A_297 = tpu.memref_squeeze %dma_wait3A_296 : memref<1x128xf32, #tpu.memory_space<vmem>> -> memref<128xf32, #tpu.memory_space<vmem>>
      %dma_wait3A_298 = arith.constant 0 : i32
      %dma_wait3A_299 = tpu.memref_slice %arg9[%dma_wait3A_293, %dma_wait3A_298] : memref<8x128xi32, #tpu.memory_space<vmem>> -> memref<1x128xi32, #tpu.memory_space<vmem>>
      %dma_wait3A_300 = tpu.memref_squeeze %dma_wait3A_299 : memref<1x128xi32, #tpu.memory_space<vmem>> -> memref<128xi32, #tpu.memory_space<vmem>>
      %dma_wait3A_301 = arith.constant 0 : i32
      %dma_wait3A_302 = tpu.memref_slice %arg2[%dma_wait3A_301] : memref<10000xf32, #tpu.memory_space<hbm>> -> memref<10000xf32, #tpu.memory_space<hbm>>
      tpu.wait_indirect_dma semaphore(%arg13 : memref<!tpu.dma_semaphore, #tpu.memory_space<semaphore_mem>>) src(%dma_wait3A_302 : memref<10000xf32, #tpu.memory_space<hbm>>) dst(%dma_wait3A_297 : memref<128xf32, #tpu.memory_space<vmem>>)
      %dma_wait3A_303 = arith.constant 2 : i32
      %dma_wait3A_304 = arith.constant 2 : i32
      %dma_wait3A_305 = arith.constant 0 : i32
      %dma_wait3A_306 = tpu.memref_slice %arg12[%dma_wait3A_304, %dma_wait3A_305] : memref<8x128xf32, #tpu.memory_space<vmem>> -> memref<1x128xf32, #tpu.memory_space<vmem>>
      %dma_wait3A_307 = tpu.memref_squeeze %dma_wait3A_306 : memref<1x128xf32, #tpu.memory_space<vmem>> -> memref<128xf32, #tpu.memory_space<vmem>>
      %dma_wait3A_308 = arith.constant 0 : i32
      %dma_wait3A_309 = tpu.memref_slice %arg9[%dma_wait3A_303, %dma_wait3A_308] : memref<8x128xi32, #tpu.memory_space<vmem>> -> memref<1x128xi32, #tpu.memory_space<vmem>>
      %dma_wait3A_310 = tpu.memref_squeeze %dma_wait3A_309 : memref<1x128xi32, #tpu.memory_space<vmem>> -> memref<128xi32, #tpu.memory_space<vmem>>
      %dma_wait3A_311 = arith.constant 0 : i32
      %dma_wait3A_312 = tpu.memref_slice %arg3[%dma_wait3A_311] : memref<10000xf32, #tpu.memory_space<hbm>> -> memref<10000xf32, #tpu.memory_space<hbm>>
      tpu.wait_indirect_dma semaphore(%arg13 : memref<!tpu.dma_semaphore, #tpu.memory_space<semaphore_mem>>) src(%dma_wait3A_312 : memref<10000xf32, #tpu.memory_space<hbm>>) dst(%dma_wait3A_307 : memref<128xf32, #tpu.memory_space<vmem>>)
      %dma_wait3A_313 = arith.constant 3 : i32
      %dma_wait3A_314 = arith.constant 3 : i32
      %dma_wait3A_315 = arith.constant 0 : i32
      %dma_wait3A_316 = tpu.memref_slice %arg11[%dma_wait3A_314, %dma_wait3A_315] : memref<8x128xf32, #tpu.memory_space<vmem>> -> memref<1x128xf32, #tpu.memory_space<vmem>>
      %dma_wait3A_317 = tpu.memref_squeeze %dma_wait3A_316 : memref<1x128xf32, #tpu.memory_space<vmem>> -> memref<128xf32, #tpu.memory_space<vmem>>
      %dma_wait3A_318 = arith.constant 0 : i32
      %dma_wait3A_319 = tpu.memref_slice %arg9[%dma_wait3A_313, %dma_wait3A_318] : memref<8x128xi32, #tpu.memory_space<vmem>> -> memref<1x128xi32, #tpu.memory_space<vmem>>
      %dma_wait3A_320 = tpu.memref_squeeze %dma_wait3A_319 : memref<1x128xi32, #tpu.memory_space<vmem>> -> memref<128xi32, #tpu.memory_space<vmem>>
      %dma_wait3A_321 = arith.constant 0 : i32
      %dma_wait3A_322 = tpu.memref_slice %arg2[%dma_wait3A_321] : memref<10000xf32, #tpu.memory_space<hbm>> -> memref<10000xf32, #tpu.memory_space<hbm>>
      tpu.wait_indirect_dma semaphore(%arg13 : memref<!tpu.dma_semaphore, #tpu.memory_space<semaphore_mem>>) src(%dma_wait3A_322 : memref<10000xf32, #tpu.memory_space<hbm>>) dst(%dma_wait3A_317 : memref<128xf32, #tpu.memory_space<vmem>>)
      %dma_wait3A_323 = arith.constant 3 : i32
      %dma_wait3A_324 = arith.constant 3 : i32
      %dma_wait3A_325 = arith.constant 0 : i32
      %dma_wait3A_326 = tpu.memref_slice %arg12[%dma_wait3A_324, %dma_wait3A_325] : memref<8x128xf32, #tpu.memory_space<vmem>> -> memref<1x128xf32, #tpu.memory_space<vmem>>
      %dma_wait3A_327 = tpu.memref_squeeze %dma_wait3A_326 : memref<1x128xf32, #tpu.memory_space<vmem>> -> memref<128xf32, #tpu.memory_space<vmem>>
      %dma_wait3A_328 = arith.constant 0 : i32
      %dma_wait3A_329 = tpu.memref_slice %arg9[%dma_wait3A_323, %dma_wait3A_328] : memref<8x128xi32, #tpu.memory_space<vmem>> -> memref<1x128xi32, #tpu.memory_space<vmem>>
      %dma_wait3A_330 = tpu.memref_squeeze %dma_wait3A_329 : memref<1x128xi32, #tpu.memory_space<vmem>> -> memref<128xi32, #tpu.memory_space<vmem>>
      %dma_wait3A_331 = arith.constant 0 : i32
      %dma_wait3A_332 = tpu.memref_slice %arg3[%dma_wait3A_331] : memref<10000xf32, #tpu.memory_space<hbm>> -> memref<10000xf32, #tpu.memory_space<hbm>>
      tpu.wait_indirect_dma semaphore(%arg13 : memref<!tpu.dma_semaphore, #tpu.memory_space<semaphore_mem>>) src(%dma_wait3A_332 : memref<10000xf32, #tpu.memory_space<hbm>>) dst(%dma_wait3A_327 : memref<128xf32, #tpu.memory_space<vmem>>)
      %dma_wait3A_333 = arith.constant 4 : i32
      %dma_wait3A_334 = arith.constant 4 : i32
      %dma_wait3A_335 = arith.constant 0 : i32
      %dma_wait3A_336 = tpu.memref_slice %arg11[%dma_wait3A_334, %dma_wait3A_335] : memref<8x128xf32, #tpu.memory_space<vmem>> -> memref<1x128xf32, #tpu.memory_space<vmem>>
      %dma_wait3A_337 = tpu.memref_squeeze %dma_wait3A_336 : memref<1x128xf32, #tpu.memory_space<vmem>> -> memref<128xf32, #tpu.memory_space<vmem>>
      %dma_wait3A_338 = arith.constant 0 : i32
      %dma_wait3A_339 = tpu.memref_slice %arg9[%dma_wait3A_333, %dma_wait3A_338] : memref<8x128xi32, #tpu.memory_space<vmem>> -> memref<1x128xi32, #tpu.memory_space<vmem>>
      %dma_wait3A_340 = tpu.memref_squeeze %dma_wait3A_339 : memref<1x128xi32, #tpu.memory_space<vmem>> -> memref<128xi32, #tpu.memory_space<vmem>>
      %dma_wait3A_341 = arith.constant 0 : i32
      %dma_wait3A_342 = tpu.memref_slice %arg2[%dma_wait3A_341] : memref<10000xf32, #tpu.memory_space<hbm>> -> memref<10000xf32, #tpu.memory_space<hbm>>
      tpu.wait_indirect_dma semaphore(%arg13 : memref<!tpu.dma_semaphore, #tpu.memory_space<semaphore_mem>>) src(%dma_wait3A_342 : memref<10000xf32, #tpu.memory_space<hbm>>) dst(%dma_wait3A_337 : memref<128xf32, #tpu.memory_space<vmem>>)
      %dma_wait3A_343 = arith.constant 4 : i32
      %dma_wait3A_344 = arith.constant 4 : i32
      %dma_wait3A_345 = arith.constant 0 : i32
      %dma_wait3A_346 = tpu.memref_slice %arg12[%dma_wait3A_344, %dma_wait3A_345] : memref<8x128xf32, #tpu.memory_space<vmem>> -> memref<1x128xf32, #tpu.memory_space<vmem>>
      %dma_wait3A_347 = tpu.memref_squeeze %dma_wait3A_346 : memref<1x128xf32, #tpu.memory_space<vmem>> -> memref<128xf32, #tpu.memory_space<vmem>>
      %dma_wait3A_348 = arith.constant 0 : i32
      %dma_wait3A_349 = tpu.memref_slice %arg9[%dma_wait3A_343, %dma_wait3A_348] : memref<8x128xi32, #tpu.memory_space<vmem>> -> memref<1x128xi32, #tpu.memory_space<vmem>>
      %dma_wait3A_350 = tpu.memref_squeeze %dma_wait3A_349 : memref<1x128xi32, #tpu.memory_space<vmem>> -> memref<128xi32, #tpu.memory_space<vmem>>
      %dma_wait3A_351 = arith.constant 0 : i32
      %dma_wait3A_352 = tpu.memref_slice %arg3[%dma_wait3A_351] : memref<10000xf32, #tpu.memory_space<hbm>> -> memref<10000xf32, #tpu.memory_space<hbm>>
      tpu.wait_indirect_dma semaphore(%arg13 : memref<!tpu.dma_semaphore, #tpu.memory_space<semaphore_mem>>) src(%dma_wait3A_352 : memref<10000xf32, #tpu.memory_space<hbm>>) dst(%dma_wait3A_347 : memref<128xf32, #tpu.memory_space<vmem>>)
      %dma_wait3A_353 = arith.constant 5 : i32
      %dma_wait3A_354 = arith.constant 5 : i32
      %dma_wait3A_355 = arith.constant 0 : i32
      %dma_wait3A_356 = tpu.memref_slice %arg11[%dma_wait3A_354, %dma_wait3A_355] : memref<8x128xf32, #tpu.memory_space<vmem>> -> memref<1x128xf32, #tpu.memory_space<vmem>>
      %dma_wait3A_357 = tpu.memref_squeeze %dma_wait3A_356 : memref<1x128xf32, #tpu.memory_space<vmem>> -> memref<128xf32, #tpu.memory_space<vmem>>
      %dma_wait3A_358 = arith.constant 0 : i32
      %dma_wait3A_359 = tpu.memref_slice %arg9[%dma_wait3A_353, %dma_wait3A_358] : memref<8x128xi32, #tpu.memory_space<vmem>> -> memref<1x128xi32, #tpu.memory_space<vmem>>
      %dma_wait3A_360 = tpu.memref_squeeze %dma_wait3A_359 : memref<1x128xi32, #tpu.memory_space<vmem>> -> memref<128xi32, #tpu.memory_space<vmem>>
      %dma_wait3A_361 = arith.constant 0 : i32
      %dma_wait3A_362 = tpu.memref_slice %arg2[%dma_wait3A_361] : memref<10000xf32, #tpu.memory_space<hbm>> -> memref<10000xf32, #tpu.memory_space<hbm>>
      tpu.wait_indirect_dma semaphore(%arg13 : memref<!tpu.dma_semaphore, #tpu.memory_space<semaphore_mem>>) src(%dma_wait3A_362 : memref<10000xf32, #tpu.memory_space<hbm>>) dst(%dma_wait3A_357 : memref<128xf32, #tpu.memory_space<vmem>>)
      %dma_wait3A_363 = arith.constant 5 : i32
      %dma_wait3A_364 = arith.constant 5 : i32
      %dma_wait3A_365 = arith.constant 0 : i32
      %dma_wait3A_366 = tpu.memref_slice %arg12[%dma_wait3A_364, %dma_wait3A_365] : memref<8x128xf32, #tpu.memory_space<vmem>> -> memref<1x128xf32, #tpu.memory_space<vmem>>
      %dma_wait3A_367 = tpu.memref_squeeze %dma_wait3A_366 : memref<1x128xf32, #tpu.memory_space<vmem>> -> memref<128xf32, #tpu.memory_space<vmem>>
      %dma_wait3A_368 = arith.constant 0 : i32
      %dma_wait3A_369 = tpu.memref_slice %arg9[%dma_wait3A_363, %dma_wait3A_368] : memref<8x128xi32, #tpu.memory_space<vmem>> -> memref<1x128xi32, #tpu.memory_space<vmem>>
      %dma_wait3A_370 = tpu.memref_squeeze %dma_wait3A_369 : memref<1x128xi32, #tpu.memory_space<vmem>> -> memref<128xi32, #tpu.memory_space<vmem>>
      %dma_wait3A_371 = arith.constant 0 : i32
      %dma_wait3A_372 = tpu.memref_slice %arg3[%dma_wait3A_371] : memref<10000xf32, #tpu.memory_space<hbm>> -> memref<10000xf32, #tpu.memory_space<hbm>>
      tpu.wait_indirect_dma semaphore(%arg13 : memref<!tpu.dma_semaphore, #tpu.memory_space<semaphore_mem>>) src(%dma_wait3A_372 : memref<10000xf32, #tpu.memory_space<hbm>>) dst(%dma_wait3A_367 : memref<128xf32, #tpu.memory_space<vmem>>)
      %dma_wait3A_373 = arith.constant 6 : i32
      %dma_wait3A_374 = arith.constant 6 : i32
      %dma_wait3A_375 = arith.constant 0 : i32
      %dma_wait3A_376 = tpu.memref_slice %arg11[%dma_wait3A_374, %dma_wait3A_375] : memref<8x128xf32, #tpu.memory_space<vmem>> -> memref<1x128xf32, #tpu.memory_space<vmem>>
      %dma_wait3A_377 = tpu.memref_squeeze %dma_wait3A_376 : memref<1x128xf32, #tpu.memory_space<vmem>> -> memref<128xf32, #tpu.memory_space<vmem>>
      %dma_wait3A_378 = arith.constant 0 : i32
      %dma_wait3A_379 = tpu.memref_slice %arg9[%dma_wait3A_373, %dma_wait3A_378] : memref<8x128xi32, #tpu.memory_space<vmem>> -> memref<1x128xi32, #tpu.memory_space<vmem>>
      %dma_wait3A_380 = tpu.memref_squeeze %dma_wait3A_379 : memref<1x128xi32, #tpu.memory_space<vmem>> -> memref<128xi32, #tpu.memory_space<vmem>>
      %dma_wait3A_381 = arith.constant 0 : i32
      %dma_wait3A_382 = tpu.memref_slice %arg2[%dma_wait3A_381] : memref<10000xf32, #tpu.memory_space<hbm>> -> memref<10000xf32, #tpu.memory_space<hbm>>
      tpu.wait_indirect_dma semaphore(%arg13 : memref<!tpu.dma_semaphore, #tpu.memory_space<semaphore_mem>>) src(%dma_wait3A_382 : memref<10000xf32, #tpu.memory_space<hbm>>) dst(%dma_wait3A_377 : memref<128xf32, #tpu.memory_space<vmem>>)
      %dma_wait3A_383 = arith.constant 6 : i32
      %dma_wait3A_384 = arith.constant 6 : i32
      %dma_wait3A_385 = arith.constant 0 : i32
      %dma_wait3A_386 = tpu.memref_slice %arg12[%dma_wait3A_384, %dma_wait3A_385] : memref<8x128xf32, #tpu.memory_space<vmem>> -> memref<1x128xf32, #tpu.memory_space<vmem>>
      %dma_wait3A_387 = tpu.memref_squeeze %dma_wait3A_386 : memref<1x128xf32, #tpu.memory_space<vmem>> -> memref<128xf32, #tpu.memory_space<vmem>>
      %dma_wait3A_388 = arith.constant 0 : i32
      %dma_wait3A_389 = tpu.memref_slice %arg9[%dma_wait3A_383, %dma_wait3A_388] : memref<8x128xi32, #tpu.memory_space<vmem>> -> memref<1x128xi32, #tpu.memory_space<vmem>>
      %dma_wait3A_390 = tpu.memref_squeeze %dma_wait3A_389 : memref<1x128xi32, #tpu.memory_space<vmem>> -> memref<128xi32, #tpu.memory_space<vmem>>
      %dma_wait3A_391 = arith.constant 0 : i32
      %dma_wait3A_392 = tpu.memref_slice %arg3[%dma_wait3A_391] : memref<10000xf32, #tpu.memory_space<hbm>> -> memref<10000xf32, #tpu.memory_space<hbm>>
      tpu.wait_indirect_dma semaphore(%arg13 : memref<!tpu.dma_semaphore, #tpu.memory_space<semaphore_mem>>) src(%dma_wait3A_392 : memref<10000xf32, #tpu.memory_space<hbm>>) dst(%dma_wait3A_387 : memref<128xf32, #tpu.memory_space<vmem>>)
      %dma_wait3A_393 = arith.constant 7 : i32
      %dma_wait3A_394 = arith.constant 7 : i32
      %dma_wait3A_395 = arith.constant 0 : i32
      %dma_wait3A_396 = tpu.memref_slice %arg11[%dma_wait3A_394, %dma_wait3A_395] : memref<8x128xf32, #tpu.memory_space<vmem>> -> memref<1x128xf32, #tpu.memory_space<vmem>>
      %dma_wait3A_397 = tpu.memref_squeeze %dma_wait3A_396 : memref<1x128xf32, #tpu.memory_space<vmem>> -> memref<128xf32, #tpu.memory_space<vmem>>
      %dma_wait3A_398 = arith.constant 0 : i32
      %dma_wait3A_399 = tpu.memref_slice %arg9[%dma_wait3A_393, %dma_wait3A_398] : memref<8x128xi32, #tpu.memory_space<vmem>> -> memref<1x128xi32, #tpu.memory_space<vmem>>
      %dma_wait3A_400 = tpu.memref_squeeze %dma_wait3A_399 : memref<1x128xi32, #tpu.memory_space<vmem>> -> memref<128xi32, #tpu.memory_space<vmem>>
      %dma_wait3A_401 = arith.constant 0 : i32
      %dma_wait3A_402 = tpu.memref_slice %arg2[%dma_wait3A_401] : memref<10000xf32, #tpu.memory_space<hbm>> -> memref<10000xf32, #tpu.memory_space<hbm>>
      tpu.wait_indirect_dma semaphore(%arg13 : memref<!tpu.dma_semaphore, #tpu.memory_space<semaphore_mem>>) src(%dma_wait3A_402 : memref<10000xf32, #tpu.memory_space<hbm>>) dst(%dma_wait3A_397 : memref<128xf32, #tpu.memory_space<vmem>>)
      %dma_wait3A_403 = arith.constant 7 : i32
      %dma_wait3A_404 = arith.constant 7 : i32
      %dma_wait3A_405 = arith.constant 0 : i32
      %dma_wait3A_406 = tpu.memref_slice %arg12[%dma_wait3A_404, %dma_wait3A_405] : memref<8x128xf32, #tpu.memory_space<vmem>> -> memref<1x128xf32, #tpu.memory_space<vmem>>
      %dma_wait3A_407 = tpu.memref_squeeze %dma_wait3A_406 : memref<1x128xf32, #tpu.memory_space<vmem>> -> memref<128xf32, #tpu.memory_space<vmem>>
      %dma_wait3A_408 = arith.constant 0 : i32
      %dma_wait3A_409 = tpu.memref_slice %arg9[%dma_wait3A_403, %dma_wait3A_408] : memref<8x128xi32, #tpu.memory_space<vmem>> -> memref<1x128xi32, #tpu.memory_space<vmem>>
      %dma_wait3A_410 = tpu.memref_squeeze %dma_wait3A_409 : memref<1x128xi32, #tpu.memory_space<vmem>> -> memref<128xi32, #tpu.memory_space<vmem>>
      %dma_wait3A_411 = arith.constant 0 : i32
      %dma_wait3A_412 = tpu.memref_slice %arg3[%dma_wait3A_411] : memref<10000xf32, #tpu.memory_space<hbm>> -> memref<10000xf32, #tpu.memory_space<hbm>>
      tpu.wait_indirect_dma semaphore(%arg13 : memref<!tpu.dma_semaphore, #tpu.memory_space<semaphore_mem>>) src(%dma_wait3A_412 : memref<10000xf32, #tpu.memory_space<hbm>>) dst(%dma_wait3A_407 : memref<128xf32, #tpu.memory_space<vmem>>)
      %dma_start3A_413 = arith.constant 0 : i32
      %dma_start3A_414 = arith.constant 0 : i32
      %dma_start3A_415 = arith.constant 0 : i32
      %dma_start3A_416 = tpu.memref_slice %arg11[%dma_start3A_413, %dma_start3A_415] : memref<8x128xf32, #tpu.memory_space<vmem>> -> memref<1x128xf32, #tpu.memory_space<vmem>>
      %dma_start3A_417 = tpu.memref_squeeze %dma_start3A_416 : memref<1x128xf32, #tpu.memory_space<vmem>> -> memref<128xf32, #tpu.memory_space<vmem>>
      %dma_start3A_418 = arith.constant 0 : i32
      %dma_start3A_419 = tpu.memref_slice %arg10[%dma_start3A_414, %dma_start3A_418] : memref<8x128xi32, #tpu.memory_space<vmem>> -> memref<1x128xi32, #tpu.memory_space<vmem>>
      %dma_start3A_420 = tpu.memref_squeeze %dma_start3A_419 : memref<1x128xi32, #tpu.memory_space<vmem>> -> memref<128xi32, #tpu.memory_space<vmem>>
      %dma_start3A_421 = arith.constant 0 : i32
      %dma_start3A_422 = tpu.memref_slice %arg7[%dma_start3A_421] : memref<10240xf32, #tpu.memory_space<vmem_shared>> -> memref<10240xf32, #tpu.memory_space<vmem_shared>>
      tpu.enqueue_indirect_dma source(%dma_start3A_417 : memref<128xf32, #tpu.memory_space<vmem>>) target(%dma_start3A_422 : memref<10240xf32, #tpu.memory_space<vmem_shared>>) offsets(%dma_start3A_420 : memref<128xi32, #tpu.memory_space<vmem>>) semaphore(%arg14 : memref<!tpu.dma_semaphore, #tpu.memory_space<semaphore_mem>>) {add = true}
      %dma_start3A_423 = arith.constant 0 : i32
      %dma_start3A_424 = arith.constant 0 : i32
      %dma_start3A_425 = arith.constant 0 : i32
      %dma_start3A_426 = tpu.memref_slice %arg12[%dma_start3A_423, %dma_start3A_425] : memref<8x128xf32, #tpu.memory_space<vmem>> -> memref<1x128xf32, #tpu.memory_space<vmem>>
      %dma_start3A_427 = tpu.memref_squeeze %dma_start3A_426 : memref<1x128xf32, #tpu.memory_space<vmem>> -> memref<128xf32, #tpu.memory_space<vmem>>
      %dma_start3A_428 = arith.constant 0 : i32
      %dma_start3A_429 = tpu.memref_slice %arg10[%dma_start3A_424, %dma_start3A_428] : memref<8x128xi32, #tpu.memory_space<vmem>> -> memref<1x128xi32, #tpu.memory_space<vmem>>
      %dma_start3A_430 = tpu.memref_squeeze %dma_start3A_429 : memref<1x128xi32, #tpu.memory_space<vmem>> -> memref<128xi32, #tpu.memory_space<vmem>>
      %dma_start3A_431 = arith.constant 0 : i32
      %dma_start3A_432 = tpu.memref_slice %arg8[%dma_start3A_431] : memref<10240xf32, #tpu.memory_space<vmem_shared>> -> memref<10240xf32, #tpu.memory_space<vmem_shared>>
      tpu.enqueue_indirect_dma source(%dma_start3A_427 : memref<128xf32, #tpu.memory_space<vmem>>) target(%dma_start3A_432 : memref<10240xf32, #tpu.memory_space<vmem_shared>>) offsets(%dma_start3A_430 : memref<128xi32, #tpu.memory_space<vmem>>) semaphore(%arg14 : memref<!tpu.dma_semaphore, #tpu.memory_space<semaphore_mem>>) {add = true}
      %dma_start3A_433 = arith.constant 1 : i32
      %dma_start3A_434 = arith.constant 1 : i32
      %dma_start3A_435 = arith.constant 0 : i32
      %dma_start3A_436 = tpu.memref_slice %arg11[%dma_start3A_433, %dma_start3A_435] : memref<8x128xf32, #tpu.memory_space<vmem>> -> memref<1x128xf32, #tpu.memory_space<vmem>>
      %dma_start3A_437 = tpu.memref_squeeze %dma_start3A_436 : memref<1x128xf32, #tpu.memory_space<vmem>> -> memref<128xf32, #tpu.memory_space<vmem>>
      %dma_start3A_438 = arith.constant 0 : i32
      %dma_start3A_439 = tpu.memref_slice %arg10[%dma_start3A_434, %dma_start3A_438] : memref<8x128xi32, #tpu.memory_space<vmem>> -> memref<1x128xi32, #tpu.memory_space<vmem>>
      %dma_start3A_440 = tpu.memref_squeeze %dma_start3A_439 : memref<1x128xi32, #tpu.memory_space<vmem>> -> memref<128xi32, #tpu.memory_space<vmem>>
      %dma_start3A_441 = arith.constant 0 : i32
      %dma_start3A_442 = tpu.memref_slice %arg7[%dma_start3A_441] : memref<10240xf32, #tpu.memory_space<vmem_shared>> -> memref<10240xf32, #tpu.memory_space<vmem_shared>>
      tpu.enqueue_indirect_dma source(%dma_start3A_437 : memref<128xf32, #tpu.memory_space<vmem>>) target(%dma_start3A_442 : memref<10240xf32, #tpu.memory_space<vmem_shared>>) offsets(%dma_start3A_440 : memref<128xi32, #tpu.memory_space<vmem>>) semaphore(%arg14 : memref<!tpu.dma_semaphore, #tpu.memory_space<semaphore_mem>>) {add = true}
      %dma_start3A_443 = arith.constant 1 : i32
      %dma_start3A_444 = arith.constant 1 : i32
      %dma_start3A_445 = arith.constant 0 : i32
      %dma_start3A_446 = tpu.memref_slice %arg12[%dma_start3A_443, %dma_start3A_445] : memref<8x128xf32, #tpu.memory_space<vmem>> -> memref<1x128xf32, #tpu.memory_space<vmem>>
      %dma_start3A_447 = tpu.memref_squeeze %dma_start3A_446 : memref<1x128xf32, #tpu.memory_space<vmem>> -> memref<128xf32, #tpu.memory_space<vmem>>
      %dma_start3A_448 = arith.constant 0 : i32
      %dma_start3A_449 = tpu.memref_slice %arg10[%dma_start3A_444, %dma_start3A_448] : memref<8x128xi32, #tpu.memory_space<vmem>> -> memref<1x128xi32, #tpu.memory_space<vmem>>
      %dma_start3A_450 = tpu.memref_squeeze %dma_start3A_449 : memref<1x128xi32, #tpu.memory_space<vmem>> -> memref<128xi32, #tpu.memory_space<vmem>>
      %dma_start3A_451 = arith.constant 0 : i32
      %dma_start3A_452 = tpu.memref_slice %arg8[%dma_start3A_451] : memref<10240xf32, #tpu.memory_space<vmem_shared>> -> memref<10240xf32, #tpu.memory_space<vmem_shared>>
      tpu.enqueue_indirect_dma source(%dma_start3A_447 : memref<128xf32, #tpu.memory_space<vmem>>) target(%dma_start3A_452 : memref<10240xf32, #tpu.memory_space<vmem_shared>>) offsets(%dma_start3A_450 : memref<128xi32, #tpu.memory_space<vmem>>) semaphore(%arg14 : memref<!tpu.dma_semaphore, #tpu.memory_space<semaphore_mem>>) {add = true}
      %dma_start3A_453 = arith.constant 2 : i32
      %dma_start3A_454 = arith.constant 2 : i32
      %dma_start3A_455 = arith.constant 0 : i32
      %dma_start3A_456 = tpu.memref_slice %arg11[%dma_start3A_453, %dma_start3A_455] : memref<8x128xf32, #tpu.memory_space<vmem>> -> memref<1x128xf32, #tpu.memory_space<vmem>>
      %dma_start3A_457 = tpu.memref_squeeze %dma_start3A_456 : memref<1x128xf32, #tpu.memory_space<vmem>> -> memref<128xf32, #tpu.memory_space<vmem>>
      %dma_start3A_458 = arith.constant 0 : i32
      %dma_start3A_459 = tpu.memref_slice %arg10[%dma_start3A_454, %dma_start3A_458] : memref<8x128xi32, #tpu.memory_space<vmem>> -> memref<1x128xi32, #tpu.memory_space<vmem>>
      %dma_start3A_460 = tpu.memref_squeeze %dma_start3A_459 : memref<1x128xi32, #tpu.memory_space<vmem>> -> memref<128xi32, #tpu.memory_space<vmem>>
      %dma_start3A_461 = arith.constant 0 : i32
      %dma_start3A_462 = tpu.memref_slice %arg7[%dma_start3A_461] : memref<10240xf32, #tpu.memory_space<vmem_shared>> -> memref<10240xf32, #tpu.memory_space<vmem_shared>>
      tpu.enqueue_indirect_dma source(%dma_start3A_457 : memref<128xf32, #tpu.memory_space<vmem>>) target(%dma_start3A_462 : memref<10240xf32, #tpu.memory_space<vmem_shared>>) offsets(%dma_start3A_460 : memref<128xi32, #tpu.memory_space<vmem>>) semaphore(%arg14 : memref<!tpu.dma_semaphore, #tpu.memory_space<semaphore_mem>>) {add = true}
      %dma_start3A_463 = arith.constant 2 : i32
      %dma_start3A_464 = arith.constant 2 : i32
      %dma_start3A_465 = arith.constant 0 : i32
      %dma_start3A_466 = tpu.memref_slice %arg12[%dma_start3A_463, %dma_start3A_465] : memref<8x128xf32, #tpu.memory_space<vmem>> -> memref<1x128xf32, #tpu.memory_space<vmem>>
      %dma_start3A_467 = tpu.memref_squeeze %dma_start3A_466 : memref<1x128xf32, #tpu.memory_space<vmem>> -> memref<128xf32, #tpu.memory_space<vmem>>
      %dma_start3A_468 = arith.constant 0 : i32
      %dma_start3A_469 = tpu.memref_slice %arg10[%dma_start3A_464, %dma_start3A_468] : memref<8x128xi32, #tpu.memory_space<vmem>> -> memref<1x128xi32, #tpu.memory_space<vmem>>
      %dma_start3A_470 = tpu.memref_squeeze %dma_start3A_469 : memref<1x128xi32, #tpu.memory_space<vmem>> -> memref<128xi32, #tpu.memory_space<vmem>>
      %dma_start3A_471 = arith.constant 0 : i32
      %dma_start3A_472 = tpu.memref_slice %arg8[%dma_start3A_471] : memref<10240xf32, #tpu.memory_space<vmem_shared>> -> memref<10240xf32, #tpu.memory_space<vmem_shared>>
      tpu.enqueue_indirect_dma source(%dma_start3A_467 : memref<128xf32, #tpu.memory_space<vmem>>) target(%dma_start3A_472 : memref<10240xf32, #tpu.memory_space<vmem_shared>>) offsets(%dma_start3A_470 : memref<128xi32, #tpu.memory_space<vmem>>) semaphore(%arg14 : memref<!tpu.dma_semaphore, #tpu.memory_space<semaphore_mem>>) {add = true}
      %dma_start3A_473 = arith.constant 3 : i32
      %dma_start3A_474 = arith.constant 3 : i32
      %dma_start3A_475 = arith.constant 0 : i32
      %dma_start3A_476 = tpu.memref_slice %arg11[%dma_start3A_473, %dma_start3A_475] : memref<8x128xf32, #tpu.memory_space<vmem>> -> memref<1x128xf32, #tpu.memory_space<vmem>>
      %dma_start3A_477 = tpu.memref_squeeze %dma_start3A_476 : memref<1x128xf32, #tpu.memory_space<vmem>> -> memref<128xf32, #tpu.memory_space<vmem>>
      %dma_start3A_478 = arith.constant 0 : i32
      %dma_start3A_479 = tpu.memref_slice %arg10[%dma_start3A_474, %dma_start3A_478] : memref<8x128xi32, #tpu.memory_space<vmem>> -> memref<1x128xi32, #tpu.memory_space<vmem>>
      %dma_start3A_480 = tpu.memref_squeeze %dma_start3A_479 : memref<1x128xi32, #tpu.memory_space<vmem>> -> memref<128xi32, #tpu.memory_space<vmem>>
      %dma_start3A_481 = arith.constant 0 : i32
      %dma_start3A_482 = tpu.memref_slice %arg7[%dma_start3A_481] : memref<10240xf32, #tpu.memory_space<vmem_shared>> -> memref<10240xf32, #tpu.memory_space<vmem_shared>>
      tpu.enqueue_indirect_dma source(%dma_start3A_477 : memref<128xf32, #tpu.memory_space<vmem>>) target(%dma_start3A_482 : memref<10240xf32, #tpu.memory_space<vmem_shared>>) offsets(%dma_start3A_480 : memref<128xi32, #tpu.memory_space<vmem>>) semaphore(%arg14 : memref<!tpu.dma_semaphore, #tpu.memory_space<semaphore_mem>>) {add = true}
      %dma_start3A_483 = arith.constant 3 : i32
      %dma_start3A_484 = arith.constant 3 : i32
      %dma_start3A_485 = arith.constant 0 : i32
      %dma_start3A_486 = tpu.memref_slice %arg12[%dma_start3A_483, %dma_start3A_485] : memref<8x128xf32, #tpu.memory_space<vmem>> -> memref<1x128xf32, #tpu.memory_space<vmem>>
      %dma_start3A_487 = tpu.memref_squeeze %dma_start3A_486 : memref<1x128xf32, #tpu.memory_space<vmem>> -> memref<128xf32, #tpu.memory_space<vmem>>
      %dma_start3A_488 = arith.constant 0 : i32
      %dma_start3A_489 = tpu.memref_slice %arg10[%dma_start3A_484, %dma_start3A_488] : memref<8x128xi32, #tpu.memory_space<vmem>> -> memref<1x128xi32, #tpu.memory_space<vmem>>
      %dma_start3A_490 = tpu.memref_squeeze %dma_start3A_489 : memref<1x128xi32, #tpu.memory_space<vmem>> -> memref<128xi32, #tpu.memory_space<vmem>>
      %dma_start3A_491 = arith.constant 0 : i32
      %dma_start3A_492 = tpu.memref_slice %arg8[%dma_start3A_491] : memref<10240xf32, #tpu.memory_space<vmem_shared>> -> memref<10240xf32, #tpu.memory_space<vmem_shared>>
      tpu.enqueue_indirect_dma source(%dma_start3A_487 : memref<128xf32, #tpu.memory_space<vmem>>) target(%dma_start3A_492 : memref<10240xf32, #tpu.memory_space<vmem_shared>>) offsets(%dma_start3A_490 : memref<128xi32, #tpu.memory_space<vmem>>) semaphore(%arg14 : memref<!tpu.dma_semaphore, #tpu.memory_space<semaphore_mem>>) {add = true}
      %dma_start3A_493 = arith.constant 4 : i32
      %dma_start3A_494 = arith.constant 4 : i32
      %dma_start3A_495 = arith.constant 0 : i32
      %dma_start3A_496 = tpu.memref_slice %arg11[%dma_start3A_493, %dma_start3A_495] : memref<8x128xf32, #tpu.memory_space<vmem>> -> memref<1x128xf32, #tpu.memory_space<vmem>>
      %dma_start3A_497 = tpu.memref_squeeze %dma_start3A_496 : memref<1x128xf32, #tpu.memory_space<vmem>> -> memref<128xf32, #tpu.memory_space<vmem>>
      %dma_start3A_498 = arith.constant 0 : i32
      %dma_start3A_499 = tpu.memref_slice %arg10[%dma_start3A_494, %dma_start3A_498] : memref<8x128xi32, #tpu.memory_space<vmem>> -> memref<1x128xi32, #tpu.memory_space<vmem>>
      %dma_start3A_500 = tpu.memref_squeeze %dma_start3A_499 : memref<1x128xi32, #tpu.memory_space<vmem>> -> memref<128xi32, #tpu.memory_space<vmem>>
      %dma_start3A_501 = arith.constant 0 : i32
      %dma_start3A_502 = tpu.memref_slice %arg7[%dma_start3A_501] : memref<10240xf32, #tpu.memory_space<vmem_shared>> -> memref<10240xf32, #tpu.memory_space<vmem_shared>>
      tpu.enqueue_indirect_dma source(%dma_start3A_497 : memref<128xf32, #tpu.memory_space<vmem>>) target(%dma_start3A_502 : memref<10240xf32, #tpu.memory_space<vmem_shared>>) offsets(%dma_start3A_500 : memref<128xi32, #tpu.memory_space<vmem>>) semaphore(%arg14 : memref<!tpu.dma_semaphore, #tpu.memory_space<semaphore_mem>>) {add = true}
      %dma_start3A_503 = arith.constant 4 : i32
      %dma_start3A_504 = arith.constant 4 : i32
      %dma_start3A_505 = arith.constant 0 : i32
      %dma_start3A_506 = tpu.memref_slice %arg12[%dma_start3A_503, %dma_start3A_505] : memref<8x128xf32, #tpu.memory_space<vmem>> -> memref<1x128xf32, #tpu.memory_space<vmem>>
      %dma_start3A_507 = tpu.memref_squeeze %dma_start3A_506 : memref<1x128xf32, #tpu.memory_space<vmem>> -> memref<128xf32, #tpu.memory_space<vmem>>
      %dma_start3A_508 = arith.constant 0 : i32
      %dma_start3A_509 = tpu.memref_slice %arg10[%dma_start3A_504, %dma_start3A_508] : memref<8x128xi32, #tpu.memory_space<vmem>> -> memref<1x128xi32, #tpu.memory_space<vmem>>
      %dma_start3A_510 = tpu.memref_squeeze %dma_start3A_509 : memref<1x128xi32, #tpu.memory_space<vmem>> -> memref<128xi32, #tpu.memory_space<vmem>>
      %dma_start3A_511 = arith.constant 0 : i32
      %dma_start3A_512 = tpu.memref_slice %arg8[%dma_start3A_511] : memref<10240xf32, #tpu.memory_space<vmem_shared>> -> memref<10240xf32, #tpu.memory_space<vmem_shared>>
      tpu.enqueue_indirect_dma source(%dma_start3A_507 : memref<128xf32, #tpu.memory_space<vmem>>) target(%dma_start3A_512 : memref<10240xf32, #tpu.memory_space<vmem_shared>>) offsets(%dma_start3A_510 : memref<128xi32, #tpu.memory_space<vmem>>) semaphore(%arg14 : memref<!tpu.dma_semaphore, #tpu.memory_space<semaphore_mem>>) {add = true}
      %dma_start3A_513 = arith.constant 5 : i32
      %dma_start3A_514 = arith.constant 5 : i32
      %dma_start3A_515 = arith.constant 0 : i32
      %dma_start3A_516 = tpu.memref_slice %arg11[%dma_start3A_513, %dma_start3A_515] : memref<8x128xf32, #tpu.memory_space<vmem>> -> memref<1x128xf32, #tpu.memory_space<vmem>>
      %dma_start3A_517 = tpu.memref_squeeze %dma_start3A_516 : memref<1x128xf32, #tpu.memory_space<vmem>> -> memref<128xf32, #tpu.memory_space<vmem>>
      %dma_start3A_518 = arith.constant 0 : i32
      %dma_start3A_519 = tpu.memref_slice %arg10[%dma_start3A_514, %dma_start3A_518] : memref<8x128xi32, #tpu.memory_space<vmem>> -> memref<1x128xi32, #tpu.memory_space<vmem>>
      %dma_start3A_520 = tpu.memref_squeeze %dma_start3A_519 : memref<1x128xi32, #tpu.memory_space<vmem>> -> memref<128xi32, #tpu.memory_space<vmem>>
      %dma_start3A_521 = arith.constant 0 : i32
      %dma_start3A_522 = tpu.memref_slice %arg7[%dma_start3A_521] : memref<10240xf32, #tpu.memory_space<vmem_shared>> -> memref<10240xf32, #tpu.memory_space<vmem_shared>>
      tpu.enqueue_indirect_dma source(%dma_start3A_517 : memref<128xf32, #tpu.memory_space<vmem>>) target(%dma_start3A_522 : memref<10240xf32, #tpu.memory_space<vmem_shared>>) offsets(%dma_start3A_520 : memref<128xi32, #tpu.memory_space<vmem>>) semaphore(%arg14 : memref<!tpu.dma_semaphore, #tpu.memory_space<semaphore_mem>>) {add = true}
      %dma_start3A_523 = arith.constant 5 : i32
      %dma_start3A_524 = arith.constant 5 : i32
      %dma_start3A_525 = arith.constant 0 : i32
      %dma_start3A_526 = tpu.memref_slice %arg12[%dma_start3A_523, %dma_start3A_525] : memref<8x128xf32, #tpu.memory_space<vmem>> -> memref<1x128xf32, #tpu.memory_space<vmem>>
      %dma_start3A_527 = tpu.memref_squeeze %dma_start3A_526 : memref<1x128xf32, #tpu.memory_space<vmem>> -> memref<128xf32, #tpu.memory_space<vmem>>
      %dma_start3A_528 = arith.constant 0 : i32
      %dma_start3A_529 = tpu.memref_slice %arg10[%dma_start3A_524, %dma_start3A_528] : memref<8x128xi32, #tpu.memory_space<vmem>> -> memref<1x128xi32, #tpu.memory_space<vmem>>
      %dma_start3A_530 = tpu.memref_squeeze %dma_start3A_529 : memref<1x128xi32, #tpu.memory_space<vmem>> -> memref<128xi32, #tpu.memory_space<vmem>>
      %dma_start3A_531 = arith.constant 0 : i32
      %dma_start3A_532 = tpu.memref_slice %arg8[%dma_start3A_531] : memref<10240xf32, #tpu.memory_space<vmem_shared>> -> memref<10240xf32, #tpu.memory_space<vmem_shared>>
      tpu.enqueue_indirect_dma source(%dma_start3A_527 : memref<128xf32, #tpu.memory_space<vmem>>) target(%dma_start3A_532 : memref<10240xf32, #tpu.memory_space<vmem_shared>>) offsets(%dma_start3A_530 : memref<128xi32, #tpu.memory_space<vmem>>) semaphore(%arg14 : memref<!tpu.dma_semaphore, #tpu.memory_space<semaphore_mem>>) {add = true}
      %dma_start3A_533 = arith.constant 6 : i32
      %dma_start3A_534 = arith.constant 6 : i32
      %dma_start3A_535 = arith.constant 0 : i32
      %dma_start3A_536 = tpu.memref_slice %arg11[%dma_start3A_533, %dma_start3A_535] : memref<8x128xf32, #tpu.memory_space<vmem>> -> memref<1x128xf32, #tpu.memory_space<vmem>>
      %dma_start3A_537 = tpu.memref_squeeze %dma_start3A_536 : memref<1x128xf32, #tpu.memory_space<vmem>> -> memref<128xf32, #tpu.memory_space<vmem>>
      %dma_start3A_538 = arith.constant 0 : i32
      %dma_start3A_539 = tpu.memref_slice %arg10[%dma_start3A_534, %dma_start3A_538] : memref<8x128xi32, #tpu.memory_space<vmem>> -> memref<1x128xi32, #tpu.memory_space<vmem>>
      %dma_start3A_540 = tpu.memref_squeeze %dma_start3A_539 : memref<1x128xi32, #tpu.memory_space<vmem>> -> memref<128xi32, #tpu.memory_space<vmem>>
      %dma_start3A_541 = arith.constant 0 : i32
      %dma_start3A_542 = tpu.memref_slice %arg7[%dma_start3A_541] : memref<10240xf32, #tpu.memory_space<vmem_shared>> -> memref<10240xf32, #tpu.memory_space<vmem_shared>>
      tpu.enqueue_indirect_dma source(%dma_start3A_537 : memref<128xf32, #tpu.memory_space<vmem>>) target(%dma_start3A_542 : memref<10240xf32, #tpu.memory_space<vmem_shared>>) offsets(%dma_start3A_540 : memref<128xi32, #tpu.memory_space<vmem>>) semaphore(%arg14 : memref<!tpu.dma_semaphore, #tpu.memory_space<semaphore_mem>>) {add = true}
      %dma_start3A_543 = arith.constant 6 : i32
      %dma_start3A_544 = arith.constant 6 : i32
      %dma_start3A_545 = arith.constant 0 : i32
      %dma_start3A_546 = tpu.memref_slice %arg12[%dma_start3A_543, %dma_start3A_545] : memref<8x128xf32, #tpu.memory_space<vmem>> -> memref<1x128xf32, #tpu.memory_space<vmem>>
      %dma_start3A_547 = tpu.memref_squeeze %dma_start3A_546 : memref<1x128xf32, #tpu.memory_space<vmem>> -> memref<128xf32, #tpu.memory_space<vmem>>
      %dma_start3A_548 = arith.constant 0 : i32
      %dma_start3A_549 = tpu.memref_slice %arg10[%dma_start3A_544, %dma_start3A_548] : memref<8x128xi32, #tpu.memory_space<vmem>> -> memref<1x128xi32, #tpu.memory_space<vmem>>
      %dma_start3A_550 = tpu.memref_squeeze %dma_start3A_549 : memref<1x128xi32, #tpu.memory_space<vmem>> -> memref<128xi32, #tpu.memory_space<vmem>>
      %dma_start3A_551 = arith.constant 0 : i32
      %dma_start3A_552 = tpu.memref_slice %arg8[%dma_start3A_551] : memref<10240xf32, #tpu.memory_space<vmem_shared>> -> memref<10240xf32, #tpu.memory_space<vmem_shared>>
      tpu.enqueue_indirect_dma source(%dma_start3A_547 : memref<128xf32, #tpu.memory_space<vmem>>) target(%dma_start3A_552 : memref<10240xf32, #tpu.memory_space<vmem_shared>>) offsets(%dma_start3A_550 : memref<128xi32, #tpu.memory_space<vmem>>) semaphore(%arg14 : memref<!tpu.dma_semaphore, #tpu.memory_space<semaphore_mem>>) {add = true}
      %dma_start3A_553 = arith.constant 7 : i32
      %dma_start3A_554 = arith.constant 7 : i32
      %dma_start3A_555 = arith.constant 0 : i32
      %dma_start3A_556 = tpu.memref_slice %arg11[%dma_start3A_553, %dma_start3A_555] : memref<8x128xf32, #tpu.memory_space<vmem>> -> memref<1x128xf32, #tpu.memory_space<vmem>>
      %dma_start3A_557 = tpu.memref_squeeze %dma_start3A_556 : memref<1x128xf32, #tpu.memory_space<vmem>> -> memref<128xf32, #tpu.memory_space<vmem>>
      %dma_start3A_558 = arith.constant 0 : i32
      %dma_start3A_559 = tpu.memref_slice %arg10[%dma_start3A_554, %dma_start3A_558] : memref<8x128xi32, #tpu.memory_space<vmem>> -> memref<1x128xi32, #tpu.memory_space<vmem>>
      %dma_start3A_560 = tpu.memref_squeeze %dma_start3A_559 : memref<1x128xi32, #tpu.memory_space<vmem>> -> memref<128xi32, #tpu.memory_space<vmem>>
      %dma_start3A_561 = arith.constant 0 : i32
      %dma_start3A_562 = tpu.memref_slice %arg7[%dma_start3A_561] : memref<10240xf32, #tpu.memory_space<vmem_shared>> -> memref<10240xf32, #tpu.memory_space<vmem_shared>>
      tpu.enqueue_indirect_dma source(%dma_start3A_557 : memref<128xf32, #tpu.memory_space<vmem>>) target(%dma_start3A_562 : memref<10240xf32, #tpu.memory_space<vmem_shared>>) offsets(%dma_start3A_560 : memref<128xi32, #tpu.memory_space<vmem>>) semaphore(%arg14 : memref<!tpu.dma_semaphore, #tpu.memory_space<semaphore_mem>>) {add = true}
      %dma_start3A_563 = arith.constant 7 : i32
      %dma_start3A_564 = arith.constant 7 : i32
      %dma_start3A_565 = arith.constant 0 : i32
      %dma_start3A_566 = tpu.memref_slice %arg12[%dma_start3A_563, %dma_start3A_565] : memref<8x128xf32, #tpu.memory_space<vmem>> -> memref<1x128xf32, #tpu.memory_space<vmem>>
      %dma_start3A_567 = tpu.memref_squeeze %dma_start3A_566 : memref<1x128xf32, #tpu.memory_space<vmem>> -> memref<128xf32, #tpu.memory_space<vmem>>
      %dma_start3A_568 = arith.constant 0 : i32
      %dma_start3A_569 = tpu.memref_slice %arg10[%dma_start3A_564, %dma_start3A_568] : memref<8x128xi32, #tpu.memory_space<vmem>> -> memref<1x128xi32, #tpu.memory_space<vmem>>
      %dma_start3A_570 = tpu.memref_squeeze %dma_start3A_569 : memref<1x128xi32, #tpu.memory_space<vmem>> -> memref<128xi32, #tpu.memory_space<vmem>>
      %dma_start3A_571 = arith.constant 0 : i32
      %dma_start3A_572 = tpu.memref_slice %arg8[%dma_start3A_571] : memref<10240xf32, #tpu.memory_space<vmem_shared>> -> memref<10240xf32, #tpu.memory_space<vmem_shared>>
      tpu.enqueue_indirect_dma source(%dma_start3A_567 : memref<128xf32, #tpu.memory_space<vmem>>) target(%dma_start3A_572 : memref<10240xf32, #tpu.memory_space<vmem_shared>>) offsets(%dma_start3A_570 : memref<128xi32, #tpu.memory_space<vmem>>) semaphore(%arg14 : memref<!tpu.dma_semaphore, #tpu.memory_space<semaphore_mem>>) {add = true}
      %dma_wait3A_573 = arith.constant 0 : i32
      %dma_wait3A_574 = arith.constant 0 : i32
      %dma_wait3A_575 = arith.constant 0 : i32
      %dma_wait3A_576 = tpu.memref_slice %arg11[%dma_wait3A_573, %dma_wait3A_575] : memref<8x128xf32, #tpu.memory_space<vmem>> -> memref<1x128xf32, #tpu.memory_space<vmem>>
      %dma_wait3A_577 = tpu.memref_squeeze %dma_wait3A_576 : memref<1x128xf32, #tpu.memory_space<vmem>> -> memref<128xf32, #tpu.memory_space<vmem>>
      %dma_wait3A_578 = arith.constant 0 : i32
      %dma_wait3A_579 = tpu.memref_slice %arg10[%dma_wait3A_574, %dma_wait3A_578] : memref<8x128xi32, #tpu.memory_space<vmem>> -> memref<1x128xi32, #tpu.memory_space<vmem>>
      %dma_wait3A_580 = tpu.memref_squeeze %dma_wait3A_579 : memref<1x128xi32, #tpu.memory_space<vmem>> -> memref<128xi32, #tpu.memory_space<vmem>>
      %dma_wait3A_581 = arith.constant 0 : i32
      %dma_wait3A_582 = tpu.memref_slice %arg7[%dma_wait3A_581] : memref<10240xf32, #tpu.memory_space<vmem_shared>> -> memref<10240xf32, #tpu.memory_space<vmem_shared>>
      tpu.wait_indirect_dma semaphore(%arg14 : memref<!tpu.dma_semaphore, #tpu.memory_space<semaphore_mem>>) src(%dma_wait3A_577 : memref<128xf32, #tpu.memory_space<vmem>>) dst(%dma_wait3A_582 : memref<10240xf32, #tpu.memory_space<vmem_shared>>)
      %dma_wait3A_583 = arith.constant 0 : i32
      %dma_wait3A_584 = arith.constant 0 : i32
      %dma_wait3A_585 = arith.constant 0 : i32
      %dma_wait3A_586 = tpu.memref_slice %arg12[%dma_wait3A_583, %dma_wait3A_585] : memref<8x128xf32, #tpu.memory_space<vmem>> -> memref<1x128xf32, #tpu.memory_space<vmem>>
      %dma_wait3A_587 = tpu.memref_squeeze %dma_wait3A_586 : memref<1x128xf32, #tpu.memory_space<vmem>> -> memref<128xf32, #tpu.memory_space<vmem>>
      %dma_wait3A_588 = arith.constant 0 : i32
      %dma_wait3A_589 = tpu.memref_slice %arg10[%dma_wait3A_584, %dma_wait3A_588] : memref<8x128xi32, #tpu.memory_space<vmem>> -> memref<1x128xi32, #tpu.memory_space<vmem>>
      %dma_wait3A_590 = tpu.memref_squeeze %dma_wait3A_589 : memref<1x128xi32, #tpu.memory_space<vmem>> -> memref<128xi32, #tpu.memory_space<vmem>>
      %dma_wait3A_591 = arith.constant 0 : i32
      %dma_wait3A_592 = tpu.memref_slice %arg8[%dma_wait3A_591] : memref<10240xf32, #tpu.memory_space<vmem_shared>> -> memref<10240xf32, #tpu.memory_space<vmem_shared>>
      tpu.wait_indirect_dma semaphore(%arg14 : memref<!tpu.dma_semaphore, #tpu.memory_space<semaphore_mem>>) src(%dma_wait3A_587 : memref<128xf32, #tpu.memory_space<vmem>>) dst(%dma_wait3A_592 : memref<10240xf32, #tpu.memory_space<vmem_shared>>)
      %dma_wait3A_593 = arith.constant 1 : i32
      %dma_wait3A_594 = arith.constant 1 : i32
      %dma_wait3A_595 = arith.constant 0 : i32
      %dma_wait3A_596 = tpu.memref_slice %arg11[%dma_wait3A_593, %dma_wait3A_595] : memref<8x128xf32, #tpu.memory_space<vmem>> -> memref<1x128xf32, #tpu.memory_space<vmem>>
      %dma_wait3A_597 = tpu.memref_squeeze %dma_wait3A_596 : memref<1x128xf32, #tpu.memory_space<vmem>> -> memref<128xf32, #tpu.memory_space<vmem>>
      %dma_wait3A_598 = arith.constant 0 : i32
      %dma_wait3A_599 = tpu.memref_slice %arg10[%dma_wait3A_594, %dma_wait3A_598] : memref<8x128xi32, #tpu.memory_space<vmem>> -> memref<1x128xi32, #tpu.memory_space<vmem>>
      %dma_wait3A_600 = tpu.memref_squeeze %dma_wait3A_599 : memref<1x128xi32, #tpu.memory_space<vmem>> -> memref<128xi32, #tpu.memory_space<vmem>>
      %dma_wait3A_601 = arith.constant 0 : i32
      %dma_wait3A_602 = tpu.memref_slice %arg7[%dma_wait3A_601] : memref<10240xf32, #tpu.memory_space<vmem_shared>> -> memref<10240xf32, #tpu.memory_space<vmem_shared>>
      tpu.wait_indirect_dma semaphore(%arg14 : memref<!tpu.dma_semaphore, #tpu.memory_space<semaphore_mem>>) src(%dma_wait3A_597 : memref<128xf32, #tpu.memory_space<vmem>>) dst(%dma_wait3A_602 : memref<10240xf32, #tpu.memory_space<vmem_shared>>)
      %dma_wait3A_603 = arith.constant 1 : i32
      %dma_wait3A_604 = arith.constant 1 : i32
      %dma_wait3A_605 = arith.constant 0 : i32
      %dma_wait3A_606 = tpu.memref_slice %arg12[%dma_wait3A_603, %dma_wait3A_605] : memref<8x128xf32, #tpu.memory_space<vmem>> -> memref<1x128xf32, #tpu.memory_space<vmem>>
      %dma_wait3A_607 = tpu.memref_squeeze %dma_wait3A_606 : memref<1x128xf32, #tpu.memory_space<vmem>> -> memref<128xf32, #tpu.memory_space<vmem>>
      %dma_wait3A_608 = arith.constant 0 : i32
      %dma_wait3A_609 = tpu.memref_slice %arg10[%dma_wait3A_604, %dma_wait3A_608] : memref<8x128xi32, #tpu.memory_space<vmem>> -> memref<1x128xi32, #tpu.memory_space<vmem>>
      %dma_wait3A_610 = tpu.memref_squeeze %dma_wait3A_609 : memref<1x128xi32, #tpu.memory_space<vmem>> -> memref<128xi32, #tpu.memory_space<vmem>>
      %dma_wait3A_611 = arith.constant 0 : i32
      %dma_wait3A_612 = tpu.memref_slice %arg8[%dma_wait3A_611] : memref<10240xf32, #tpu.memory_space<vmem_shared>> -> memref<10240xf32, #tpu.memory_space<vmem_shared>>
      tpu.wait_indirect_dma semaphore(%arg14 : memref<!tpu.dma_semaphore, #tpu.memory_space<semaphore_mem>>) src(%dma_wait3A_607 : memref<128xf32, #tpu.memory_space<vmem>>) dst(%dma_wait3A_612 : memref<10240xf32, #tpu.memory_space<vmem_shared>>)
      %dma_wait3A_613 = arith.constant 2 : i32
      %dma_wait3A_614 = arith.constant 2 : i32
      %dma_wait3A_615 = arith.constant 0 : i32
      %dma_wait3A_616 = tpu.memref_slice %arg11[%dma_wait3A_613, %dma_wait3A_615] : memref<8x128xf32, #tpu.memory_space<vmem>> -> memref<1x128xf32, #tpu.memory_space<vmem>>
      %dma_wait3A_617 = tpu.memref_squeeze %dma_wait3A_616 : memref<1x128xf32, #tpu.memory_space<vmem>> -> memref<128xf32, #tpu.memory_space<vmem>>
      %dma_wait3A_618 = arith.constant 0 : i32
      %dma_wait3A_619 = tpu.memref_slice %arg10[%dma_wait3A_614, %dma_wait3A_618] : memref<8x128xi32, #tpu.memory_space<vmem>> -> memref<1x128xi32, #tpu.memory_space<vmem>>
      %dma_wait3A_620 = tpu.memref_squeeze %dma_wait3A_619 : memref<1x128xi32, #tpu.memory_space<vmem>> -> memref<128xi32, #tpu.memory_space<vmem>>
      %dma_wait3A_621 = arith.constant 0 : i32
      %dma_wait3A_622 = tpu.memref_slice %arg7[%dma_wait3A_621] : memref<10240xf32, #tpu.memory_space<vmem_shared>> -> memref<10240xf32, #tpu.memory_space<vmem_shared>>
      tpu.wait_indirect_dma semaphore(%arg14 : memref<!tpu.dma_semaphore, #tpu.memory_space<semaphore_mem>>) src(%dma_wait3A_617 : memref<128xf32, #tpu.memory_space<vmem>>) dst(%dma_wait3A_622 : memref<10240xf32, #tpu.memory_space<vmem_shared>>)
      %dma_wait3A_623 = arith.constant 2 : i32
      %dma_wait3A_624 = arith.constant 2 : i32
      %dma_wait3A_625 = arith.constant 0 : i32
      %dma_wait3A_626 = tpu.memref_slice %arg12[%dma_wait3A_623, %dma_wait3A_625] : memref<8x128xf32, #tpu.memory_space<vmem>> -> memref<1x128xf32, #tpu.memory_space<vmem>>
      %dma_wait3A_627 = tpu.memref_squeeze %dma_wait3A_626 : memref<1x128xf32, #tpu.memory_space<vmem>> -> memref<128xf32, #tpu.memory_space<vmem>>
      %dma_wait3A_628 = arith.constant 0 : i32
      %dma_wait3A_629 = tpu.memref_slice %arg10[%dma_wait3A_624, %dma_wait3A_628] : memref<8x128xi32, #tpu.memory_space<vmem>> -> memref<1x128xi32, #tpu.memory_space<vmem>>
      %dma_wait3A_630 = tpu.memref_squeeze %dma_wait3A_629 : memref<1x128xi32, #tpu.memory_space<vmem>> -> memref<128xi32, #tpu.memory_space<vmem>>
      %dma_wait3A_631 = arith.constant 0 : i32
      %dma_wait3A_632 = tpu.memref_slice %arg8[%dma_wait3A_631] : memref<10240xf32, #tpu.memory_space<vmem_shared>> -> memref<10240xf32, #tpu.memory_space<vmem_shared>>
      tpu.wait_indirect_dma semaphore(%arg14 : memref<!tpu.dma_semaphore, #tpu.memory_space<semaphore_mem>>) src(%dma_wait3A_627 : memref<128xf32, #tpu.memory_space<vmem>>) dst(%dma_wait3A_632 : memref<10240xf32, #tpu.memory_space<vmem_shared>>)
      %dma_wait3A_633 = arith.constant 3 : i32
      %dma_wait3A_634 = arith.constant 3 : i32
      %dma_wait3A_635 = arith.constant 0 : i32
      %dma_wait3A_636 = tpu.memref_slice %arg11[%dma_wait3A_633, %dma_wait3A_635] : memref<8x128xf32, #tpu.memory_space<vmem>> -> memref<1x128xf32, #tpu.memory_space<vmem>>
      %dma_wait3A_637 = tpu.memref_squeeze %dma_wait3A_636 : memref<1x128xf32, #tpu.memory_space<vmem>> -> memref<128xf32, #tpu.memory_space<vmem>>
      %dma_wait3A_638 = arith.constant 0 : i32
      %dma_wait3A_639 = tpu.memref_slice %arg10[%dma_wait3A_634, %dma_wait3A_638] : memref<8x128xi32, #tpu.memory_space<vmem>> -> memref<1x128xi32, #tpu.memory_space<vmem>>
      %dma_wait3A_640 = tpu.memref_squeeze %dma_wait3A_639 : memref<1x128xi32, #tpu.memory_space<vmem>> -> memref<128xi32, #tpu.memory_space<vmem>>
      %dma_wait3A_641 = arith.constant 0 : i32
      %dma_wait3A_642 = tpu.memref_slice %arg7[%dma_wait3A_641] : memref<10240xf32, #tpu.memory_space<vmem_shared>> -> memref<10240xf32, #tpu.memory_space<vmem_shared>>
      tpu.wait_indirect_dma semaphore(%arg14 : memref<!tpu.dma_semaphore, #tpu.memory_space<semaphore_mem>>) src(%dma_wait3A_637 : memref<128xf32, #tpu.memory_space<vmem>>) dst(%dma_wait3A_642 : memref<10240xf32, #tpu.memory_space<vmem_shared>>)
      %dma_wait3A_643 = arith.constant 3 : i32
      %dma_wait3A_644 = arith.constant 3 : i32
      %dma_wait3A_645 = arith.constant 0 : i32
      %dma_wait3A_646 = tpu.memref_slice %arg12[%dma_wait3A_643, %dma_wait3A_645] : memref<8x128xf32, #tpu.memory_space<vmem>> -> memref<1x128xf32, #tpu.memory_space<vmem>>
      %dma_wait3A_647 = tpu.memref_squeeze %dma_wait3A_646 : memref<1x128xf32, #tpu.memory_space<vmem>> -> memref<128xf32, #tpu.memory_space<vmem>>
      %dma_wait3A_648 = arith.constant 0 : i32
      %dma_wait3A_649 = tpu.memref_slice %arg10[%dma_wait3A_644, %dma_wait3A_648] : memref<8x128xi32, #tpu.memory_space<vmem>> -> memref<1x128xi32, #tpu.memory_space<vmem>>
      %dma_wait3A_650 = tpu.memref_squeeze %dma_wait3A_649 : memref<1x128xi32, #tpu.memory_space<vmem>> -> memref<128xi32, #tpu.memory_space<vmem>>
      %dma_wait3A_651 = arith.constant 0 : i32
      %dma_wait3A_652 = tpu.memref_slice %arg8[%dma_wait3A_651] : memref<10240xf32, #tpu.memory_space<vmem_shared>> -> memref<10240xf32, #tpu.memory_space<vmem_shared>>
      tpu.wait_indirect_dma semaphore(%arg14 : memref<!tpu.dma_semaphore, #tpu.memory_space<semaphore_mem>>) src(%dma_wait3A_647 : memref<128xf32, #tpu.memory_space<vmem>>) dst(%dma_wait3A_652 : memref<10240xf32, #tpu.memory_space<vmem_shared>>)
      %dma_wait3A_653 = arith.constant 4 : i32
      %dma_wait3A_654 = arith.constant 4 : i32
      %dma_wait3A_655 = arith.constant 0 : i32
      %dma_wait3A_656 = tpu.memref_slice %arg11[%dma_wait3A_653, %dma_wait3A_655] : memref<8x128xf32, #tpu.memory_space<vmem>> -> memref<1x128xf32, #tpu.memory_space<vmem>>
      %dma_wait3A_657 = tpu.memref_squeeze %dma_wait3A_656 : memref<1x128xf32, #tpu.memory_space<vmem>> -> memref<128xf32, #tpu.memory_space<vmem>>
      %dma_wait3A_658 = arith.constant 0 : i32
      %dma_wait3A_659 = tpu.memref_slice %arg10[%dma_wait3A_654, %dma_wait3A_658] : memref<8x128xi32, #tpu.memory_space<vmem>> -> memref<1x128xi32, #tpu.memory_space<vmem>>
      %dma_wait3A_660 = tpu.memref_squeeze %dma_wait3A_659 : memref<1x128xi32, #tpu.memory_space<vmem>> -> memref<128xi32, #tpu.memory_space<vmem>>
      %dma_wait3A_661 = arith.constant 0 : i32
      %dma_wait3A_662 = tpu.memref_slice %arg7[%dma_wait3A_661] : memref<10240xf32, #tpu.memory_space<vmem_shared>> -> memref<10240xf32, #tpu.memory_space<vmem_shared>>
      tpu.wait_indirect_dma semaphore(%arg14 : memref<!tpu.dma_semaphore, #tpu.memory_space<semaphore_mem>>) src(%dma_wait3A_657 : memref<128xf32, #tpu.memory_space<vmem>>) dst(%dma_wait3A_662 : memref<10240xf32, #tpu.memory_space<vmem_shared>>)
      %dma_wait3A_663 = arith.constant 4 : i32
      %dma_wait3A_664 = arith.constant 4 : i32
      %dma_wait3A_665 = arith.constant 0 : i32
      %dma_wait3A_666 = tpu.memref_slice %arg12[%dma_wait3A_663, %dma_wait3A_665] : memref<8x128xf32, #tpu.memory_space<vmem>> -> memref<1x128xf32, #tpu.memory_space<vmem>>
      %dma_wait3A_667 = tpu.memref_squeeze %dma_wait3A_666 : memref<1x128xf32, #tpu.memory_space<vmem>> -> memref<128xf32, #tpu.memory_space<vmem>>
      %dma_wait3A_668 = arith.constant 0 : i32
      %dma_wait3A_669 = tpu.memref_slice %arg10[%dma_wait3A_664, %dma_wait3A_668] : memref<8x128xi32, #tpu.memory_space<vmem>> -> memref<1x128xi32, #tpu.memory_space<vmem>>
      %dma_wait3A_670 = tpu.memref_squeeze %dma_wait3A_669 : memref<1x128xi32, #tpu.memory_space<vmem>> -> memref<128xi32, #tpu.memory_space<vmem>>
      %dma_wait3A_671 = arith.constant 0 : i32
      %dma_wait3A_672 = tpu.memref_slice %arg8[%dma_wait3A_671] : memref<10240xf32, #tpu.memory_space<vmem_shared>> -> memref<10240xf32, #tpu.memory_space<vmem_shared>>
      tpu.wait_indirect_dma semaphore(%arg14 : memref<!tpu.dma_semaphore, #tpu.memory_space<semaphore_mem>>) src(%dma_wait3A_667 : memref<128xf32, #tpu.memory_space<vmem>>) dst(%dma_wait3A_672 : memref<10240xf32, #tpu.memory_space<vmem_shared>>)
      %dma_wait3A_673 = arith.constant 5 : i32
      %dma_wait3A_674 = arith.constant 5 : i32
      %dma_wait3A_675 = arith.constant 0 : i32
      %dma_wait3A_676 = tpu.memref_slice %arg11[%dma_wait3A_673, %dma_wait3A_675] : memref<8x128xf32, #tpu.memory_space<vmem>> -> memref<1x128xf32, #tpu.memory_space<vmem>>
      %dma_wait3A_677 = tpu.memref_squeeze %dma_wait3A_676 : memref<1x128xf32, #tpu.memory_space<vmem>> -> memref<128xf32, #tpu.memory_space<vmem>>
      %dma_wait3A_678 = arith.constant 0 : i32
      %dma_wait3A_679 = tpu.memref_slice %arg10[%dma_wait3A_674, %dma_wait3A_678] : memref<8x128xi32, #tpu.memory_space<vmem>> -> memref<1x128xi32, #tpu.memory_space<vmem>>
      %dma_wait3A_680 = tpu.memref_squeeze %dma_wait3A_679 : memref<1x128xi32, #tpu.memory_space<vmem>> -> memref<128xi32, #tpu.memory_space<vmem>>
      %dma_wait3A_681 = arith.constant 0 : i32
      %dma_wait3A_682 = tpu.memref_slice %arg7[%dma_wait3A_681] : memref<10240xf32, #tpu.memory_space<vmem_shared>> -> memref<10240xf32, #tpu.memory_space<vmem_shared>>
      tpu.wait_indirect_dma semaphore(%arg14 : memref<!tpu.dma_semaphore, #tpu.memory_space<semaphore_mem>>) src(%dma_wait3A_677 : memref<128xf32, #tpu.memory_space<vmem>>) dst(%dma_wait3A_682 : memref<10240xf32, #tpu.memory_space<vmem_shared>>)
      %dma_wait3A_683 = arith.constant 5 : i32
      %dma_wait3A_684 = arith.constant 5 : i32
      %dma_wait3A_685 = arith.constant 0 : i32
      %dma_wait3A_686 = tpu.memref_slice %arg12[%dma_wait3A_683, %dma_wait3A_685] : memref<8x128xf32, #tpu.memory_space<vmem>> -> memref<1x128xf32, #tpu.memory_space<vmem>>
      %dma_wait3A_687 = tpu.memref_squeeze %dma_wait3A_686 : memref<1x128xf32, #tpu.memory_space<vmem>> -> memref<128xf32, #tpu.memory_space<vmem>>
      %dma_wait3A_688 = arith.constant 0 : i32
      %dma_wait3A_689 = tpu.memref_slice %arg10[%dma_wait3A_684, %dma_wait3A_688] : memref<8x128xi32, #tpu.memory_space<vmem>> -> memref<1x128xi32, #tpu.memory_space<vmem>>
      %dma_wait3A_690 = tpu.memref_squeeze %dma_wait3A_689 : memref<1x128xi32, #tpu.memory_space<vmem>> -> memref<128xi32, #tpu.memory_space<vmem>>
      %dma_wait3A_691 = arith.constant 0 : i32
      %dma_wait3A_692 = tpu.memref_slice %arg8[%dma_wait3A_691] : memref<10240xf32, #tpu.memory_space<vmem_shared>> -> memref<10240xf32, #tpu.memory_space<vmem_shared>>
      tpu.wait_indirect_dma semaphore(%arg14 : memref<!tpu.dma_semaphore, #tpu.memory_space<semaphore_mem>>) src(%dma_wait3A_687 : memref<128xf32, #tpu.memory_space<vmem>>) dst(%dma_wait3A_692 : memref<10240xf32, #tpu.memory_space<vmem_shared>>)
      %dma_wait3A_693 = arith.constant 6 : i32
      %dma_wait3A_694 = arith.constant 6 : i32
      %dma_wait3A_695 = arith.constant 0 : i32
      %dma_wait3A_696 = tpu.memref_slice %arg11[%dma_wait3A_693, %dma_wait3A_695] : memref<8x128xf32, #tpu.memory_space<vmem>> -> memref<1x128xf32, #tpu.memory_space<vmem>>
      %dma_wait3A_697 = tpu.memref_squeeze %dma_wait3A_696 : memref<1x128xf32, #tpu.memory_space<vmem>> -> memref<128xf32, #tpu.memory_space<vmem>>
      %dma_wait3A_698 = arith.constant 0 : i32
      %dma_wait3A_699 = tpu.memref_slice %arg10[%dma_wait3A_694, %dma_wait3A_698] : memref<8x128xi32, #tpu.memory_space<vmem>> -> memref<1x128xi32, #tpu.memory_space<vmem>>
      %dma_wait3A_700 = tpu.memref_squeeze %dma_wait3A_699 : memref<1x128xi32, #tpu.memory_space<vmem>> -> memref<128xi32, #tpu.memory_space<vmem>>
      %dma_wait3A_701 = arith.constant 0 : i32
      %dma_wait3A_702 = tpu.memref_slice %arg7[%dma_wait3A_701] : memref<10240xf32, #tpu.memory_space<vmem_shared>> -> memref<10240xf32, #tpu.memory_space<vmem_shared>>
      tpu.wait_indirect_dma semaphore(%arg14 : memref<!tpu.dma_semaphore, #tpu.memory_space<semaphore_mem>>) src(%dma_wait3A_697 : memref<128xf32, #tpu.memory_space<vmem>>) dst(%dma_wait3A_702 : memref<10240xf32, #tpu.memory_space<vmem_shared>>)
      %dma_wait3A_703 = arith.constant 6 : i32
      %dma_wait3A_704 = arith.constant 6 : i32
      %dma_wait3A_705 = arith.constant 0 : i32
      %dma_wait3A_706 = tpu.memref_slice %arg12[%dma_wait3A_703, %dma_wait3A_705] : memref<8x128xf32, #tpu.memory_space<vmem>> -> memref<1x128xf32, #tpu.memory_space<vmem>>
      %dma_wait3A_707 = tpu.memref_squeeze %dma_wait3A_706 : memref<1x128xf32, #tpu.memory_space<vmem>> -> memref<128xf32, #tpu.memory_space<vmem>>
      %dma_wait3A_708 = arith.constant 0 : i32
      %dma_wait3A_709 = tpu.memref_slice %arg10[%dma_wait3A_704, %dma_wait3A_708] : memref<8x128xi32, #tpu.memory_space<vmem>> -> memref<1x128xi32, #tpu.memory_space<vmem>>
      %dma_wait3A_710 = tpu.memref_squeeze %dma_wait3A_709 : memref<1x128xi32, #tpu.memory_space<vmem>> -> memref<128xi32, #tpu.memory_space<vmem>>
      %dma_wait3A_711 = arith.constant 0 : i32
      %dma_wait3A_712 = tpu.memref_slice %arg8[%dma_wait3A_711] : memref<10240xf32, #tpu.memory_space<vmem_shared>> -> memref<10240xf32, #tpu.memory_space<vmem_shared>>
      tpu.wait_indirect_dma semaphore(%arg14 : memref<!tpu.dma_semaphore, #tpu.memory_space<semaphore_mem>>) src(%dma_wait3A_707 : memref<128xf32, #tpu.memory_space<vmem>>) dst(%dma_wait3A_712 : memref<10240xf32, #tpu.memory_space<vmem_shared>>)
      %dma_wait3A_713 = arith.constant 7 : i32
      %dma_wait3A_714 = arith.constant 7 : i32
      %dma_wait3A_715 = arith.constant 0 : i32
      %dma_wait3A_716 = tpu.memref_slice %arg11[%dma_wait3A_713, %dma_wait3A_715] : memref<8x128xf32, #tpu.memory_space<vmem>> -> memref<1x128xf32, #tpu.memory_space<vmem>>
      %dma_wait3A_717 = tpu.memref_squeeze %dma_wait3A_716 : memref<1x128xf32, #tpu.memory_space<vmem>> -> memref<128xf32, #tpu.memory_space<vmem>>
      %dma_wait3A_718 = arith.constant 0 : i32
      %dma_wait3A_719 = tpu.memref_slice %arg10[%dma_wait3A_714, %dma_wait3A_718] : memref<8x128xi32, #tpu.memory_space<vmem>> -> memref<1x128xi32, #tpu.memory_space<vmem>>
      %dma_wait3A_720 = tpu.memref_squeeze %dma_wait3A_719 : memref<1x128xi32, #tpu.memory_space<vmem>> -> memref<128xi32, #tpu.memory_space<vmem>>
      %dma_wait3A_721 = arith.constant 0 : i32
      %dma_wait3A_722 = tpu.memref_slice %arg7[%dma_wait3A_721] : memref<10240xf32, #tpu.memory_space<vmem_shared>> -> memref<10240xf32, #tpu.memory_space<vmem_shared>>
      tpu.wait_indirect_dma semaphore(%arg14 : memref<!tpu.dma_semaphore, #tpu.memory_space<semaphore_mem>>) src(%dma_wait3A_717 : memref<128xf32, #tpu.memory_space<vmem>>) dst(%dma_wait3A_722 : memref<10240xf32, #tpu.memory_space<vmem_shared>>)
      %dma_wait3A_723 = arith.constant 7 : i32
      %dma_wait3A_724 = arith.constant 7 : i32
      %dma_wait3A_725 = arith.constant 0 : i32
      %dma_wait3A_726 = tpu.memref_slice %arg12[%dma_wait3A_723, %dma_wait3A_725] : memref<8x128xf32, #tpu.memory_space<vmem>> -> memref<1x128xf32, #tpu.memory_space<vmem>>
      %dma_wait3A_727 = tpu.memref_squeeze %dma_wait3A_726 : memref<1x128xf32, #tpu.memory_space<vmem>> -> memref<128xf32, #tpu.memory_space<vmem>>
      %dma_wait3A_728 = arith.constant 0 : i32
      %dma_wait3A_729 = tpu.memref_slice %arg10[%dma_wait3A_724, %dma_wait3A_728] : memref<8x128xi32, #tpu.memory_space<vmem>> -> memref<1x128xi32, #tpu.memory_space<vmem>>
      %dma_wait3A_730 = tpu.memref_squeeze %dma_wait3A_729 : memref<1x128xi32, #tpu.memory_space<vmem>> -> memref<128xi32, #tpu.memory_space<vmem>>
      %dma_wait3A_731 = arith.constant 0 : i32
      %dma_wait3A_732 = tpu.memref_slice %arg8[%dma_wait3A_731] : memref<10240xf32, #tpu.memory_space<vmem_shared>> -> memref<10240xf32, #tpu.memory_space<vmem_shared>>
      tpu.wait_indirect_dma semaphore(%arg14 : memref<!tpu.dma_semaphore, #tpu.memory_space<semaphore_mem>>) src(%dma_wait3A_727 : memref<128xf32, #tpu.memory_space<vmem>>) dst(%dma_wait3A_732 : memref<10240xf32, #tpu.memory_space<vmem_shared>>)
    }
    %while3A_73 = arith.constant 1 : i32
    scf.for %while3A_91 = %while3A_71 to %while3A_67 step %while3A_73  : i32 {
      %mul3A_92 = arith.constant 8 : i32
      %mul3A_93 = arith.muli %while3A_91, %mul3A_92 : i32
      %add3A_94 = arith.addi %select_n3A_9, %mul3A_93 : i32
      "tpu.region"() ({
        %run_scoped3A_733 = tpu.sem_alloc : memref<!tpu.dma_semaphore, #tpu.memory_space<semaphore_mem>>
        %dma_start3A_734 = arith.constant 0 : i32
        %dma_start3A_735 = tpu.memref_slice %arg4[%add3A_94, %dma_start3A_734] : memref<2560x128xi32, #tpu.memory_space<hbm>> -> memref<8x128xi32, #tpu.memory_space<hbm>>
        %dma_start3A_736 = arith.constant 0 : i32
        %dma_start3A_737 = tpu.memref_slice %arg4[%add3A_94, %dma_start3A_736] : memref<2560x128xi32, #tpu.memory_space<hbm>> -> memref<8x128xi32, #tpu.memory_space<hbm>>
        tpu.enqueue_dma source(%dma_start3A_737 : memref<8x128xi32, #tpu.memory_space<hbm>>) target(%arg9 : memref<8x128xi32, #tpu.memory_space<vmem>>) target_semaphore(%run_scoped3A_733 : memref<!tpu.dma_semaphore, #tpu.memory_space<semaphore_mem>>)
        %dma_wait3A_738 = arith.constant 0 : i32
        %dma_wait3A_739 = tpu.memref_slice %arg4[%add3A_94, %dma_wait3A_738] : memref<2560x128xi32, #tpu.memory_space<hbm>> -> memref<8x128xi32, #tpu.memory_space<hbm>>
        %dma_wait3A_740 = arith.constant 0 : i32
        %dma_wait3A_741 = tpu.memref_slice %arg4[%add3A_94, %dma_wait3A_740] : memref<2560x128xi32, #tpu.memory_space<hbm>> -> memref<8x128xi32, #tpu.memory_space<hbm>>
        tpu.wait_dma2 semaphore(%run_scoped3A_733 : memref<!tpu.dma_semaphore, #tpu.memory_space<semaphore_mem>>) src(%dma_wait3A_741 : memref<8x128xi32, #tpu.memory_space<hbm>>) dst(%arg9 : memref<8x128xi32, #tpu.memory_space<vmem>>)
        tpu.yield
      }) : () -> ()
      "tpu.region"() ({
        %run_scoped3A_733 = tpu.sem_alloc : memref<!tpu.dma_semaphore, #tpu.memory_space<semaphore_mem>>
        %dma_start3A_734 = arith.constant 0 : i32
        %dma_start3A_735 = tpu.memref_slice %arg5[%add3A_94, %dma_start3A_734] : memref<2560x128xi32, #tpu.memory_space<hbm>> -> memref<8x128xi32, #tpu.memory_space<hbm>>
        %dma_start3A_736 = arith.constant 0 : i32
        %dma_start3A_737 = tpu.memref_slice %arg5[%add3A_94, %dma_start3A_736] : memref<2560x128xi32, #tpu.memory_space<hbm>> -> memref<8x128xi32, #tpu.memory_space<hbm>>
        tpu.enqueue_dma source(%dma_start3A_737 : memref<8x128xi32, #tpu.memory_space<hbm>>) target(%arg10 : memref<8x128xi32, #tpu.memory_space<vmem>>) target_semaphore(%run_scoped3A_733 : memref<!tpu.dma_semaphore, #tpu.memory_space<semaphore_mem>>)
        %dma_wait3A_738 = arith.constant 0 : i32
        %dma_wait3A_739 = tpu.memref_slice %arg5[%add3A_94, %dma_wait3A_738] : memref<2560x128xi32, #tpu.memory_space<hbm>> -> memref<8x128xi32, #tpu.memory_space<hbm>>
        %dma_wait3A_740 = arith.constant 0 : i32
        %dma_wait3A_741 = tpu.memref_slice %arg5[%add3A_94, %dma_wait3A_740] : memref<2560x128xi32, #tpu.memory_space<hbm>> -> memref<8x128xi32, #tpu.memory_space<hbm>>
        tpu.wait_dma2 semaphore(%run_scoped3A_733 : memref<!tpu.dma_semaphore, #tpu.memory_space<semaphore_mem>>) src(%dma_wait3A_741 : memref<8x128xi32, #tpu.memory_space<hbm>>) dst(%arg10 : memref<8x128xi32, #tpu.memory_space<vmem>>)
        tpu.yield
      }) : () -> ()
      %dma_start3A = arith.constant 0 : i32
      %dma_start3A_95 = arith.constant 0 : i32
      %dma_start3A_96 = arith.constant 0 : i32
      %dma_start3A_97 = tpu.memref_slice %arg11[%dma_start3A_95, %dma_start3A_96] : memref<8x128xf32, #tpu.memory_space<vmem>> -> memref<1x128xf32, #tpu.memory_space<vmem>>
      %dma_start3A_98 = tpu.memref_squeeze %dma_start3A_97 : memref<1x128xf32, #tpu.memory_space<vmem>> -> memref<128xf32, #tpu.memory_space<vmem>>
      %dma_start3A_99 = arith.constant 0 : i32
      %dma_start3A_100 = tpu.memref_slice %arg9[%dma_start3A, %dma_start3A_99] : memref<8x128xi32, #tpu.memory_space<vmem>> -> memref<1x128xi32, #tpu.memory_space<vmem>>
      %dma_start3A_101 = tpu.memref_squeeze %dma_start3A_100 : memref<1x128xi32, #tpu.memory_space<vmem>> -> memref<128xi32, #tpu.memory_space<vmem>>
      %dma_start3A_102 = arith.constant 0 : i32
      %dma_start3A_103 = tpu.memref_slice %arg2[%dma_start3A_102] : memref<10000xf32, #tpu.memory_space<hbm>> -> memref<10000xf32, #tpu.memory_space<hbm>>
      tpu.enqueue_indirect_dma source(%dma_start3A_103 : memref<10000xf32, #tpu.memory_space<hbm>>) target(%dma_start3A_98 : memref<128xf32, #tpu.memory_space<vmem>>) offsets(%dma_start3A_101 : memref<128xi32, #tpu.memory_space<vmem>>) semaphore(%arg13 : memref<!tpu.dma_semaphore, #tpu.memory_space<semaphore_mem>>)
      %dma_start3A_104 = arith.constant 0 : i32
      %dma_start3A_105 = arith.constant 0 : i32
      %dma_start3A_106 = arith.constant 0 : i32
      %dma_start3A_107 = tpu.memref_slice %arg12[%dma_start3A_105, %dma_start3A_106] : memref<8x128xf32, #tpu.memory_space<vmem>> -> memref<1x128xf32, #tpu.memory_space<vmem>>
      %dma_start3A_108 = tpu.memref_squeeze %dma_start3A_107 : memref<1x128xf32, #tpu.memory_space<vmem>> -> memref<128xf32, #tpu.memory_space<vmem>>
      %dma_start3A_109 = arith.constant 0 : i32
      %dma_start3A_110 = tpu.memref_slice %arg9[%dma_start3A_104, %dma_start3A_109] : memref<8x128xi32, #tpu.memory_space<vmem>> -> memref<1x128xi32, #tpu.memory_space<vmem>>
      %dma_start3A_111 = tpu.memref_squeeze %dma_start3A_110 : memref<1x128xi32, #tpu.memory_space<vmem>> -> memref<128xi32, #tpu.memory_space<vmem>>
      %dma_start3A_112 = arith.constant 0 : i32
      %dma_start3A_113 = tpu.memref_slice %arg3[%dma_start3A_112] : memref<10000xf32, #tpu.memory_space<hbm>> -> memref<10000xf32, #tpu.memory_space<hbm>>
      tpu.enqueue_indirect_dma source(%dma_start3A_113 : memref<10000xf32, #tpu.memory_space<hbm>>) target(%dma_start3A_108 : memref<128xf32, #tpu.memory_space<vmem>>) offsets(%dma_start3A_111 : memref<128xi32, #tpu.memory_space<vmem>>) semaphore(%arg13 : memref<!tpu.dma_semaphore, #tpu.memory_space<semaphore_mem>>)
      %dma_start3A_114 = arith.constant 1 : i32
      %dma_start3A_115 = arith.constant 1 : i32
      %dma_start3A_116 = arith.constant 0 : i32
      %dma_start3A_117 = tpu.memref_slice %arg11[%dma_start3A_115, %dma_start3A_116] : memref<8x128xf32, #tpu.memory_space<vmem>> -> memref<1x128xf32, #tpu.memory_space<vmem>>
      %dma_start3A_118 = tpu.memref_squeeze %dma_start3A_117 : memref<1x128xf32, #tpu.memory_space<vmem>> -> memref<128xf32, #tpu.memory_space<vmem>>
      %dma_start3A_119 = arith.constant 0 : i32
      %dma_start3A_120 = tpu.memref_slice %arg9[%dma_start3A_114, %dma_start3A_119] : memref<8x128xi32, #tpu.memory_space<vmem>> -> memref<1x128xi32, #tpu.memory_space<vmem>>
      %dma_start3A_121 = tpu.memref_squeeze %dma_start3A_120 : memref<1x128xi32, #tpu.memory_space<vmem>> -> memref<128xi32, #tpu.memory_space<vmem>>
      %dma_start3A_122 = arith.constant 0 : i32
      %dma_start3A_123 = tpu.memref_slice %arg2[%dma_start3A_122] : memref<10000xf32, #tpu.memory_space<hbm>> -> memref<10000xf32, #tpu.memory_space<hbm>>
      tpu.enqueue_indirect_dma source(%dma_start3A_123 : memref<10000xf32, #tpu.memory_space<hbm>>) target(%dma_start3A_118 : memref<128xf32, #tpu.memory_space<vmem>>) offsets(%dma_start3A_121 : memref<128xi32, #tpu.memory_space<vmem>>) semaphore(%arg13 : memref<!tpu.dma_semaphore, #tpu.memory_space<semaphore_mem>>)
      %dma_start3A_124 = arith.constant 1 : i32
      %dma_start3A_125 = arith.constant 1 : i32
      %dma_start3A_126 = arith.constant 0 : i32
      %dma_start3A_127 = tpu.memref_slice %arg12[%dma_start3A_125, %dma_start3A_126] : memref<8x128xf32, #tpu.memory_space<vmem>> -> memref<1x128xf32, #tpu.memory_space<vmem>>
      %dma_start3A_128 = tpu.memref_squeeze %dma_start3A_127 : memref<1x128xf32, #tpu.memory_space<vmem>> -> memref<128xf32, #tpu.memory_space<vmem>>
      %dma_start3A_129 = arith.constant 0 : i32
      %dma_start3A_130 = tpu.memref_slice %arg9[%dma_start3A_124, %dma_start3A_129] : memref<8x128xi32, #tpu.memory_space<vmem>> -> memref<1x128xi32, #tpu.memory_space<vmem>>
      %dma_start3A_131 = tpu.memref_squeeze %dma_start3A_130 : memref<1x128xi32, #tpu.memory_space<vmem>> -> memref<128xi32, #tpu.memory_space<vmem>>
      %dma_start3A_132 = arith.constant 0 : i32
      %dma_start3A_133 = tpu.memref_slice %arg3[%dma_start3A_132] : memref<10000xf32, #tpu.memory_space<hbm>> -> memref<10000xf32, #tpu.memory_space<hbm>>
      tpu.enqueue_indirect_dma source(%dma_start3A_133 : memref<10000xf32, #tpu.memory_space<hbm>>) target(%dma_start3A_128 : memref<128xf32, #tpu.memory_space<vmem>>) offsets(%dma_start3A_131 : memref<128xi32, #tpu.memory_space<vmem>>) semaphore(%arg13 : memref<!tpu.dma_semaphore, #tpu.memory_space<semaphore_mem>>)
      %dma_start3A_134 = arith.constant 2 : i32
      %dma_start3A_135 = arith.constant 2 : i32
      %dma_start3A_136 = arith.constant 0 : i32
      %dma_start3A_137 = tpu.memref_slice %arg11[%dma_start3A_135, %dma_start3A_136] : memref<8x128xf32, #tpu.memory_space<vmem>> -> memref<1x128xf32, #tpu.memory_space<vmem>>
      %dma_start3A_138 = tpu.memref_squeeze %dma_start3A_137 : memref<1x128xf32, #tpu.memory_space<vmem>> -> memref<128xf32, #tpu.memory_space<vmem>>
      %dma_start3A_139 = arith.constant 0 : i32
      %dma_start3A_140 = tpu.memref_slice %arg9[%dma_start3A_134, %dma_start3A_139] : memref<8x128xi32, #tpu.memory_space<vmem>> -> memref<1x128xi32, #tpu.memory_space<vmem>>
      %dma_start3A_141 = tpu.memref_squeeze %dma_start3A_140 : memref<1x128xi32, #tpu.memory_space<vmem>> -> memref<128xi32, #tpu.memory_space<vmem>>
      %dma_start3A_142 = arith.constant 0 : i32
      %dma_start3A_143 = tpu.memref_slice %arg2[%dma_start3A_142] : memref<10000xf32, #tpu.memory_space<hbm>> -> memref<10000xf32, #tpu.memory_space<hbm>>
      tpu.enqueue_indirect_dma source(%dma_start3A_143 : memref<10000xf32, #tpu.memory_space<hbm>>) target(%dma_start3A_138 : memref<128xf32, #tpu.memory_space<vmem>>) offsets(%dma_start3A_141 : memref<128xi32, #tpu.memory_space<vmem>>) semaphore(%arg13 : memref<!tpu.dma_semaphore, #tpu.memory_space<semaphore_mem>>)
      %dma_start3A_144 = arith.constant 2 : i32
      %dma_start3A_145 = arith.constant 2 : i32
      %dma_start3A_146 = arith.constant 0 : i32
      %dma_start3A_147 = tpu.memref_slice %arg12[%dma_start3A_145, %dma_start3A_146] : memref<8x128xf32, #tpu.memory_space<vmem>> -> memref<1x128xf32, #tpu.memory_space<vmem>>
      %dma_start3A_148 = tpu.memref_squeeze %dma_start3A_147 : memref<1x128xf32, #tpu.memory_space<vmem>> -> memref<128xf32, #tpu.memory_space<vmem>>
      %dma_start3A_149 = arith.constant 0 : i32
      %dma_start3A_150 = tpu.memref_slice %arg9[%dma_start3A_144, %dma_start3A_149] : memref<8x128xi32, #tpu.memory_space<vmem>> -> memref<1x128xi32, #tpu.memory_space<vmem>>
      %dma_start3A_151 = tpu.memref_squeeze %dma_start3A_150 : memref<1x128xi32, #tpu.memory_space<vmem>> -> memref<128xi32, #tpu.memory_space<vmem>>
      %dma_start3A_152 = arith.constant 0 : i32
      %dma_start3A_153 = tpu.memref_slice %arg3[%dma_start3A_152] : memref<10000xf32, #tpu.memory_space<hbm>> -> memref<10000xf32, #tpu.memory_space<hbm>>
      tpu.enqueue_indirect_dma source(%dma_start3A_153 : memref<10000xf32, #tpu.memory_space<hbm>>) target(%dma_start3A_148 : memref<128xf32, #tpu.memory_space<vmem>>) offsets(%dma_start3A_151 : memref<128xi32, #tpu.memory_space<vmem>>) semaphore(%arg13 : memref<!tpu.dma_semaphore, #tpu.memory_space<semaphore_mem>>)
      %dma_start3A_154 = arith.constant 3 : i32
      %dma_start3A_155 = arith.constant 3 : i32
      %dma_start3A_156 = arith.constant 0 : i32
      %dma_start3A_157 = tpu.memref_slice %arg11[%dma_start3A_155, %dma_start3A_156] : memref<8x128xf32, #tpu.memory_space<vmem>> -> memref<1x128xf32, #tpu.memory_space<vmem>>
      %dma_start3A_158 = tpu.memref_squeeze %dma_start3A_157 : memref<1x128xf32, #tpu.memory_space<vmem>> -> memref<128xf32, #tpu.memory_space<vmem>>
      %dma_start3A_159 = arith.constant 0 : i32
      %dma_start3A_160 = tpu.memref_slice %arg9[%dma_start3A_154, %dma_start3A_159] : memref<8x128xi32, #tpu.memory_space<vmem>> -> memref<1x128xi32, #tpu.memory_space<vmem>>
      %dma_start3A_161 = tpu.memref_squeeze %dma_start3A_160 : memref<1x128xi32, #tpu.memory_space<vmem>> -> memref<128xi32, #tpu.memory_space<vmem>>
      %dma_start3A_162 = arith.constant 0 : i32
      %dma_start3A_163 = tpu.memref_slice %arg2[%dma_start3A_162] : memref<10000xf32, #tpu.memory_space<hbm>> -> memref<10000xf32, #tpu.memory_space<hbm>>
      tpu.enqueue_indirect_dma source(%dma_start3A_163 : memref<10000xf32, #tpu.memory_space<hbm>>) target(%dma_start3A_158 : memref<128xf32, #tpu.memory_space<vmem>>) offsets(%dma_start3A_161 : memref<128xi32, #tpu.memory_space<vmem>>) semaphore(%arg13 : memref<!tpu.dma_semaphore, #tpu.memory_space<semaphore_mem>>)
      %dma_start3A_164 = arith.constant 3 : i32
      %dma_start3A_165 = arith.constant 3 : i32
      %dma_start3A_166 = arith.constant 0 : i32
      %dma_start3A_167 = tpu.memref_slice %arg12[%dma_start3A_165, %dma_start3A_166] : memref<8x128xf32, #tpu.memory_space<vmem>> -> memref<1x128xf32, #tpu.memory_space<vmem>>
      %dma_start3A_168 = tpu.memref_squeeze %dma_start3A_167 : memref<1x128xf32, #tpu.memory_space<vmem>> -> memref<128xf32, #tpu.memory_space<vmem>>
      %dma_start3A_169 = arith.constant 0 : i32
      %dma_start3A_170 = tpu.memref_slice %arg9[%dma_start3A_164, %dma_start3A_169] : memref<8x128xi32, #tpu.memory_space<vmem>> -> memref<1x128xi32, #tpu.memory_space<vmem>>
      %dma_start3A_171 = tpu.memref_squeeze %dma_start3A_170 : memref<1x128xi32, #tpu.memory_space<vmem>> -> memref<128xi32, #tpu.memory_space<vmem>>
      %dma_start3A_172 = arith.constant 0 : i32
      %dma_start3A_173 = tpu.memref_slice %arg3[%dma_start3A_172] : memref<10000xf32, #tpu.memory_space<hbm>> -> memref<10000xf32, #tpu.memory_space<hbm>>
      tpu.enqueue_indirect_dma source(%dma_start3A_173 : memref<10000xf32, #tpu.memory_space<hbm>>) target(%dma_start3A_168 : memref<128xf32, #tpu.memory_space<vmem>>) offsets(%dma_start3A_171 : memref<128xi32, #tpu.memory_space<vmem>>) semaphore(%arg13 : memref<!tpu.dma_semaphore, #tpu.memory_space<semaphore_mem>>)
      %dma_start3A_174 = arith.constant 4 : i32
      %dma_start3A_175 = arith.constant 4 : i32
      %dma_start3A_176 = arith.constant 0 : i32
      %dma_start3A_177 = tpu.memref_slice %arg11[%dma_start3A_175, %dma_start3A_176] : memref<8x128xf32, #tpu.memory_space<vmem>> -> memref<1x128xf32, #tpu.memory_space<vmem>>
      %dma_start3A_178 = tpu.memref_squeeze %dma_start3A_177 : memref<1x128xf32, #tpu.memory_space<vmem>> -> memref<128xf32, #tpu.memory_space<vmem>>
      %dma_start3A_179 = arith.constant 0 : i32
      %dma_start3A_180 = tpu.memref_slice %arg9[%dma_start3A_174, %dma_start3A_179] : memref<8x128xi32, #tpu.memory_space<vmem>> -> memref<1x128xi32, #tpu.memory_space<vmem>>
      %dma_start3A_181 = tpu.memref_squeeze %dma_start3A_180 : memref<1x128xi32, #tpu.memory_space<vmem>> -> memref<128xi32, #tpu.memory_space<vmem>>
      %dma_start3A_182 = arith.constant 0 : i32
      %dma_start3A_183 = tpu.memref_slice %arg2[%dma_start3A_182] : memref<10000xf32, #tpu.memory_space<hbm>> -> memref<10000xf32, #tpu.memory_space<hbm>>
      tpu.enqueue_indirect_dma source(%dma_start3A_183 : memref<10000xf32, #tpu.memory_space<hbm>>) target(%dma_start3A_178 : memref<128xf32, #tpu.memory_space<vmem>>) offsets(%dma_start3A_181 : memref<128xi32, #tpu.memory_space<vmem>>) semaphore(%arg13 : memref<!tpu.dma_semaphore, #tpu.memory_space<semaphore_mem>>)
      %dma_start3A_184 = arith.constant 4 : i32
      %dma_start3A_185 = arith.constant 4 : i32
      %dma_start3A_186 = arith.constant 0 : i32
      %dma_start3A_187 = tpu.memref_slice %arg12[%dma_start3A_185, %dma_start3A_186] : memref<8x128xf32, #tpu.memory_space<vmem>> -> memref<1x128xf32, #tpu.memory_space<vmem>>
      %dma_start3A_188 = tpu.memref_squeeze %dma_start3A_187 : memref<1x128xf32, #tpu.memory_space<vmem>> -> memref<128xf32, #tpu.memory_space<vmem>>
      %dma_start3A_189 = arith.constant 0 : i32
      %dma_start3A_190 = tpu.memref_slice %arg9[%dma_start3A_184, %dma_start3A_189] : memref<8x128xi32, #tpu.memory_space<vmem>> -> memref<1x128xi32, #tpu.memory_space<vmem>>
      %dma_start3A_191 = tpu.memref_squeeze %dma_start3A_190 : memref<1x128xi32, #tpu.memory_space<vmem>> -> memref<128xi32, #tpu.memory_space<vmem>>
      %dma_start3A_192 = arith.constant 0 : i32
      %dma_start3A_193 = tpu.memref_slice %arg3[%dma_start3A_192] : memref<10000xf32, #tpu.memory_space<hbm>> -> memref<10000xf32, #tpu.memory_space<hbm>>
      tpu.enqueue_indirect_dma source(%dma_start3A_193 : memref<10000xf32, #tpu.memory_space<hbm>>) target(%dma_start3A_188 : memref<128xf32, #tpu.memory_space<vmem>>) offsets(%dma_start3A_191 : memref<128xi32, #tpu.memory_space<vmem>>) semaphore(%arg13 : memref<!tpu.dma_semaphore, #tpu.memory_space<semaphore_mem>>)
      %dma_start3A_194 = arith.constant 5 : i32
      %dma_start3A_195 = arith.constant 5 : i32
      %dma_start3A_196 = arith.constant 0 : i32
      %dma_start3A_197 = tpu.memref_slice %arg11[%dma_start3A_195, %dma_start3A_196] : memref<8x128xf32, #tpu.memory_space<vmem>> -> memref<1x128xf32, #tpu.memory_space<vmem>>
      %dma_start3A_198 = tpu.memref_squeeze %dma_start3A_197 : memref<1x128xf32, #tpu.memory_space<vmem>> -> memref<128xf32, #tpu.memory_space<vmem>>
      %dma_start3A_199 = arith.constant 0 : i32
      %dma_start3A_200 = tpu.memref_slice %arg9[%dma_start3A_194, %dma_start3A_199] : memref<8x128xi32, #tpu.memory_space<vmem>> -> memref<1x128xi32, #tpu.memory_space<vmem>>
      %dma_start3A_201 = tpu.memref_squeeze %dma_start3A_200 : memref<1x128xi32, #tpu.memory_space<vmem>> -> memref<128xi32, #tpu.memory_space<vmem>>
      %dma_start3A_202 = arith.constant 0 : i32
      %dma_start3A_203 = tpu.memref_slice %arg2[%dma_start3A_202] : memref<10000xf32, #tpu.memory_space<hbm>> -> memref<10000xf32, #tpu.memory_space<hbm>>
      tpu.enqueue_indirect_dma source(%dma_start3A_203 : memref<10000xf32, #tpu.memory_space<hbm>>) target(%dma_start3A_198 : memref<128xf32, #tpu.memory_space<vmem>>) offsets(%dma_start3A_201 : memref<128xi32, #tpu.memory_space<vmem>>) semaphore(%arg13 : memref<!tpu.dma_semaphore, #tpu.memory_space<semaphore_mem>>)
      %dma_start3A_204 = arith.constant 5 : i32
      %dma_start3A_205 = arith.constant 5 : i32
      %dma_start3A_206 = arith.constant 0 : i32
      %dma_start3A_207 = tpu.memref_slice %arg12[%dma_start3A_205, %dma_start3A_206] : memref<8x128xf32, #tpu.memory_space<vmem>> -> memref<1x128xf32, #tpu.memory_space<vmem>>
      %dma_start3A_208 = tpu.memref_squeeze %dma_start3A_207 : memref<1x128xf32, #tpu.memory_space<vmem>> -> memref<128xf32, #tpu.memory_space<vmem>>
      %dma_start3A_209 = arith.constant 0 : i32
      %dma_start3A_210 = tpu.memref_slice %arg9[%dma_start3A_204, %dma_start3A_209] : memref<8x128xi32, #tpu.memory_space<vmem>> -> memref<1x128xi32, #tpu.memory_space<vmem>>
      %dma_start3A_211 = tpu.memref_squeeze %dma_start3A_210 : memref<1x128xi32, #tpu.memory_space<vmem>> -> memref<128xi32, #tpu.memory_space<vmem>>
      %dma_start3A_212 = arith.constant 0 : i32
      %dma_start3A_213 = tpu.memref_slice %arg3[%dma_start3A_212] : memref<10000xf32, #tpu.memory_space<hbm>> -> memref<10000xf32, #tpu.memory_space<hbm>>
      tpu.enqueue_indirect_dma source(%dma_start3A_213 : memref<10000xf32, #tpu.memory_space<hbm>>) target(%dma_start3A_208 : memref<128xf32, #tpu.memory_space<vmem>>) offsets(%dma_start3A_211 : memref<128xi32, #tpu.memory_space<vmem>>) semaphore(%arg13 : memref<!tpu.dma_semaphore, #tpu.memory_space<semaphore_mem>>)
      %dma_start3A_214 = arith.constant 6 : i32
      %dma_start3A_215 = arith.constant 6 : i32
      %dma_start3A_216 = arith.constant 0 : i32
      %dma_start3A_217 = tpu.memref_slice %arg11[%dma_start3A_215, %dma_start3A_216] : memref<8x128xf32, #tpu.memory_space<vmem>> -> memref<1x128xf32, #tpu.memory_space<vmem>>
      %dma_start3A_218 = tpu.memref_squeeze %dma_start3A_217 : memref<1x128xf32, #tpu.memory_space<vmem>> -> memref<128xf32, #tpu.memory_space<vmem>>
      %dma_start3A_219 = arith.constant 0 : i32
      %dma_start3A_220 = tpu.memref_slice %arg9[%dma_start3A_214, %dma_start3A_219] : memref<8x128xi32, #tpu.memory_space<vmem>> -> memref<1x128xi32, #tpu.memory_space<vmem>>
      %dma_start3A_221 = tpu.memref_squeeze %dma_start3A_220 : memref<1x128xi32, #tpu.memory_space<vmem>> -> memref<128xi32, #tpu.memory_space<vmem>>
      %dma_start3A_222 = arith.constant 0 : i32
      %dma_start3A_223 = tpu.memref_slice %arg2[%dma_start3A_222] : memref<10000xf32, #tpu.memory_space<hbm>> -> memref<10000xf32, #tpu.memory_space<hbm>>
      tpu.enqueue_indirect_dma source(%dma_start3A_223 : memref<10000xf32, #tpu.memory_space<hbm>>) target(%dma_start3A_218 : memref<128xf32, #tpu.memory_space<vmem>>) offsets(%dma_start3A_221 : memref<128xi32, #tpu.memory_space<vmem>>) semaphore(%arg13 : memref<!tpu.dma_semaphore, #tpu.memory_space<semaphore_mem>>)
      %dma_start3A_224 = arith.constant 6 : i32
      %dma_start3A_225 = arith.constant 6 : i32
      %dma_start3A_226 = arith.constant 0 : i32
      %dma_start3A_227 = tpu.memref_slice %arg12[%dma_start3A_225, %dma_start3A_226] : memref<8x128xf32, #tpu.memory_space<vmem>> -> memref<1x128xf32, #tpu.memory_space<vmem>>
      %dma_start3A_228 = tpu.memref_squeeze %dma_start3A_227 : memref<1x128xf32, #tpu.memory_space<vmem>> -> memref<128xf32, #tpu.memory_space<vmem>>
      %dma_start3A_229 = arith.constant 0 : i32
      %dma_start3A_230 = tpu.memref_slice %arg9[%dma_start3A_224, %dma_start3A_229] : memref<8x128xi32, #tpu.memory_space<vmem>> -> memref<1x128xi32, #tpu.memory_space<vmem>>
      %dma_start3A_231 = tpu.memref_squeeze %dma_start3A_230 : memref<1x128xi32, #tpu.memory_space<vmem>> -> memref<128xi32, #tpu.memory_space<vmem>>
      %dma_start3A_232 = arith.constant 0 : i32
      %dma_start3A_233 = tpu.memref_slice %arg3[%dma_start3A_232] : memref<10000xf32, #tpu.memory_space<hbm>> -> memref<10000xf32, #tpu.memory_space<hbm>>
      tpu.enqueue_indirect_dma source(%dma_start3A_233 : memref<10000xf32, #tpu.memory_space<hbm>>) target(%dma_start3A_228 : memref<128xf32, #tpu.memory_space<vmem>>) offsets(%dma_start3A_231 : memref<128xi32, #tpu.memory_space<vmem>>) semaphore(%arg13 : memref<!tpu.dma_semaphore, #tpu.memory_space<semaphore_mem>>)
      %dma_start3A_234 = arith.constant 7 : i32
      %dma_start3A_235 = arith.constant 7 : i32
      %dma_start3A_236 = arith.constant 0 : i32
      %dma_start3A_237 = tpu.memref_slice %arg11[%dma_start3A_235, %dma_start3A_236] : memref<8x128xf32, #tpu.memory_space<vmem>> -> memref<1x128xf32, #tpu.memory_space<vmem>>
      %dma_start3A_238 = tpu.memref_squeeze %dma_start3A_237 : memref<1x128xf32, #tpu.memory_space<vmem>> -> memref<128xf32, #tpu.memory_space<vmem>>
      %dma_start3A_239 = arith.constant 0 : i32
      %dma_start3A_240 = tpu.memref_slice %arg9[%dma_start3A_234, %dma_start3A_239] : memref<8x128xi32, #tpu.memory_space<vmem>> -> memref<1x128xi32, #tpu.memory_space<vmem>>
      %dma_start3A_241 = tpu.memref_squeeze %dma_start3A_240 : memref<1x128xi32, #tpu.memory_space<vmem>> -> memref<128xi32, #tpu.memory_space<vmem>>
      %dma_start3A_242 = arith.constant 0 : i32
      %dma_start3A_243 = tpu.memref_slice %arg2[%dma_start3A_242] : memref<10000xf32, #tpu.memory_space<hbm>> -> memref<10000xf32, #tpu.memory_space<hbm>>
      tpu.enqueue_indirect_dma source(%dma_start3A_243 : memref<10000xf32, #tpu.memory_space<hbm>>) target(%dma_start3A_238 : memref<128xf32, #tpu.memory_space<vmem>>) offsets(%dma_start3A_241 : memref<128xi32, #tpu.memory_space<vmem>>) semaphore(%arg13 : memref<!tpu.dma_semaphore, #tpu.memory_space<semaphore_mem>>)
      %dma_start3A_244 = arith.constant 7 : i32
      %dma_start3A_245 = arith.constant 7 : i32
      %dma_start3A_246 = arith.constant 0 : i32
      %dma_start3A_247 = tpu.memref_slice %arg12[%dma_start3A_245, %dma_start3A_246] : memref<8x128xf32, #tpu.memory_space<vmem>> -> memref<1x128xf32, #tpu.memory_space<vmem>>
      %dma_start3A_248 = tpu.memref_squeeze %dma_start3A_247 : memref<1x128xf32, #tpu.memory_space<vmem>> -> memref<128xf32, #tpu.memory_space<vmem>>
      %dma_start3A_249 = arith.constant 0 : i32
      %dma_start3A_250 = tpu.memref_slice %arg9[%dma_start3A_244, %dma_start3A_249] : memref<8x128xi32, #tpu.memory_space<vmem>> -> memref<1x128xi32, #tpu.memory_space<vmem>>
      %dma_start3A_251 = tpu.memref_squeeze %dma_start3A_250 : memref<1x128xi32, #tpu.memory_space<vmem>> -> memref<128xi32, #tpu.memory_space<vmem>>
      %dma_start3A_252 = arith.constant 0 : i32
      %dma_start3A_253 = tpu.memref_slice %arg3[%dma_start3A_252] : memref<10000xf32, #tpu.memory_space<hbm>> -> memref<10000xf32, #tpu.memory_space<hbm>>
      tpu.enqueue_indirect_dma source(%dma_start3A_253 : memref<10000xf32, #tpu.memory_space<hbm>>) target(%dma_start3A_248 : memref<128xf32, #tpu.memory_space<vmem>>) offsets(%dma_start3A_251 : memref<128xi32, #tpu.memory_space<vmem>>) semaphore(%arg13 : memref<!tpu.dma_semaphore, #tpu.memory_space<semaphore_mem>>)
      %dma_wait3A = arith.constant 0 : i32
      %dma_wait3A_254 = arith.constant 0 : i32
      %dma_wait3A_255 = arith.constant 0 : i32
      %dma_wait3A_256 = tpu.memref_slice %arg11[%dma_wait3A_254, %dma_wait3A_255] : memref<8x128xf32, #tpu.memory_space<vmem>> -> memref<1x128xf32, #tpu.memory_space<vmem>>
      %dma_wait3A_257 = tpu.memref_squeeze %dma_wait3A_256 : memref<1x128xf32, #tpu.memory_space<vmem>> -> memref<128xf32, #tpu.memory_space<vmem>>
      %dma_wait3A_258 = arith.constant 0 : i32
      %dma_wait3A_259 = tpu.memref_slice %arg9[%dma_wait3A, %dma_wait3A_258] : memref<8x128xi32, #tpu.memory_space<vmem>> -> memref<1x128xi32, #tpu.memory_space<vmem>>
      %dma_wait3A_260 = tpu.memref_squeeze %dma_wait3A_259 : memref<1x128xi32, #tpu.memory_space<vmem>> -> memref<128xi32, #tpu.memory_space<vmem>>
      %dma_wait3A_261 = arith.constant 0 : i32
      %dma_wait3A_262 = tpu.memref_slice %arg2[%dma_wait3A_261] : memref<10000xf32, #tpu.memory_space<hbm>> -> memref<10000xf32, #tpu.memory_space<hbm>>
      tpu.wait_indirect_dma semaphore(%arg13 : memref<!tpu.dma_semaphore, #tpu.memory_space<semaphore_mem>>) src(%dma_wait3A_262 : memref<10000xf32, #tpu.memory_space<hbm>>) dst(%dma_wait3A_257 : memref<128xf32, #tpu.memory_space<vmem>>)
      %dma_wait3A_263 = arith.constant 0 : i32
      %dma_wait3A_264 = arith.constant 0 : i32
      %dma_wait3A_265 = arith.constant 0 : i32
      %dma_wait3A_266 = tpu.memref_slice %arg12[%dma_wait3A_264, %dma_wait3A_265] : memref<8x128xf32, #tpu.memory_space<vmem>> -> memref<1x128xf32, #tpu.memory_space<vmem>>
      %dma_wait3A_267 = tpu.memref_squeeze %dma_wait3A_266 : memref<1x128xf32, #tpu.memory_space<vmem>> -> memref<128xf32, #tpu.memory_space<vmem>>
      %dma_wait3A_268 = arith.constant 0 : i32
      %dma_wait3A_269 = tpu.memref_slice %arg9[%dma_wait3A_263, %dma_wait3A_268] : memref<8x128xi32, #tpu.memory_space<vmem>> -> memref<1x128xi32, #tpu.memory_space<vmem>>
      %dma_wait3A_270 = tpu.memref_squeeze %dma_wait3A_269 : memref<1x128xi32, #tpu.memory_space<vmem>> -> memref<128xi32, #tpu.memory_space<vmem>>
      %dma_wait3A_271 = arith.constant 0 : i32
      %dma_wait3A_272 = tpu.memref_slice %arg3[%dma_wait3A_271] : memref<10000xf32, #tpu.memory_space<hbm>> -> memref<10000xf32, #tpu.memory_space<hbm>>
      tpu.wait_indirect_dma semaphore(%arg13 : memref<!tpu.dma_semaphore, #tpu.memory_space<semaphore_mem>>) src(%dma_wait3A_272 : memref<10000xf32, #tpu.memory_space<hbm>>) dst(%dma_wait3A_267 : memref<128xf32, #tpu.memory_space<vmem>>)
      %dma_wait3A_273 = arith.constant 1 : i32
      %dma_wait3A_274 = arith.constant 1 : i32
      %dma_wait3A_275 = arith.constant 0 : i32
      %dma_wait3A_276 = tpu.memref_slice %arg11[%dma_wait3A_274, %dma_wait3A_275] : memref<8x128xf32, #tpu.memory_space<vmem>> -> memref<1x128xf32, #tpu.memory_space<vmem>>
      %dma_wait3A_277 = tpu.memref_squeeze %dma_wait3A_276 : memref<1x128xf32, #tpu.memory_space<vmem>> -> memref<128xf32, #tpu.memory_space<vmem>>
      %dma_wait3A_278 = arith.constant 0 : i32
      %dma_wait3A_279 = tpu.memref_slice %arg9[%dma_wait3A_273, %dma_wait3A_278] : memref<8x128xi32, #tpu.memory_space<vmem>> -> memref<1x128xi32, #tpu.memory_space<vmem>>
      %dma_wait3A_280 = tpu.memref_squeeze %dma_wait3A_279 : memref<1x128xi32, #tpu.memory_space<vmem>> -> memref<128xi32, #tpu.memory_space<vmem>>
      %dma_wait3A_281 = arith.constant 0 : i32
      %dma_wait3A_282 = tpu.memref_slice %arg2[%dma_wait3A_281] : memref<10000xf32, #tpu.memory_space<hbm>> -> memref<10000xf32, #tpu.memory_space<hbm>>
      tpu.wait_indirect_dma semaphore(%arg13 : memref<!tpu.dma_semaphore, #tpu.memory_space<semaphore_mem>>) src(%dma_wait3A_282 : memref<10000xf32, #tpu.memory_space<hbm>>) dst(%dma_wait3A_277 : memref<128xf32, #tpu.memory_space<vmem>>)
      %dma_wait3A_283 = arith.constant 1 : i32
      %dma_wait3A_284 = arith.constant 1 : i32
      %dma_wait3A_285 = arith.constant 0 : i32
      %dma_wait3A_286 = tpu.memref_slice %arg12[%dma_wait3A_284, %dma_wait3A_285] : memref<8x128xf32, #tpu.memory_space<vmem>> -> memref<1x128xf32, #tpu.memory_space<vmem>>
      %dma_wait3A_287 = tpu.memref_squeeze %dma_wait3A_286 : memref<1x128xf32, #tpu.memory_space<vmem>> -> memref<128xf32, #tpu.memory_space<vmem>>
      %dma_wait3A_288 = arith.constant 0 : i32
      %dma_wait3A_289 = tpu.memref_slice %arg9[%dma_wait3A_283, %dma_wait3A_288] : memref<8x128xi32, #tpu.memory_space<vmem>> -> memref<1x128xi32, #tpu.memory_space<vmem>>
      %dma_wait3A_290 = tpu.memref_squeeze %dma_wait3A_289 : memref<1x128xi32, #tpu.memory_space<vmem>> -> memref<128xi32, #tpu.memory_space<vmem>>
      %dma_wait3A_291 = arith.constant 0 : i32
      %dma_wait3A_292 = tpu.memref_slice %arg3[%dma_wait3A_291] : memref<10000xf32, #tpu.memory_space<hbm>> -> memref<10000xf32, #tpu.memory_space<hbm>>
      tpu.wait_indirect_dma semaphore(%arg13 : memref<!tpu.dma_semaphore, #tpu.memory_space<semaphore_mem>>) src(%dma_wait3A_292 : memref<10000xf32, #tpu.memory_space<hbm>>) dst(%dma_wait3A_287 : memref<128xf32, #tpu.memory_space<vmem>>)
      %dma_wait3A_293 = arith.constant 2 : i32
      %dma_wait3A_294 = arith.constant 2 : i32
      %dma_wait3A_295 = arith.constant 0 : i32
      %dma_wait3A_296 = tpu.memref_slice %arg11[%dma_wait3A_294, %dma_wait3A_295] : memref<8x128xf32, #tpu.memory_space<vmem>> -> memref<1x128xf32, #tpu.memory_space<vmem>>
      %dma_wait3A_297 = tpu.memref_squeeze %dma_wait3A_296 : memref<1x128xf32, #tpu.memory_space<vmem>> -> memref<128xf32, #tpu.memory_space<vmem>>
      %dma_wait3A_298 = arith.constant 0 : i32
      %dma_wait3A_299 = tpu.memref_slice %arg9[%dma_wait3A_293, %dma_wait3A_298] : memref<8x128xi32, #tpu.memory_space<vmem>> -> memref<1x128xi32, #tpu.memory_space<vmem>>
      %dma_wait3A_300 = tpu.memref_squeeze %dma_wait3A_299 : memref<1x128xi32, #tpu.memory_space<vmem>> -> memref<128xi32, #tpu.memory_space<vmem>>
      %dma_wait3A_301 = arith.constant 0 : i32
      %dma_wait3A_302 = tpu.memref_slice %arg2[%dma_wait3A_301] : memref<10000xf32, #tpu.memory_space<hbm>> -> memref<10000xf32, #tpu.memory_space<hbm>>
      tpu.wait_indirect_dma semaphore(%arg13 : memref<!tpu.dma_semaphore, #tpu.memory_space<semaphore_mem>>) src(%dma_wait3A_302 : memref<10000xf32, #tpu.memory_space<hbm>>) dst(%dma_wait3A_297 : memref<128xf32, #tpu.memory_space<vmem>>)
      %dma_wait3A_303 = arith.constant 2 : i32
      %dma_wait3A_304 = arith.constant 2 : i32
      %dma_wait3A_305 = arith.constant 0 : i32
      %dma_wait3A_306 = tpu.memref_slice %arg12[%dma_wait3A_304, %dma_wait3A_305] : memref<8x128xf32, #tpu.memory_space<vmem>> -> memref<1x128xf32, #tpu.memory_space<vmem>>
      %dma_wait3A_307 = tpu.memref_squeeze %dma_wait3A_306 : memref<1x128xf32, #tpu.memory_space<vmem>> -> memref<128xf32, #tpu.memory_space<vmem>>
      %dma_wait3A_308 = arith.constant 0 : i32
      %dma_wait3A_309 = tpu.memref_slice %arg9[%dma_wait3A_303, %dma_wait3A_308] : memref<8x128xi32, #tpu.memory_space<vmem>> -> memref<1x128xi32, #tpu.memory_space<vmem>>
      %dma_wait3A_310 = tpu.memref_squeeze %dma_wait3A_309 : memref<1x128xi32, #tpu.memory_space<vmem>> -> memref<128xi32, #tpu.memory_space<vmem>>
      %dma_wait3A_311 = arith.constant 0 : i32
      %dma_wait3A_312 = tpu.memref_slice %arg3[%dma_wait3A_311] : memref<10000xf32, #tpu.memory_space<hbm>> -> memref<10000xf32, #tpu.memory_space<hbm>>
      tpu.wait_indirect_dma semaphore(%arg13 : memref<!tpu.dma_semaphore, #tpu.memory_space<semaphore_mem>>) src(%dma_wait3A_312 : memref<10000xf32, #tpu.memory_space<hbm>>) dst(%dma_wait3A_307 : memref<128xf32, #tpu.memory_space<vmem>>)
      %dma_wait3A_313 = arith.constant 3 : i32
      %dma_wait3A_314 = arith.constant 3 : i32
      %dma_wait3A_315 = arith.constant 0 : i32
      %dma_wait3A_316 = tpu.memref_slice %arg11[%dma_wait3A_314, %dma_wait3A_315] : memref<8x128xf32, #tpu.memory_space<vmem>> -> memref<1x128xf32, #tpu.memory_space<vmem>>
      %dma_wait3A_317 = tpu.memref_squeeze %dma_wait3A_316 : memref<1x128xf32, #tpu.memory_space<vmem>> -> memref<128xf32, #tpu.memory_space<vmem>>
      %dma_wait3A_318 = arith.constant 0 : i32
      %dma_wait3A_319 = tpu.memref_slice %arg9[%dma_wait3A_313, %dma_wait3A_318] : memref<8x128xi32, #tpu.memory_space<vmem>> -> memref<1x128xi32, #tpu.memory_space<vmem>>
      %dma_wait3A_320 = tpu.memref_squeeze %dma_wait3A_319 : memref<1x128xi32, #tpu.memory_space<vmem>> -> memref<128xi32, #tpu.memory_space<vmem>>
      %dma_wait3A_321 = arith.constant 0 : i32
      %dma_wait3A_322 = tpu.memref_slice %arg2[%dma_wait3A_321] : memref<10000xf32, #tpu.memory_space<hbm>> -> memref<10000xf32, #tpu.memory_space<hbm>>
      tpu.wait_indirect_dma semaphore(%arg13 : memref<!tpu.dma_semaphore, #tpu.memory_space<semaphore_mem>>) src(%dma_wait3A_322 : memref<10000xf32, #tpu.memory_space<hbm>>) dst(%dma_wait3A_317 : memref<128xf32, #tpu.memory_space<vmem>>)
      %dma_wait3A_323 = arith.constant 3 : i32
      %dma_wait3A_324 = arith.constant 3 : i32
      %dma_wait3A_325 = arith.constant 0 : i32
      %dma_wait3A_326 = tpu.memref_slice %arg12[%dma_wait3A_324, %dma_wait3A_325] : memref<8x128xf32, #tpu.memory_space<vmem>> -> memref<1x128xf32, #tpu.memory_space<vmem>>
      %dma_wait3A_327 = tpu.memref_squeeze %dma_wait3A_326 : memref<1x128xf32, #tpu.memory_space<vmem>> -> memref<128xf32, #tpu.memory_space<vmem>>
      %dma_wait3A_328 = arith.constant 0 : i32
      %dma_wait3A_329 = tpu.memref_slice %arg9[%dma_wait3A_323, %dma_wait3A_328] : memref<8x128xi32, #tpu.memory_space<vmem>> -> memref<1x128xi32, #tpu.memory_space<vmem>>
      %dma_wait3A_330 = tpu.memref_squeeze %dma_wait3A_329 : memref<1x128xi32, #tpu.memory_space<vmem>> -> memref<128xi32, #tpu.memory_space<vmem>>
      %dma_wait3A_331 = arith.constant 0 : i32
      %dma_wait3A_332 = tpu.memref_slice %arg3[%dma_wait3A_331] : memref<10000xf32, #tpu.memory_space<hbm>> -> memref<10000xf32, #tpu.memory_space<hbm>>
      tpu.wait_indirect_dma semaphore(%arg13 : memref<!tpu.dma_semaphore, #tpu.memory_space<semaphore_mem>>) src(%dma_wait3A_332 : memref<10000xf32, #tpu.memory_space<hbm>>) dst(%dma_wait3A_327 : memref<128xf32, #tpu.memory_space<vmem>>)
      %dma_wait3A_333 = arith.constant 4 : i32
      %dma_wait3A_334 = arith.constant 4 : i32
      %dma_wait3A_335 = arith.constant 0 : i32
      %dma_wait3A_336 = tpu.memref_slice %arg11[%dma_wait3A_334, %dma_wait3A_335] : memref<8x128xf32, #tpu.memory_space<vmem>> -> memref<1x128xf32, #tpu.memory_space<vmem>>
      %dma_wait3A_337 = tpu.memref_squeeze %dma_wait3A_336 : memref<1x128xf32, #tpu.memory_space<vmem>> -> memref<128xf32, #tpu.memory_space<vmem>>
      %dma_wait3A_338 = arith.constant 0 : i32
      %dma_wait3A_339 = tpu.memref_slice %arg9[%dma_wait3A_333, %dma_wait3A_338] : memref<8x128xi32, #tpu.memory_space<vmem>> -> memref<1x128xi32, #tpu.memory_space<vmem>>
      %dma_wait3A_340 = tpu.memref_squeeze %dma_wait3A_339 : memref<1x128xi32, #tpu.memory_space<vmem>> -> memref<128xi32, #tpu.memory_space<vmem>>
      %dma_wait3A_341 = arith.constant 0 : i32
      %dma_wait3A_342 = tpu.memref_slice %arg2[%dma_wait3A_341] : memref<10000xf32, #tpu.memory_space<hbm>> -> memref<10000xf32, #tpu.memory_space<hbm>>
      tpu.wait_indirect_dma semaphore(%arg13 : memref<!tpu.dma_semaphore, #tpu.memory_space<semaphore_mem>>) src(%dma_wait3A_342 : memref<10000xf32, #tpu.memory_space<hbm>>) dst(%dma_wait3A_337 : memref<128xf32, #tpu.memory_space<vmem>>)
      %dma_wait3A_343 = arith.constant 4 : i32
      %dma_wait3A_344 = arith.constant 4 : i32
      %dma_wait3A_345 = arith.constant 0 : i32
      %dma_wait3A_346 = tpu.memref_slice %arg12[%dma_wait3A_344, %dma_wait3A_345] : memref<8x128xf32, #tpu.memory_space<vmem>> -> memref<1x128xf32, #tpu.memory_space<vmem>>
      %dma_wait3A_347 = tpu.memref_squeeze %dma_wait3A_346 : memref<1x128xf32, #tpu.memory_space<vmem>> -> memref<128xf32, #tpu.memory_space<vmem>>
      %dma_wait3A_348 = arith.constant 0 : i32
      %dma_wait3A_349 = tpu.memref_slice %arg9[%dma_wait3A_343, %dma_wait3A_348] : memref<8x128xi32, #tpu.memory_space<vmem>> -> memref<1x128xi32, #tpu.memory_space<vmem>>
      %dma_wait3A_350 = tpu.memref_squeeze %dma_wait3A_349 : memref<1x128xi32, #tpu.memory_space<vmem>> -> memref<128xi32, #tpu.memory_space<vmem>>
      %dma_wait3A_351 = arith.constant 0 : i32
      %dma_wait3A_352 = tpu.memref_slice %arg3[%dma_wait3A_351] : memref<10000xf32, #tpu.memory_space<hbm>> -> memref<10000xf32, #tpu.memory_space<hbm>>
      tpu.wait_indirect_dma semaphore(%arg13 : memref<!tpu.dma_semaphore, #tpu.memory_space<semaphore_mem>>) src(%dma_wait3A_352 : memref<10000xf32, #tpu.memory_space<hbm>>) dst(%dma_wait3A_347 : memref<128xf32, #tpu.memory_space<vmem>>)
      %dma_wait3A_353 = arith.constant 5 : i32
      %dma_wait3A_354 = arith.constant 5 : i32
      %dma_wait3A_355 = arith.constant 0 : i32
      %dma_wait3A_356 = tpu.memref_slice %arg11[%dma_wait3A_354, %dma_wait3A_355] : memref<8x128xf32, #tpu.memory_space<vmem>> -> memref<1x128xf32, #tpu.memory_space<vmem>>
      %dma_wait3A_357 = tpu.memref_squeeze %dma_wait3A_356 : memref<1x128xf32, #tpu.memory_space<vmem>> -> memref<128xf32, #tpu.memory_space<vmem>>
      %dma_wait3A_358 = arith.constant 0 : i32
      %dma_wait3A_359 = tpu.memref_slice %arg9[%dma_wait3A_353, %dma_wait3A_358] : memref<8x128xi32, #tpu.memory_space<vmem>> -> memref<1x128xi32, #tpu.memory_space<vmem>>
      %dma_wait3A_360 = tpu.memref_squeeze %dma_wait3A_359 : memref<1x128xi32, #tpu.memory_space<vmem>> -> memref<128xi32, #tpu.memory_space<vmem>>
      %dma_wait3A_361 = arith.constant 0 : i32
      %dma_wait3A_362 = tpu.memref_slice %arg2[%dma_wait3A_361] : memref<10000xf32, #tpu.memory_space<hbm>> -> memref<10000xf32, #tpu.memory_space<hbm>>
      tpu.wait_indirect_dma semaphore(%arg13 : memref<!tpu.dma_semaphore, #tpu.memory_space<semaphore_mem>>) src(%dma_wait3A_362 : memref<10000xf32, #tpu.memory_space<hbm>>) dst(%dma_wait3A_357 : memref<128xf32, #tpu.memory_space<vmem>>)
      %dma_wait3A_363 = arith.constant 5 : i32
      %dma_wait3A_364 = arith.constant 5 : i32
      %dma_wait3A_365 = arith.constant 0 : i32
      %dma_wait3A_366 = tpu.memref_slice %arg12[%dma_wait3A_364, %dma_wait3A_365] : memref<8x128xf32, #tpu.memory_space<vmem>> -> memref<1x128xf32, #tpu.memory_space<vmem>>
      %dma_wait3A_367 = tpu.memref_squeeze %dma_wait3A_366 : memref<1x128xf32, #tpu.memory_space<vmem>> -> memref<128xf32, #tpu.memory_space<vmem>>
      %dma_wait3A_368 = arith.constant 0 : i32
      %dma_wait3A_369 = tpu.memref_slice %arg9[%dma_wait3A_363, %dma_wait3A_368] : memref<8x128xi32, #tpu.memory_space<vmem>> -> memref<1x128xi32, #tpu.memory_space<vmem>>
      %dma_wait3A_370 = tpu.memref_squeeze %dma_wait3A_369 : memref<1x128xi32, #tpu.memory_space<vmem>> -> memref<128xi32, #tpu.memory_space<vmem>>
      %dma_wait3A_371 = arith.constant 0 : i32
      %dma_wait3A_372 = tpu.memref_slice %arg3[%dma_wait3A_371] : memref<10000xf32, #tpu.memory_space<hbm>> -> memref<10000xf32, #tpu.memory_space<hbm>>
      tpu.wait_indirect_dma semaphore(%arg13 : memref<!tpu.dma_semaphore, #tpu.memory_space<semaphore_mem>>) src(%dma_wait3A_372 : memref<10000xf32, #tpu.memory_space<hbm>>) dst(%dma_wait3A_367 : memref<128xf32, #tpu.memory_space<vmem>>)
      %dma_wait3A_373 = arith.constant 6 : i32
      %dma_wait3A_374 = arith.constant 6 : i32
      %dma_wait3A_375 = arith.constant 0 : i32
      %dma_wait3A_376 = tpu.memref_slice %arg11[%dma_wait3A_374, %dma_wait3A_375] : memref<8x128xf32, #tpu.memory_space<vmem>> -> memref<1x128xf32, #tpu.memory_space<vmem>>
      %dma_wait3A_377 = tpu.memref_squeeze %dma_wait3A_376 : memref<1x128xf32, #tpu.memory_space<vmem>> -> memref<128xf32, #tpu.memory_space<vmem>>
      %dma_wait3A_378 = arith.constant 0 : i32
      %dma_wait3A_379 = tpu.memref_slice %arg9[%dma_wait3A_373, %dma_wait3A_378] : memref<8x128xi32, #tpu.memory_space<vmem>> -> memref<1x128xi32, #tpu.memory_space<vmem>>
      %dma_wait3A_380 = tpu.memref_squeeze %dma_wait3A_379 : memref<1x128xi32, #tpu.memory_space<vmem>> -> memref<128xi32, #tpu.memory_space<vmem>>
      %dma_wait3A_381 = arith.constant 0 : i32
      %dma_wait3A_382 = tpu.memref_slice %arg2[%dma_wait3A_381] : memref<10000xf32, #tpu.memory_space<hbm>> -> memref<10000xf32, #tpu.memory_space<hbm>>
      tpu.wait_indirect_dma semaphore(%arg13 : memref<!tpu.dma_semaphore, #tpu.memory_space<semaphore_mem>>) src(%dma_wait3A_382 : memref<10000xf32, #tpu.memory_space<hbm>>) dst(%dma_wait3A_377 : memref<128xf32, #tpu.memory_space<vmem>>)
      %dma_wait3A_383 = arith.constant 6 : i32
      %dma_wait3A_384 = arith.constant 6 : i32
      %dma_wait3A_385 = arith.constant 0 : i32
      %dma_wait3A_386 = tpu.memref_slice %arg12[%dma_wait3A_384, %dma_wait3A_385] : memref<8x128xf32, #tpu.memory_space<vmem>> -> memref<1x128xf32, #tpu.memory_space<vmem>>
      %dma_wait3A_387 = tpu.memref_squeeze %dma_wait3A_386 : memref<1x128xf32, #tpu.memory_space<vmem>> -> memref<128xf32, #tpu.memory_space<vmem>>
      %dma_wait3A_388 = arith.constant 0 : i32
      %dma_wait3A_389 = tpu.memref_slice %arg9[%dma_wait3A_383, %dma_wait3A_388] : memref<8x128xi32, #tpu.memory_space<vmem>> -> memref<1x128xi32, #tpu.memory_space<vmem>>
      %dma_wait3A_390 = tpu.memref_squeeze %dma_wait3A_389 : memref<1x128xi32, #tpu.memory_space<vmem>> -> memref<128xi32, #tpu.memory_space<vmem>>
      %dma_wait3A_391 = arith.constant 0 : i32
      %dma_wait3A_392 = tpu.memref_slice %arg3[%dma_wait3A_391] : memref<10000xf32, #tpu.memory_space<hbm>> -> memref<10000xf32, #tpu.memory_space<hbm>>
      tpu.wait_indirect_dma semaphore(%arg13 : memref<!tpu.dma_semaphore, #tpu.memory_space<semaphore_mem>>) src(%dma_wait3A_392 : memref<10000xf32, #tpu.memory_space<hbm>>) dst(%dma_wait3A_387 : memref<128xf32, #tpu.memory_space<vmem>>)
      %dma_wait3A_393 = arith.constant 7 : i32
      %dma_wait3A_394 = arith.constant 7 : i32
      %dma_wait3A_395 = arith.constant 0 : i32
      %dma_wait3A_396 = tpu.memref_slice %arg11[%dma_wait3A_394, %dma_wait3A_395] : memref<8x128xf32, #tpu.memory_space<vmem>> -> memref<1x128xf32, #tpu.memory_space<vmem>>
      %dma_wait3A_397 = tpu.memref_squeeze %dma_wait3A_396 : memref<1x128xf32, #tpu.memory_space<vmem>> -> memref<128xf32, #tpu.memory_space<vmem>>
      %dma_wait3A_398 = arith.constant 0 : i32
      %dma_wait3A_399 = tpu.memref_slice %arg9[%dma_wait3A_393, %dma_wait3A_398] : memref<8x128xi32, #tpu.memory_space<vmem>> -> memref<1x128xi32, #tpu.memory_space<vmem>>
      %dma_wait3A_400 = tpu.memref_squeeze %dma_wait3A_399 : memref<1x128xi32, #tpu.memory_space<vmem>> -> memref<128xi32, #tpu.memory_space<vmem>>
      %dma_wait3A_401 = arith.constant 0 : i32
      %dma_wait3A_402 = tpu.memref_slice %arg2[%dma_wait3A_401] : memref<10000xf32, #tpu.memory_space<hbm>> -> memref<10000xf32, #tpu.memory_space<hbm>>
      tpu.wait_indirect_dma semaphore(%arg13 : memref<!tpu.dma_semaphore, #tpu.memory_space<semaphore_mem>>) src(%dma_wait3A_402 : memref<10000xf32, #tpu.memory_space<hbm>>) dst(%dma_wait3A_397 : memref<128xf32, #tpu.memory_space<vmem>>)
      %dma_wait3A_403 = arith.constant 7 : i32
      %dma_wait3A_404 = arith.constant 7 : i32
      %dma_wait3A_405 = arith.constant 0 : i32
      %dma_wait3A_406 = tpu.memref_slice %arg12[%dma_wait3A_404, %dma_wait3A_405] : memref<8x128xf32, #tpu.memory_space<vmem>> -> memref<1x128xf32, #tpu.memory_space<vmem>>
      %dma_wait3A_407 = tpu.memref_squeeze %dma_wait3A_406 : memref<1x128xf32, #tpu.memory_space<vmem>> -> memref<128xf32, #tpu.memory_space<vmem>>
      %dma_wait3A_408 = arith.constant 0 : i32
      %dma_wait3A_409 = tpu.memref_slice %arg9[%dma_wait3A_403, %dma_wait3A_408] : memref<8x128xi32, #tpu.memory_space<vmem>> -> memref<1x128xi32, #tpu.memory_space<vmem>>
      %dma_wait3A_410 = tpu.memref_squeeze %dma_wait3A_409 : memref<1x128xi32, #tpu.memory_space<vmem>> -> memref<128xi32, #tpu.memory_space<vmem>>
      %dma_wait3A_411 = arith.constant 0 : i32
      %dma_wait3A_412 = tpu.memref_slice %arg3[%dma_wait3A_411] : memref<10000xf32, #tpu.memory_space<hbm>> -> memref<10000xf32, #tpu.memory_space<hbm>>
      tpu.wait_indirect_dma semaphore(%arg13 : memref<!tpu.dma_semaphore, #tpu.memory_space<semaphore_mem>>) src(%dma_wait3A_412 : memref<10000xf32, #tpu.memory_space<hbm>>) dst(%dma_wait3A_407 : memref<128xf32, #tpu.memory_space<vmem>>)
      %dma_start3A_413 = arith.constant 0 : i32
      %dma_start3A_414 = arith.constant 0 : i32
      %dma_start3A_415 = arith.constant 0 : i32
      %dma_start3A_416 = tpu.memref_slice %arg11[%dma_start3A_413, %dma_start3A_415] : memref<8x128xf32, #tpu.memory_space<vmem>> -> memref<1x128xf32, #tpu.memory_space<vmem>>
      %dma_start3A_417 = tpu.memref_squeeze %dma_start3A_416 : memref<1x128xf32, #tpu.memory_space<vmem>> -> memref<128xf32, #tpu.memory_space<vmem>>
      %dma_start3A_418 = arith.constant 0 : i32
      %dma_start3A_419 = tpu.memref_slice %arg10[%dma_start3A_414, %dma_start3A_418] : memref<8x128xi32, #tpu.memory_space<vmem>> -> memref<1x128xi32, #tpu.memory_space<vmem>>
      %dma_start3A_420 = tpu.memref_squeeze %dma_start3A_419 : memref<1x128xi32, #tpu.memory_space<vmem>> -> memref<128xi32, #tpu.memory_space<vmem>>
      %dma_start3A_421 = arith.constant 0 : i32
      %dma_start3A_422 = tpu.memref_slice %arg7[%dma_start3A_421] : memref<10240xf32, #tpu.memory_space<vmem_shared>> -> memref<10240xf32, #tpu.memory_space<vmem_shared>>
      tpu.enqueue_indirect_dma source(%dma_start3A_417 : memref<128xf32, #tpu.memory_space<vmem>>) target(%dma_start3A_422 : memref<10240xf32, #tpu.memory_space<vmem_shared>>) offsets(%dma_start3A_420 : memref<128xi32, #tpu.memory_space<vmem>>) semaphore(%arg14 : memref<!tpu.dma_semaphore, #tpu.memory_space<semaphore_mem>>) {add = true}
      %dma_start3A_423 = arith.constant 0 : i32
      %dma_start3A_424 = arith.constant 0 : i32
      %dma_start3A_425 = arith.constant 0 : i32
      %dma_start3A_426 = tpu.memref_slice %arg12[%dma_start3A_423, %dma_start3A_425] : memref<8x128xf32, #tpu.memory_space<vmem>> -> memref<1x128xf32, #tpu.memory_space<vmem>>
      %dma_start3A_427 = tpu.memref_squeeze %dma_start3A_426 : memref<1x128xf32, #tpu.memory_space<vmem>> -> memref<128xf32, #tpu.memory_space<vmem>>
      %dma_start3A_428 = arith.constant 0 : i32
      %dma_start3A_429 = tpu.memref_slice %arg10[%dma_start3A_424, %dma_start3A_428] : memref<8x128xi32, #tpu.memory_space<vmem>> -> memref<1x128xi32, #tpu.memory_space<vmem>>
      %dma_start3A_430 = tpu.memref_squeeze %dma_start3A_429 : memref<1x128xi32, #tpu.memory_space<vmem>> -> memref<128xi32, #tpu.memory_space<vmem>>
      %dma_start3A_431 = arith.constant 0 : i32
      %dma_start3A_432 = tpu.memref_slice %arg8[%dma_start3A_431] : memref<10240xf32, #tpu.memory_space<vmem_shared>> -> memref<10240xf32, #tpu.memory_space<vmem_shared>>
      tpu.enqueue_indirect_dma source(%dma_start3A_427 : memref<128xf32, #tpu.memory_space<vmem>>) target(%dma_start3A_432 : memref<10240xf32, #tpu.memory_space<vmem_shared>>) offsets(%dma_start3A_430 : memref<128xi32, #tpu.memory_space<vmem>>) semaphore(%arg14 : memref<!tpu.dma_semaphore, #tpu.memory_space<semaphore_mem>>) {add = true}
      %dma_start3A_433 = arith.constant 1 : i32
      %dma_start3A_434 = arith.constant 1 : i32
      %dma_start3A_435 = arith.constant 0 : i32
      %dma_start3A_436 = tpu.memref_slice %arg11[%dma_start3A_433, %dma_start3A_435] : memref<8x128xf32, #tpu.memory_space<vmem>> -> memref<1x128xf32, #tpu.memory_space<vmem>>
      %dma_start3A_437 = tpu.memref_squeeze %dma_start3A_436 : memref<1x128xf32, #tpu.memory_space<vmem>> -> memref<128xf32, #tpu.memory_space<vmem>>
      %dma_start3A_438 = arith.constant 0 : i32
      %dma_start3A_439 = tpu.memref_slice %arg10[%dma_start3A_434, %dma_start3A_438] : memref<8x128xi32, #tpu.memory_space<vmem>> -> memref<1x128xi32, #tpu.memory_space<vmem>>
      %dma_start3A_440 = tpu.memref_squeeze %dma_start3A_439 : memref<1x128xi32, #tpu.memory_space<vmem>> -> memref<128xi32, #tpu.memory_space<vmem>>
      %dma_start3A_441 = arith.constant 0 : i32
      %dma_start3A_442 = tpu.memref_slice %arg7[%dma_start3A_441] : memref<10240xf32, #tpu.memory_space<vmem_shared>> -> memref<10240xf32, #tpu.memory_space<vmem_shared>>
      tpu.enqueue_indirect_dma source(%dma_start3A_437 : memref<128xf32, #tpu.memory_space<vmem>>) target(%dma_start3A_442 : memref<10240xf32, #tpu.memory_space<vmem_shared>>) offsets(%dma_start3A_440 : memref<128xi32, #tpu.memory_space<vmem>>) semaphore(%arg14 : memref<!tpu.dma_semaphore, #tpu.memory_space<semaphore_mem>>) {add = true}
      %dma_start3A_443 = arith.constant 1 : i32
      %dma_start3A_444 = arith.constant 1 : i32
      %dma_start3A_445 = arith.constant 0 : i32
      %dma_start3A_446 = tpu.memref_slice %arg12[%dma_start3A_443, %dma_start3A_445] : memref<8x128xf32, #tpu.memory_space<vmem>> -> memref<1x128xf32, #tpu.memory_space<vmem>>
      %dma_start3A_447 = tpu.memref_squeeze %dma_start3A_446 : memref<1x128xf32, #tpu.memory_space<vmem>> -> memref<128xf32, #tpu.memory_space<vmem>>
      %dma_start3A_448 = arith.constant 0 : i32
      %dma_start3A_449 = tpu.memref_slice %arg10[%dma_start3A_444, %dma_start3A_448] : memref<8x128xi32, #tpu.memory_space<vmem>> -> memref<1x128xi32, #tpu.memory_space<vmem>>
      %dma_start3A_450 = tpu.memref_squeeze %dma_start3A_449 : memref<1x128xi32, #tpu.memory_space<vmem>> -> memref<128xi32, #tpu.memory_space<vmem>>
      %dma_start3A_451 = arith.constant 0 : i32
      %dma_start3A_452 = tpu.memref_slice %arg8[%dma_start3A_451] : memref<10240xf32, #tpu.memory_space<vmem_shared>> -> memref<10240xf32, #tpu.memory_space<vmem_shared>>
      tpu.enqueue_indirect_dma source(%dma_start3A_447 : memref<128xf32, #tpu.memory_space<vmem>>) target(%dma_start3A_452 : memref<10240xf32, #tpu.memory_space<vmem_shared>>) offsets(%dma_start3A_450 : memref<128xi32, #tpu.memory_space<vmem>>) semaphore(%arg14 : memref<!tpu.dma_semaphore, #tpu.memory_space<semaphore_mem>>) {add = true}
      %dma_start3A_453 = arith.constant 2 : i32
      %dma_start3A_454 = arith.constant 2 : i32
      %dma_start3A_455 = arith.constant 0 : i32
      %dma_start3A_456 = tpu.memref_slice %arg11[%dma_start3A_453, %dma_start3A_455] : memref<8x128xf32, #tpu.memory_space<vmem>> -> memref<1x128xf32, #tpu.memory_space<vmem>>
      %dma_start3A_457 = tpu.memref_squeeze %dma_start3A_456 : memref<1x128xf32, #tpu.memory_space<vmem>> -> memref<128xf32, #tpu.memory_space<vmem>>
      %dma_start3A_458 = arith.constant 0 : i32
      %dma_start3A_459 = tpu.memref_slice %arg10[%dma_start3A_454, %dma_start3A_458] : memref<8x128xi32, #tpu.memory_space<vmem>> -> memref<1x128xi32, #tpu.memory_space<vmem>>
      %dma_start3A_460 = tpu.memref_squeeze %dma_start3A_459 : memref<1x128xi32, #tpu.memory_space<vmem>> -> memref<128xi32, #tpu.memory_space<vmem>>
      %dma_start3A_461 = arith.constant 0 : i32
      %dma_start3A_462 = tpu.memref_slice %arg7[%dma_start3A_461] : memref<10240xf32, #tpu.memory_space<vmem_shared>> -> memref<10240xf32, #tpu.memory_space<vmem_shared>>
      tpu.enqueue_indirect_dma source(%dma_start3A_457 : memref<128xf32, #tpu.memory_space<vmem>>) target(%dma_start3A_462 : memref<10240xf32, #tpu.memory_space<vmem_shared>>) offsets(%dma_start3A_460 : memref<128xi32, #tpu.memory_space<vmem>>) semaphore(%arg14 : memref<!tpu.dma_semaphore, #tpu.memory_space<semaphore_mem>>) {add = true}
      %dma_start3A_463 = arith.constant 2 : i32
      %dma_start3A_464 = arith.constant 2 : i32
      %dma_start3A_465 = arith.constant 0 : i32
      %dma_start3A_466 = tpu.memref_slice %arg12[%dma_start3A_463, %dma_start3A_465] : memref<8x128xf32, #tpu.memory_space<vmem>> -> memref<1x128xf32, #tpu.memory_space<vmem>>
      %dma_start3A_467 = tpu.memref_squeeze %dma_start3A_466 : memref<1x128xf32, #tpu.memory_space<vmem>> -> memref<128xf32, #tpu.memory_space<vmem>>
      %dma_start3A_468 = arith.constant 0 : i32
      %dma_start3A_469 = tpu.memref_slice %arg10[%dma_start3A_464, %dma_start3A_468] : memref<8x128xi32, #tpu.memory_space<vmem>> -> memref<1x128xi32, #tpu.memory_space<vmem>>
      %dma_start3A_470 = tpu.memref_squeeze %dma_start3A_469 : memref<1x128xi32, #tpu.memory_space<vmem>> -> memref<128xi32, #tpu.memory_space<vmem>>
      %dma_start3A_471 = arith.constant 0 : i32
      %dma_start3A_472 = tpu.memref_slice %arg8[%dma_start3A_471] : memref<10240xf32, #tpu.memory_space<vmem_shared>> -> memref<10240xf32, #tpu.memory_space<vmem_shared>>
      tpu.enqueue_indirect_dma source(%dma_start3A_467 : memref<128xf32, #tpu.memory_space<vmem>>) target(%dma_start3A_472 : memref<10240xf32, #tpu.memory_space<vmem_shared>>) offsets(%dma_start3A_470 : memref<128xi32, #tpu.memory_space<vmem>>) semaphore(%arg14 : memref<!tpu.dma_semaphore, #tpu.memory_space<semaphore_mem>>) {add = true}
      %dma_start3A_473 = arith.constant 3 : i32
      %dma_start3A_474 = arith.constant 3 : i32
      %dma_start3A_475 = arith.constant 0 : i32
      %dma_start3A_476 = tpu.memref_slice %arg11[%dma_start3A_473, %dma_start3A_475] : memref<8x128xf32, #tpu.memory_space<vmem>> -> memref<1x128xf32, #tpu.memory_space<vmem>>
      %dma_start3A_477 = tpu.memref_squeeze %dma_start3A_476 : memref<1x128xf32, #tpu.memory_space<vmem>> -> memref<128xf32, #tpu.memory_space<vmem>>
      %dma_start3A_478 = arith.constant 0 : i32
      %dma_start3A_479 = tpu.memref_slice %arg10[%dma_start3A_474, %dma_start3A_478] : memref<8x128xi32, #tpu.memory_space<vmem>> -> memref<1x128xi32, #tpu.memory_space<vmem>>
      %dma_start3A_480 = tpu.memref_squeeze %dma_start3A_479 : memref<1x128xi32, #tpu.memory_space<vmem>> -> memref<128xi32, #tpu.memory_space<vmem>>
      %dma_start3A_481 = arith.constant 0 : i32
      %dma_start3A_482 = tpu.memref_slice %arg7[%dma_start3A_481] : memref<10240xf32, #tpu.memory_space<vmem_shared>> -> memref<10240xf32, #tpu.memory_space<vmem_shared>>
      tpu.enqueue_indirect_dma source(%dma_start3A_477 : memref<128xf32, #tpu.memory_space<vmem>>) target(%dma_start3A_482 : memref<10240xf32, #tpu.memory_space<vmem_shared>>) offsets(%dma_start3A_480 : memref<128xi32, #tpu.memory_space<vmem>>) semaphore(%arg14 : memref<!tpu.dma_semaphore, #tpu.memory_space<semaphore_mem>>) {add = true}
      %dma_start3A_483 = arith.constant 3 : i32
      %dma_start3A_484 = arith.constant 3 : i32
      %dma_start3A_485 = arith.constant 0 : i32
      %dma_start3A_486 = tpu.memref_slice %arg12[%dma_start3A_483, %dma_start3A_485] : memref<8x128xf32, #tpu.memory_space<vmem>> -> memref<1x128xf32, #tpu.memory_space<vmem>>
      %dma_start3A_487 = tpu.memref_squeeze %dma_start3A_486 : memref<1x128xf32, #tpu.memory_space<vmem>> -> memref<128xf32, #tpu.memory_space<vmem>>
      %dma_start3A_488 = arith.constant 0 : i32
      %dma_start3A_489 = tpu.memref_slice %arg10[%dma_start3A_484, %dma_start3A_488] : memref<8x128xi32, #tpu.memory_space<vmem>> -> memref<1x128xi32, #tpu.memory_space<vmem>>
      %dma_start3A_490 = tpu.memref_squeeze %dma_start3A_489 : memref<1x128xi32, #tpu.memory_space<vmem>> -> memref<128xi32, #tpu.memory_space<vmem>>
      %dma_start3A_491 = arith.constant 0 : i32
      %dma_start3A_492 = tpu.memref_slice %arg8[%dma_start3A_491] : memref<10240xf32, #tpu.memory_space<vmem_shared>> -> memref<10240xf32, #tpu.memory_space<vmem_shared>>
      tpu.enqueue_indirect_dma source(%dma_start3A_487 : memref<128xf32, #tpu.memory_space<vmem>>) target(%dma_start3A_492 : memref<10240xf32, #tpu.memory_space<vmem_shared>>) offsets(%dma_start3A_490 : memref<128xi32, #tpu.memory_space<vmem>>) semaphore(%arg14 : memref<!tpu.dma_semaphore, #tpu.memory_space<semaphore_mem>>) {add = true}
      %dma_start3A_493 = arith.constant 4 : i32
      %dma_start3A_494 = arith.constant 4 : i32
      %dma_start3A_495 = arith.constant 0 : i32
      %dma_start3A_496 = tpu.memref_slice %arg11[%dma_start3A_493, %dma_start3A_495] : memref<8x128xf32, #tpu.memory_space<vmem>> -> memref<1x128xf32, #tpu.memory_space<vmem>>
      %dma_start3A_497 = tpu.memref_squeeze %dma_start3A_496 : memref<1x128xf32, #tpu.memory_space<vmem>> -> memref<128xf32, #tpu.memory_space<vmem>>
      %dma_start3A_498 = arith.constant 0 : i32
      %dma_start3A_499 = tpu.memref_slice %arg10[%dma_start3A_494, %dma_start3A_498] : memref<8x128xi32, #tpu.memory_space<vmem>> -> memref<1x128xi32, #tpu.memory_space<vmem>>
      %dma_start3A_500 = tpu.memref_squeeze %dma_start3A_499 : memref<1x128xi32, #tpu.memory_space<vmem>> -> memref<128xi32, #tpu.memory_space<vmem>>
      %dma_start3A_501 = arith.constant 0 : i32
      %dma_start3A_502 = tpu.memref_slice %arg7[%dma_start3A_501] : memref<10240xf32, #tpu.memory_space<vmem_shared>> -> memref<10240xf32, #tpu.memory_space<vmem_shared>>
      tpu.enqueue_indirect_dma source(%dma_start3A_497 : memref<128xf32, #tpu.memory_space<vmem>>) target(%dma_start3A_502 : memref<10240xf32, #tpu.memory_space<vmem_shared>>) offsets(%dma_start3A_500 : memref<128xi32, #tpu.memory_space<vmem>>) semaphore(%arg14 : memref<!tpu.dma_semaphore, #tpu.memory_space<semaphore_mem>>) {add = true}
      %dma_start3A_503 = arith.constant 4 : i32
      %dma_start3A_504 = arith.constant 4 : i32
      %dma_start3A_505 = arith.constant 0 : i32
      %dma_start3A_506 = tpu.memref_slice %arg12[%dma_start3A_503, %dma_start3A_505] : memref<8x128xf32, #tpu.memory_space<vmem>> -> memref<1x128xf32, #tpu.memory_space<vmem>>
      %dma_start3A_507 = tpu.memref_squeeze %dma_start3A_506 : memref<1x128xf32, #tpu.memory_space<vmem>> -> memref<128xf32, #tpu.memory_space<vmem>>
      %dma_start3A_508 = arith.constant 0 : i32
      %dma_start3A_509 = tpu.memref_slice %arg10[%dma_start3A_504, %dma_start3A_508] : memref<8x128xi32, #tpu.memory_space<vmem>> -> memref<1x128xi32, #tpu.memory_space<vmem>>
      %dma_start3A_510 = tpu.memref_squeeze %dma_start3A_509 : memref<1x128xi32, #tpu.memory_space<vmem>> -> memref<128xi32, #tpu.memory_space<vmem>>
      %dma_start3A_511 = arith.constant 0 : i32
      %dma_start3A_512 = tpu.memref_slice %arg8[%dma_start3A_511] : memref<10240xf32, #tpu.memory_space<vmem_shared>> -> memref<10240xf32, #tpu.memory_space<vmem_shared>>
      tpu.enqueue_indirect_dma source(%dma_start3A_507 : memref<128xf32, #tpu.memory_space<vmem>>) target(%dma_start3A_512 : memref<10240xf32, #tpu.memory_space<vmem_shared>>) offsets(%dma_start3A_510 : memref<128xi32, #tpu.memory_space<vmem>>) semaphore(%arg14 : memref<!tpu.dma_semaphore, #tpu.memory_space<semaphore_mem>>) {add = true}
      %dma_start3A_513 = arith.constant 5 : i32
      %dma_start3A_514 = arith.constant 5 : i32
      %dma_start3A_515 = arith.constant 0 : i32
      %dma_start3A_516 = tpu.memref_slice %arg11[%dma_start3A_513, %dma_start3A_515] : memref<8x128xf32, #tpu.memory_space<vmem>> -> memref<1x128xf32, #tpu.memory_space<vmem>>
      %dma_start3A_517 = tpu.memref_squeeze %dma_start3A_516 : memref<1x128xf32, #tpu.memory_space<vmem>> -> memref<128xf32, #tpu.memory_space<vmem>>
      %dma_start3A_518 = arith.constant 0 : i32
      %dma_start3A_519 = tpu.memref_slice %arg10[%dma_start3A_514, %dma_start3A_518] : memref<8x128xi32, #tpu.memory_space<vmem>> -> memref<1x128xi32, #tpu.memory_space<vmem>>
      %dma_start3A_520 = tpu.memref_squeeze %dma_start3A_519 : memref<1x128xi32, #tpu.memory_space<vmem>> -> memref<128xi32, #tpu.memory_space<vmem>>
      %dma_start3A_521 = arith.constant 0 : i32
      %dma_start3A_522 = tpu.memref_slice %arg7[%dma_start3A_521] : memref<10240xf32, #tpu.memory_space<vmem_shared>> -> memref<10240xf32, #tpu.memory_space<vmem_shared>>
      tpu.enqueue_indirect_dma source(%dma_start3A_517 : memref<128xf32, #tpu.memory_space<vmem>>) target(%dma_start3A_522 : memref<10240xf32, #tpu.memory_space<vmem_shared>>) offsets(%dma_start3A_520 : memref<128xi32, #tpu.memory_space<vmem>>) semaphore(%arg14 : memref<!tpu.dma_semaphore, #tpu.memory_space<semaphore_mem>>) {add = true}
      %dma_start3A_523 = arith.constant 5 : i32
      %dma_start3A_524 = arith.constant 5 : i32
      %dma_start3A_525 = arith.constant 0 : i32
      %dma_start3A_526 = tpu.memref_slice %arg12[%dma_start3A_523, %dma_start3A_525] : memref<8x128xf32, #tpu.memory_space<vmem>> -> memref<1x128xf32, #tpu.memory_space<vmem>>
      %dma_start3A_527 = tpu.memref_squeeze %dma_start3A_526 : memref<1x128xf32, #tpu.memory_space<vmem>> -> memref<128xf32, #tpu.memory_space<vmem>>
      %dma_start3A_528 = arith.constant 0 : i32
      %dma_start3A_529 = tpu.memref_slice %arg10[%dma_start3A_524, %dma_start3A_528] : memref<8x128xi32, #tpu.memory_space<vmem>> -> memref<1x128xi32, #tpu.memory_space<vmem>>
      %dma_start3A_530 = tpu.memref_squeeze %dma_start3A_529 : memref<1x128xi32, #tpu.memory_space<vmem>> -> memref<128xi32, #tpu.memory_space<vmem>>
      %dma_start3A_531 = arith.constant 0 : i32
      %dma_start3A_532 = tpu.memref_slice %arg8[%dma_start3A_531] : memref<10240xf32, #tpu.memory_space<vmem_shared>> -> memref<10240xf32, #tpu.memory_space<vmem_shared>>
      tpu.enqueue_indirect_dma source(%dma_start3A_527 : memref<128xf32, #tpu.memory_space<vmem>>) target(%dma_start3A_532 : memref<10240xf32, #tpu.memory_space<vmem_shared>>) offsets(%dma_start3A_530 : memref<128xi32, #tpu.memory_space<vmem>>) semaphore(%arg14 : memref<!tpu.dma_semaphore, #tpu.memory_space<semaphore_mem>>) {add = true}
      %dma_start3A_533 = arith.constant 6 : i32
      %dma_start3A_534 = arith.constant 6 : i32
      %dma_start3A_535 = arith.constant 0 : i32
      %dma_start3A_536 = tpu.memref_slice %arg11[%dma_start3A_533, %dma_start3A_535] : memref<8x128xf32, #tpu.memory_space<vmem>> -> memref<1x128xf32, #tpu.memory_space<vmem>>
      %dma_start3A_537 = tpu.memref_squeeze %dma_start3A_536 : memref<1x128xf32, #tpu.memory_space<vmem>> -> memref<128xf32, #tpu.memory_space<vmem>>
      %dma_start3A_538 = arith.constant 0 : i32
      %dma_start3A_539 = tpu.memref_slice %arg10[%dma_start3A_534, %dma_start3A_538] : memref<8x128xi32, #tpu.memory_space<vmem>> -> memref<1x128xi32, #tpu.memory_space<vmem>>
      %dma_start3A_540 = tpu.memref_squeeze %dma_start3A_539 : memref<1x128xi32, #tpu.memory_space<vmem>> -> memref<128xi32, #tpu.memory_space<vmem>>
      %dma_start3A_541 = arith.constant 0 : i32
      %dma_start3A_542 = tpu.memref_slice %arg7[%dma_start3A_541] : memref<10240xf32, #tpu.memory_space<vmem_shared>> -> memref<10240xf32, #tpu.memory_space<vmem_shared>>
      tpu.enqueue_indirect_dma source(%dma_start3A_537 : memref<128xf32, #tpu.memory_space<vmem>>) target(%dma_start3A_542 : memref<10240xf32, #tpu.memory_space<vmem_shared>>) offsets(%dma_start3A_540 : memref<128xi32, #tpu.memory_space<vmem>>) semaphore(%arg14 : memref<!tpu.dma_semaphore, #tpu.memory_space<semaphore_mem>>) {add = true}
      %dma_start3A_543 = arith.constant 6 : i32
      %dma_start3A_544 = arith.constant 6 : i32
      %dma_start3A_545 = arith.constant 0 : i32
      %dma_start3A_546 = tpu.memref_slice %arg12[%dma_start3A_543, %dma_start3A_545] : memref<8x128xf32, #tpu.memory_space<vmem>> -> memref<1x128xf32, #tpu.memory_space<vmem>>
      %dma_start3A_547 = tpu.memref_squeeze %dma_start3A_546 : memref<1x128xf32, #tpu.memory_space<vmem>> -> memref<128xf32, #tpu.memory_space<vmem>>
      %dma_start3A_548 = arith.constant 0 : i32
      %dma_start3A_549 = tpu.memref_slice %arg10[%dma_start3A_544, %dma_start3A_548] : memref<8x128xi32, #tpu.memory_space<vmem>> -> memref<1x128xi32, #tpu.memory_space<vmem>>
      %dma_start3A_550 = tpu.memref_squeeze %dma_start3A_549 : memref<1x128xi32, #tpu.memory_space<vmem>> -> memref<128xi32, #tpu.memory_space<vmem>>
      %dma_start3A_551 = arith.constant 0 : i32
      %dma_start3A_552 = tpu.memref_slice %arg8[%dma_start3A_551] : memref<10240xf32, #tpu.memory_space<vmem_shared>> -> memref<10240xf32, #tpu.memory_space<vmem_shared>>
      tpu.enqueue_indirect_dma source(%dma_start3A_547 : memref<128xf32, #tpu.memory_space<vmem>>) target(%dma_start3A_552 : memref<10240xf32, #tpu.memory_space<vmem_shared>>) offsets(%dma_start3A_550 : memref<128xi32, #tpu.memory_space<vmem>>) semaphore(%arg14 : memref<!tpu.dma_semaphore, #tpu.memory_space<semaphore_mem>>) {add = true}
      %dma_start3A_553 = arith.constant 7 : i32
      %dma_start3A_554 = arith.constant 7 : i32
      %dma_start3A_555 = arith.constant 0 : i32
      %dma_start3A_556 = tpu.memref_slice %arg11[%dma_start3A_553, %dma_start3A_555] : memref<8x128xf32, #tpu.memory_space<vmem>> -> memref<1x128xf32, #tpu.memory_space<vmem>>
      %dma_start3A_557 = tpu.memref_squeeze %dma_start3A_556 : memref<1x128xf32, #tpu.memory_space<vmem>> -> memref<128xf32, #tpu.memory_space<vmem>>
      %dma_start3A_558 = arith.constant 0 : i32
      %dma_start3A_559 = tpu.memref_slice %arg10[%dma_start3A_554, %dma_start3A_558] : memref<8x128xi32, #tpu.memory_space<vmem>> -> memref<1x128xi32, #tpu.memory_space<vmem>>
      %dma_start3A_560 = tpu.memref_squeeze %dma_start3A_559 : memref<1x128xi32, #tpu.memory_space<vmem>> -> memref<128xi32, #tpu.memory_space<vmem>>
      %dma_start3A_561 = arith.constant 0 : i32
      %dma_start3A_562 = tpu.memref_slice %arg7[%dma_start3A_561] : memref<10240xf32, #tpu.memory_space<vmem_shared>> -> memref<10240xf32, #tpu.memory_space<vmem_shared>>
      tpu.enqueue_indirect_dma source(%dma_start3A_557 : memref<128xf32, #tpu.memory_space<vmem>>) target(%dma_start3A_562 : memref<10240xf32, #tpu.memory_space<vmem_shared>>) offsets(%dma_start3A_560 : memref<128xi32, #tpu.memory_space<vmem>>) semaphore(%arg14 : memref<!tpu.dma_semaphore, #tpu.memory_space<semaphore_mem>>) {add = true}
      %dma_start3A_563 = arith.constant 7 : i32
      %dma_start3A_564 = arith.constant 7 : i32
      %dma_start3A_565 = arith.constant 0 : i32
      %dma_start3A_566 = tpu.memref_slice %arg12[%dma_start3A_563, %dma_start3A_565] : memref<8x128xf32, #tpu.memory_space<vmem>> -> memref<1x128xf32, #tpu.memory_space<vmem>>
      %dma_start3A_567 = tpu.memref_squeeze %dma_start3A_566 : memref<1x128xf32, #tpu.memory_space<vmem>> -> memref<128xf32, #tpu.memory_space<vmem>>
      %dma_start3A_568 = arith.constant 0 : i32
      %dma_start3A_569 = tpu.memref_slice %arg10[%dma_start3A_564, %dma_start3A_568] : memref<8x128xi32, #tpu.memory_space<vmem>> -> memref<1x128xi32, #tpu.memory_space<vmem>>
      %dma_start3A_570 = tpu.memref_squeeze %dma_start3A_569 : memref<1x128xi32, #tpu.memory_space<vmem>> -> memref<128xi32, #tpu.memory_space<vmem>>
      %dma_start3A_571 = arith.constant 0 : i32
      %dma_start3A_572 = tpu.memref_slice %arg8[%dma_start3A_571] : memref<10240xf32, #tpu.memory_space<vmem_shared>> -> memref<10240xf32, #tpu.memory_space<vmem_shared>>
      tpu.enqueue_indirect_dma source(%dma_start3A_567 : memref<128xf32, #tpu.memory_space<vmem>>) target(%dma_start3A_572 : memref<10240xf32, #tpu.memory_space<vmem_shared>>) offsets(%dma_start3A_570 : memref<128xi32, #tpu.memory_space<vmem>>) semaphore(%arg14 : memref<!tpu.dma_semaphore, #tpu.memory_space<semaphore_mem>>) {add = true}
      %dma_wait3A_573 = arith.constant 0 : i32
      %dma_wait3A_574 = arith.constant 0 : i32
      %dma_wait3A_575 = arith.constant 0 : i32
      %dma_wait3A_576 = tpu.memref_slice %arg11[%dma_wait3A_573, %dma_wait3A_575] : memref<8x128xf32, #tpu.memory_space<vmem>> -> memref<1x128xf32, #tpu.memory_space<vmem>>
      %dma_wait3A_577 = tpu.memref_squeeze %dma_wait3A_576 : memref<1x128xf32, #tpu.memory_space<vmem>> -> memref<128xf32, #tpu.memory_space<vmem>>
      %dma_wait3A_578 = arith.constant 0 : i32
      %dma_wait3A_579 = tpu.memref_slice %arg10[%dma_wait3A_574, %dma_wait3A_578] : memref<8x128xi32, #tpu.memory_space<vmem>> -> memref<1x128xi32, #tpu.memory_space<vmem>>
      %dma_wait3A_580 = tpu.memref_squeeze %dma_wait3A_579 : memref<1x128xi32, #tpu.memory_space<vmem>> -> memref<128xi32, #tpu.memory_space<vmem>>
      %dma_wait3A_581 = arith.constant 0 : i32
      %dma_wait3A_582 = tpu.memref_slice %arg7[%dma_wait3A_581] : memref<10240xf32, #tpu.memory_space<vmem_shared>> -> memref<10240xf32, #tpu.memory_space<vmem_shared>>
      tpu.wait_indirect_dma semaphore(%arg14 : memref<!tpu.dma_semaphore, #tpu.memory_space<semaphore_mem>>) src(%dma_wait3A_577 : memref<128xf32, #tpu.memory_space<vmem>>) dst(%dma_wait3A_582 : memref<10240xf32, #tpu.memory_space<vmem_shared>>)
      %dma_wait3A_583 = arith.constant 0 : i32
      %dma_wait3A_584 = arith.constant 0 : i32
      %dma_wait3A_585 = arith.constant 0 : i32
      %dma_wait3A_586 = tpu.memref_slice %arg12[%dma_wait3A_583, %dma_wait3A_585] : memref<8x128xf32, #tpu.memory_space<vmem>> -> memref<1x128xf32, #tpu.memory_space<vmem>>
      %dma_wait3A_587 = tpu.memref_squeeze %dma_wait3A_586 : memref<1x128xf32, #tpu.memory_space<vmem>> -> memref<128xf32, #tpu.memory_space<vmem>>
      %dma_wait3A_588 = arith.constant 0 : i32
      %dma_wait3A_589 = tpu.memref_slice %arg10[%dma_wait3A_584, %dma_wait3A_588] : memref<8x128xi32, #tpu.memory_space<vmem>> -> memref<1x128xi32, #tpu.memory_space<vmem>>
      %dma_wait3A_590 = tpu.memref_squeeze %dma_wait3A_589 : memref<1x128xi32, #tpu.memory_space<vmem>> -> memref<128xi32, #tpu.memory_space<vmem>>
      %dma_wait3A_591 = arith.constant 0 : i32
      %dma_wait3A_592 = tpu.memref_slice %arg8[%dma_wait3A_591] : memref<10240xf32, #tpu.memory_space<vmem_shared>> -> memref<10240xf32, #tpu.memory_space<vmem_shared>>
      tpu.wait_indirect_dma semaphore(%arg14 : memref<!tpu.dma_semaphore, #tpu.memory_space<semaphore_mem>>) src(%dma_wait3A_587 : memref<128xf32, #tpu.memory_space<vmem>>) dst(%dma_wait3A_592 : memref<10240xf32, #tpu.memory_space<vmem_shared>>)
      %dma_wait3A_593 = arith.constant 1 : i32
      %dma_wait3A_594 = arith.constant 1 : i32
      %dma_wait3A_595 = arith.constant 0 : i32
      %dma_wait3A_596 = tpu.memref_slice %arg11[%dma_wait3A_593, %dma_wait3A_595] : memref<8x128xf32, #tpu.memory_space<vmem>> -> memref<1x128xf32, #tpu.memory_space<vmem>>
      %dma_wait3A_597 = tpu.memref_squeeze %dma_wait3A_596 : memref<1x128xf32, #tpu.memory_space<vmem>> -> memref<128xf32, #tpu.memory_space<vmem>>
      %dma_wait3A_598 = arith.constant 0 : i32
      %dma_wait3A_599 = tpu.memref_slice %arg10[%dma_wait3A_594, %dma_wait3A_598] : memref<8x128xi32, #tpu.memory_space<vmem>> -> memref<1x128xi32, #tpu.memory_space<vmem>>
      %dma_wait3A_600 = tpu.memref_squeeze %dma_wait3A_599 : memref<1x128xi32, #tpu.memory_space<vmem>> -> memref<128xi32, #tpu.memory_space<vmem>>
      %dma_wait3A_601 = arith.constant 0 : i32
      %dma_wait3A_602 = tpu.memref_slice %arg7[%dma_wait3A_601] : memref<10240xf32, #tpu.memory_space<vmem_shared>> -> memref<10240xf32, #tpu.memory_space<vmem_shared>>
      tpu.wait_indirect_dma semaphore(%arg14 : memref<!tpu.dma_semaphore, #tpu.memory_space<semaphore_mem>>) src(%dma_wait3A_597 : memref<128xf32, #tpu.memory_space<vmem>>) dst(%dma_wait3A_602 : memref<10240xf32, #tpu.memory_space<vmem_shared>>)
      %dma_wait3A_603 = arith.constant 1 : i32
      %dma_wait3A_604 = arith.constant 1 : i32
      %dma_wait3A_605 = arith.constant 0 : i32
      %dma_wait3A_606 = tpu.memref_slice %arg12[%dma_wait3A_603, %dma_wait3A_605] : memref<8x128xf32, #tpu.memory_space<vmem>> -> memref<1x128xf32, #tpu.memory_space<vmem>>
      %dma_wait3A_607 = tpu.memref_squeeze %dma_wait3A_606 : memref<1x128xf32, #tpu.memory_space<vmem>> -> memref<128xf32, #tpu.memory_space<vmem>>
      %dma_wait3A_608 = arith.constant 0 : i32
      %dma_wait3A_609 = tpu.memref_slice %arg10[%dma_wait3A_604, %dma_wait3A_608] : memref<8x128xi32, #tpu.memory_space<vmem>> -> memref<1x128xi32, #tpu.memory_space<vmem>>
      %dma_wait3A_610 = tpu.memref_squeeze %dma_wait3A_609 : memref<1x128xi32, #tpu.memory_space<vmem>> -> memref<128xi32, #tpu.memory_space<vmem>>
      %dma_wait3A_611 = arith.constant 0 : i32
      %dma_wait3A_612 = tpu.memref_slice %arg8[%dma_wait3A_611] : memref<10240xf32, #tpu.memory_space<vmem_shared>> -> memref<10240xf32, #tpu.memory_space<vmem_shared>>
      tpu.wait_indirect_dma semaphore(%arg14 : memref<!tpu.dma_semaphore, #tpu.memory_space<semaphore_mem>>) src(%dma_wait3A_607 : memref<128xf32, #tpu.memory_space<vmem>>) dst(%dma_wait3A_612 : memref<10240xf32, #tpu.memory_space<vmem_shared>>)
      %dma_wait3A_613 = arith.constant 2 : i32
      %dma_wait3A_614 = arith.constant 2 : i32
      %dma_wait3A_615 = arith.constant 0 : i32
      %dma_wait3A_616 = tpu.memref_slice %arg11[%dma_wait3A_613, %dma_wait3A_615] : memref<8x128xf32, #tpu.memory_space<vmem>> -> memref<1x128xf32, #tpu.memory_space<vmem>>
      %dma_wait3A_617 = tpu.memref_squeeze %dma_wait3A_616 : memref<1x128xf32, #tpu.memory_space<vmem>> -> memref<128xf32, #tpu.memory_space<vmem>>
      %dma_wait3A_618 = arith.constant 0 : i32
      %dma_wait3A_619 = tpu.memref_slice %arg10[%dma_wait3A_614, %dma_wait3A_618] : memref<8x128xi32, #tpu.memory_space<vmem>> -> memref<1x128xi32, #tpu.memory_space<vmem>>
      %dma_wait3A_620 = tpu.memref_squeeze %dma_wait3A_619 : memref<1x128xi32, #tpu.memory_space<vmem>> -> memref<128xi32, #tpu.memory_space<vmem>>
      %dma_wait3A_621 = arith.constant 0 : i32
      %dma_wait3A_622 = tpu.memref_slice %arg7[%dma_wait3A_621] : memref<10240xf32, #tpu.memory_space<vmem_shared>> -> memref<10240xf32, #tpu.memory_space<vmem_shared>>
      tpu.wait_indirect_dma semaphore(%arg14 : memref<!tpu.dma_semaphore, #tpu.memory_space<semaphore_mem>>) src(%dma_wait3A_617 : memref<128xf32, #tpu.memory_space<vmem>>) dst(%dma_wait3A_622 : memref<10240xf32, #tpu.memory_space<vmem_shared>>)
      %dma_wait3A_623 = arith.constant 2 : i32
      %dma_wait3A_624 = arith.constant 2 : i32
      %dma_wait3A_625 = arith.constant 0 : i32
      %dma_wait3A_626 = tpu.memref_slice %arg12[%dma_wait3A_623, %dma_wait3A_625] : memref<8x128xf32, #tpu.memory_space<vmem>> -> memref<1x128xf32, #tpu.memory_space<vmem>>
      %dma_wait3A_627 = tpu.memref_squeeze %dma_wait3A_626 : memref<1x128xf32, #tpu.memory_space<vmem>> -> memref<128xf32, #tpu.memory_space<vmem>>
      %dma_wait3A_628 = arith.constant 0 : i32
      %dma_wait3A_629 = tpu.memref_slice %arg10[%dma_wait3A_624, %dma_wait3A_628] : memref<8x128xi32, #tpu.memory_space<vmem>> -> memref<1x128xi32, #tpu.memory_space<vmem>>
      %dma_wait3A_630 = tpu.memref_squeeze %dma_wait3A_629 : memref<1x128xi32, #tpu.memory_space<vmem>> -> memref<128xi32, #tpu.memory_space<vmem>>
      %dma_wait3A_631 = arith.constant 0 : i32
      %dma_wait3A_632 = tpu.memref_slice %arg8[%dma_wait3A_631] : memref<10240xf32, #tpu.memory_space<vmem_shared>> -> memref<10240xf32, #tpu.memory_space<vmem_shared>>
      tpu.wait_indirect_dma semaphore(%arg14 : memref<!tpu.dma_semaphore, #tpu.memory_space<semaphore_mem>>) src(%dma_wait3A_627 : memref<128xf32, #tpu.memory_space<vmem>>) dst(%dma_wait3A_632 : memref<10240xf32, #tpu.memory_space<vmem_shared>>)
      %dma_wait3A_633 = arith.constant 3 : i32
      %dma_wait3A_634 = arith.constant 3 : i32
      %dma_wait3A_635 = arith.constant 0 : i32
      %dma_wait3A_636 = tpu.memref_slice %arg11[%dma_wait3A_633, %dma_wait3A_635] : memref<8x128xf32, #tpu.memory_space<vmem>> -> memref<1x128xf32, #tpu.memory_space<vmem>>
      %dma_wait3A_637 = tpu.memref_squeeze %dma_wait3A_636 : memref<1x128xf32, #tpu.memory_space<vmem>> -> memref<128xf32, #tpu.memory_space<vmem>>
      %dma_wait3A_638 = arith.constant 0 : i32
      %dma_wait3A_639 = tpu.memref_slice %arg10[%dma_wait3A_634, %dma_wait3A_638] : memref<8x128xi32, #tpu.memory_space<vmem>> -> memref<1x128xi32, #tpu.memory_space<vmem>>
      %dma_wait3A_640 = tpu.memref_squeeze %dma_wait3A_639 : memref<1x128xi32, #tpu.memory_space<vmem>> -> memref<128xi32, #tpu.memory_space<vmem>>
      %dma_wait3A_641 = arith.constant 0 : i32
      %dma_wait3A_642 = tpu.memref_slice %arg7[%dma_wait3A_641] : memref<10240xf32, #tpu.memory_space<vmem_shared>> -> memref<10240xf32, #tpu.memory_space<vmem_shared>>
      tpu.wait_indirect_dma semaphore(%arg14 : memref<!tpu.dma_semaphore, #tpu.memory_space<semaphore_mem>>) src(%dma_wait3A_637 : memref<128xf32, #tpu.memory_space<vmem>>) dst(%dma_wait3A_642 : memref<10240xf32, #tpu.memory_space<vmem_shared>>)
      %dma_wait3A_643 = arith.constant 3 : i32
      %dma_wait3A_644 = arith.constant 3 : i32
      %dma_wait3A_645 = arith.constant 0 : i32
      %dma_wait3A_646 = tpu.memref_slice %arg12[%dma_wait3A_643, %dma_wait3A_645] : memref<8x128xf32, #tpu.memory_space<vmem>> -> memref<1x128xf32, #tpu.memory_space<vmem>>
      %dma_wait3A_647 = tpu.memref_squeeze %dma_wait3A_646 : memref<1x128xf32, #tpu.memory_space<vmem>> -> memref<128xf32, #tpu.memory_space<vmem>>
      %dma_wait3A_648 = arith.constant 0 : i32
      %dma_wait3A_649 = tpu.memref_slice %arg10[%dma_wait3A_644, %dma_wait3A_648] : memref<8x128xi32, #tpu.memory_space<vmem>> -> memref<1x128xi32, #tpu.memory_space<vmem>>
      %dma_wait3A_650 = tpu.memref_squeeze %dma_wait3A_649 : memref<1x128xi32, #tpu.memory_space<vmem>> -> memref<128xi32, #tpu.memory_space<vmem>>
      %dma_wait3A_651 = arith.constant 0 : i32
      %dma_wait3A_652 = tpu.memref_slice %arg8[%dma_wait3A_651] : memref<10240xf32, #tpu.memory_space<vmem_shared>> -> memref<10240xf32, #tpu.memory_space<vmem_shared>>
      tpu.wait_indirect_dma semaphore(%arg14 : memref<!tpu.dma_semaphore, #tpu.memory_space<semaphore_mem>>) src(%dma_wait3A_647 : memref<128xf32, #tpu.memory_space<vmem>>) dst(%dma_wait3A_652 : memref<10240xf32, #tpu.memory_space<vmem_shared>>)
      %dma_wait3A_653 = arith.constant 4 : i32
      %dma_wait3A_654 = arith.constant 4 : i32
      %dma_wait3A_655 = arith.constant 0 : i32
      %dma_wait3A_656 = tpu.memref_slice %arg11[%dma_wait3A_653, %dma_wait3A_655] : memref<8x128xf32, #tpu.memory_space<vmem>> -> memref<1x128xf32, #tpu.memory_space<vmem>>
      %dma_wait3A_657 = tpu.memref_squeeze %dma_wait3A_656 : memref<1x128xf32, #tpu.memory_space<vmem>> -> memref<128xf32, #tpu.memory_space<vmem>>
      %dma_wait3A_658 = arith.constant 0 : i32
      %dma_wait3A_659 = tpu.memref_slice %arg10[%dma_wait3A_654, %dma_wait3A_658] : memref<8x128xi32, #tpu.memory_space<vmem>> -> memref<1x128xi32, #tpu.memory_space<vmem>>
      %dma_wait3A_660 = tpu.memref_squeeze %dma_wait3A_659 : memref<1x128xi32, #tpu.memory_space<vmem>> -> memref<128xi32, #tpu.memory_space<vmem>>
      %dma_wait3A_661 = arith.constant 0 : i32
      %dma_wait3A_662 = tpu.memref_slice %arg7[%dma_wait3A_661] : memref<10240xf32, #tpu.memory_space<vmem_shared>> -> memref<10240xf32, #tpu.memory_space<vmem_shared>>
      tpu.wait_indirect_dma semaphore(%arg14 : memref<!tpu.dma_semaphore, #tpu.memory_space<semaphore_mem>>) src(%dma_wait3A_657 : memref<128xf32, #tpu.memory_space<vmem>>) dst(%dma_wait3A_662 : memref<10240xf32, #tpu.memory_space<vmem_shared>>)
      %dma_wait3A_663 = arith.constant 4 : i32
      %dma_wait3A_664 = arith.constant 4 : i32
      %dma_wait3A_665 = arith.constant 0 : i32
      %dma_wait3A_666 = tpu.memref_slice %arg12[%dma_wait3A_663, %dma_wait3A_665] : memref<8x128xf32, #tpu.memory_space<vmem>> -> memref<1x128xf32, #tpu.memory_space<vmem>>
      %dma_wait3A_667 = tpu.memref_squeeze %dma_wait3A_666 : memref<1x128xf32, #tpu.memory_space<vmem>> -> memref<128xf32, #tpu.memory_space<vmem>>
      %dma_wait3A_668 = arith.constant 0 : i32
      %dma_wait3A_669 = tpu.memref_slice %arg10[%dma_wait3A_664, %dma_wait3A_668] : memref<8x128xi32, #tpu.memory_space<vmem>> -> memref<1x128xi32, #tpu.memory_space<vmem>>
      %dma_wait3A_670 = tpu.memref_squeeze %dma_wait3A_669 : memref<1x128xi32, #tpu.memory_space<vmem>> -> memref<128xi32, #tpu.memory_space<vmem>>
      %dma_wait3A_671 = arith.constant 0 : i32
      %dma_wait3A_672 = tpu.memref_slice %arg8[%dma_wait3A_671] : memref<10240xf32, #tpu.memory_space<vmem_shared>> -> memref<10240xf32, #tpu.memory_space<vmem_shared>>
      tpu.wait_indirect_dma semaphore(%arg14 : memref<!tpu.dma_semaphore, #tpu.memory_space<semaphore_mem>>) src(%dma_wait3A_667 : memref<128xf32, #tpu.memory_space<vmem>>) dst(%dma_wait3A_672 : memref<10240xf32, #tpu.memory_space<vmem_shared>>)
      %dma_wait3A_673 = arith.constant 5 : i32
      %dma_wait3A_674 = arith.constant 5 : i32
      %dma_wait3A_675 = arith.constant 0 : i32
      %dma_wait3A_676 = tpu.memref_slice %arg11[%dma_wait3A_673, %dma_wait3A_675] : memref<8x128xf32, #tpu.memory_space<vmem>> -> memref<1x128xf32, #tpu.memory_space<vmem>>
      %dma_wait3A_677 = tpu.memref_squeeze %dma_wait3A_676 : memref<1x128xf32, #tpu.memory_space<vmem>> -> memref<128xf32, #tpu.memory_space<vmem>>
      %dma_wait3A_678 = arith.constant 0 : i32
      %dma_wait3A_679 = tpu.memref_slice %arg10[%dma_wait3A_674, %dma_wait3A_678] : memref<8x128xi32, #tpu.memory_space<vmem>> -> memref<1x128xi32, #tpu.memory_space<vmem>>
      %dma_wait3A_680 = tpu.memref_squeeze %dma_wait3A_679 : memref<1x128xi32, #tpu.memory_space<vmem>> -> memref<128xi32, #tpu.memory_space<vmem>>
      %dma_wait3A_681 = arith.constant 0 : i32
      %dma_wait3A_682 = tpu.memref_slice %arg7[%dma_wait3A_681] : memref<10240xf32, #tpu.memory_space<vmem_shared>> -> memref<10240xf32, #tpu.memory_space<vmem_shared>>
      tpu.wait_indirect_dma semaphore(%arg14 : memref<!tpu.dma_semaphore, #tpu.memory_space<semaphore_mem>>) src(%dma_wait3A_677 : memref<128xf32, #tpu.memory_space<vmem>>) dst(%dma_wait3A_682 : memref<10240xf32, #tpu.memory_space<vmem_shared>>)
      %dma_wait3A_683 = arith.constant 5 : i32
      %dma_wait3A_684 = arith.constant 5 : i32
      %dma_wait3A_685 = arith.constant 0 : i32
      %dma_wait3A_686 = tpu.memref_slice %arg12[%dma_wait3A_683, %dma_wait3A_685] : memref<8x128xf32, #tpu.memory_space<vmem>> -> memref<1x128xf32, #tpu.memory_space<vmem>>
      %dma_wait3A_687 = tpu.memref_squeeze %dma_wait3A_686 : memref<1x128xf32, #tpu.memory_space<vmem>> -> memref<128xf32, #tpu.memory_space<vmem>>
      %dma_wait3A_688 = arith.constant 0 : i32
      %dma_wait3A_689 = tpu.memref_slice %arg10[%dma_wait3A_684, %dma_wait3A_688] : memref<8x128xi32, #tpu.memory_space<vmem>> -> memref<1x128xi32, #tpu.memory_space<vmem>>
      %dma_wait3A_690 = tpu.memref_squeeze %dma_wait3A_689 : memref<1x128xi32, #tpu.memory_space<vmem>> -> memref<128xi32, #tpu.memory_space<vmem>>
      %dma_wait3A_691 = arith.constant 0 : i32
      %dma_wait3A_692 = tpu.memref_slice %arg8[%dma_wait3A_691] : memref<10240xf32, #tpu.memory_space<vmem_shared>> -> memref<10240xf32, #tpu.memory_space<vmem_shared>>
      tpu.wait_indirect_dma semaphore(%arg14 : memref<!tpu.dma_semaphore, #tpu.memory_space<semaphore_mem>>) src(%dma_wait3A_687 : memref<128xf32, #tpu.memory_space<vmem>>) dst(%dma_wait3A_692 : memref<10240xf32, #tpu.memory_space<vmem_shared>>)
      %dma_wait3A_693 = arith.constant 6 : i32
      %dma_wait3A_694 = arith.constant 6 : i32
      %dma_wait3A_695 = arith.constant 0 : i32
      %dma_wait3A_696 = tpu.memref_slice %arg11[%dma_wait3A_693, %dma_wait3A_695] : memref<8x128xf32, #tpu.memory_space<vmem>> -> memref<1x128xf32, #tpu.memory_space<vmem>>
      %dma_wait3A_697 = tpu.memref_squeeze %dma_wait3A_696 : memref<1x128xf32, #tpu.memory_space<vmem>> -> memref<128xf32, #tpu.memory_space<vmem>>
      %dma_wait3A_698 = arith.constant 0 : i32
      %dma_wait3A_699 = tpu.memref_slice %arg10[%dma_wait3A_694, %dma_wait3A_698] : memref<8x128xi32, #tpu.memory_space<vmem>> -> memref<1x128xi32, #tpu.memory_space<vmem>>
      %dma_wait3A_700 = tpu.memref_squeeze %dma_wait3A_699 : memref<1x128xi32, #tpu.memory_space<vmem>> -> memref<128xi32, #tpu.memory_space<vmem>>
      %dma_wait3A_701 = arith.constant 0 : i32
      %dma_wait3A_702 = tpu.memref_slice %arg7[%dma_wait3A_701] : memref<10240xf32, #tpu.memory_space<vmem_shared>> -> memref<10240xf32, #tpu.memory_space<vmem_shared>>
      tpu.wait_indirect_dma semaphore(%arg14 : memref<!tpu.dma_semaphore, #tpu.memory_space<semaphore_mem>>) src(%dma_wait3A_697 : memref<128xf32, #tpu.memory_space<vmem>>) dst(%dma_wait3A_702 : memref<10240xf32, #tpu.memory_space<vmem_shared>>)
      %dma_wait3A_703 = arith.constant 6 : i32
      %dma_wait3A_704 = arith.constant 6 : i32
      %dma_wait3A_705 = arith.constant 0 : i32
      %dma_wait3A_706 = tpu.memref_slice %arg12[%dma_wait3A_703, %dma_wait3A_705] : memref<8x128xf32, #tpu.memory_space<vmem>> -> memref<1x128xf32, #tpu.memory_space<vmem>>
      %dma_wait3A_707 = tpu.memref_squeeze %dma_wait3A_706 : memref<1x128xf32, #tpu.memory_space<vmem>> -> memref<128xf32, #tpu.memory_space<vmem>>
      %dma_wait3A_708 = arith.constant 0 : i32
      %dma_wait3A_709 = tpu.memref_slice %arg10[%dma_wait3A_704, %dma_wait3A_708] : memref<8x128xi32, #tpu.memory_space<vmem>> -> memref<1x128xi32, #tpu.memory_space<vmem>>
      %dma_wait3A_710 = tpu.memref_squeeze %dma_wait3A_709 : memref<1x128xi32, #tpu.memory_space<vmem>> -> memref<128xi32, #tpu.memory_space<vmem>>
      %dma_wait3A_711 = arith.constant 0 : i32
      %dma_wait3A_712 = tpu.memref_slice %arg8[%dma_wait3A_711] : memref<10240xf32, #tpu.memory_space<vmem_shared>> -> memref<10240xf32, #tpu.memory_space<vmem_shared>>
      tpu.wait_indirect_dma semaphore(%arg14 : memref<!tpu.dma_semaphore, #tpu.memory_space<semaphore_mem>>) src(%dma_wait3A_707 : memref<128xf32, #tpu.memory_space<vmem>>) dst(%dma_wait3A_712 : memref<10240xf32, #tpu.memory_space<vmem_shared>>)
      %dma_wait3A_713 = arith.constant 7 : i32
      %dma_wait3A_714 = arith.constant 7 : i32
      %dma_wait3A_715 = arith.constant 0 : i32
      %dma_wait3A_716 = tpu.memref_slice %arg11[%dma_wait3A_713, %dma_wait3A_715] : memref<8x128xf32, #tpu.memory_space<vmem>> -> memref<1x128xf32, #tpu.memory_space<vmem>>
      %dma_wait3A_717 = tpu.memref_squeeze %dma_wait3A_716 : memref<1x128xf32, #tpu.memory_space<vmem>> -> memref<128xf32, #tpu.memory_space<vmem>>
      %dma_wait3A_718 = arith.constant 0 : i32
      %dma_wait3A_719 = tpu.memref_slice %arg10[%dma_wait3A_714, %dma_wait3A_718] : memref<8x128xi32, #tpu.memory_space<vmem>> -> memref<1x128xi32, #tpu.memory_space<vmem>>
      %dma_wait3A_720 = tpu.memref_squeeze %dma_wait3A_719 : memref<1x128xi32, #tpu.memory_space<vmem>> -> memref<128xi32, #tpu.memory_space<vmem>>
      %dma_wait3A_721 = arith.constant 0 : i32
      %dma_wait3A_722 = tpu.memref_slice %arg7[%dma_wait3A_721] : memref<10240xf32, #tpu.memory_space<vmem_shared>> -> memref<10240xf32, #tpu.memory_space<vmem_shared>>
      tpu.wait_indirect_dma semaphore(%arg14 : memref<!tpu.dma_semaphore, #tpu.memory_space<semaphore_mem>>) src(%dma_wait3A_717 : memref<128xf32, #tpu.memory_space<vmem>>) dst(%dma_wait3A_722 : memref<10240xf32, #tpu.memory_space<vmem_shared>>)
      %dma_wait3A_723 = arith.constant 7 : i32
      %dma_wait3A_724 = arith.constant 7 : i32
      %dma_wait3A_725 = arith.constant 0 : i32
      %dma_wait3A_726 = tpu.memref_slice %arg12[%dma_wait3A_723, %dma_wait3A_725] : memref<8x128xf32, #tpu.memory_space<vmem>> -> memref<1x128xf32, #tpu.memory_space<vmem>>
      %dma_wait3A_727 = tpu.memref_squeeze %dma_wait3A_726 : memref<1x128xf32, #tpu.memory_space<vmem>> -> memref<128xf32, #tpu.memory_space<vmem>>
      %dma_wait3A_728 = arith.constant 0 : i32
      %dma_wait3A_729 = tpu.memref_slice %arg10[%dma_wait3A_724, %dma_wait3A_728] : memref<8x128xi32, #tpu.memory_space<vmem>> -> memref<1x128xi32, #tpu.memory_space<vmem>>
      %dma_wait3A_730 = tpu.memref_squeeze %dma_wait3A_729 : memref<1x128xi32, #tpu.memory_space<vmem>> -> memref<128xi32, #tpu.memory_space<vmem>>
      %dma_wait3A_731 = arith.constant 0 : i32
      %dma_wait3A_732 = tpu.memref_slice %arg8[%dma_wait3A_731] : memref<10240xf32, #tpu.memory_space<vmem_shared>> -> memref<10240xf32, #tpu.memory_space<vmem_shared>>
      tpu.wait_indirect_dma semaphore(%arg14 : memref<!tpu.dma_semaphore, #tpu.memory_space<semaphore_mem>>) src(%dma_wait3A_727 : memref<128xf32, #tpu.memory_space<vmem>>) dst(%dma_wait3A_732 : memref<10240xf32, #tpu.memory_space<vmem_shared>>)
    }
    %barrier3A_74 = arith.constant 0 : index
    tpu.barrier barrier_id(%barrier3A_74)
    %mul3A_75 = arith.constant 640 : i32
    %mul3A_76 = arith.muli %arg1, %mul3A_75 : i32
    %mul3A_77 = arith.constant 10240 : i32
    %mul3A_78 = arith.muli %arg0, %mul3A_77 : i32
    %mul3A_79 = arith.constant 640 : i32
    %mul3A_80 = arith.muli %arg1, %mul3A_79 : i32
    %add3A_81 = arith.addi %mul3A_78, %mul3A_80 : i32
    %run_scoped3A_82 = arith.constant 0 : i32
    "tpu.region"() ({
      %run_scoped3A_91 = tpu.sem_alloc : memref<!tpu.dma_semaphore, #tpu.memory_space<semaphore_mem>>
      %dma_start3A = tpu.memref_slice %arg6[%run_scoped3A_82, %add3A_81] : memref<2x20480xf32, #tpu.memory_space<hbm>> -> memref<1x640xf32, #tpu.memory_space<hbm>>
      %dma_start3A_92 = tpu.memref_squeeze %dma_start3A : memref<1x640xf32, #tpu.memory_space<hbm>> -> memref<640xf32, #tpu.memory_space<hbm>>
      %dma_start3A_93 = tpu.memref_slice %arg7[%mul3A_76] : memref<10240xf32, #tpu.memory_space<vmem_shared>> -> memref<640xf32, #tpu.memory_space<vmem_shared>>
      tpu.enqueue_dma source(%dma_start3A_93 : memref<640xf32, #tpu.memory_space<vmem_shared>>) target(%dma_start3A_92 : memref<640xf32, #tpu.memory_space<hbm>>) target_semaphore(%run_scoped3A_91 : memref<!tpu.dma_semaphore, #tpu.memory_space<semaphore_mem>>)
      %dma_wait3A = tpu.memref_slice %arg6[%run_scoped3A_82, %add3A_81] : memref<2x20480xf32, #tpu.memory_space<hbm>> -> memref<1x640xf32, #tpu.memory_space<hbm>>
      %dma_wait3A_94 = tpu.memref_squeeze %dma_wait3A : memref<1x640xf32, #tpu.memory_space<hbm>> -> memref<640xf32, #tpu.memory_space<hbm>>
      %dma_wait3A_95 = tpu.memref_slice %arg7[%mul3A_76] : memref<10240xf32, #tpu.memory_space<vmem_shared>> -> memref<640xf32, #tpu.memory_space<vmem_shared>>
      tpu.wait_dma2 semaphore(%run_scoped3A_91 : memref<!tpu.dma_semaphore, #tpu.memory_space<semaphore_mem>>) src(%dma_wait3A_95 : memref<640xf32, #tpu.memory_space<vmem_shared>>) dst(%dma_wait3A_94 : memref<640xf32, #tpu.memory_space<hbm>>)
      tpu.yield
    }) : () -> ()
    %mul3A_83 = arith.constant 640 : i32
    %mul3A_84 = arith.muli %arg1, %mul3A_83 : i32
    %mul3A_85 = arith.constant 10240 : i32
    %mul3A_86 = arith.muli %arg0, %mul3A_85 : i32
    %mul3A_87 = arith.constant 640 : i32
    %mul3A_88 = arith.muli %arg1, %mul3A_87 : i32
    %add3A_89 = arith.addi %mul3A_86, %mul3A_88 : i32
    %run_scoped3A_90 = arith.constant 1 : i32
    "tpu.region"() ({
      %run_scoped3A_91 = tpu.sem_alloc : memref<!tpu.dma_semaphore, #tpu.memory_space<semaphore_mem>>
      %dma_start3A = tpu.memref_slice %arg6[%run_scoped3A_90, %add3A_89] : memref<2x20480xf32, #tpu.memory_space<hbm>> -> memref<1x640xf32, #tpu.memory_space<hbm>>
      %dma_start3A_92 = tpu.memref_squeeze %dma_start3A : memref<1x640xf32, #tpu.memory_space<hbm>> -> memref<640xf32, #tpu.memory_space<hbm>>
      %dma_start3A_93 = tpu.memref_slice %arg8[%mul3A_84] : memref<10240xf32, #tpu.memory_space<vmem_shared>> -> memref<640xf32, #tpu.memory_space<vmem_shared>>
      tpu.enqueue_dma source(%dma_start3A_93 : memref<640xf32, #tpu.memory_space<vmem_shared>>) target(%dma_start3A_92 : memref<640xf32, #tpu.memory_space<hbm>>) target_semaphore(%run_scoped3A_91 : memref<!tpu.dma_semaphore, #tpu.memory_space<semaphore_mem>>)
      %dma_wait3A = tpu.memref_slice %arg6[%run_scoped3A_90, %add3A_89] : memref<2x20480xf32, #tpu.memory_space<hbm>> -> memref<1x640xf32, #tpu.memory_space<hbm>>
      %dma_wait3A_94 = tpu.memref_squeeze %dma_wait3A : memref<1x640xf32, #tpu.memory_space<hbm>> -> memref<640xf32, #tpu.memory_space<hbm>>
      %dma_wait3A_95 = tpu.memref_slice %arg8[%mul3A_84] : memref<10240xf32, #tpu.memory_space<vmem_shared>> -> memref<640xf32, #tpu.memory_space<vmem_shared>>
      tpu.wait_dma2 semaphore(%run_scoped3A_91 : memref<!tpu.dma_semaphore, #tpu.memory_space<semaphore_mem>>) src(%dma_wait3A_95 : memref<640xf32, #tpu.memory_space<vmem_shared>>) dst(%dma_wait3A_94 : memref<640xf32, #tpu.memory_space<hbm>>)
      tpu.yield
    }) : () -> ()
    return
  }
}

module attributes {stable_mosaic.version = 14 : i64} {
  func.func @_tc_lin1(%arg0: i32, %arg1: memref<400x168xf32, #tpu.memory_space<vmem>>, %arg2: memref<168x128xf32, #tpu.memory_space<vmem>>, %arg3: memref<168x128xf32, #tpu.memory_space<vmem>>, %arg4: memref<1x128xf32, #tpu.memory_space<vmem>>, %arg5: memref<400x128xf32, #tpu.memory_space<vmem>>, %arg6: memref<400x128xf32, #tpu.memory_space<vmem>>) attributes {dimension_semantics = [#tpu.dimension_semantics<arbitrary>], iteration_bounds = array<i64: 25>, scalar_prefetch = 0 : i64, scratch_operands = 0 : i64, tpu.core_type = #tpu.core_type<tc>, window_params = [{transform_indices = @transform_0, window_bounds = array<i64: 400, 168>}, {pipeline_mode = #tpu.pipeline_mode<synchronous>, transform_indices = @transform_1, window_bounds = array<i64: 168, 128>}, {pipeline_mode = #tpu.pipeline_mode<synchronous>, transform_indices = @transform_2, window_bounds = array<i64: 168, 128>}, {pipeline_mode = #tpu.pipeline_mode<synchronous>, transform_indices = @transform_3, window_bounds = array<i64: 1, 128>}, {transform_indices = @transform_4, window_bounds = array<i64: 400, 128>}, {transform_indices = @transform_5, window_bounds = array<i64: 400, 128>}]} {
    %get3A = arith.constant 0 : index
    %get3A_0 = arith.constant 0 : index
    %get3A_1 = vector.load %arg1[%get3A, %get3A_0] : memref<400x168xf32, #tpu.memory_space<vmem>>, vector<400x168xf32>
    %get3A_2 = arith.constant 0 : index
    %get3A_3 = arith.constant 0 : index
    %get3A_4 = vector.load %arg2[%get3A_2, %get3A_3] : memref<168x128xf32, #tpu.memory_space<vmem>>, vector<168x128xf32>
    %dot_general3A = arith.constant dense<0.000000e+00> : vector<400x128xf32>
    %dot_general3A_5 = tpu.matmul %get3A_1, %get3A_4, %dot_general3A {dimension_numbers = #tpu.dot_dimension_numbers<[1], [0], [0], [1], [0, 0, 1, 1], [], []>, transpose_lhs_hint = false} : vector<400x168xf32>, vector<168x128xf32>, vector<400x128xf32> -> vector<400x128xf32>
    %swap3A = arith.constant 0 : index
    %swap3A_6 = arith.constant 0 : index
    %swap3A_7 = vector.load %arg5[%swap3A, %swap3A_6] : memref<400x128xf32, #tpu.memory_space<vmem>>, vector<400x128xf32>
    tpu.vector_store %arg5[%swap3A, %swap3A_6], %dot_general3A_5 {strides = array<i32>} : memref<400x128xf32, #tpu.memory_space<vmem>>, vector<400x128xf32>,
    %get3A_8 = arith.constant 0 : index
    %get3A_9 = arith.constant 0 : index
    %get3A_10 = vector.load %arg3[%get3A_8, %get3A_9] : memref<168x128xf32, #tpu.memory_space<vmem>>, vector<168x128xf32>
    %dot_general3A_11 = arith.constant dense<0.000000e+00> : vector<400x128xf32>
    %dot_general3A_12 = tpu.matmul %get3A_1, %get3A_10, %dot_general3A_11 {dimension_numbers = #tpu.dot_dimension_numbers<[1], [0], [0], [1], [0, 0, 1, 1], [], []>, transpose_lhs_hint = false} : vector<400x168xf32>, vector<168x128xf32>, vector<400x128xf32> -> vector<400x128xf32>
    %get3A_13 = arith.constant 0 : index
    %get3A_14 = arith.constant 0 : index
    %get3A_15 = vector.load %arg4[%get3A_13, %get3A_14] : memref<1x128xf32, #tpu.memory_space<vmem>>, vector<1x128xf32>
    %add3A = vector.broadcast %get3A_15 : vector<1x128xf32> to vector<400x128xf32>
    %add3A_16 = arith.addf %dot_general3A_12, %add3A : vector<400x128xf32>
    %swap3A_17 = arith.constant 0 : index
    %swap3A_18 = arith.constant 0 : index
    %swap3A_19 = vector.load %arg6[%swap3A_17, %swap3A_18] : memref<400x128xf32, #tpu.memory_space<vmem>>, vector<400x128xf32>
    tpu.vector_store %arg6[%swap3A_17, %swap3A_18], %add3A_16 {strides = array<i32>} : memref<400x128xf32, #tpu.memory_space<vmem>>, vector<400x128xf32>,
    return
  }
  func.func @transform_0(%arg0: i32) -> (i32, i32) {
    %c0_i32 = arith.constant 0 : i32
    %c0_i32_0 = arith.constant 0 : i32
    return %arg0, %c0_i32 : i32, i32
  }
  func.func @transform_1(%arg0: i32) -> (i32, i32) {
    %c0_i32 = arith.constant 0 : i32
    %c0_i32_0 = arith.constant 0 : i32
    %c0_i32_1 = arith.constant 0 : i32
    return %c0_i32, %c0_i32_0 : i32, i32
  }
  func.func @transform_2(%arg0: i32) -> (i32, i32) {
    %c0_i32 = arith.constant 0 : i32
    %c0_i32_0 = arith.constant 0 : i32
    %c0_i32_1 = arith.constant 0 : i32
    return %c0_i32, %c0_i32_0 : i32, i32
  }
  func.func @transform_3(%arg0: i32) -> (i32, i32) {
    %c0_i32 = arith.constant 0 : i32
    %c0_i32_0 = arith.constant 0 : i32
    %c0_i32_1 = arith.constant 0 : i32
    return %c0_i32, %c0_i32_0 : i32, i32
  }
  func.func @transform_4(%arg0: i32) -> (i32, i32) {
    %c0_i32 = arith.constant 0 : i32
    %c0_i32_0 = arith.constant 0 : i32
    return %arg0, %c0_i32 : i32, i32
  }
  func.func @transform_5(%arg0: i32) -> (i32, i32) {
    %c0_i32 = arith.constant 0 : i32
    %c0_i32_0 = arith.constant 0 : i32
    return %arg0, %c0_i32 : i32, i32
  }
}

module attributes {stable_mosaic.version = 14 : i64} {
  func.func @_tc_mid(%arg0: i32, %arg1: memref<400x128xf32, #tpu.memory_space<vmem>>, %arg2: memref<400x128xf32, #tpu.memory_space<vmem>>, %arg3: memref<400x1xf32, #tpu.memory_space<vmem>>, %arg4: memref<400x1xf32, #tpu.memory_space<vmem>>, %arg5: memref<400x128xf32, #tpu.memory_space<vmem>>, %arg6: memref<128x8xf32, #tpu.memory_space<vmem>>, %arg7: memref<128x8xf32, #tpu.memory_space<vmem>>, %arg8: memref<1x8xf32, #tpu.memory_space<vmem>>, %arg9: memref<400x8xf32, #tpu.memory_space<vmem>>, %arg10: memref<400x8xf32, #tpu.memory_space<vmem>>) attributes {dimension_semantics = [#tpu.dimension_semantics<arbitrary>], iteration_bounds = array<i64: 25>, scalar_prefetch = 0 : i64, scratch_operands = 0 : i64, tpu.core_type = #tpu.core_type<tc>, window_params = [{transform_indices = @transform_0, window_bounds = array<i64: 400, 128>}, {transform_indices = @transform_1, window_bounds = array<i64: 400, 128>}, {transform_indices = @transform_2, window_bounds = array<i64: 400, 1>}, {transform_indices = @transform_3, window_bounds = array<i64: 400, 1>}, {transform_indices = @transform_4, window_bounds = array<i64: 400, 128>}, {pipeline_mode = #tpu.pipeline_mode<synchronous>, transform_indices = @transform_5, window_bounds = array<i64: 128, 8>}, {pipeline_mode = #tpu.pipeline_mode<synchronous>, transform_indices = @transform_6, window_bounds = array<i64: 128, 8>}, {pipeline_mode = #tpu.pipeline_mode<synchronous>, transform_indices = @transform_7, window_bounds = array<i64: 1, 8>}, {transform_indices = @transform_8, window_bounds = array<i64: 400, 8>}, {transform_indices = @transform_9, window_bounds = array<i64: 400, 8>}]} {
    %get3A = arith.constant 0 : index
    %get3A_0 = arith.constant 0 : index
    %get3A_1 = vector.load %arg3[%get3A, %get3A_0] : memref<400x1xf32, #tpu.memory_space<vmem>>, vector<400x1xf32>
    %get3A_2 = arith.constant 0 : index
    %get3A_3 = arith.constant 0 : index
    %get3A_4 = vector.load %arg4[%get3A_2, %get3A_3] : memref<400x1xf32, #tpu.memory_space<vmem>>, vector<400x1xf32>
    %add3A = arith.addf %get3A_1, %get3A_4 : vector<400x1xf32>
    %max3A = arith.constant 1.000000e+00 : f32
    %max3A_5 = vector.broadcast %max3A : f32 to vector<400x1xf32>
    %max3A_6 = arith.maximumf %add3A, %max3A_5 : vector<400x1xf32>
    %get3A_7 = arith.constant 0 : index
    %get3A_8 = arith.constant 0 : index
    %get3A_9 = vector.load %arg1[%get3A_7, %get3A_8] : memref<400x128xf32, #tpu.memory_space<vmem>>, vector<400x128xf32>
    %get3A_10 = arith.constant 0 : index
    %get3A_11 = arith.constant 0 : index
    %get3A_12 = vector.load %arg2[%get3A_10, %get3A_11] : memref<400x128xf32, #tpu.memory_space<vmem>>, vector<400x128xf32>
    %add3A_13 = arith.addf %get3A_9, %get3A_12 : vector<400x128xf32>
    %div3A = vector.broadcast %max3A_6 : vector<400x1xf32> to vector<400x128xf32>
    %div3A_14 = arith.divf %add3A_13, %div3A : vector<400x128xf32>
    %get3A_15 = arith.constant 0 : index
    %get3A_16 = arith.constant 0 : index
    %get3A_17 = vector.load %arg5[%get3A_15, %get3A_16] : memref<400x128xf32, #tpu.memory_space<vmem>>, vector<400x128xf32>
    %add3A_18 = arith.addf %div3A_14, %get3A_17 : vector<400x128xf32>
    %max3A_19 = arith.constant 0.000000e+00 : f32
    %max3A_20 = vector.broadcast %max3A_19 : f32 to vector<400x128xf32>
    %max3A_21 = arith.maximumf %add3A_18, %max3A_20 : vector<400x128xf32>
    %get3A_22 = arith.constant 0 : index
    %get3A_23 = arith.constant 0 : index
    %get3A_24 = vector.load %arg6[%get3A_22, %get3A_23] : memref<128x8xf32, #tpu.memory_space<vmem>>, vector<128x8xf32>
    %dot_general3A = arith.constant dense<0.000000e+00> : vector<400x8xf32>
    %dot_general3A_25 = tpu.matmul %max3A_21, %get3A_24, %dot_general3A {dimension_numbers = #tpu.dot_dimension_numbers<[1], [0], [0], [1], [0, 0, 1, 1], [], []>, transpose_lhs_hint = false} : vector<400x128xf32>, vector<128x8xf32>, vector<400x8xf32> -> vector<400x8xf32>
    %swap3A = arith.constant 0 : index
    %swap3A_26 = arith.constant 0 : index
    %swap3A_27 = vector.load %arg9[%swap3A, %swap3A_26] : memref<400x8xf32, #tpu.memory_space<vmem>>, vector<400x8xf32>
    tpu.vector_store %arg9[%swap3A, %swap3A_26], %dot_general3A_25 {strides = array<i32>} : memref<400x8xf32, #tpu.memory_space<vmem>>, vector<400x8xf32>,
    %get3A_28 = arith.constant 0 : index
    %get3A_29 = arith.constant 0 : index
    %get3A_30 = vector.load %arg7[%get3A_28, %get3A_29] : memref<128x8xf32, #tpu.memory_space<vmem>>, vector<128x8xf32>
    %dot_general3A_31 = arith.constant dense<0.000000e+00> : vector<400x8xf32>
    %dot_general3A_32 = tpu.matmul %max3A_21, %get3A_30, %dot_general3A_31 {dimension_numbers = #tpu.dot_dimension_numbers<[1], [0], [0], [1], [0, 0, 1, 1], [], []>, transpose_lhs_hint = false} : vector<400x128xf32>, vector<128x8xf32>, vector<400x8xf32> -> vector<400x8xf32>
    %get3A_33 = arith.constant 0 : index
    %get3A_34 = arith.constant 0 : index
    %get3A_35 = vector.load %arg8[%get3A_33, %get3A_34] : memref<1x8xf32, #tpu.memory_space<vmem>>, vector<1x8xf32>
    %add3A_36 = vector.broadcast %get3A_35 : vector<1x8xf32> to vector<400x8xf32>
    %add3A_37 = arith.addf %dot_general3A_32, %add3A_36 : vector<400x8xf32>
    %swap3A_38 = arith.constant 0 : index
    %swap3A_39 = arith.constant 0 : index
    %swap3A_40 = vector.load %arg10[%swap3A_38, %swap3A_39] : memref<400x8xf32, #tpu.memory_space<vmem>>, vector<400x8xf32>
    tpu.vector_store %arg10[%swap3A_38, %swap3A_39], %add3A_37 {strides = array<i32>} : memref<400x8xf32, #tpu.memory_space<vmem>>, vector<400x8xf32>,
    return
  }
  func.func @transform_0(%arg0: i32) -> (i32, i32) {
    %c0_i32 = arith.constant 0 : i32
    %c0_i32_0 = arith.constant 0 : i32
    return %arg0, %c0_i32 : i32, i32
  }
  func.func @transform_1(%arg0: i32) -> (i32, i32) {
    %c0_i32 = arith.constant 0 : i32
    %c0_i32_0 = arith.constant 0 : i32
    return %arg0, %c0_i32 : i32, i32
  }
  func.func @transform_2(%arg0: i32) -> (i32, i32) {
    %c0_i32 = arith.constant 0 : i32
    %c0_i32_0 = arith.constant 0 : i32
    return %arg0, %c0_i32 : i32, i32
  }
  func.func @transform_3(%arg0: i32) -> (i32, i32) {
    %c0_i32 = arith.constant 0 : i32
    %c0_i32_0 = arith.constant 0 : i32
    return %arg0, %c0_i32 : i32, i32
  }
  func.func @transform_4(%arg0: i32) -> (i32, i32) {
    %c0_i32 = arith.constant 0 : i32
    %c0_i32_0 = arith.constant 0 : i32
    return %arg0, %c0_i32 : i32, i32
  }
  func.func @transform_5(%arg0: i32) -> (i32, i32) {
    %c0_i32 = arith.constant 0 : i32
    %c0_i32_0 = arith.constant 0 : i32
    %c0_i32_1 = arith.constant 0 : i32
    return %c0_i32, %c0_i32_0 : i32, i32
  }
  func.func @transform_6(%arg0: i32) -> (i32, i32) {
    %c0_i32 = arith.constant 0 : i32
    %c0_i32_0 = arith.constant 0 : i32
    %c0_i32_1 = arith.constant 0 : i32
    return %c0_i32, %c0_i32_0 : i32, i32
  }
  func.func @transform_7(%arg0: i32) -> (i32, i32) {
    %c0_i32 = arith.constant 0 : i32
    %c0_i32_0 = arith.constant 0 : i32
    %c0_i32_1 = arith.constant 0 : i32
    return %c0_i32, %c0_i32_0 : i32, i32
  }
  func.func @transform_8(%arg0: i32) -> (i32, i32) {
    %c0_i32 = arith.constant 0 : i32
    %c0_i32_0 = arith.constant 0 : i32
    return %arg0, %c0_i32 : i32, i32
  }
  func.func @transform_9(%arg0: i32) -> (i32, i32) {
    %c0_i32 = arith.constant 0 : i32
    %c0_i32_0 = arith.constant 0 : i32
    return %arg0, %c0_i32 : i32, i32
  }
}

module attributes {stable_mosaic.version = 14 : i64} {
  func.func @_tc_out(%arg0: i32, %arg1: memref<400x1xf32, #tpu.memory_space<vmem>>, %arg2: memref<400x1xf32, #tpu.memory_space<vmem>>, %arg3: memref<400x1xf32, #tpu.memory_space<vmem>>, %arg4: memref<400x1xf32, #tpu.memory_space<vmem>>, %arg5: memref<400x1xf32, #tpu.memory_space<vmem>>, %arg6: memref<400x1xf32, #tpu.memory_space<vmem>>, %arg7: memref<400x8xf32, #tpu.memory_space<vmem>>, %arg8: memref<400x2xf32, #tpu.memory_space<vmem>>) attributes {dimension_semantics = [#tpu.dimension_semantics<arbitrary>], iteration_bounds = array<i64: 25>, scalar_prefetch = 0 : i64, scratch_operands = 0 : i64, tpu.core_type = #tpu.core_type<tc>, window_params = [{transform_indices = @transform_0, window_bounds = array<i64: 400, 1>}, {transform_indices = @transform_1, window_bounds = array<i64: 400, 1>}, {transform_indices = @transform_2, window_bounds = array<i64: 400, 1>}, {transform_indices = @transform_3, window_bounds = array<i64: 400, 1>}, {transform_indices = @transform_4, window_bounds = array<i64: 400, 1>}, {transform_indices = @transform_5, window_bounds = array<i64: 400, 1>}, {transform_indices = @transform_6, window_bounds = array<i64: 400, 8>}, {transform_indices = @transform_7, window_bounds = array<i64: 400, 2>}]} {
    %get3A = arith.constant 0 : index
    %get3A_0 = arith.constant 0 : index
    %get3A_1 = vector.load %arg5[%get3A, %get3A_0] : memref<400x1xf32, #tpu.memory_space<vmem>>, vector<400x1xf32>
    %get3A_2 = arith.constant 0 : index
    %get3A_3 = arith.constant 0 : index
    %get3A_4 = vector.load %arg6[%get3A_2, %get3A_3] : memref<400x1xf32, #tpu.memory_space<vmem>>, vector<400x1xf32>
    %add3A = arith.addf %get3A_1, %get3A_4 : vector<400x1xf32>
    %max3A = arith.constant 1.000000e+00 : f32
    %max3A_5 = vector.broadcast %max3A : f32 to vector<400x1xf32>
    %max3A_6 = arith.maximumf %add3A, %max3A_5 : vector<400x1xf32>
    %get3A_7 = arith.constant 0 : index
    %get3A_8 = arith.constant 0 : index
    %get3A_9 = vector.load %arg1[%get3A_7, %get3A_8] : memref<400x1xf32, #tpu.memory_space<vmem>>, vector<400x1xf32>
    %get3A_10 = arith.constant 0 : index
    %get3A_11 = arith.constant 0 : index
    %get3A_12 = vector.load %arg2[%get3A_10, %get3A_11] : memref<400x1xf32, #tpu.memory_space<vmem>>, vector<400x1xf32>
    %add3A_13 = arith.addf %get3A_9, %get3A_12 : vector<400x1xf32>
    %div3A = arith.divf %add3A_13, %max3A_6 : vector<400x1xf32>
    %get3A_14 = arith.constant 0 : index
    %get3A_15 = arith.constant 0 : index
    %get3A_16 = vector.load %arg7[%get3A_14, %get3A_15] : memref<400x8xf32, #tpu.memory_space<vmem>>, vector<400x8xf32>
    %slice3A = vector.extract_strided_slice %get3A_16 {offsets = [0, 0], sizes = [400, 1], strides = [1, 1]} : vector<400x8xf32> to vector<400x1xf32>
    %add3A_17 = arith.addf %div3A, %slice3A : vector<400x1xf32>
    %get3A_18 = arith.constant 0 : index
    %get3A_19 = arith.constant 0 : index
    %get3A_20 = vector.load %arg3[%get3A_18, %get3A_19] : memref<400x1xf32, #tpu.memory_space<vmem>>, vector<400x1xf32>
    %get3A_21 = arith.constant 0 : index
    %get3A_22 = arith.constant 0 : index
    %get3A_23 = vector.load %arg4[%get3A_21, %get3A_22] : memref<400x1xf32, #tpu.memory_space<vmem>>, vector<400x1xf32>
    %add3A_24 = arith.addf %get3A_20, %get3A_23 : vector<400x1xf32>
    %div3A_25 = arith.divf %add3A_24, %max3A_6 : vector<400x1xf32>
    %get3A_26 = arith.constant 0 : index
    %get3A_27 = arith.constant 0 : index
    %get3A_28 = vector.load %arg7[%get3A_26, %get3A_27] : memref<400x8xf32, #tpu.memory_space<vmem>>, vector<400x8xf32>
    %slice3A_29 = vector.extract_strided_slice %get3A_28 {offsets = [0, 1], sizes = [400, 1], strides = [1, 1]} : vector<400x8xf32> to vector<400x1xf32>
    %add3A_30 = arith.addf %div3A_25, %slice3A_29 : vector<400x1xf32>
    %max3A_31 = arith.maximumf %add3A_17, %add3A_30 : vector<400x1xf32>
    %sub3A = arith.subf %add3A_17, %max3A_31 : vector<400x1xf32>
    %exp3A = math.exp %sub3A : vector<400x1xf32>
    %sub3A_32 = arith.subf %add3A_30, %max3A_31 : vector<400x1xf32>
    %exp3A_33 = math.exp %sub3A_32 : vector<400x1xf32>
    %add3A_34 = arith.addf %exp3A, %exp3A_33 : vector<400x1xf32>
    %log3A = math.log %add3A_34 : vector<400x1xf32>
    %add3A_35 = arith.addf %max3A_31, %log3A : vector<400x1xf32>
    %sub3A_36 = arith.subf %add3A_17, %add3A_35 : vector<400x1xf32>
    %sub3A_37 = arith.subf %add3A_30, %add3A_35 : vector<400x1xf32>
    %concatenate3A = tpu.concatenate %sub3A_36, %sub3A_37 in 1 : vector<400x1xf32>, vector<400x1xf32> -> vector<400x2xf32>
    %swap3A = arith.constant 0 : index
    %swap3A_38 = arith.constant 0 : index
    %swap3A_39 = vector.load %arg8[%swap3A, %swap3A_38] : memref<400x2xf32, #tpu.memory_space<vmem>>, vector<400x2xf32>
    tpu.vector_store %arg8[%swap3A, %swap3A_38], %concatenate3A {strides = array<i32>} : memref<400x2xf32, #tpu.memory_space<vmem>>, vector<400x2xf32>,
    return
  }
  func.func @transform_0(%arg0: i32) -> (i32, i32) {
    %c0_i32 = arith.constant 0 : i32
    %c0_i32_0 = arith.constant 0 : i32
    return %arg0, %c0_i32 : i32, i32
  }
  func.func @transform_1(%arg0: i32) -> (i32, i32) {
    %c0_i32 = arith.constant 0 : i32
    %c0_i32_0 = arith.constant 0 : i32
    return %arg0, %c0_i32 : i32, i32
  }
  func.func @transform_2(%arg0: i32) -> (i32, i32) {
    %c0_i32 = arith.constant 0 : i32
    %c0_i32_0 = arith.constant 0 : i32
    return %arg0, %c0_i32 : i32, i32
  }
  func.func @transform_3(%arg0: i32) -> (i32, i32) {
    %c0_i32 = arith.constant 0 : i32
    %c0_i32_0 = arith.constant 0 : i32
    return %arg0, %c0_i32 : i32, i32
  }
  func.func @transform_4(%arg0: i32) -> (i32, i32) {
    %c0_i32 = arith.constant 0 : i32
    %c0_i32_0 = arith.constant 0 : i32
    return %arg0, %c0_i32 : i32, i32
  }
  func.func @transform_5(%arg0: i32) -> (i32, i32) {
    %c0_i32 = arith.constant 0 : i32
    %c0_i32_0 = arith.constant 0 : i32
    return %arg0, %c0_i32 : i32, i32
  }
  func.func @transform_6(%arg0: i32) -> (i32, i32) {
    %c0_i32 = arith.constant 0 : i32
    %c0_i32_0 = arith.constant 0 : i32
    return %arg0, %c0_i32 : i32, i32
  }
  func.func @transform_7(%arg0: i32) -> (i32, i32) {
    %c0_i32 = arith.constant 0 : i32
    %c0_i32_0 = arith.constant 0 : i32
    return %arg0, %c0_i32 : i32, i32
  }
}

</mosaic_0001>

<sc_bundles>
// kernel: kernel.10.cloned.1.call-start
scs
__scs_entry_jumppad:
0x0: {  	(pc) =	sbr.rel $0x88, $3  }
0x1: {  	(tag) =	ssettag $0x0;
	lr =	simm.s32 $0x1  }
0x2: {  	[smem:$0x3F99] =	sst lr;
	_ =	strace $0xD0000000  }
0x3: {  	_ = 	snop  }
0x4: {  	_ = 	snop  }
0x5: {  	_ = 	snop  }
0x6: {  	_ = 	snop  }
0x7: {  	_ = 	snop  }
__scs_overlays_trampoline_lowered:
0x8: {  	[smem:$0x3FA8] =	sst s0  }
0x9: {  	[smem:$0x3FA9] =	sst s1  }
0xa: {  	[smem:$0x3FAA] =	sst s2  }
0xb: {  	[smem:$0x3FAB] =	sst s3  }
0xc: {  	[smem:$0x3FAC] =	sst s4  }
0xd: {  	[smem:$0x3FAD] =	sst s5  }
0xe: {  	[smem:$0x3FAE] =	sst s6  }
0xf: {  	[smem:$0x3FAF] =	sst s7  }
0x10: {  	[smem:$0x3FB0] =	sst s8  }
0x11: {  	[smem:$0x3FB1] =	sst s9;
	s0 =	simm.s32 @!p0 $0x0  }
0x12: {  	s1 =	sld [smem:$0x3F97];
	s0 =	simm.s32 @p0 $0x1  }
0x13: {  	[smem:$0x3FB2] =	sst s0;
	s0 =	simm.s32 @!p1 $0x0  }
0x14: {  	s2 =	sld [smem:$0x3F96];
	s0 =	simm.s32 @p1 $0x1  }
0x15: {  	[smem:$0x3FB3] =	sst s0;
	s0 =	simm.s32 @!p2 $0x0  }
0x16: {  	s3 =	sld [smem:$0x3FDB];
	s0 =	simm.s32 @p2 $0x1  }
0x17: {  	s4 =	simm.s32 $0x1BF5;
	[smem:$0x3FB5] =	sst s0  }
0x18: {  	s0 =	sld [smem:$0x3F98];
	_ =	swait.ge [sflag:s4], $0x0  }
0x19: {  	s7 =	sld [smem:$0x3F99]  }
0x1a: {  	s8 =	sadd.s32 $0xFFFFE003, lr  }
0x1b: {  	s9 =	sadd.s32 $0xFFFFFEF7, lr;
	s5 =	simm.s32 $0xFFFFFFFF;
	p2 =	slt.u32 s8, $0xFFFFF086  }
0x1c: {  	p1 =	slt.u32 s9, $0xF7A;
	s5 =	simm.s32 @!p2 $0x0  }
0x1d: {  	s5 =	simm.s32 @p1 $0x1;
	p0 =	seq.s32 s7, s2  }
0x1e: {  	s7 =	smul.u32 @!p0 $0xF7A, s2;
	p2 =	seq.s32 @!p0 s5, $0x0  }
0x1f: {  	s9 =	smul.u32 $0xF7A, s1;
	s8 =	simm.s32 @!p0 $0x1BF5;
	p2 =	por !p2, p0  }
0x20: {  	[sflag:s8] =	ssyncset.s32 @!p0 $0xFFFFF086;
	s6 =	sadd.s32 @!p0 s3, s7;
	s7 =	simm.s32 @!p0 $0x108  }
0x21: {  	s3 =	sadd.s32 s3, s9;
	s6 =	sadd.s32 @!p0 $0x88, s6;
	s7 =	simm.s32 @p2 $0x1082  }
0x22: {  	[simem:s7], [sflag:s8] =	dma.local @!p0 [hbm:s6], $0xF7A  }
0x23: {  	s9 =	sor.u32 $0xD0000000, s2;
	s6 =	simm.s32 $0x108;
	_ =	swait.ge @!p0 [sflag:s8], $0x0  }
0x24: {  	s3 =	sadd.s32 $0x88, s3;
	s6 =	simm.s32 @!p1 $0x1082;
	[sflag:s4] =	ssyncset.s32 $0xFFFFF086  }
0x25: {  	[simem:s6], [sflag:s4] =	dma.local [hbm:s3], $0xF7A  }
0x26: {  	[smem:$0x3F99] =	sst s1;
	(tag) =	ssettag s2;
	_ =	strace s9  }
0x27: {  	s1 =	sld [smem:$0x3FA9]  }
0x28: {  	s2 =	sld [smem:$0x3FAA]  }
0x29: {  	s4 =	sld [smem:$0x3FAC]  }
0x2a: {  	p0 =	seq.s32 s5, $0x0;
	s5 =	sld [smem:$0x3FAD]  }
0x2b: {  	s6 =	sld [smem:$0x3FAE]  }
0x2c: {  	s7 =	sld [smem:$0x3FAF]  }
0x2d: {  	s3 =	simm.s32 $0x108;
	s8 =	sld [smem:$0x3FB0]  }
0x2e: {  	s3 =	simm.s32 @!p0 $0x1082;
	s9 =	sld [smem:$0x3FB1]  }
0x2f: {  	lr =	sadd.s32 s0, s3;
	s0 =	sld [smem:$0x3FA8]  }
0x30: {  	s3 =	sld [smem:$0x3FAB]  }
0x31: {  	[smem:$0x3FB4] =	sst s10  }
0x32: {  	s10 =	sld [smem:$0x3FB2];
	_ =	sdelay $0x3  }
0x33: {  	p0 =	seq.s32 s10, $0x1;
	s10 =	sld [smem:$0x3FB4];
	_ =	sdelay $0x3  }
0x34: {  	[smem:$0x3FB4] =	sst s10  }
0x35: {  	s10 =	sld [smem:$0x3FB3];
	_ =	sdelay $0x3  }
0x36: {  	p1 =	seq.s32 s10, $0x1;
	s10 =	sld [smem:$0x3FB4];
	_ =	sdelay $0x3  }
0x37: {  	[smem:$0x3FB4] =	sst s10  }
0x38: {  	s10 =	sld [smem:$0x3FB5]  }
0x39: {  	_ = 	snop;
	(pc) =	sbr.ind lr, $3  }
0x3a: {  	_ = 	snop  }
0x3b: {  	_ = 	snop  }
0x3c: {  	p2 =	seq.s32 s10, $0x1;
	s10 =	sld [smem:$0x3FB4]  }
0x3d: {  	_ =	shalt  }
0x3e: {  	_ =	shalt  }
0x3f: {  	_ =	shalt  }
0x40: {  	_ =	shalt  }
0x41: {  	_ =	shalt  }
0x42: {  	_ =	shalt  }
0x43: {  	_ =	shalt  }
0x44: {  	_ =	shalt  }
0x45: {  	_ =	shalt  }
0x46: {  	_ =	shalt  }
0x47: {  	_ =	shalt  }
0x48: {  	_ =	shalt  }
0x49: {  	_ =	shalt  }
0x4a: {  	_ =	shalt  }
0x4b: {  	_ =	shalt  }
0x4c: {  	_ =	shalt  }
0x4d: {  	_ =	shalt  }
0x4e: {  	_ =	shalt  }
0x4f: {  	_ =	shalt  }
0x50: {  	_ =	shalt  }
0x51: {  	_ =	shalt  }
0x52: {  	_ =	shalt  }
0x53: {  	_ =	shalt  }
0x54: {  	_ =	shalt  }
0x55: {  	_ =	shalt  }
0x56: {  	_ =	shalt  }
0x57: {  	_ =	shalt  }
0x58: {  	_ =	shalt  }
0x59: {  	_ =	shalt  }
0x5a: {  	_ =	shalt  }
0x5b: {  	_ =	shalt  }
0x5c: {  	_ =	shalt  }
0x5d: {  	_ =	shalt  }
0x5e: {  	_ =	shalt  }
0x5f: {  	_ =	shalt  }
0x60: {  	_ =	shalt  }
0x61: {  	_ =	shalt  }
0x62: {  	_ =	shalt  }
0x63: {  	_ =	shalt  }
0x64: {  	_ =	shalt  }
0x65: {  	_ =	shalt  }
0x66: {  	_ =	shalt  }
0x67: {  	_ =	shalt  }
0x68: {  	_ =	shalt  }
0x69: {  	_ =	shalt  }
0x6a: {  	_ =	shalt  }
0x6b: {  	_ =	shalt  }
0x6c: {  	_ =	shalt  }
0x6d: {  	_ =	shalt  }
0x6e: {  	_ =	shalt  }
0x6f: {  	_ =	shalt  }
0x70: {  	_ =	shalt  }
0x71: {  	_ =	shalt  }
0x72: {  	_ =	shalt  }
0x73: {  	_ =	shalt  }
0x74: {  	_ =	shalt  }
0x75: {  	_ =	shalt  }
0x76: {  	_ =	shalt  }
0x77: {  	_ =	shalt  }
0x78: {  	_ =	shalt  }
0x79: {  	_ =	shalt  }
0x7a: {  	_ =	shalt  }
0x7b: {  	_ =	shalt  }
0x7c: {  	_ =	shalt  }
0x7d: {  	_ =	shalt  }
0x7e: {  	_ =	shalt  }
0x7f: {  	_ =	shalt  }
0x80: {  	_ =	shalt  }
0x81: {  	_ =	shalt  }
0x82: {  	_ =	shalt  }
0x83: {  	_ =	shalt  }
0x84: {  	_ =	shalt  }
0x85: {  	_ =	shalt  }
0x86: {  	_ =	shalt  }
0x87: {  	_ =	shalt  }
.Lfunc_end0:
.L_simem_size_0:
called_computation.1_lowered:
.L_overlay_start_0:
0x88: {  	s2 =	sld [smem:$0x3FD9]  }
0x89: {  	s3 =	sld [smem:$0x3FFE];
	_ =	sdelay $0x1  }
0x8a: {  	s1 =	srdreg.scid  }
0x8b: {  	s0 =	sand.u32 $0x1, s1  }
0x8c: {  	s17 =	sshll.u32 s0, $0xA;
	s2 =	sadd.s32 s3, s2  }
0x8d: {  	s2 =	sadd.s32 s2, s17  }
0x8e: {  	[smem:$0x3FC0] =	sst s2  }
0x8f: {  	_ = 	snop  }
0x90: {  	s2 =	sld [smem:$0x3FD0];
	(tm) =	ssettm $0x1  }
0x91: {  	s18 =	sld [smem:$0x3FFB];
	_ =	sdelay $0x3  }
0x92: {  	_ =	strace s18  }
0x93: {  	s3 =	sld [smem:$0x3FFC];
	_ =	sdelay $0x3  }
0x94: {  	_ =	strace s3  }
0x95: {  	s3 =	sld [smem:$0x3FFD];
	_ =	sdelay $0x3  }
0x96: {  	_ =	strace s3  }
0x97: {  	_ =	strace $0x8FFFFFFF  }
0x98: {  	s19 =	sld [smem:$0x3FDB];
	_ =	sdelay $0x1  }
0x99: {  	s4 =	simm.s32 $_scs_section_size  }
0x9a: {  	s5 =	simm.s32 $_size__tile_overlayer_lowered;
	s6 =	simm.s32 $_tile_overlayer_lowered  }
0x9b: {  	s22 =	simm.s32 $0x1BFF;
	s21 =	sshll.u32 s6, $0x1;
	s3 =	sadd.s32 s4, s19  }
0x9c: {  	s7 =	simm.s32 $0x0;
	s20 =	sshll.u32 s5, $0x1;
	s5 =	sadd.s32 s21, s3  }
0x9d: {  	[timem:s7], [sflag:s22] =	dma.local [hbm:s5], s20  }
0x9e: {  	_ =	swait.ge [sflag:s22], s20  }
0x9f: {  	s4 =	ssub.s32 $0x0, s20;
	[sflag:s22] =	ssyncset.done $0x0  }
0xa0: {  	[sflag:s22] =	ssyncadd.s32 s4;
	_ =	sdelay $0x1  }
0xa1: {  	s23 =	simm.s32 $0x1B8B  }
0xa2: {  	_ =	swait.ge [sflag:s23], $0x1  }
0xa3: {  	[sflag:s23] =	ssyncset.done $0x0  }
0xa4: {  	s25 =	simm.s32 $0x1B8E;
	s24 =	sld [smem:$0x3FFE];
	[sflag:s23] =	ssyncadd.s32 $0xFFFFFFFF  }
0xa5: {  	s26 =	simm.s32 $execute0_lowered;
	[smem:$0x3FD2] =	sst s25  }
0xa6: {  	s5 =	sshll.u32 s26, $0x1;
	_ =	strace $0x80000049;
	[dreg:$0x1] =	wrdreg $0xFFFFFFFF  }
0xa7: {  	s28 =	simm.s32 $_size_execute0_lowered;
	s3 =	sadd.s32 s3, s5;
	[dreg:$0x0] =	wrdreg $0x0  }
0xa8: {  	s5 =	sshll.u32 s28, $0x1;
	[dreg:$0x2] =	wrdreg s3  }
0xa9: {  	[dreg:$0x3] =	wrdreg s5  }
0xaa: {  	[dreg:$0x4] =	wrdreg $0xC0  }
0xab: {  	_ =	task [dreg:s7], $0x5FFFF  }
0xac: {  	[dreg:$0x1] =	wrdreg $0xFFFFFFFF  }
0xad: {  	[dreg:$0x0] =	wrdreg $0x60  }
0xae: {  	[dreg:$0x2] =	wrdreg s24  }
0xaf: {  	[dreg:$0x3] =	wrdreg s2  }
0xb0: {  	[dreg:$0x4] =	wrdreg $0x0  }
0xb1: {  	[dreg:$0x5] =	wrdreg $0x2800  }
0xb2: {  	[dreg:$0x6] =	wrdreg $0x9  }
0xb3: {  	_ =	task.clear_ibuf [dreg:s7], $0x7FFFF;
	_ =	strace $0x90000049  }
0xb4: {  	s29 =	simm.s32 $0x9;
	_ =	strace $0x8000004B  }
0xb5: {  	_ =	swait.ge [sflag:s29], $0x1  }
0xb6: {  	[sflag:s29] =	ssyncadd.s32 $0xFFFFFFFF  }
0xb7: {  	_ =	strace $0x9000004B  }
0xb8: {  	_ =	sfence  }
0xb9: {  	s30 =	sld [smem:$0x0];
	_ =	sdelay $0x2  }
0xba: {  	s31 =	sshll.u32 s1, $0xD;
	s1 =	sshrl.u32 s1, $0x2  }
0xbb: {  	s3 =	sand.u32 $0x4000, s31;
	s1 =	sadd.s32 s1, s30  }
0xbc: {  	s0 =	sor.u32 s3, s0;
	s1 =	sshll.u32 s1, $0x11  }
0xbd: {  	s0 =	sor.u32 s1, s0  }
0xbe: {  	s0 =	sadd.s32 $0x8F2B, s0  }
0xbf: {  	[sflag:s0] =	ssyncadd.remote.s32 $0x1  }
0xc0: {  	_ =	sfence.sel $0xFFFF  }
0xc1: {  	[dreg:$0x0] =	wrdreg $0xFFFFFFFF;
	(pc) =	sbr.abs _section_cstart, $3  }
0xc2: {  	[dreg:$0x1] =	wrdreg $0xFFFFFFFF  }
0xc3: {  	_ =	task.clear_ibuf [dreg:s7], $0x2FFFF;
	_ =	strace $0x9FFFFFFF  }
0xc4: {  	(tm) =	ssettm $0x7FFFFFFF  }
0xc5: {  	_ =	shalt  }
tec
execute0_lowered:
.L_overlay_start_1:
0x0: {  	(tag) =	ssettag $0x1  }
0x1: {  	s0 =	rddreg [dreg:$0x0]  }
0x2: {  	s2 =	rddreg [dreg:$0x1]  }
0x3: {  	s3 =	rddreg [dreg:$0x2]  }
0x4: {  	s4 =	rddreg [dreg:$0x3]  }
0x5: {  	s7 =	stileid.u32;
	s13 =	simm.s32 $0x0;
	s5 =	srdreg.scid  }
0x6: {  	s14 =	simm.s32 $0xD00;
	s28 =	simm.s32 $0x80;
	s1 =	smul.u32 $0x78, s7  }
0x7: {  	s12 =	simm.s32 $0x2;
	s6 =	smul.u32 $0x28, s7;
	s5 =	sand.u32 $0x1, s5  }
0x8: {  	[smem:$0x7FF] =	sst s13;
	s7 =	smul.u32 $0x280, s7;
	p0 =	seq.s32 s5, $0x0  }
0x9: {  	s9 =	smul.u32 $0x2800, s5;
	_ =	strace $0x8000004A;
	s5 =	ssub.s32 $0x2, s5  }
0xa: {  	s8 =	sadd.s32 $0x780, s6;
	s6 =	sadd.s32 $0x8AC00, s0;
	s16 =	sshrl.u32 s5, $0x1  }
0xb: {  	s11 =	sadd.s32 s7, s3;
	s17 =	sadd.s32 $0x80, s7;
	s18 =	sadd.s32 $0x100, s7  }
0xc: {  	s21 =	sadd.s32 $0x180, s7;
	s10 =	sadd.s32 s17, s3;
	[dreg:$0x6] =	wrdreg s11  }
0xd: {  	s8 =	smov.u32 @p0 s1;
	s19 =	sadd.s32 s18, s3;
	[dreg:$0x8] =	wrdreg s10  }
0xe: {  	s15 =	sadd.s32 s7, s9;
	s20 =	sadd.s32 s18, s4;
	[dreg:$0xa] =	wrdreg s19  }
0xf: {  	s9 =	simm.s32 $0xF;
	s22 =	sadd.s32 s21, s3;
	[dreg:$0xb] =	wrdreg s20  }
0x10: {  	s5 =	ssub.s32 s5, s16;
	s16 =	sadd.s32 s7, s4;
	[dreg:$0xc] =	wrdreg s22  }
0x11: {  	s7 =	sadd.s32 $0x200, s7;
	s9 =	simm.s32 @!p0 $0x5;
	[dreg:$0x7] =	wrdreg s16  }
0x12: {  	s1 =	sshll.u32 s8, $0x4;
	s23 =	sadd.s32 s7, s3;
	[dreg:$0x5] =	wrdreg s9  }
0x13: {  	s8 =	sshrl.u32 s15, $0x2;
	s7 =	sadd.s32 s7, s4;
	[dreg:$0xe] =	wrdreg s23  }
0x14: {  	s25 =	smax.u32 s5, $0x1;
	s1 =	sadd.s32 s1, s0;
	[dreg:$0xf] =	wrdreg s7  }
0x15: {  	s0 =	sadd.s32 s8, s0;
	s8 =	sadd.s32 s17, s4;
	[dreg:$0x12] =	wrdreg s25  }
0x16: {  	s31 =	simm.s32 $0xC80;
	[dreg:$0x9] =	wrdreg s8;
	s8 =	sadd.s32 s21, s4  }
0x17: {  	s30 =	simm.s32 $0x1480;
	s24 =	sadd.s32 $0x8B200, s0;
	[dreg:$0xd] =	wrdreg s8  }
0x18: {  	s19 =	simm.s32 $0x500;
	s0 =	sadd.s32 $0x8B210, s0;
	[dreg:$0x10] =	wrdreg s24  }
0x19: {  	s7 =	simm.s32 $0x900;
	s26 =	sadd.s32 $0x1600, s1;
	[dreg:$0x11] =	wrdreg s0  }
0x1a: {  	s23 =	simm.s32 $0x1;
	s29 =	sadd.s32 $0xB600, s1;
	[dreg:$0x13] =	wrdreg s26  }
0x1b: {  	v0 =	vimm.f32 $0.0e+00;
	[dreg:$0x14] =	wrdreg s29;
	s24 =	simm.s32 $0x3;
	s0 =	simm.s32 $0x0  }
.LBB2_1:
0x1c: {  	[tilespmem:$0xD00] =	vst v0  }
0x1d: {  	[tilespmem:$0xD10] =	vst v0  }
0x1e: {  	[tilespmem:$0xD20] =	vst v0  }
0x1f: {  	[tilespmem:$0xD30] =	vst v0  }
0x20: {  	[tilespmem:$0xD40] =	vst v0  }
0x21: {  	[tilespmem:$0xD50] =	vst v0  }
0x22: {  	[tilespmem:$0xD60] =	vst v0  }
0x23: {  	[tilespmem:$0xD70] =	vst v0  }
0x24: {  	[tilespmem:$0xD80] =	vst v0  }
0x25: {  	[tilespmem:$0xD90] =	vst v0  }
0x26: {  	[tilespmem:$0xDA0] =	vst v0  }
0x27: {  	[tilespmem:$0xDB0] =	vst v0  }
0x28: {  	[tilespmem:$0xDC0] =	vst v0  }
0x29: {  	[tilespmem:$0xDD0] =	vst v0  }
0x2a: {  	[tilespmem:$0xDE0] =	vst v0  }
0x2b: {  	[tilespmem:$0xDF0] =	vst v0  }
0x2c: {  	[tilespmem:$0xE00] =	vst v0  }
0x2d: {  	[tilespmem:$0xE10] =	vst v0  }
0x2e: {  	[tilespmem:$0xE20] =	vst v0  }
0x2f: {  	[tilespmem:$0xE30] =	vst v0  }
0x30: {  	[tilespmem:$0xE40] =	vst v0  }
0x31: {  	[tilespmem:$0xE50] =	vst v0  }
0x32: {  	[tilespmem:$0xE60] =	vst v0  }
0x33: {  	[tilespmem:$0xE70] =	vst v0  }
0x34: {  	[tilespmem:$0xE80] =	vst v0  }
0x35: {  	[tilespmem:$0xE90] =	vst v0  }
0x36: {  	[tilespmem:$0xEA0] =	vst v0  }
0x37: {  	[tilespmem:$0xEB0] =	vst v0  }
0x38: {  	[tilespmem:$0xEC0] =	vst v0  }
0x39: {  	[tilespmem:$0xED0] =	vst v0  }
0x3a: {  	[tilespmem:$0xEE0] =	vst v0  }
0x3b: {  	[tilespmem:$0xEF0] =	vst v0  }
0x3c: {  	[tilespmem:$0xF00] =	vst v0  }
0x3d: {  	[tilespmem:$0xF10] =	vst v0  }
0x3e: {  	[tilespmem:$0xF20] =	vst v0  }
0x3f: {  	[tilespmem:$0xF30] =	vst v0  }
0x40: {  	[tilespmem:$0xF40] =	vst v0  }
0x41: {  	[tilespmem:$0xF50] =	vst v0  }
0x42: {  	[tilespmem:$0xF60] =	vst v0  }
0x43: {  	[tilespmem:$0xF70] =	vst v0  }
0x44: {  	[tilespmem:$0xF80] =	vst v0  }
0x45: {  	[tilespmem:$0xF90] =	vst v0  }
0x46: {  	[tilespmem:$0xFA0] =	vst v0  }
0x47: {  	[tilespmem:$0xFB0] =	vst v0  }
0x48: {  	[tilespmem:$0xFC0] =	vst v0  }
0x49: {  	[tilespmem:$0xFD0] =	vst v0  }
0x4a: {  	[tilespmem:$0xFE0] =	vst v0  }
0x4b: {  	[tilespmem:$0xFF0] =	vst v0  }
0x4c: {  	[tilespmem:$0x1000] =	vst v0  }
0x4d: {  	[tilespmem:$0x1010] =	vst v0  }
0x4e: {  	[tilespmem:$0x1020] =	vst v0  }
0x4f: {  	[tilespmem:$0x1030] =	vst v0  }
0x50: {  	[tilespmem:$0x1040] =	vst v0  }
0x51: {  	[tilespmem:$0x1050] =	vst v0  }
0x52: {  	[tilespmem:$0x1060] =	vst v0  }
0x53: {  	[tilespmem:$0x1070] =	vst v0  }
0x54: {  	[tilespmem:$0x1080] =	vst v0  }
0x55: {  	[tilespmem:$0x1090] =	vst v0  }
0x56: {  	[tilespmem:$0x10A0] =	vst v0  }
0x57: {  	[tilespmem:$0x10B0] =	vst v0  }
0x58: {  	[tilespmem:$0x10C0] =	vst v0  }
0x59: {  	[tilespmem:$0x10D0] =	vst v0  }
0x5a: {  	[tilespmem:$0x10E0] =	vst v0  }
0x5b: {  	[dreg:$0x15] =	wrdreg s0;
	[tilespmem:$0x10F0] =	vst v0  }
0x5c: {  	[spmem:s11] =	stream.linear.scatter [tilespmem:s14], [sflag:$0x3], $0x80, $0x38;
	[tilespmem:$0x1500] =	vst v63  }
0x5d: {  	_ =	swait.ge [sflag:s24], $0x80  }
0x5e: {  	[sflag:s24] =	ssyncset.done $0x0  }
0x5f: {  	[sflag:s24] =	ssyncadd.s32 $0xFFFFFF80  }
0x60: {  	[spmem:s16] =	stream.linear.scatter [tilespmem:s14], [sflag:$0x3], $0x80, $0x38;
	[tilespmem:$0x1500] =	vst v63  }
0x61: {  	_ =	swait.ge [sflag:s24], $0x80  }
0x62: {  	[sflag:s24] =	ssyncset.done $0x0  }
0x63: {  	s0 =	simm.s32 $0xD00;
	s9 =	rddreg [dreg:$0x8];
	[sflag:s24] =	ssyncadd.s32 $0xFFFFFF80  }
0x64: {  	[spmem:s9] =	stream.linear.scatter [tilespmem:s0], [sflag:$0x3], $0x80, $0x38;
	[tilespmem:$0x1500] =	vst v63  }
0x65: {  	_ =	swait.ge [sflag:s24], $0x80  }
0x66: {  	[sflag:s24] =	ssyncset.done $0x0  }
0x67: {  	s10 =	rddreg [dreg:$0x9];
	[sflag:s24] =	ssyncadd.s32 $0xFFFFFF80  }
0x68: {  	[spmem:s10] =	stream.linear.scatter [tilespmem:s0], [sflag:$0x3], $0x80, $0x38;
	[tilespmem:$0x1500] =	vst v63  }
0x69: {  	_ =	swait.ge [sflag:s24], $0x80  }
0x6a: {  	[sflag:s24] =	ssyncset.done $0x0  }
0x6b: {  	s11 =	rddreg [dreg:$0xa];
	[sflag:s24] =	ssyncadd.s32 $0xFFFFFF80  }
0x6c: {  	[spmem:s11] =	stream.linear.scatter [tilespmem:s0], [sflag:$0x3], $0x80, $0x38;
	[tilespmem:$0x1500] =	vst v63  }
0x6d: {  	_ =	swait.ge [sflag:s24], $0x80  }
0x6e: {  	[sflag:s24] =	ssyncset.done $0x0  }
0x6f: {  	s15 =	rddreg [dreg:$0xb];
	[sflag:s24] =	ssyncadd.s32 $0xFFFFFF80  }
0x70: {  	[spmem:s15] =	stream.linear.scatter [tilespmem:s0], [sflag:$0x3], $0x80, $0x38;
	[tilespmem:$0x1500] =	vst v63  }
0x71: {  	_ =	swait.ge [sflag:s24], $0x80  }
0x72: {  	[sflag:s24] =	ssyncset.done $0x0  }
0x73: {  	s16 =	rddreg [dreg:$0xc];
	[sflag:s24] =	ssyncadd.s32 $0xFFFFFF80  }
0x74: {  	[spmem:s16] =	stream.linear.scatter [tilespmem:s0], [sflag:$0x3], $0x80, $0x38;
	[tilespmem:$0x1500] =	vst v63  }
0x75: {  	_ =	swait.ge [sflag:s24], $0x80  }
0x76: {  	[sflag:s24] =	ssyncset.done $0x0  }
0x77: {  	s17 =	rddreg [dreg:$0xd];
	[sflag:s24] =	ssyncadd.s32 $0xFFFFFF80  }
0x78: {  	[spmem:s17] =	stream.linear.scatter [tilespmem:s0], [sflag:$0x3], $0x80, $0x38;
	[tilespmem:$0x1500] =	vst v63  }
0x79: {  	_ =	swait.ge [sflag:s24], $0x80  }
0x7a: {  	[sflag:s24] =	ssyncset.done $0x0  }
0x7b: {  	s18 =	rddreg [dreg:$0xe];
	[sflag:s24] =	ssyncadd.s32 $0xFFFFFF80  }
0x7c: {  	[spmem:s18] =	stream.linear.scatter [tilespmem:s0], [sflag:$0x3], $0x80, $0x38;
	[tilespmem:$0x1500] =	vst v63  }
0x7d: {  	_ =	swait.ge [sflag:s24], $0x80  }
0x7e: {  	[sflag:s24] =	ssyncset.done $0x0  }
0x7f: {  	s20 =	rddreg [dreg:$0xf];
	[sflag:s24] =	ssyncadd.s32 $0xFFFFFF80  }
0x80: {  	[spmem:s20] =	stream.linear.scatter [tilespmem:s0], [sflag:$0x3], $0x80, $0x38;
	[tilespmem:$0x1500] =	vst v63  }
0x81: {  	_ =	swait.ge [sflag:s24], $0x80  }
0x82: {  	[sflag:s24] =	ssyncset.done $0x0  }
0x83: {  	[sflag:s24] =	ssyncadd.s32 $0xFFFFFF80  }
0x84: {  	[bflag:$0x0] =	sbarrier.arrive $0xFFFF  }
0x85: {  	s15 =	rddreg [dreg:$0x14]  }
0x86: {  	[tilespmem:s19], [sflag:$0x3] =	stream.linear.gather [hbm4b:s15+s13], $0x400, $0x38;
	[tilespmem:$0x1500] =	vst v63  }
0x87: {  	_ =	swait.ge [sflag:s24], $0x400  }
0x88: {  	[sflag:s24] =	ssyncset.done $0x0  }
0x89: {  	s14 =	rddreg [dreg:$0x13];
	[sflag:s24] =	ssyncadd.s32 $0xFFFFFC00  }
0x8a: {  	[tilespmem:s7], [sflag:$0x3] =	stream.linear.gather [hbm4b:s14+s13], $0x400, $0x38;
	[tilespmem:$0x1500] =	vst v63  }
0x8b: {  	_ =	swait.ge [sflag:s24], $0x400  }
0x8c: {  	[sflag:s24] =	ssyncset.done $0x0  }
0x8d: {  	[sflag:s24] =	ssyncadd.s32 $0xFFFFFC00  }
0x8e: {  	[tilespmem:s0], [sflag:$0x1] =	stream.indirect.gather [hbm4b:s6+s28], $0x1, s19, s28, $0xb8;
	[tilespmem:$0x1500] =	vst v63  }
0x8f: {  	s1 =	simm.s32 $0x1100  }
0x90: {  	[tilespmem:s1], [sflag:$0x1] =	stream.indirect.gather [hbm4b:s2+s28], $0x1, s19, s28, $0xb8;
	[tilespmem:$0x1500] =	vst v63  }
0x91: {  	s5 =	simm.s32 $0x580;
	s10 =	simm.s32 $0xD80  }
0x92: {  	[tilespmem:s10], [sflag:$0x1] =	stream.indirect.gather [hbm4b:s6+s28], $0x1, s5, s28, $0xb8;
	[tilespmem:$0x1500] =	vst v63  }
0x93: {  	s11 =	simm.s32 $0x1180  }
0x94: {  	[tilespmem:s11], [sflag:$0x1] =	stream.indirect.gather [hbm4b:s2+s28], $0x1, s5, s28, $0xb8;
	[tilespmem:$0x1500] =	vst v63  }
0x95: {  	s21 =	simm.s32 $0x600;
	s13 =	simm.s32 $0xE00  }
0x96: {  	[tilespmem:s13], [sflag:$0x1] =	stream.indirect.gather [hbm4b:s6+s28], $0x1, s21, s28, $0xb8;
	[tilespmem:$0x1500] =	vst v63  }
0x97: {  	s16 =	simm.s32 $0x1200  }
0x98: {  	[tilespmem:s16], [sflag:$0x1] =	stream.indirect.gather [hbm4b:s2+s28], $0x1, s21, s28, $0xb8;
	[tilespmem:$0x1500] =	vst v63  }
0x99: {  	s22 =	simm.s32 $0x680;
	s17 =	simm.s32 $0xE80  }
0x9a: {  	[tilespmem:s17], [sflag:$0x1] =	stream.indirect.gather [hbm4b:s6+s28], $0x1, s22, s28, $0xb8;
	[tilespmem:$0x1500] =	vst v63  }
0x9b: {  	s8 =	simm.s32 $0x1280  }
0x9c: {  	[tilespmem:s8], [sflag:$0x1] =	stream.indirect.gather [hbm4b:s2+s28], $0x1, s22, s28, $0xb8;
	[tilespmem:$0x1500] =	vst v63  }
0x9d: {  	s25 =	simm.s32 $0x700;
	s9 =	simm.s32 $0xF00  }
0x9e: {  	[tilespmem:s9], [sflag:$0x1] =	stream.indirect.gather [hbm4b:s6+s28], $0x1, s25, s28, $0xb8;
	[tilespmem:$0x1500] =	vst v63  }
0x9f: {  	s18 =	simm.s32 $0x1300  }
0xa0: {  	[tilespmem:s18], [sflag:$0x1] =	stream.indirect.gather [hbm4b:s2+s28], $0x1, s25, s28, $0xb8;
	[tilespmem:$0x1500] =	vst v63  }
0xa1: {  	s26 =	simm.s32 $0x780;
	s20 =	simm.s32 $0xF80  }
0xa2: {  	[tilespmem:s20], [sflag:$0x1] =	stream.indirect.gather [hbm4b:s6+s28], $0x1, s26, s28, $0xb8;
	[tilespmem:$0x1500] =	vst v63  }
0xa3: {  	s21 =	simm.s32 $0x1380  }
0xa4: {  	[tilespmem:s21], [sflag:$0x1] =	stream.indirect.gather [hbm4b:s2+s28], $0x1, s26, s28, $0xb8;
	[tilespmem:$0x1500] =	vst v63  }
0xa5: {  	s29 =	simm.s32 $0x800;
	s22 =	simm.s32 $0x1000  }
0xa6: {  	[tilespmem:s22], [sflag:$0x1] =	stream.indirect.gather [hbm4b:s6+s28], $0x1, s29, s28, $0xb8;
	[tilespmem:$0x1500] =	vst v63  }
0xa7: {  	s25 =	simm.s32 $0x1400  }
0xa8: {  	[tilespmem:s25], [sflag:$0x1] =	stream.indirect.gather [hbm4b:s2+s28], $0x1, s29, s28, $0xb8;
	[tilespmem:$0x1500] =	vst v63  }
0xa9: {  	s5 =	simm.s32 $0x880;
	s26 =	simm.s32 $0x1080  }
0xaa: {  	[tilespmem:s26], [sflag:$0x1] =	stream.indirect.gather [hbm4b:s6+s28], $0x1, s5, s28, $0xb8;
	[tilespmem:$0x1500] =	vst v63  }
0xab: {  	s29 =	simm.s32 $0x1480  }
0xac: {  	[tilespmem:s29], [sflag:$0x1] =	stream.indirect.gather [hbm4b:s2+s28], $0x1, s5, s28, $0xb8;
	[tilespmem:$0x1500] =	vst v63  }
0xad: {  	_ =	swait.ge [sflag:s23], $0x80  }
0xae: {  	[sflag:s23] =	ssyncset.done $0x0  }
0xaf: {  	[sflag:s23] =	ssyncadd.s32 $0xFFFFFF80  }
0xb0: {  	_ =	swait.ge [sflag:s23], $0x80  }
0xb1: {  	[sflag:s23] =	ssyncset.done $0x0  }
0xb2: {  	[sflag:s23] =	ssyncadd.s32 $0xFFFFFF80  }
0xb3: {  	_ =	swait.ge [sflag:s23], $0x80  }
0xb4: {  	[sflag:s23] =	ssyncset.done $0x0  }
0xb5: {  	[sflag:s23] =	ssyncadd.s32 $0xFFFFFF80  }
0xb6: {  	_ =	swait.ge [sflag:s23], $0x80  }
0xb7: {  	[sflag:s23] =	ssyncset.done $0x0  }
0xb8: {  	[sflag:s23] =	ssyncadd.s32 $0xFFFFFF80  }
0xb9: {  	_ =	swait.ge [sflag:s23], $0x80  }
0xba: {  	[sflag:s23] =	ssyncset.done $0x0  }
0xbb: {  	[sflag:s23] =	ssyncadd.s32 $0xFFFFFF80  }
0xbc: {  	_ =	swait.ge [sflag:s23], $0x80  }
0xbd: {  	[sflag:s23] =	ssyncset.done $0x0  }
0xbe: {  	[sflag:s23] =	ssyncadd.s32 $0xFFFFFF80  }
0xbf: {  	_ =	swait.ge [sflag:s23], $0x80  }
0xc0: {  	[sflag:s23] =	ssyncset.done $0x0  }
0xc1: {  	[sflag:s23] =	ssyncadd.s32 $0xFFFFFF80  }
0xc2: {  	_ =	swait.ge [sflag:s23], $0x80  }
0xc3: {  	[sflag:s23] =	ssyncset.done $0x0  }
0xc4: {  	[sflag:s23] =	ssyncadd.s32 $0xFFFFFF80  }
0xc5: {  	_ =	swait.ge [sflag:s23], $0x80  }
0xc6: {  	[sflag:s23] =	ssyncset.done $0x0  }
0xc7: {  	[sflag:s23] =	ssyncadd.s32 $0xFFFFFF80  }
0xc8: {  	_ =	swait.ge [sflag:s23], $0x80  }
0xc9: {  	[sflag:s23] =	ssyncset.done $0x0  }
0xca: {  	[sflag:s23] =	ssyncadd.s32 $0xFFFFFF80  }
0xcb: {  	_ =	swait.ge [sflag:s23], $0x80  }
0xcc: {  	[sflag:s23] =	ssyncset.done $0x0  }
0xcd: {  	[sflag:s23] =	ssyncadd.s32 $0xFFFFFF80  }
0xce: {  	_ =	swait.ge [sflag:s23], $0x80  }
0xcf: {  	[sflag:s23] =	ssyncset.done $0x0  }
0xd0: {  	[sflag:s23] =	ssyncadd.s32 $0xFFFFFF80  }
0xd1: {  	_ =	swait.ge [sflag:s23], $0x80  }
0xd2: {  	[sflag:s23] =	ssyncset.done $0x0  }
0xd3: {  	[sflag:s23] =	ssyncadd.s32 $0xFFFFFF80  }
0xd4: {  	_ =	swait.ge [sflag:s23], $0x80  }
0xd5: {  	[sflag:s23] =	ssyncset.done $0x0  }
0xd6: {  	[sflag:s23] =	ssyncadd.s32 $0xFFFFFF80  }
0xd7: {  	_ =	swait.ge [sflag:s23], $0x80  }
0xd8: {  	[sflag:s23] =	ssyncset.done $0x0  }
0xd9: {  	[sflag:s23] =	ssyncadd.s32 $0xFFFFFF80  }
0xda: {  	_ =	swait.ge [sflag:s23], $0x80  }
0xdb: {  	[sflag:s23] =	ssyncset.done $0x0  }
0xdc: {  	[sflag:s23] =	ssyncadd.s32 $0xFFFFFF80  }
0xdd: {  	[spmem:s3] =	stream.indirect.scatter.add.f32 [tilespmem:s0], [sflag:$0x2], $0x1, s7, s28, $0xb8;
	[tilespmem:$0x1500] =	vst v63  }
0xde: {  	_ = 	snop  }
0xdf: {  	[spmem:s4] =	stream.indirect.scatter.add.f32 [tilespmem:s1], [sflag:$0x2], $0x1, s7, s28, $0xb8;
	[tilespmem:$0x1500] =	vst v63  }
0xe0: {  	s5 =	simm.s32 $0x980  }
0xe1: {  	[spmem:s3] =	stream.indirect.scatter.add.f32 [tilespmem:s10], [sflag:$0x2], $0x1, s5, s28, $0xb8;
	[tilespmem:$0x1500] =	vst v63  }
0xe2: {  	_ = 	snop  }
0xe3: {  	[spmem:s4] =	stream.indirect.scatter.add.f32 [tilespmem:s11], [sflag:$0x2], $0x1, s5, s28, $0xb8;
	[tilespmem:$0x1500] =	vst v63  }
0xe4: {  	s11 =	simm.s32 $0xA00  }
0xe5: {  	[spmem:s3] =	stream.indirect.scatter.add.f32 [tilespmem:s13], [sflag:$0x2], $0x1, s11, s28, $0xb8;
	[tilespmem:$0x1500] =	vst v63  }
0xe6: {  	_ = 	snop  }
0xe7: {  	[spmem:s4] =	stream.indirect.scatter.add.f32 [tilespmem:s16], [sflag:$0x2], $0x1, s11, s28, $0xb8;
	[tilespmem:$0x1500] =	vst v63  }
0xe8: {  	s16 =	simm.s32 $0xA80  }
0xe9: {  	[spmem:s3] =	stream.indirect.scatter.add.f32 [tilespmem:s17], [sflag:$0x2], $0x1, s16, s28, $0xb8;
	[tilespmem:$0x1500] =	vst v63  }
0xea: {  	_ = 	snop  }
0xeb: {  	[spmem:s4] =	stream.indirect.scatter.add.f32 [tilespmem:s8], [sflag:$0x2], $0x1, s16, s28, $0xb8;
	[tilespmem:$0x1500] =	vst v63  }
0xec: {  	s17 =	simm.s32 $0xB00  }
0xed: {  	[spmem:s3] =	stream.indirect.scatter.add.f32 [tilespmem:s9], [sflag:$0x2], $0x1, s17, s28, $0xb8;
	[tilespmem:$0x1500] =	vst v63  }
0xee: {  	_ = 	snop  }
0xef: {  	[spmem:s4] =	stream.indirect.scatter.add.f32 [tilespmem:s18], [sflag:$0x2], $0x1, s17, s28, $0xb8;
	[tilespmem:$0x1500] =	vst v63  }
0xf0: {  	s18 =	simm.s32 $0xB80  }
0xf1: {  	[spmem:s3] =	stream.indirect.scatter.add.f32 [tilespmem:s20], [sflag:$0x2], $0x1, s18, s28, $0xb8;
	[tilespmem:$0x1500] =	vst v63  }
0xf2: {  	_ = 	snop  }
0xf3: {  	[spmem:s4] =	stream.indirect.scatter.add.f32 [tilespmem:s21], [sflag:$0x2], $0x1, s18, s28, $0xb8;
	[tilespmem:$0x1500] =	vst v63  }
0xf4: {  	s21 =	simm.s32 $0xC00  }
0xf5: {  	[spmem:s3] =	stream.indirect.scatter.add.f32 [tilespmem:s22], [sflag:$0x2], $0x1, s21, s28, $0xb8;
	[tilespmem:$0x1500] =	vst v63  }
0xf6: {  	_ = 	snop  }
0xf7: {  	[spmem:s4] =	stream.indirect.scatter.add.f32 [tilespmem:s25], [sflag:$0x2], $0x1, s21, s28, $0xb8;
	[tilespmem:$0x1500] =	vst v63  }
0xf8: {  	_ = 	snop  }
0xf9: {  	[spmem:s3] =	stream.indirect.scatter.add.f32 [tilespmem:s26], [sflag:$0x2], $0x1, s31, s28, $0xb8;
	[tilespmem:$0x1500] =	vst v63  }
0xfa: {  	_ = 	snop  }
0xfb: {  	[spmem:s4] =	stream.indirect.scatter.add.f32 [tilespmem:s29], [sflag:$0x2], $0x1, s31, s28, $0xb8;
	[tilespmem:$0x1500] =	vst v63  }
0xfc: {  	_ =	swait.ge [sflag:s12], $0x80  }
0xfd: {  	[sflag:s12] =	ssyncset.done $0x0  }
0xfe: {  	[sflag:s12] =	ssyncadd.s32 $0xFFFFFF80  }
0xff: {  	_ =	swait.ge [sflag:s12], $0x80  }
0x100: {  	[sflag:s12] =	ssyncset.done $0x0  }
0x101: {  	[sflag:s12] =	ssyncadd.s32 $0xFFFFFF80  }
0x102: {  	_ =	swait.ge [sflag:s12], $0x80  }
0x103: {  	[sflag:s12] =	ssyncset.done $0x0  }
0x104: {  	[sflag:s12] =	ssyncadd.s32 $0xFFFFFF80  }
0x105: {  	_ =	swait.ge [sflag:s12], $0x80  }
0x106: {  	[sflag:s12] =	ssyncset.done $0x0  }
0x107: {  	[sflag:s12] =	ssyncadd.s32 $0xFFFFFF80  }
0x108: {  	_ =	swait.ge [sflag:s12], $0x80  }
0x109: {  	[sflag:s12] =	ssyncset.done $0x0  }
0x10a: {  	[sflag:s12] =	ssyncadd.s32 $0xFFFFFF80  }
0x10b: {  	_ =	swait.ge [sflag:s12], $0x80  }
0x10c: {  	[sflag:s12] =	ssyncset.done $0x0  }
0x10d: {  	[sflag:s12] =	ssyncadd.s32 $0xFFFFFF80  }
0x10e: {  	_ =	swait.ge [sflag:s12], $0x80  }
0x10f: {  	[sflag:s12] =	ssyncset.done $0x0  }
0x110: {  	[sflag:s12] =	ssyncadd.s32 $0xFFFFFF80  }
0x111: {  	_ =	swait.ge [sflag:s12], $0x80  }
0x112: {  	[sflag:s12] =	ssyncset.done $0x0  }
0x113: {  	[sflag:s12] =	ssyncadd.s32 $0xFFFFFF80  }
0x114: {  	_ =	swait.ge [sflag:s12], $0x80  }
0x115: {  	[sflag:s12] =	ssyncset.done $0x0  }
0x116: {  	[sflag:s12] =	ssyncadd.s32 $0xFFFFFF80  }
0x117: {  	_ =	swait.ge [sflag:s12], $0x80  }
0x118: {  	[sflag:s12] =	ssyncset.done $0x0  }
0x119: {  	[sflag:s12] =	ssyncadd.s32 $0xFFFFFF80  }
0x11a: {  	_ =	swait.ge [sflag:s12], $0x80  }
0x11b: {  	[sflag:s12] =	ssyncset.done $0x0  }
0x11c: {  	[sflag:s12] =	ssyncadd.s32 $0xFFFFFF80  }
0x11d: {  	_ =	swait.ge [sflag:s12], $0x80  }
0x11e: {  	[sflag:s12] =	ssyncset.done $0x0  }
0x11f: {  	[sflag:s12] =	ssyncadd.s32 $0xFFFFFF80  }
0x120: {  	_ =	swait.ge [sflag:s12], $0x80  }
0x121: {  	[sflag:s12] =	ssyncset.done $0x0  }
0x122: {  	[sflag:s12] =	ssyncadd.s32 $0xFFFFFF80  }
0x123: {  	_ =	swait.ge [sflag:s12], $0x80  }
0x124: {  	[sflag:s12] =	ssyncset.done $0x0  }
0x125: {  	[sflag:s12] =	ssyncadd.s32 $0xFFFFFF80  }
0x126: {  	_ =	swait.ge [sflag:s12], $0x80  }
0x127: {  	s29 =	rddreg [dreg:$0x5]  }
0x128: {  	p0 =	sne.s32 s29, $0x1  }
.Ltmp0:
0x129: {  	_ = 	snop;
	(pc) =	sbr.rel @!p0 .LBB2_3-.Ltmp0, $4  }
0x12a: {  	[sflag:s12] =	ssyncset.done $0x0  }
0x12b: {  	[sflag:s12] =	ssyncadd.s32 $0xFFFFFF80  }
0x12c: {  	s7 =	simm.s32 $0x900;
	_ =	swait.ge [sflag:s12], $0x80  }
0x12d: {  	s16 =	simm.s32 $0x0;
	s13 =	sadd.s32 $0xFFFFFFFF, s29;
	[sflag:s12] =	ssyncset.done $0x0  }
.LBB2_2:
0x12e: {  	[sflag:s12] =	ssyncadd.s32 $0xFFFFFF80;
	s14 =	sadd.s32 $0x80, s14;
	s15 =	sadd.s32 $0x80, s15  }
0x12f: {  	[tilespmem:s19], [sflag:$0x3] =	stream.linear.gather [hbm4b:s15+s16], $0x400, $0x38;
	[tilespmem:$0x1500] =	vst v63  }
0x130: {  	p0 =	sne.s32 s13, $0x1;
	s13 =	sadd.s32 $0xFFFFFFFF, s13;
	_ =	swait.ge [sflag:s24], $0x400  }
0x131: {  	[sflag:s24] =	ssyncset.done $0x0  }
0x132: {  	[sflag:s24] =	ssyncadd.s32 $0xFFFFFC00  }
0x133: {  	[tilespmem:s7], [sflag:$0x3] =	stream.linear.gather [hbm4b:s14+s16], $0x400, $0x38;
	[tilespmem:$0x1500] =	vst v63  }
0x134: {  	_ =	swait.ge [sflag:s24], $0x400  }
0x135: {  	[sflag:s24] =	ssyncset.done $0x0  }
0x136: {  	s0 =	simm.s32 $0xD00;
	[sflag:s24] =	ssyncadd.s32 $0xFFFFFC00  }
0x137: {  	[tilespmem:s0], [sflag:$0x1] =	stream.indirect.gather [hbm4b:s6+s28], $0x1, s19, s28, $0xb8;
	[tilespmem:$0x1500] =	vst v63  }
0x138: {  	s1 =	simm.s32 $0x1100  }
0x139: {  	[tilespmem:s1], [sflag:$0x1] =	stream.indirect.gather [hbm4b:s2+s28], $0x1, s19, s28, $0xb8;
	[tilespmem:$0x1500] =	vst v63  }
0x13a: {  	s10 =	simm.s32 $0x580;
	s11 =	simm.s32 $0xD80  }
0x13b: {  	[tilespmem:s11], [sflag:$0x1] =	stream.indirect.gather [hbm4b:s6+s28], $0x1, s10, s28, $0xb8;
	[tilespmem:$0x1500] =	vst v63  }
0x13c: {  	s17 =	simm.s32 $0x1180  }
0x13d: {  	[tilespmem:s17], [sflag:$0x1] =	stream.indirect.gather [hbm4b:s2+s28], $0x1, s10, s28, $0xb8;
	[tilespmem:$0x1500] =	vst v63  }
0x13e: {  	s18 =	simm.s32 $0xE00;
	s10 =	simm.s32 $0x600  }
0x13f: {  	[tilespmem:s18], [sflag:$0x1] =	stream.indirect.gather [hbm4b:s6+s28], $0x1, s10, s28, $0xb8;
	[tilespmem:$0x1500] =	vst v63  }
0x140: {  	s19 =	simm.s32 $0x1200  }
0x141: {  	[tilespmem:s19], [sflag:$0x1] =	stream.indirect.gather [hbm4b:s2+s28], $0x1, s10, s28, $0xb8;
	[tilespmem:$0x1500] =	vst v63  }
0x142: {  	s20 =	simm.s32 $0xE80;
	s10 =	simm.s32 $0x680  }
0x143: {  	[tilespmem:s20], [sflag:$0x1] =	stream.indirect.gather [hbm4b:s6+s28], $0x1, s10, s28, $0xb8;
	[tilespmem:$0x1500] =	vst v63  }
0x144: {  	s8 =	simm.s32 $0x1280  }
0x145: {  	[tilespmem:s8], [sflag:$0x1] =	stream.indirect.gather [hbm4b:s2+s28], $0x1, s10, s28, $0xb8;
	[tilespmem:$0x1500] =	vst v63  }
0x146: {  	s9 =	simm.s32 $0xF00;
	s10 =	simm.s32 $0x700  }
0x147: {  	[tilespmem:s9], [sflag:$0x1] =	stream.indirect.gather [hbm4b:s6+s28], $0x1, s10, s28, $0xb8;
	[tilespmem:$0x1500] =	vst v63  }
0x148: {  	s25 =	simm.s32 $0x1300  }
0x149: {  	[tilespmem:s25], [sflag:$0x1] =	stream.indirect.gather [hbm4b:s2+s28], $0x1, s10, s28, $0xb8;
	[tilespmem:$0x1500] =	vst v63  }
0x14a: {  	s26 =	simm.s32 $0xF80;
	s10 =	simm.s32 $0x780  }
0x14b: {  	[tilespmem:s26], [sflag:$0x1] =	stream.indirect.gather [hbm4b:s6+s28], $0x1, s10, s28, $0xb8;
	[tilespmem:$0x1500] =	vst v63  }
0x14c: {  	s21 =	simm.s32 $0x1380  }
0x14d: {  	[tilespmem:s21], [sflag:$0x1] =	stream.indirect.gather [hbm4b:s2+s28], $0x1, s10, s28, $0xb8;
	[tilespmem:$0x1500] =	vst v63  }
0x14e: {  	s22 =	simm.s32 $0x1000;
	s10 =	simm.s32 $0x800  }
0x14f: {  	[tilespmem:s22], [sflag:$0x1] =	stream.indirect.gather [hbm4b:s6+s28], $0x1, s10, s28, $0xb8;
	[tilespmem:$0x1500] =	vst v63  }
0x150: {  	s5 =	simm.s32 $0x1400  }
0x151: {  	[tilespmem:s5], [sflag:$0x1] =	stream.indirect.gather [hbm4b:s2+s28], $0x1, s10, s28, $0xb8;
	[tilespmem:$0x1500] =	vst v63  }
0x152: {  	s29 =	simm.s32 $0x1080;
	s10 =	simm.s32 $0x880  }
0x153: {  	[tilespmem:s29], [sflag:$0x1] =	stream.indirect.gather [hbm4b:s6+s28], $0x1, s10, s28, $0xb8;
	[tilespmem:$0x1500] =	vst v63  }
0x154: {  	_ = 	snop  }
0x155: {  	[tilespmem:s30], [sflag:$0x1] =	stream.indirect.gather [hbm4b:s2+s28], $0x1, s10, s28, $0xb8;
	[tilespmem:$0x1500] =	vst v63  }
0x156: {  	_ =	swait.ge [sflag:s23], $0x80  }
0x157: {  	[sflag:s23] =	ssyncset.done $0x0  }
0x158: {  	[sflag:s23] =	ssyncadd.s32 $0xFFFFFF80  }
0x159: {  	_ =	swait.ge [sflag:s23], $0x80  }
0x15a: {  	[sflag:s23] =	ssyncset.done $0x0  }
0x15b: {  	[sflag:s23] =	ssyncadd.s32 $0xFFFFFF80  }
0x15c: {  	_ =	swait.ge [sflag:s23], $0x80  }
0x15d: {  	[sflag:s23] =	ssyncset.done $0x0  }
0x15e: {  	[sflag:s23] =	ssyncadd.s32 $0xFFFFFF80  }
0x15f: {  	_ =	swait.ge [sflag:s23], $0x80  }
0x160: {  	[sflag:s23] =	ssyncset.done $0x0  }
0x161: {  	[sflag:s23] =	ssyncadd.s32 $0xFFFFFF80  }
0x162: {  	_ =	swait.ge [sflag:s23], $0x80  }
0x163: {  	[sflag:s23] =	ssyncset.done $0x0  }
0x164: {  	[sflag:s23] =	ssyncadd.s32 $0xFFFFFF80  }
0x165: {  	_ =	swait.ge [sflag:s23], $0x80  }
0x166: {  	[sflag:s23] =	ssyncset.done $0x0  }
0x167: {  	[sflag:s23] =	ssyncadd.s32 $0xFFFFFF80  }
0x168: {  	_ =	swait.ge [sflag:s23], $0x80  }
0x169: {  	[sflag:s23] =	ssyncset.done $0x0  }
0x16a: {  	[sflag:s23] =	ssyncadd.s32 $0xFFFFFF80  }
0x16b: {  	_ =	swait.ge [sflag:s23], $0x80  }
0x16c: {  	[sflag:s23] =	ssyncset.done $0x0  }
0x16d: {  	[sflag:s23] =	ssyncadd.s32 $0xFFFFFF80  }
0x16e: {  	_ =	swait.ge [sflag:s23], $0x80  }
0x16f: {  	[sflag:s23] =	ssyncset.done $0x0  }
0x170: {  	[sflag:s23] =	ssyncadd.s32 $0xFFFFFF80  }
0x171: {  	_ =	swait.ge [sflag:s23], $0x80  }
0x172: {  	[sflag:s23] =	ssyncset.done $0x0  }
0x173: {  	[sflag:s23] =	ssyncadd.s32 $0xFFFFFF80  }
0x174: {  	_ =	swait.ge [sflag:s23], $0x80  }
0x175: {  	[sflag:s23] =	ssyncset.done $0x0  }
0x176: {  	[sflag:s23] =	ssyncadd.s32 $0xFFFFFF80  }
0x177: {  	_ =	swait.ge [sflag:s23], $0x80  }
0x178: {  	[sflag:s23] =	ssyncset.done $0x0  }
0x179: {  	[sflag:s23] =	ssyncadd.s32 $0xFFFFFF80  }
0x17a: {  	_ =	swait.ge [sflag:s23], $0x80  }
0x17b: {  	[sflag:s23] =	ssyncset.done $0x0  }
0x17c: {  	[sflag:s23] =	ssyncadd.s32 $0xFFFFFF80  }
0x17d: {  	_ =	swait.ge [sflag:s23], $0x80  }
0x17e: {  	[sflag:s23] =	ssyncset.done $0x0  }
0x17f: {  	[sflag:s23] =	ssyncadd.s32 $0xFFFFFF80  }
0x180: {  	_ =	swait.ge [sflag:s23], $0x80  }
0x181: {  	[sflag:s23] =	ssyncset.done $0x0  }
0x182: {  	[sflag:s23] =	ssyncadd.s32 $0xFFFFFF80  }
0x183: {  	_ =	swait.ge [sflag:s23], $0x80  }
0x184: {  	[sflag:s23] =	ssyncset.done $0x0  }
0x185: {  	[sflag:s23] =	ssyncadd.s32 $0xFFFFFF80  }
0x186: {  	[spmem:s3] =	stream.indirect.scatter.add.f32 [tilespmem:s0], [sflag:$0x2], $0x1, s7, s28, $0xb8;
	[tilespmem:$0x1500] =	vst v63  }
0x187: {  	_ = 	snop  }
0x188: {  	[spmem:s4] =	stream.indirect.scatter.add.f32 [tilespmem:s1], [sflag:$0x2], $0x1, s7, s28, $0xb8;
	[tilespmem:$0x1500] =	vst v63  }
0x189: {  	s0 =	simm.s32 $0x980  }
0x18a: {  	[spmem:s3] =	stream.indirect.scatter.add.f32 [tilespmem:s11], [sflag:$0x2], $0x1, s0, s28, $0xb8;
	[tilespmem:$0x1500] =	vst v63  }
0x18b: {  	_ = 	snop  }
0x18c: {  	[spmem:s4] =	stream.indirect.scatter.add.f32 [tilespmem:s17], [sflag:$0x2], $0x1, s0, s28, $0xb8;
	[tilespmem:$0x1500] =	vst v63  }
0x18d: {  	s0 =	simm.s32 $0xA00  }
0x18e: {  	[spmem:s3] =	stream.indirect.scatter.add.f32 [tilespmem:s18], [sflag:$0x2], $0x1, s0, s28, $0xb8;
	[tilespmem:$0x1500] =	vst v63  }
0x18f: {  	_ = 	snop  }
0x190: {  	[spmem:s4] =	stream.indirect.scatter.add.f32 [tilespmem:s19], [sflag:$0x2], $0x1, s0, s28, $0xb8;
	[tilespmem:$0x1500] =	vst v63  }
0x191: {  	s19 =	simm.s32 $0x500  }
0x192: {  	s0 =	simm.s32 $0xA80  }
0x193: {  	[spmem:s3] =	stream.indirect.scatter.add.f32 [tilespmem:s20], [sflag:$0x2], $0x1, s0, s28, $0xb8;
	[tilespmem:$0x1500] =	vst v63  }
0x194: {  	_ = 	snop  }
0x195: {  	[spmem:s4] =	stream.indirect.scatter.add.f32 [tilespmem:s8], [sflag:$0x2], $0x1, s0, s28, $0xb8;
	[tilespmem:$0x1500] =	vst v63  }
0x196: {  	s0 =	simm.s32 $0xB00  }
0x197: {  	[spmem:s3] =	stream.indirect.scatter.add.f32 [tilespmem:s9], [sflag:$0x2], $0x1, s0, s28, $0xb8;
	[tilespmem:$0x1500] =	vst v63  }
0x198: {  	_ = 	snop  }
0x199: {  	[spmem:s4] =	stream.indirect.scatter.add.f32 [tilespmem:s25], [sflag:$0x2], $0x1, s0, s28, $0xb8;
	[tilespmem:$0x1500] =	vst v63  }
0x19a: {  	s0 =	simm.s32 $0xB80  }
0x19b: {  	[spmem:s3] =	stream.indirect.scatter.add.f32 [tilespmem:s26], [sflag:$0x2], $0x1, s0, s28, $0xb8;
	[tilespmem:$0x1500] =	vst v63  }
0x19c: {  	_ = 	snop  }
0x19d: {  	[spmem:s4] =	stream.indirect.scatter.add.f32 [tilespmem:s21], [sflag:$0x2], $0x1, s0, s28, $0xb8;
	[tilespmem:$0x1500] =	vst v63  }
0x19e: {  	s0 =	simm.s32 $0xC00  }
0x19f: {  	[spmem:s3] =	stream.indirect.scatter.add.f32 [tilespmem:s22], [sflag:$0x2], $0x1, s0, s28, $0xb8;
	[tilespmem:$0x1500] =	vst v63  }
0x1a0: {  	_ = 	snop  }
0x1a1: {  	[spmem:s4] =	stream.indirect.scatter.add.f32 [tilespmem:s5], [sflag:$0x2], $0x1, s0, s28, $0xb8;
	[tilespmem:$0x1500] =	vst v63  }
0x1a2: {  	_ = 	snop  }
0x1a3: {  	[spmem:s3] =	stream.indirect.scatter.add.f32 [tilespmem:s29], [sflag:$0x2], $0x1, s31, s28, $0xb8;
	[tilespmem:$0x1500] =	vst v63  }
0x1a4: {  	_ = 	snop  }
0x1a5: {  	[spmem:s4] =	stream.indirect.scatter.add.f32 [tilespmem:s30], [sflag:$0x2], $0x1, s31, s28, $0xb8;
	[tilespmem:$0x1500] =	vst v63  }
0x1a6: {  	_ =	swait.ge [sflag:s12], $0x80  }
0x1a7: {  	[sflag:s12] =	ssyncset.done $0x0  }
0x1a8: {  	[sflag:s12] =	ssyncadd.s32 $0xFFFFFF80  }
0x1a9: {  	_ =	swait.ge [sflag:s12], $0x80  }
0x1aa: {  	[sflag:s12] =	ssyncset.done $0x0  }
0x1ab: {  	[sflag:s12] =	ssyncadd.s32 $0xFFFFFF80  }
0x1ac: {  	_ =	swait.ge [sflag:s12], $0x80  }
0x1ad: {  	[sflag:s12] =	ssyncset.done $0x0  }
0x1ae: {  	[sflag:s12] =	ssyncadd.s32 $0xFFFFFF80  }
0x1af: {  	_ =	swait.ge [sflag:s12], $0x80  }
0x1b0: {  	[sflag:s12] =	ssyncset.done $0x0  }
0x1b1: {  	[sflag:s12] =	ssyncadd.s32 $0xFFFFFF80  }
0x1b2: {  	_ =	swait.ge [sflag:s12], $0x80  }
0x1b3: {  	[sflag:s12] =	ssyncset.done $0x0  }
0x1b4: {  	[sflag:s12] =	ssyncadd.s32 $0xFFFFFF80  }
0x1b5: {  	_ =	swait.ge [sflag:s12], $0x80  }
0x1b6: {  	[sflag:s12] =	ssyncset.done $0x0  }
0x1b7: {  	[sflag:s12] =	ssyncadd.s32 $0xFFFFFF80  }
0x1b8: {  	_ =	swait.ge [sflag:s12], $0x80  }
0x1b9: {  	[sflag:s12] =	ssyncset.done $0x0  }
0x1ba: {  	[sflag:s12] =	ssyncadd.s32 $0xFFFFFF80  }
0x1bb: {  	_ =	swait.ge [sflag:s12], $0x80  }
0x1bc: {  	[sflag:s12] =	ssyncset.done $0x0  }
0x1bd: {  	[sflag:s12] =	ssyncadd.s32 $0xFFFFFF80  }
0x1be: {  	_ =	swait.ge [sflag:s12], $0x80  }
0x1bf: {  	[sflag:s12] =	ssyncset.done $0x0  }
0x1c0: {  	[sflag:s12] =	ssyncadd.s32 $0xFFFFFF80  }
0x1c1: {  	_ =	swait.ge [sflag:s12], $0x80  }
0x1c2: {  	[sflag:s12] =	ssyncset.done $0x0  }
0x1c3: {  	[sflag:s12] =	ssyncadd.s32 $0xFFFFFF80  }
0x1c4: {  	_ =	swait.ge [sflag:s12], $0x80  }
0x1c5: {  	[sflag:s12] =	ssyncset.done $0x0  }
0x1c6: {  	[sflag:s12] =	ssyncadd.s32 $0xFFFFFF80  }
0x1c7: {  	_ =	swait.ge [sflag:s12], $0x80  }
0x1c8: {  	[sflag:s12] =	ssyncset.done $0x0  }
0x1c9: {  	[sflag:s12] =	ssyncadd.s32 $0xFFFFFF80  }
0x1ca: {  	_ =	swait.ge [sflag:s12], $0x80  }
0x1cb: {  	[sflag:s12] =	ssyncset.done $0x0  }
0x1cc: {  	[sflag:s12] =	ssyncadd.s32 $0xFFFFFF80  }
0x1cd: {  	_ =	swait.ge [sflag:s12], $0x80  }
0x1ce: {  	[sflag:s12] =	ssyncset.done $0x0  }
0x1cf: {  	[sflag:s12] =	ssyncadd.s32 $0xFFFFFF80  }
.Ltmp1:
0x1d0: {  	_ =	swait.ge [sflag:s12], $0x80;
	(pc) =	sbr.rel @p0 .LBB2_2-.Ltmp1, $4  }
0x1d1: {  	[sflag:s12] =	ssyncset.done $0x0  }
0x1d2: {  	[sflag:s12] =	ssyncadd.s32 $0xFFFFFF80  }
0x1d3: {  	_ =	swait.ge [sflag:s12], $0x80  }
0x1d4: {  	[sflag:s12] =	ssyncset.done $0x0  }
.LBB2_3:
0x1d5: {  	[sflag:s12] =	ssyncadd.s32 $0xFFFFFF80  }
0x1d6: {  	s13 =	stileid.u32;
	s0 =	simm.s32 $0x20;
	[bflag:$0x0] =	sbarrier.arrive $0xFFFF  }
0x1d7: {  	s1 =	simm.s32 $0x10;
	s13 =	sshll.u32 s13, $0x6;
	s11 =	rddreg [dreg:$0x6]  }
0x1d8: {  	s13 =	sor.u32 $0x1C03, s13;
	s16 =	rddreg [dreg:$0x10];
	s14 =	sshrl.u32 s11, $0x3  }
0x1d9: {  	[hbm:s16@s0], [sflag:s13] =	dma.strided [spmem:s14@s1], $0x50, s23, $0x10   }
0x1da: {  	_ =	swait.ge [sflag:s24], $0x50  }
0x1db: {  	[sflag:s24] =	ssyncset.done $0x0;
	s16 =	rddreg [dreg:$0x7]  }
0x1dc: {  	s15 =	rddreg [dreg:$0x11];
	[sflag:s24] =	ssyncadd.s32 $0xFFFFFFB0;
	s25 =	sshrl.u32 s16, $0x3  }
0x1dd: {  	[hbm:s15@s0], [sflag:s13] =	dma.strided [spmem:s25@s1], $0x50, s23, $0x10   }
0x1de: {  	_ =	swait.ge [sflag:s24], $0x50  }
0x1df: {  	s26 =	rddreg [dreg:$0x15]  }
0x1e0: {  	s29 =	rddreg [dreg:$0x12];
	s0 =	sadd.s32 $0x1, s26  }
0x1e1: {  	p0 =	sne.s32 s0, s29  }
.Ltmp2:
0x1e2: {  	_ = 	snop;
	(pc) =	sbr.rel @p0 .LBB2_1-.Ltmp2, $3  }
0x1e3: {  	_ =	sdelay $0x1  }
0x1e4: {  	s7 =	simm.s32 $0x900;
	[sflag:s24] =	ssyncset.done $0x0  }
0x1e5: {  	s14 =	simm.s32 $0xD00;
	s13 =	simm.s32 $0x0;
	[sflag:s24] =	ssyncadd.s32 $0xFFFFFFB0  }
0x1e6: {  	_ =	sfence.sel $0x180000  }
0x1e7: {  	[bflag:$0x0] =	sbarrier.arrive $0xFFFF  }
0x1e8: {  	_ =	strace $0x9000004A  }
0x1e9: {  	s0 =	stileid.u32;
	[bflag:$0x2] =	sbarrier.arrive $0xFFFF  }
0x1ea: {  	p0 =	sne.s32 s0, $0x0;
	s0 =	rddreg [dreg:$0x4]  }
0x1eb: {  	s0 =	sadd.s32 @!p0 $0x100000, s0  }
0x1ec: {  	[sflag:s0] =	ssyncadd.tile.s32 @!p0 $0x1;
	_ =	shalt  }
.Lfunc_end2:
_tile_overlayer_lowered:
.L_overlay_start_2:
0x1ed: {  	(tag) =	ssettag $0x2  }
0x1ee: {  	s0 =	rddreg [dreg:$0x0];
	s2 =	stileid.u32  }
0x1ef: {  	s1 =	rddreg [dreg:$0x1];
	p0 =	sne.s32 s2, $0x0  }
0x1f0: {  	s3 =	rddreg [dreg:$0x2];
	[bflag:$0x3] =	sbarrier.arrive $0xFFFF;
	s2 =	simm.s32 @!p0 $0x1C03  }
0x1f1: {  	[timem:s3], [sflag:s2] =	dma.local @!p0 [hbm:s0], s1  }
0x1f2: {  	s0 =	simm.s32 @!p0 $0x3  }
0x1f3: {  	_ =	swait.ge @!p0 [sflag:s0], s1  }
0x1f4: {  	s1 =	ssub.s32 @!p0 $0x0, s1;
	[sflag:s0] =	ssyncset.done @!p0 $0x0  }
0x1f5: {  	[sflag:s0] =	ssyncadd.s32 @!p0 s1  }
0x1f6: {  	[bflag:$0x3] =	sbarrier.arrive $0xFFFF  }
0x1f7: {  	_ =	shalt  }

// kernel: kernel.7.cloned.1.call-start
scs
__scs_entry_jumppad:
0x0: {  	(pc) =	sbr.rel $0x88, $3  }
0x1: {  	(tag) =	ssettag $0x0;
	lr =	simm.s32 $0x1  }
0x2: {  	[smem:$0x3F99] =	sst lr;
	_ =	strace $0xD0000000  }
0x3: {  	_ = 	snop  }
0x4: {  	_ = 	snop  }
0x5: {  	_ = 	snop  }
0x6: {  	_ = 	snop  }
0x7: {  	_ = 	snop  }
__scs_overlays_trampoline_lowered:
0x8: {  	[smem:$0x3FA8] =	sst s0  }
0x9: {  	[smem:$0x3FA9] =	sst s1  }
0xa: {  	[smem:$0x3FAA] =	sst s2  }
0xb: {  	[smem:$0x3FAB] =	sst s3  }
0xc: {  	[smem:$0x3FAC] =	sst s4  }
0xd: {  	[smem:$0x3FAD] =	sst s5  }
0xe: {  	[smem:$0x3FAE] =	sst s6  }
0xf: {  	[smem:$0x3FAF] =	sst s7  }
0x10: {  	[smem:$0x3FB0] =	sst s8  }
0x11: {  	[smem:$0x3FB1] =	sst s9;
	s0 =	simm.s32 @!p0 $0x0  }
0x12: {  	s1 =	sld [smem:$0x3F97];
	s0 =	simm.s32 @p0 $0x1  }
0x13: {  	[smem:$0x3FB2] =	sst s0;
	s0 =	simm.s32 @!p1 $0x0  }
0x14: {  	s2 =	sld [smem:$0x3F96];
	s0 =	simm.s32 @p1 $0x1  }
0x15: {  	[smem:$0x3FB3] =	sst s0;
	s0 =	simm.s32 @!p2 $0x0  }
0x16: {  	s3 =	sld [smem:$0x3FDB];
	s0 =	simm.s32 @p2 $0x1  }
0x17: {  	s4 =	simm.s32 $0x1BF5;
	[smem:$0x3FB5] =	sst s0  }
0x18: {  	s0 =	sld [smem:$0x3F98];
	_ =	swait.ge [sflag:s4], $0x0  }
0x19: {  	s7 =	sld [smem:$0x3F99]  }
0x1a: {  	s8 =	sadd.s32 $0xFFFFE003, lr  }
0x1b: {  	s9 =	sadd.s32 $0xFFFFFEF7, lr;
	s5 =	simm.s32 $0xFFFFFFFF;
	p2 =	slt.u32 s8, $0xFFFFF086  }
0x1c: {  	p1 =	slt.u32 s9, $0xF7A;
	s5 =	simm.s32 @!p2 $0x0  }
0x1d: {  	s5 =	simm.s32 @p1 $0x1;
	p0 =	seq.s32 s7, s2  }
0x1e: {  	s7 =	smul.u32 @!p0 $0xF7A, s2;
	p2 =	seq.s32 @!p0 s5, $0x0  }
0x1f: {  	s9 =	smul.u32 $0xF7A, s1;
	s8 =	simm.s32 @!p0 $0x1BF5;
	p2 =	por !p2, p0  }
0x20: {  	[sflag:s8] =	ssyncset.s32 @!p0 $0xFFFFF086;
	s6 =	sadd.s32 @!p0 s3, s7;
	s7 =	simm.s32 @!p0 $0x108  }
0x21: {  	s3 =	sadd.s32 s3, s9;
	s6 =	sadd.s32 @!p0 $0x88, s6;
	s7 =	simm.s32 @p2 $0x1082  }
0x22: {  	[simem:s7], [sflag:s8] =	dma.local @!p0 [hbm:s6], $0xF7A  }
0x23: {  	s9 =	sor.u32 $0xD0000000, s2;
	s6 =	simm.s32 $0x108;
	_ =	swait.ge @!p0 [sflag:s8], $0x0  }
0x24: {  	s3 =	sadd.s32 $0x88, s3;
	s6 =	simm.s32 @!p1 $0x1082;
	[sflag:s4] =	ssyncset.s32 $0xFFFFF086  }
0x25: {  	[simem:s6], [sflag:s4] =	dma.local [hbm:s3], $0xF7A  }
0x26: {  	[smem:$0x3F99] =	sst s1;
	(tag) =	ssettag s2;
	_ =	strace s9  }
0x27: {  	s1 =	sld [smem:$0x3FA9]  }
0x28: {  	s2 =	sld [smem:$0x3FAA]  }
0x29: {  	s4 =	sld [smem:$0x3FAC]  }
0x2a: {  	p0 =	seq.s32 s5, $0x0;
	s5 =	sld [smem:$0x3FAD]  }
0x2b: {  	s6 =	sld [smem:$0x3FAE]  }
0x2c: {  	s7 =	sld [smem:$0x3FAF]  }
0x2d: {  	s3 =	simm.s32 $0x108;
	s8 =	sld [smem:$0x3FB0]  }
0x2e: {  	s3 =	simm.s32 @!p0 $0x1082;
	s9 =	sld [smem:$0x3FB1]  }
0x2f: {  	lr =	sadd.s32 s0, s3;
	s0 =	sld [smem:$0x3FA8]  }
0x30: {  	s3 =	sld [smem:$0x3FAB]  }
0x31: {  	[smem:$0x3FB4] =	sst s10  }
0x32: {  	s10 =	sld [smem:$0x3FB2];
	_ =	sdelay $0x3  }
0x33: {  	p0 =	seq.s32 s10, $0x1;
	s10 =	sld [smem:$0x3FB4];
	_ =	sdelay $0x3  }
0x34: {  	[smem:$0x3FB4] =	sst s10  }
0x35: {  	s10 =	sld [smem:$0x3FB3];
	_ =	sdelay $0x3  }
0x36: {  	p1 =	seq.s32 s10, $0x1;
	s10 =	sld [smem:$0x3FB4];
	_ =	sdelay $0x3  }
0x37: {  	[smem:$0x3FB4] =	sst s10  }
0x38: {  	s10 =	sld [smem:$0x3FB5]  }
0x39: {  	_ = 	snop;
	(pc) =	sbr.ind lr, $3  }
0x3a: {  	_ = 	snop  }
0x3b: {  	_ = 	snop  }
0x3c: {  	p2 =	seq.s32 s10, $0x1;
	s10 =	sld [smem:$0x3FB4]  }
0x3d: {  	_ =	shalt  }
0x3e: {  	_ =	shalt  }
0x3f: {  	_ =	shalt  }
0x40: {  	_ =	shalt  }
0x41: {  	_ =	shalt  }
0x42: {  	_ =	shalt  }
0x43: {  	_ =	shalt  }
0x44: {  	_ =	shalt  }
0x45: {  	_ =	shalt  }
0x46: {  	_ =	shalt  }
0x47: {  	_ =	shalt  }
0x48: {  	_ =	shalt  }
0x49: {  	_ =	shalt  }
0x4a: {  	_ =	shalt  }
0x4b: {  	_ =	shalt  }
0x4c: {  	_ =	shalt  }
0x4d: {  	_ =	shalt  }
0x4e: {  	_ =	shalt  }
0x4f: {  	_ =	shalt  }
0x50: {  	_ =	shalt  }
0x51: {  	_ =	shalt  }
0x52: {  	_ =	shalt  }
0x53: {  	_ =	shalt  }
0x54: {  	_ =	shalt  }
0x55: {  	_ =	shalt  }
0x56: {  	_ =	shalt  }
0x57: {  	_ =	shalt  }
0x58: {  	_ =	shalt  }
0x59: {  	_ =	shalt  }
0x5a: {  	_ =	shalt  }
0x5b: {  	_ =	shalt  }
0x5c: {  	_ =	shalt  }
0x5d: {  	_ =	shalt  }
0x5e: {  	_ =	shalt  }
0x5f: {  	_ =	shalt  }
0x60: {  	_ =	shalt  }
0x61: {  	_ =	shalt  }
0x62: {  	_ =	shalt  }
0x63: {  	_ =	shalt  }
0x64: {  	_ =	shalt  }
0x65: {  	_ =	shalt  }
0x66: {  	_ =	shalt  }
0x67: {  	_ =	shalt  }
0x68: {  	_ =	shalt  }
0x69: {  	_ =	shalt  }
0x6a: {  	_ =	shalt  }
0x6b: {  	_ =	shalt  }
0x6c: {  	_ =	shalt  }
0x6d: {  	_ =	shalt  }
0x6e: {  	_ =	shalt  }
0x6f: {  	_ =	shalt  }
0x70: {  	_ =	shalt  }
0x71: {  	_ =	shalt  }
0x72: {  	_ =	shalt  }
0x73: {  	_ =	shalt  }
0x74: {  	_ =	shalt  }
0x75: {  	_ =	shalt  }
0x76: {  	_ =	shalt  }
0x77: {  	_ =	shalt  }
0x78: {  	_ =	shalt  }
0x79: {  	_ =	shalt  }
0x7a: {  	_ =	shalt  }
0x7b: {  	_ =	shalt  }
0x7c: {  	_ =	shalt  }
0x7d: {  	_ =	shalt  }
0x7e: {  	_ =	shalt  }
0x7f: {  	_ =	shalt  }
0x80: {  	_ =	shalt  }
0x81: {  	_ =	shalt  }
0x82: {  	_ =	shalt  }
0x83: {  	_ =	shalt  }
0x84: {  	_ =	shalt  }
0x85: {  	_ =	shalt  }
0x86: {  	_ =	shalt  }
0x87: {  	_ =	shalt  }
.Lfunc_end0:
.L_simem_size_0:
called_computation_lowered:
.L_overlay_start_0:
0x88: {  	s2 =	sld [smem:$0x3FD9]  }
0x89: {  	s3 =	sld [smem:$0x3FFE];
	_ =	sdelay $0x1  }
0x8a: {  	s1 =	srdreg.scid  }
0x8b: {  	s0 =	sand.u32 $0x1, s1  }
0x8c: {  	s16 =	sshll.u32 s0, $0xA;
	s2 =	sadd.s32 s3, s2  }
0x8d: {  	s2 =	sadd.s32 s2, s16  }
0x8e: {  	[smem:$0x3FC0] =	sst s2  }
0x8f: {  	_ = 	snop  }
0x90: {  	(tm) =	ssettm $0x1  }
0x91: {  	s17 =	sld [smem:$0x3FFB];
	_ =	sdelay $0x3  }
0x92: {  	_ =	strace s17  }
0x93: {  	s2 =	sld [smem:$0x3FFC];
	_ =	sdelay $0x3  }
0x94: {  	_ =	strace s2  }
0x95: {  	s2 =	sld [smem:$0x3FFD];
	_ =	sdelay $0x3  }
0x96: {  	_ =	strace s2  }
0x97: {  	_ =	strace $0x8FFFFFFF  }
0x98: {  	s18 =	sld [smem:$0x3FDB];
	_ =	sdelay $0x1  }
0x99: {  	s19 =	simm.s32 $_scs_section_size  }
0x9a: {  	s4 =	simm.s32 $_size__tile_overlayer_lowered;
	s5 =	simm.s32 $_tile_overlayer_lowered  }
0x9b: {  	s22 =	simm.s32 $0x1BFF;
	s21 =	sshll.u32 s5, $0x1;
	s2 =	sadd.s32 s19, s18  }
0x9c: {  	s6 =	simm.s32 $0x0;
	s20 =	sshll.u32 s4, $0x1;
	s4 =	sadd.s32 s21, s2  }
0x9d: {  	[timem:s6], [sflag:s22] =	dma.local [hbm:s4], s20  }
0x9e: {  	_ =	swait.ge [sflag:s22], s20  }
0x9f: {  	s3 =	ssub.s32 $0x0, s20;
	[sflag:s22] =	ssyncset.done $0x0  }
0xa0: {  	[sflag:s22] =	ssyncadd.s32 s3;
	_ =	sdelay $0x1  }
0xa1: {  	s23 =	simm.s32 $0x1B8B  }
0xa2: {  	_ =	swait.ge [sflag:s23], $0x1  }
0xa3: {  	[sflag:s23] =	ssyncset.done $0x0  }
0xa4: {  	s25 =	simm.s32 $0x1B8E;
	s24 =	sld [smem:$0x3FFE];
	[sflag:s23] =	ssyncadd.s32 $0xFFFFFFFF  }
0xa5: {  	s26 =	simm.s32 $execute0_lowered;
	[smem:$0x3FD2] =	sst s25  }
0xa6: {  	s4 =	sshll.u32 s26, $0x1;
	_ =	strace $0x80000046;
	[dreg:$0x1] =	wrdreg $0xFFFFFFFF  }
0xa7: {  	s28 =	simm.s32 $_size_execute0_lowered;
	s2 =	sadd.s32 s2, s4;
	[dreg:$0x0] =	wrdreg $0x0  }
0xa8: {  	s4 =	sshll.u32 s28, $0x1;
	[dreg:$0x2] =	wrdreg s2  }
0xa9: {  	[dreg:$0x3] =	wrdreg s4  }
0xaa: {  	[dreg:$0x4] =	wrdreg $0xC0  }
0xab: {  	_ =	task [dreg:s6], $0x5FFFF  }
0xac: {  	[dreg:$0x1] =	wrdreg $0xFFFFFFFF  }
0xad: {  	[dreg:$0x0] =	wrdreg $0x60  }
0xae: {  	[dreg:$0x2] =	wrdreg s24  }
0xaf: {  	[dreg:$0x3] =	wrdreg $0x0  }
0xb0: {  	[dreg:$0x4] =	wrdreg $0x140000  }
0xb1: {  	[dreg:$0x5] =	wrdreg $0x9  }
0xb2: {  	_ =	task.clear_ibuf [dreg:s6], $0x6FFFF;
	_ =	strace $0x90000046  }
0xb3: {  	s29 =	simm.s32 $0x9;
	_ =	strace $0x80000048  }
0xb4: {  	_ =	swait.ge [sflag:s29], $0x1  }
0xb5: {  	[sflag:s29] =	ssyncadd.s32 $0xFFFFFFFF  }
0xb6: {  	_ =	strace $0x90000048  }
0xb7: {  	_ =	sfence  }
0xb8: {  	s30 =	sld [smem:$0x0];
	_ =	sdelay $0x2  }
0xb9: {  	s31 =	sshll.u32 s1, $0xD;
	s1 =	sshrl.u32 s1, $0x2  }
0xba: {  	s3 =	sand.u32 $0x4000, s31;
	s1 =	sadd.s32 s1, s30  }
0xbb: {  	s0 =	sor.u32 s3, s0;
	s1 =	sshll.u32 s1, $0x11  }
0xbc: {  	s0 =	sor.u32 s1, s0  }
0xbd: {  	s0 =	sadd.s32 $0x8F2B, s0  }
0xbe: {  	[sflag:s0] =	ssyncadd.remote.s32 $0x1  }
0xbf: {  	_ =	sfence.sel $0xFFFF  }
0xc0: {  	[dreg:$0x0] =	wrdreg $0xFFFFFFFF;
	(pc) =	sbr.abs _section_cstart, $3  }
0xc1: {  	[dreg:$0x1] =	wrdreg $0xFFFFFFFF  }
0xc2: {  	_ =	task.clear_ibuf [dreg:s6], $0x2FFFF;
	_ =	strace $0x9FFFFFFF  }
0xc3: {  	(tm) =	ssettm $0x7FFFFFFF  }
tec
execute0_lowered:
.L_overlay_start_1:
0x0: {  	(tag) =	ssettag $0x1  }
0x1: {  	s0 =	rddreg [dreg:$0x0]  }
0x2: {  	s2 =	rddreg [dreg:$0x1];
	s11 =	stileid.u32  }
0x3: {  	s3 =	rddreg [dreg:$0x2];
	s5 =	smul.u32 $0x78, s11  }
0x4: {  	s1 =	srdreg.scid;
	s4 =	simm.s32 $0x0;
	s6 =	smul.u32 $0x28, s11  }
0x5: {  	s19 =	simm.s32 $0x14300;
	s28 =	simm.s32 $0x18A80;
	s8 =	smul.u32 $0x14000, s11  }
0x6: {  	s29 =	simm.s32 $0x1;
	s30 =	simm.s32 $0x1CA80;
	s9 =	smul.u32 $0x280, s11  }
0x7: {  	s31 =	simm.s32 $0x3;
	s1 =	sand.u32 $0x1, s1;
	s11 =	smul.u32 $0x50000, s11  }
0x8: {  	[smem:$0x7FF] =	sst s4;
	s7 =	smul.u32 $0x140000, s1;
	p0 =	seq.s32 s1, $0x0  }
0x9: {  	_ =	strace $0x80000047;
	s22 =	smul.u32 $0x2800, s1;
	s1 =	ssub.s32 $0x2, s1  }
0xa: {  	[dreg:$0x4] =	wrdreg s19;
	s19 =	simm.s32 $0x0;
	s6 =	sadd.s32 $0x780, s6  }
0xb: {  	s10 =	sshrl.u32 s1, $0x1;
	s23 =	sshrl.u32 s11, $0x2;
	s24 =	sadd.s32 $0x80, s9  }
0xc: {  	s26 =	sadd.s32 $0x100, s9;
	s12 =	sadd.s32 s9, s3;
	s13 =	sadd.s32 $0x180, s9  }
0xd: {  	s11 =	simm.s32 $0x14800;
	s6 =	smov.u32 @p0 s5;
	s7 =	sadd.s32 s8, s7  }
0xe: {  	s5 =	sadd.s32 $0x15600, s0;
	s8 =	sadd.s32 s9, s22;
	s1 =	ssub.s32 s1, s10  }
0xf: {  	s21 =	sadd.s32 s23, s2;
	s25 =	sshll.u32 s24, $0x7;
	[dreg:$0xa] =	wrdreg s12  }
0x10: {  	s12 =	sshll.u32 s26, $0x7;
	s10 =	sadd.s32 s24, s3;
	s14 =	sadd.s32 s26, s3  }
0x11: {  	s15 =	sshll.u32 s13, $0x7;
	s9 =	sadd.s32 $0x200, s9;
	s22 =	simm.s32 $0x14380  }
0x12: {  	s24 =	simm.s32 $0x14400;
	s26 =	simm.s32 $0x14500;
	s6 =	sshll.u32 s6, $0x4  }
0x13: {  	s7 =	sshrl.u32 s7, $0x3;
	s8 =	sshrl.u32 s8, $0x3;
	[dreg:$0xc] =	wrdreg s10  }
0x14: {  	[dreg:$0xe] =	wrdreg s14;
	s10 =	sadd.s32 s15, s2;
	s16 =	sshll.u32 s9, $0x7  }
0x15: {  	s17 =	sadd.s32 s9, s3;
	s18 =	smax.u32 s1, $0x1;
	[dreg:$0x5] =	wrdreg s22  }
0x16: {  	s22 =	simm.s32 $0x14A80;
	[dreg:$0x6] =	wrdreg s24;
	s24 =	simm.s32 $0x14280  }
0x17: {  	[dreg:$0x8] =	wrdreg s26;
	s26 =	simm.s32 $0x80;
	s1 =	simm.s32 $0x14700  }
0x18: {  	s6 =	sadd.s32 s6, s0;
	s7 =	sadd.s32 s7, s0;
	[dreg:$0xf] =	wrdreg s10  }
0x19: {  	s0 =	sadd.s32 s8, s0;
	s8 =	simm.s32 $0xF;
	[dreg:$0x12] =	wrdreg s17  }
0x1a: {  	s9 =	simm.s32 $0x4;
	[dreg:$0x15] =	wrdreg s18;
	s8 =	simm.s32 @!p0 $0x5  }
0x1b: {  	s14 =	simm.s32 $0x14900;
	s7 =	sadd.s32 $0x63A00, s7;
	[dreg:$0x9] =	wrdreg s8  }
0x1c: {  	s15 =	simm.s32 $0x14600;
	s0 =	sadd.s32 $0xB3A00, s0;
	[dreg:$0x13] =	wrdreg s7  }
0x1d: {  	s10 =	simm.s32 $0x14780;
	s20 =	sadd.s32 $0x1600, s6;
	[dreg:$0x14] =	wrdreg s0  }
0x1e: {  	s17 =	simm.s32 $0x14A00;
	s23 =	sadd.s32 $0xB600, s6;
	[dreg:$0x16] =	wrdreg s20  }
0x1f: {  	s18 =	simm.s32 $0x5;
	s8 =	sadd.s32 s25, s2;
	[dreg:$0x17] =	wrdreg s23  }
0x20: {  	s25 =	simm.s32 $0x14480;
	s23 =	simm.s32 $0x6;
	[dreg:$0xb] =	wrdreg s8  }
0x21: {  	s0 =	simm.s32 $0x2;
	s8 =	sadd.s32 s12, s2;
	[dreg:$0x7] =	wrdreg s25  }
0x22: {  	s25 =	simm.s32 $0x14680;
	[dreg:$0xd] =	wrdreg s8;
	s8 =	sadd.s32 s13, s3  }
0x23: {  	s12 =	simm.s32 $0x14880;
	[dreg:$0x10] =	wrdreg s8;
	s8 =	sadd.s32 s16, s2  }
0x24: {  	v0 =	vimm.f32 $0.0e+00;
	v1 =	vimm.f32 $1.000000000e+00;
	s13 =	simm.s32 $0x14580;
	s16 =	simm.s32 $0x14980;
	[dreg:$0x11] =	wrdreg s8  }
.LBB2_1:
0x25: {  	s7 =	simm.s32 $0x0;
	s20 =	simm.s32 $0x200  }
.LBB2_2:
0x26: {  	p0 =	sne.s32 s20, $0xFE00;
	[tilespmem:s7+$0x14AF0] =	vst v0  }
0x27: {  	[tilespmem:s7+$0x14A80] =	vst v0  }
0x28: {  	[tilespmem:s7+$0x14A90] =	vst v0  }
.Ltmp0:
0x29: {  	[tilespmem:s7+$0x14AA0] =	vst v0;
	(pc) =	sbr.rel @p0 .LBB2_2-.Ltmp0, $4  }
0x2a: {  	[tilespmem:s7+$0x14AB0] =	vst v0  }
0x2b: {  	[tilespmem:s7+$0x14AC0] =	vst v0  }
0x2c: {  	[tilespmem:s7+$0x14AD0] =	vst v0  }
0x2d: {  	[tilespmem:s7+$0x14AE0] =	vst v0;
	s7 =	sshra.s32 s20, $0x2;
	s20 =	sadd.s32 $0x200, s20  }
0x2e: {  	[tilespmem:s7+$0x14AF0] =	vst v0  }
0x2f: {  	[tilespmem:s7+$0x14A80] =	vst v0  }
0x30: {  	[tilespmem:s7+$0x14A90] =	vst v0  }
0x31: {  	[tilespmem:s7+$0x14AA0] =	vst v0  }
0x32: {  	[tilespmem:s7+$0x14AB0] =	vst v0  }
0x33: {  	[tilespmem:s7+$0x14AC0] =	vst v0  }
0x34: {  	[tilespmem:s7+$0x14AD0] =	vst v0  }
0x35: {  	[tilespmem:s7+$0x14AE0] =	vst v0  }
0x36: {  	[tilespmem:$0x1CA80] =	vst v1  }
0x37: {  	[tilespmem:$0x1CA90] =	vst v1  }
0x38: {  	[tilespmem:$0x1CAA0] =	vst v1  }
0x39: {  	[tilespmem:$0x1CAB0] =	vst v1  }
0x3a: {  	[tilespmem:$0x1CAC0] =	vst v1  }
0x3b: {  	[tilespmem:$0x1CAD0] =	vst v1  }
0x3c: {  	[tilespmem:$0x1CAE0] =	vst v1  }
0x3d: {  	[tilespmem:$0x1CAF0] =	vst v1  }
0x3e: {  	[spmem:s21] =	stream.linear.scatter [tilespmem:s22], [sflag:$0x6], $0x4000, $0x38;
	[tilespmem:$0x1CB00] =	vst v63  }
0x3f: {  	_ =	swait.ge [sflag:s23], $0x4000  }
0x40: {  	[sflag:s23] =	ssyncset.done $0x0  }
0x41: {  	s8 =	rddreg [dreg:$0xa];
	[sflag:s23] =	ssyncadd.s32 $0xFFFFC000  }
0x42: {  	[spmem:s8] =	stream.linear.scatter [tilespmem:s22], [sflag:$0x6], $0x80, $0x38;
	[tilespmem:$0x1CB00] =	vst v63  }
0x43: {  	_ =	swait.ge [sflag:s23], $0x80  }
0x44: {  	[sflag:s23] =	ssyncset.done $0x0  }
0x45: {  	s20 =	rddreg [dreg:$0xb];
	[sflag:s23] =	ssyncadd.s32 $0xFFFFFF80  }
0x46: {  	[spmem:s20] =	stream.linear.scatter [tilespmem:s22], [sflag:$0x6], $0x4000, $0x38;
	[tilespmem:$0x1CB00] =	vst v63  }
0x47: {  	_ =	swait.ge [sflag:s23], $0x4000  }
0x48: {  	[sflag:s23] =	ssyncset.done $0x0  }
0x49: {  	s6 =	smov.u32 s21;
	s21 =	rddreg [dreg:$0xc];
	[sflag:s23] =	ssyncadd.s32 $0xFFFFC000  }
0x4a: {  	[spmem:s21] =	stream.linear.scatter [tilespmem:s22], [sflag:$0x6], $0x80, $0x38;
	[tilespmem:$0x1CB00] =	vst v63  }
0x4b: {  	_ =	swait.ge [sflag:s23], $0x80  }
0x4c: {  	[sflag:s23] =	ssyncset.done $0x0  }
0x4d: {  	s8 =	rddreg [dreg:$0xd];
	[sflag:s23] =	ssyncadd.s32 $0xFFFFFF80  }
0x4e: {  	[spmem:s8] =	stream.linear.scatter [tilespmem:s22], [sflag:$0x6], $0x4000, $0x38;
	[tilespmem:$0x1CB00] =	vst v63  }
0x4f: {  	_ =	swait.ge [sflag:s23], $0x4000  }
0x50: {  	[sflag:s23] =	ssyncset.done $0x0  }
0x51: {  	s20 =	rddreg [dreg:$0xe];
	[sflag:s23] =	ssyncadd.s32 $0xFFFFC000  }
0x52: {  	[spmem:s20] =	stream.linear.scatter [tilespmem:s22], [sflag:$0x6], $0x80, $0x38;
	[tilespmem:$0x1CB00] =	vst v63  }
0x53: {  	_ =	swait.ge [sflag:s23], $0x80  }
0x54: {  	[sflag:s23] =	ssyncset.done $0x0  }
0x55: {  	s21 =	rddreg [dreg:$0xf];
	[sflag:s23] =	ssyncadd.s32 $0xFFFFFF80  }
0x56: {  	[spmem:s21] =	stream.linear.scatter [tilespmem:s22], [sflag:$0x6], $0x4000, $0x38;
	[tilespmem:$0x1CB00] =	vst v63  }
0x57: {  	_ =	swait.ge [sflag:s23], $0x4000  }
0x58: {  	[sflag:s23] =	ssyncset.done $0x0  }
0x59: {  	s8 =	rddreg [dreg:$0x10];
	[sflag:s23] =	ssyncadd.s32 $0xFFFFC000  }
0x5a: {  	[spmem:s8] =	stream.linear.scatter [tilespmem:s22], [sflag:$0x6], $0x80, $0x38;
	[tilespmem:$0x1CB00] =	vst v63  }
0x5b: {  	_ =	swait.ge [sflag:s23], $0x80  }
0x5c: {  	[sflag:s23] =	ssyncset.done $0x0  }
0x5d: {  	s20 =	rddreg [dreg:$0x11];
	[sflag:s23] =	ssyncadd.s32 $0xFFFFFF80  }
0x5e: {  	[spmem:s20] =	stream.linear.scatter [tilespmem:s22], [sflag:$0x6], $0x4000, $0x38;
	[tilespmem:$0x1CB00] =	vst v63  }
0x5f: {  	_ =	swait.ge [sflag:s23], $0x4000  }
0x60: {  	[sflag:s23] =	ssyncset.done $0x0  }
0x61: {  	s21 =	rddreg [dreg:$0x12];
	[sflag:s23] =	ssyncadd.s32 $0xFFFFC000  }
0x62: {  	[spmem:s21] =	stream.linear.scatter [tilespmem:s22], [sflag:$0x6], $0x80, $0x38;
	[tilespmem:$0x1CB00] =	vst v63  }
0x63: {  	_ =	swait.ge [sflag:s23], $0x80  }
0x64: {  	[sflag:s23] =	ssyncset.done $0x0  }
0x65: {  	[sflag:s23] =	ssyncadd.s32 $0xFFFFFF80  }
0x66: {  	[bflag:$0x0] =	sbarrier.arrive $0xFFFF  }
0x67: {  	s21 =	rddreg [dreg:$0x17]  }
0x68: {  	[tilespmem:s24], [sflag:$0x6] =	stream.linear.gather [hbm4b:s21+s4], $0x400, $0x38;
	[tilespmem:$0x1CB00] =	vst v63  }
0x69: {  	_ =	swait.ge [sflag:s23], $0x400  }
0x6a: {  	[sflag:s23] =	ssyncset.done $0x0  }
0x6b: {  	s20 =	rddreg [dreg:$0x16];
	[sflag:s23] =	ssyncadd.s32 $0xFFFFFC00  }
0x6c: {  	[tilespmem:s25], [sflag:$0x6] =	stream.linear.gather [hbm4b:s20+s4], $0x400, $0x38;
	[tilespmem:$0x1CB00] =	vst v63  }
0x6d: {  	_ =	swait.ge [sflag:s23], $0x400  }
0x6e: {  	[sflag:s23] =	ssyncset.done $0x0  }
0x6f: {  	[sflag:s23] =	ssyncadd.s32 $0xFFFFFC00  }
0x70: {  	[tilespmem:s22], [sflag:$0x1] =	stream.indirect.gather [hbm4b:s5+s26], $0x80, s24, s26, $0xb8;
	[tilespmem:$0x1CB00] =	vst v63  }
0x71: {  	s8 =	rddreg [dreg:$0x4]  }
0x72: {  	[tilespmem:s28], [sflag:$0x2] =	stream.indirect.gather [hbm4b:s5+s26], $0x80, s8, s26, $0xb8;
	[tilespmem:$0x1CB00] =	vst v63  }
0x73: {  	_ =	swait.ge [sflag:s29], $0x4000  }
0x74: {  	[sflag:s29] =	ssyncset.done $0x0  }
0x75: {  	[sflag:s29] =	ssyncadd.s32 $0xFFFFC000  }
0x76: {  	[spmem:s2] =	stream.indirect.scatter.add.f32 [tilespmem:s22], [sflag:$0x3], $0x80, s25, s26, $0xb8;
	[tilespmem:$0x1CB00] =	vst v63  }
0x77: {  	_ = 	snop  }
0x78: {  	[spmem:s3] =	stream.indirect.scatter.add.f32 [tilespmem:s30], [sflag:$0x5], $0x1, s25, s26, $0xb8;
	[tilespmem:$0x1CB00] =	vst v63  }
0x79: {  	_ =	swait.ge [sflag:s31], $0x4000  }
0x7a: {  	[sflag:s31] =	ssyncset.done $0x0  }
0x7b: {  	s8 =	rddreg [dreg:$0x5];
	[sflag:s31] =	ssyncadd.s32 $0xFFFFC000  }
0x7c: {  	[tilespmem:s22], [sflag:$0x1] =	stream.indirect.gather [hbm4b:s5+s26], $0x80, s8, s26, $0xb8;
	[tilespmem:$0x1CB00] =	vst v63  }
0x7d: {  	_ =	swait.ge [sflag:s0], $0x4000  }
0x7e: {  	[sflag:s0] =	ssyncset.done $0x0  }
0x7f: {  	[sflag:s0] =	ssyncadd.s32 $0xFFFFC000  }
0x80: {  	[spmem:s2] =	stream.indirect.scatter.add.f32 [tilespmem:s28], [sflag:$0x4], $0x80, s1, s26, $0xb8;
	[tilespmem:$0x1CB00] =	vst v63  }
0x81: {  	_ = 	snop  }
0x82: {  	[spmem:s3] =	stream.indirect.scatter.add.f32 [tilespmem:s30], [sflag:$0x5], $0x1, s1, s26, $0xb8;
	[tilespmem:$0x1CB00] =	vst v63  }
0x83: {  	_ =	swait.ge [sflag:s9], $0x4000  }
0x84: {  	[sflag:s9] =	ssyncset.done $0x0  }
0x85: {  	s8 =	rddreg [dreg:$0x6];
	[sflag:s9] =	ssyncadd.s32 $0xFFFFC000  }
0x86: {  	[tilespmem:s28], [sflag:$0x2] =	stream.indirect.gather [hbm4b:s5+s26], $0x80, s8, s26, $0xb8;
	[tilespmem:$0x1CB00] =	vst v63  }
0x87: {  	_ =	swait.ge [sflag:s29], $0x4000  }
0x88: {  	[sflag:s29] =	ssyncset.done $0x0  }
0x89: {  	[sflag:s29] =	ssyncadd.s32 $0xFFFFC000  }
0x8a: {  	[spmem:s2] =	stream.indirect.scatter.add.f32 [tilespmem:s22], [sflag:$0x3], $0x80, s10, s26, $0xb8;
	[tilespmem:$0x1CB00] =	vst v63  }
0x8b: {  	_ = 	snop  }
0x8c: {  	[spmem:s3] =	stream.indirect.scatter.add.f32 [tilespmem:s30], [sflag:$0x5], $0x1, s10, s26, $0xb8;
	[tilespmem:$0x1CB00] =	vst v63  }
0x8d: {  	_ =	swait.ge [sflag:s31], $0x4000  }
0x8e: {  	[sflag:s31] =	ssyncset.done $0x0  }
0x8f: {  	s8 =	rddreg [dreg:$0x7];
	[sflag:s31] =	ssyncadd.s32 $0xFFFFC000  }
0x90: {  	[tilespmem:s22], [sflag:$0x1] =	stream.indirect.gather [hbm4b:s5+s26], $0x80, s8, s26, $0xb8;
	[tilespmem:$0x1CB00] =	vst v63  }
0x91: {  	_ =	swait.ge [sflag:s0], $0x4000  }
0x92: {  	[sflag:s0] =	ssyncset.done $0x0  }
0x93: {  	[sflag:s0] =	ssyncadd.s32 $0xFFFFC000  }
0x94: {  	[spmem:s2] =	stream.indirect.scatter.add.f32 [tilespmem:s28], [sflag:$0x4], $0x80, s11, s26, $0xb8;
	[tilespmem:$0x1CB00] =	vst v63  }
0x95: {  	_ = 	snop  }
0x96: {  	[spmem:s3] =	stream.indirect.scatter.add.f32 [tilespmem:s30], [sflag:$0x5], $0x1, s11, s26, $0xb8;
	[tilespmem:$0x1CB00] =	vst v63  }
0x97: {  	_ =	swait.ge [sflag:s9], $0x4000  }
0x98: {  	[sflag:s9] =	ssyncset.done $0x0  }
0x99: {  	s8 =	rddreg [dreg:$0x8];
	[sflag:s9] =	ssyncadd.s32 $0xFFFFC000  }
0x9a: {  	[tilespmem:s28], [sflag:$0x2] =	stream.indirect.gather [hbm4b:s5+s26], $0x80, s8, s26, $0xb8;
	[tilespmem:$0x1CB00] =	vst v63  }
0x9b: {  	_ =	swait.ge [sflag:s29], $0x4000  }
0x9c: {  	[sflag:s29] =	ssyncset.done $0x0  }
0x9d: {  	[sflag:s29] =	ssyncadd.s32 $0xFFFFC000  }
0x9e: {  	[spmem:s2] =	stream.indirect.scatter.add.f32 [tilespmem:s22], [sflag:$0x3], $0x80, s12, s26, $0xb8;
	[tilespmem:$0x1CB00] =	vst v63  }
0x9f: {  	_ = 	snop  }
0xa0: {  	[spmem:s3] =	stream.indirect.scatter.add.f32 [tilespmem:s30], [sflag:$0x5], $0x1, s12, s26, $0xb8;
	[tilespmem:$0x1CB00] =	vst v63  }
0xa1: {  	_ =	swait.ge [sflag:s31], $0x4000  }
0xa2: {  	[sflag:s31] =	ssyncset.done $0x0  }
0xa3: {  	[sflag:s31] =	ssyncadd.s32 $0xFFFFC000  }
0xa4: {  	[tilespmem:s22], [sflag:$0x1] =	stream.indirect.gather [hbm4b:s5+s26], $0x80, s13, s26, $0xb8;
	[tilespmem:$0x1CB00] =	vst v63  }
0xa5: {  	_ =	swait.ge [sflag:s0], $0x4000  }
0xa6: {  	[sflag:s0] =	ssyncset.done $0x0  }
0xa7: {  	[sflag:s0] =	ssyncadd.s32 $0xFFFFC000  }
0xa8: {  	[spmem:s2] =	stream.indirect.scatter.add.f32 [tilespmem:s28], [sflag:$0x4], $0x80, s14, s26, $0xb8;
	[tilespmem:$0x1CB00] =	vst v63  }
0xa9: {  	_ = 	snop  }
0xaa: {  	[spmem:s3] =	stream.indirect.scatter.add.f32 [tilespmem:s30], [sflag:$0x5], $0x1, s14, s26, $0xb8;
	[tilespmem:$0x1CB00] =	vst v63  }
0xab: {  	_ =	swait.ge [sflag:s9], $0x4000  }
0xac: {  	[sflag:s9] =	ssyncset.done $0x0  }
0xad: {  	[sflag:s9] =	ssyncadd.s32 $0xFFFFC000  }
0xae: {  	[tilespmem:s28], [sflag:$0x2] =	stream.indirect.gather [hbm4b:s5+s26], $0x80, s15, s26, $0xb8;
	[tilespmem:$0x1CB00] =	vst v63  }
0xaf: {  	_ =	swait.ge [sflag:s29], $0x4000  }
0xb0: {  	[sflag:s29] =	ssyncset.done $0x0  }
0xb1: {  	[sflag:s29] =	ssyncadd.s32 $0xFFFFC000  }
0xb2: {  	[spmem:s2] =	stream.indirect.scatter.add.f32 [tilespmem:s22], [sflag:$0x3], $0x80, s16, s26, $0xb8;
	[tilespmem:$0x1CB00] =	vst v63  }
0xb3: {  	_ = 	snop  }
0xb4: {  	[spmem:s3] =	stream.indirect.scatter.add.f32 [tilespmem:s30], [sflag:$0x5], $0x1, s16, s26, $0xb8;
	[tilespmem:$0x1CB00] =	vst v63  }
0xb5: {  	_ =	swait.ge [sflag:s0], $0x4000  }
0xb6: {  	[sflag:s0] =	ssyncset.done $0x0  }
0xb7: {  	[sflag:s0] =	ssyncadd.s32 $0xFFFFC000  }
0xb8: {  	[spmem:s2] =	stream.indirect.scatter.add.f32 [tilespmem:s28], [sflag:$0x4], $0x80, s17, s26, $0xb8;
	[tilespmem:$0x1CB00] =	vst v63  }
0xb9: {  	_ = 	snop  }
0xba: {  	[spmem:s3] =	stream.indirect.scatter.add.f32 [tilespmem:s30], [sflag:$0x5], $0x1, s17, s26, $0xb8;
	[tilespmem:$0x1CB00] =	vst v63  }
0xbb: {  	_ =	swait.ge [sflag:s31], $0x4000  }
0xbc: {  	[sflag:s31] =	ssyncset.done $0x0  }
0xbd: {  	[sflag:s31] =	ssyncadd.s32 $0xFFFFC000  }
0xbe: {  	_ =	swait.ge [sflag:s9], $0x4000  }
0xbf: {  	[sflag:s9] =	ssyncset.done $0x0  }
0xc0: {  	[sflag:s9] =	ssyncadd.s32 $0xFFFFC000  }
0xc1: {  	_ =	swait.ge [sflag:s18], $0x80  }
0xc2: {  	[sflag:s18] =	ssyncset.done $0x0  }
0xc3: {  	[sflag:s18] =	ssyncadd.s32 $0xFFFFFF80  }
0xc4: {  	_ =	swait.ge [sflag:s18], $0x80  }
0xc5: {  	[sflag:s18] =	ssyncset.done $0x0  }
0xc6: {  	[sflag:s18] =	ssyncadd.s32 $0xFFFFFF80  }
0xc7: {  	_ =	swait.ge [sflag:s18], $0x80  }
0xc8: {  	[sflag:s18] =	ssyncset.done $0x0  }
0xc9: {  	[sflag:s18] =	ssyncadd.s32 $0xFFFFFF80  }
0xca: {  	_ =	swait.ge [sflag:s18], $0x80  }
0xcb: {  	[sflag:s18] =	ssyncset.done $0x0  }
0xcc: {  	[sflag:s18] =	ssyncadd.s32 $0xFFFFFF80  }
0xcd: {  	_ =	swait.ge [sflag:s18], $0x80  }
0xce: {  	[sflag:s18] =	ssyncset.done $0x0  }
0xcf: {  	[sflag:s18] =	ssyncadd.s32 $0xFFFFFF80  }
0xd0: {  	_ =	swait.ge [sflag:s18], $0x80  }
0xd1: {  	[sflag:s18] =	ssyncset.done $0x0  }
0xd2: {  	[sflag:s18] =	ssyncadd.s32 $0xFFFFFF80  }
0xd3: {  	_ =	swait.ge [sflag:s18], $0x80  }
0xd4: {  	s8 =	rddreg [dreg:$0x9]  }
0xd5: {  	p0 =	sne.s32 s8, $0x1  }
.Ltmp1:
0xd6: {  	_ = 	snop;
	(pc) =	sbr.rel @!p0 .LBB2_5-.Ltmp1, $4  }
0xd7: {  	[sflag:s18] =	ssyncset.done $0x0  }
0xd8: {  	[sflag:s18] =	ssyncadd.s32 $0xFFFFFF80  }
0xd9: {  	_ =	swait.ge [sflag:s18], $0x80  }
0xda: {  	s7 =	sadd.s32 $0xFFFFFFFF, s8;
	[sflag:s18] =	ssyncset.done $0x0  }
.LBB2_4:
0xdb: {  	[sflag:s18] =	ssyncadd.s32 $0xFFFFFF80;
	s21 =	sadd.s32 $0x80, s21  }
0xdc: {  	[tilespmem:s24], [sflag:$0x6] =	stream.linear.gather [hbm4b:s21+s4], $0x400, $0x38;
	[tilespmem:$0x1CB00] =	vst v63  }
0xdd: {  	_ =	swait.ge [sflag:s23], $0x400  }
0xde: {  	[sflag:s23] =	ssyncset.done $0x0  }
0xdf: {  	s20 =	sadd.s32 $0x80, s20;
	[sflag:s23] =	ssyncadd.s32 $0xFFFFFC00  }
0xe0: {  	[tilespmem:s25], [sflag:$0x6] =	stream.linear.gather [hbm4b:s20+s4], $0x400, $0x38;
	[tilespmem:$0x1CB00] =	vst v63  }
0xe1: {  	_ =	swait.ge [sflag:s23], $0x400  }
0xe2: {  	[sflag:s23] =	ssyncset.done $0x0  }
0xe3: {  	[sflag:s23] =	ssyncadd.s32 $0xFFFFFC00  }
0xe4: {  	[tilespmem:s22], [sflag:$0x1] =	stream.indirect.gather [hbm4b:s5+s26], $0x80, s24, s26, $0xb8;
	[tilespmem:$0x1CB00] =	vst v63  }
0xe5: {  	s8 =	rddreg [dreg:$0x4]  }
0xe6: {  	[tilespmem:s28], [sflag:$0x2] =	stream.indirect.gather [hbm4b:s5+s26], $0x80, s8, s26, $0xb8;
	[tilespmem:$0x1CB00] =	vst v63  }
0xe7: {  	_ =	swait.ge [sflag:s29], $0x4000  }
0xe8: {  	[sflag:s29] =	ssyncset.done $0x0  }
0xe9: {  	[sflag:s29] =	ssyncadd.s32 $0xFFFFC000  }
0xea: {  	[spmem:s2] =	stream.indirect.scatter.add.f32 [tilespmem:s22], [sflag:$0x3], $0x80, s25, s26, $0xb8;
	[tilespmem:$0x1CB00] =	vst v63  }
0xeb: {  	_ = 	snop  }
0xec: {  	[spmem:s3] =	stream.indirect.scatter.add.f32 [tilespmem:s30], [sflag:$0x5], $0x1, s25, s26, $0xb8;
	[tilespmem:$0x1CB00] =	vst v63  }
0xed: {  	_ =	swait.ge [sflag:s31], $0x4000  }
0xee: {  	[sflag:s31] =	ssyncset.done $0x0  }
0xef: {  	s8 =	rddreg [dreg:$0x5];
	[sflag:s31] =	ssyncadd.s32 $0xFFFFC000  }
0xf0: {  	[tilespmem:s22], [sflag:$0x1] =	stream.indirect.gather [hbm4b:s5+s26], $0x80, s8, s26, $0xb8;
	[tilespmem:$0x1CB00] =	vst v63  }
0xf1: {  	_ =	swait.ge [sflag:s0], $0x4000  }
0xf2: {  	[sflag:s0] =	ssyncset.done $0x0  }
0xf3: {  	[sflag:s0] =	ssyncadd.s32 $0xFFFFC000  }
0xf4: {  	[spmem:s2] =	stream.indirect.scatter.add.f32 [tilespmem:s28], [sflag:$0x4], $0x80, s1, s26, $0xb8;
	[tilespmem:$0x1CB00] =	vst v63  }
0xf5: {  	_ = 	snop  }
0xf6: {  	[spmem:s3] =	stream.indirect.scatter.add.f32 [tilespmem:s30], [sflag:$0x5], $0x1, s1, s26, $0xb8;
	[tilespmem:$0x1CB00] =	vst v63  }
0xf7: {  	_ =	swait.ge [sflag:s9], $0x4000  }
0xf8: {  	[sflag:s9] =	ssyncset.done $0x0  }
0xf9: {  	s8 =	rddreg [dreg:$0x6];
	[sflag:s9] =	ssyncadd.s32 $0xFFFFC000  }
0xfa: {  	[tilespmem:s28], [sflag:$0x2] =	stream.indirect.gather [hbm4b:s5+s26], $0x80, s8, s26, $0xb8;
	[tilespmem:$0x1CB00] =	vst v63  }
0xfb: {  	_ =	swait.ge [sflag:s29], $0x4000  }
0xfc: {  	[sflag:s29] =	ssyncset.done $0x0  }
0xfd: {  	[sflag:s29] =	ssyncadd.s32 $0xFFFFC000  }
0xfe: {  	[spmem:s2] =	stream.indirect.scatter.add.f32 [tilespmem:s22], [sflag:$0x3], $0x80, s10, s26, $0xb8;
	[tilespmem:$0x1CB00] =	vst v63  }
0xff: {  	_ = 	snop  }
0x100: {  	[spmem:s3] =	stream.indirect.scatter.add.f32 [tilespmem:s30], [sflag:$0x5], $0x1, s10, s26, $0xb8;
	[tilespmem:$0x1CB00] =	vst v63  }
0x101: {  	_ =	swait.ge [sflag:s31], $0x4000  }
0x102: {  	[sflag:s31] =	ssyncset.done $0x0  }
0x103: {  	s8 =	rddreg [dreg:$0x7];
	[sflag:s31] =	ssyncadd.s32 $0xFFFFC000  }
0x104: {  	[tilespmem:s22], [sflag:$0x1] =	stream.indirect.gather [hbm4b:s5+s26], $0x80, s8, s26, $0xb8;
	[tilespmem:$0x1CB00] =	vst v63  }
0x105: {  	_ =	swait.ge [sflag:s0], $0x4000  }
0x106: {  	[sflag:s0] =	ssyncset.done $0x0  }
0x107: {  	[sflag:s0] =	ssyncadd.s32 $0xFFFFC000  }
0x108: {  	[spmem:s2] =	stream.indirect.scatter.add.f32 [tilespmem:s28], [sflag:$0x4], $0x80, s11, s26, $0xb8;
	[tilespmem:$0x1CB00] =	vst v63  }
0x109: {  	_ = 	snop  }
0x10a: {  	[spmem:s3] =	stream.indirect.scatter.add.f32 [tilespmem:s30], [sflag:$0x5], $0x1, s11, s26, $0xb8;
	[tilespmem:$0x1CB00] =	vst v63  }
0x10b: {  	_ =	swait.ge [sflag:s9], $0x4000  }
0x10c: {  	[sflag:s9] =	ssyncset.done $0x0  }
0x10d: {  	s8 =	rddreg [dreg:$0x8];
	[sflag:s9] =	ssyncadd.s32 $0xFFFFC000  }
0x10e: {  	[tilespmem:s28], [sflag:$0x2] =	stream.indirect.gather [hbm4b:s5+s26], $0x80, s8, s26, $0xb8;
	[tilespmem:$0x1CB00] =	vst v63  }
0x10f: {  	_ =	swait.ge [sflag:s29], $0x4000  }
0x110: {  	[sflag:s29] =	ssyncset.done $0x0  }
0x111: {  	[sflag:s29] =	ssyncadd.s32 $0xFFFFC000  }
0x112: {  	[spmem:s2] =	stream.indirect.scatter.add.f32 [tilespmem:s22], [sflag:$0x3], $0x80, s12, s26, $0xb8;
	[tilespmem:$0x1CB00] =	vst v63  }
0x113: {  	_ = 	snop  }
0x114: {  	[spmem:s3] =	stream.indirect.scatter.add.f32 [tilespmem:s30], [sflag:$0x5], $0x1, s12, s26, $0xb8;
	[tilespmem:$0x1CB00] =	vst v63  }
0x115: {  	_ =	swait.ge [sflag:s31], $0x4000  }
0x116: {  	[sflag:s31] =	ssyncset.done $0x0  }
0x117: {  	[sflag:s31] =	ssyncadd.s32 $0xFFFFC000  }
0x118: {  	[tilespmem:s22], [sflag:$0x1] =	stream.indirect.gather [hbm4b:s5+s26], $0x80, s13, s26, $0xb8;
	[tilespmem:$0x1CB00] =	vst v63  }
0x119: {  	_ =	swait.ge [sflag:s0], $0x4000  }
0x11a: {  	[sflag:s0] =	ssyncset.done $0x0  }
0x11b: {  	[sflag:s0] =	ssyncadd.s32 $0xFFFFC000  }
0x11c: {  	[spmem:s2] =	stream.indirect.scatter.add.f32 [tilespmem:s28], [sflag:$0x4], $0x80, s14, s26, $0xb8;
	[tilespmem:$0x1CB00] =	vst v63  }
0x11d: {  	_ = 	snop  }
0x11e: {  	[spmem:s3] =	stream.indirect.scatter.add.f32 [tilespmem:s30], [sflag:$0x5], $0x1, s14, s26, $0xb8;
	[tilespmem:$0x1CB00] =	vst v63  }
0x11f: {  	_ =	swait.ge [sflag:s9], $0x4000  }
0x120: {  	[sflag:s9] =	ssyncset.done $0x0  }
0x121: {  	[sflag:s9] =	ssyncadd.s32 $0xFFFFC000  }
0x122: {  	[tilespmem:s28], [sflag:$0x2] =	stream.indirect.gather [hbm4b:s5+s26], $0x80, s15, s26, $0xb8;
	[tilespmem:$0x1CB00] =	vst v63  }
0x123: {  	_ =	swait.ge [sflag:s29], $0x4000  }
0x124: {  	[sflag:s29] =	ssyncset.done $0x0  }
0x125: {  	[sflag:s29] =	ssyncadd.s32 $0xFFFFC000  }
0x126: {  	[spmem:s2] =	stream.indirect.scatter.add.f32 [tilespmem:s22], [sflag:$0x3], $0x80, s16, s26, $0xb8;
	[tilespmem:$0x1CB00] =	vst v63  }
0x127: {  	_ = 	snop  }
0x128: {  	[spmem:s3] =	stream.indirect.scatter.add.f32 [tilespmem:s30], [sflag:$0x5], $0x1, s16, s26, $0xb8;
	[tilespmem:$0x1CB00] =	vst v63  }
0x129: {  	_ =	swait.ge [sflag:s0], $0x4000  }
0x12a: {  	[sflag:s0] =	ssyncset.done $0x0  }
0x12b: {  	[sflag:s0] =	ssyncadd.s32 $0xFFFFC000  }
0x12c: {  	[spmem:s2] =	stream.indirect.scatter.add.f32 [tilespmem:s28], [sflag:$0x4], $0x80, s17, s26, $0xb8;
	[tilespmem:$0x1CB00] =	vst v63  }
0x12d: {  	_ = 	snop  }
0x12e: {  	[spmem:s3] =	stream.indirect.scatter.add.f32 [tilespmem:s30], [sflag:$0x5], $0x1, s17, s26, $0xb8;
	[tilespmem:$0x1CB00] =	vst v63  }
0x12f: {  	_ =	swait.ge [sflag:s31], $0x4000  }
0x130: {  	[sflag:s31] =	ssyncset.done $0x0  }
0x131: {  	[sflag:s31] =	ssyncadd.s32 $0xFFFFC000  }
0x132: {  	_ =	swait.ge [sflag:s9], $0x4000  }
0x133: {  	[sflag:s9] =	ssyncset.done $0x0  }
0x134: {  	[sflag:s9] =	ssyncadd.s32 $0xFFFFC000  }
0x135: {  	_ =	swait.ge [sflag:s18], $0x80  }
0x136: {  	[sflag:s18] =	ssyncset.done $0x0  }
0x137: {  	[sflag:s18] =	ssyncadd.s32 $0xFFFFFF80  }
0x138: {  	_ =	swait.ge [sflag:s18], $0x80  }
0x139: {  	[sflag:s18] =	ssyncset.done $0x0  }
0x13a: {  	[sflag:s18] =	ssyncadd.s32 $0xFFFFFF80  }
0x13b: {  	_ =	swait.ge [sflag:s18], $0x80  }
0x13c: {  	[sflag:s18] =	ssyncset.done $0x0  }
0x13d: {  	[sflag:s18] =	ssyncadd.s32 $0xFFFFFF80  }
0x13e: {  	_ =	swait.ge [sflag:s18], $0x80  }
0x13f: {  	[sflag:s18] =	ssyncset.done $0x0  }
0x140: {  	[sflag:s18] =	ssyncadd.s32 $0xFFFFFF80  }
0x141: {  	_ =	swait.ge [sflag:s18], $0x80  }
0x142: {  	[sflag:s18] =	ssyncset.done $0x0  }
0x143: {  	[sflag:s18] =	ssyncadd.s32 $0xFFFFFF80  }
0x144: {  	_ =	swait.ge [sflag:s18], $0x80  }
0x145: {  	[sflag:s18] =	ssyncset.done $0x0  }
0x146: {  	p0 =	sne.s32 s7, $0x1;
	[sflag:s18] =	ssyncadd.s32 $0xFFFFFF80  }
.Ltmp2:
0x147: {  	_ =	swait.ge [sflag:s18], $0x80;
	(pc) =	sbr.rel @p0 .LBB2_4-.Ltmp2, $4  }
0x148: {  	[sflag:s18] =	ssyncset.done $0x0  }
0x149: {  	[sflag:s18] =	ssyncadd.s32 $0xFFFFFF80  }
0x14a: {  	_ =	swait.ge [sflag:s18], $0x80  }
0x14b: {  	s7 =	sadd.s32 $0xFFFFFFFF, s7;
	[sflag:s18] =	ssyncset.done $0x0  }
.LBB2_5:
0x14c: {  	[sflag:s18] =	ssyncadd.s32 $0xFFFFFF80;
	s7 =	stileid.u32  }
0x14d: {  	s7 =	sshll.u32 s7, $0x6;
	[bflag:$0x0] =	sbarrier.arrive $0xFFFF  }
0x14e: {  	s8 =	sshrl.u32 s6, $0x3;
	s7 =	sor.u32 $0x1C06, s7;
	s20 =	rddreg [dreg:$0x13]  }
0x14f: {  	[hbm:s20], [sflag:s7] =	dma.local [spmem:s8], $0x2800  }
0x150: {  	_ =	swait.ge [sflag:s23], $0x2800  }
0x151: {  	s21 =	smov.u32 s6;
	[sflag:s23] =	ssyncset.done $0x0;
	s20 =	rddreg [dreg:$0xa]  }
0x152: {  	[sflag:s23] =	ssyncadd.s32 $0xFFFFD800;
	s6 =	sshrl.u32 s20, $0x3;
	s20 =	rddreg [dreg:$0x14]  }
0x153: {  	[hbm:s20], [sflag:s7] =	dma.local [spmem:s6], $0x50  }
0x154: {  	_ =	swait.ge [sflag:s23], $0x50  }
0x155: {  	s19 =	sadd.s32 $0x1, s19;
	s20 =	rddreg [dreg:$0x15]  }
0x156: {  	p0 =	sne.s32 s19, s20  }
.Ltmp3:
0x157: {  	_ = 	snop;
	(pc) =	sbr.rel @p0 .LBB2_1-.Ltmp3, $3  }
0x158: {  	_ =	sdelay $0x1  }
0x159: {  	[sflag:s23] =	ssyncset.done $0x0  }
0x15a: {  	[sflag:s23] =	ssyncadd.s32 $0xFFFFFFB0  }
0x15b: {  	_ =	sfence.sel $0x180000  }
0x15c: {  	[bflag:$0x0] =	sbarrier.arrive $0xFFFF  }
0x15d: {  	_ =	strace $0x90000047  }
0x15e: {  	s0 =	stileid.u32;
	[bflag:$0x2] =	sbarrier.arrive $0xFFFF  }
0x15f: {  	p0 =	sne.s32 s0, $0x0;
	s0 =	rddreg [dreg:$0x3]  }
0x160: {  	s0 =	sadd.s32 @!p0 $0x100000, s0  }
0x161: {  	[sflag:s0] =	ssyncadd.tile.s32 @!p0 $0x1;
	_ =	shalt  }
.Lfunc_end2:
_tile_overlayer_lowered:
.L_overlay_start_2:
0x162: {  	(tag) =	ssettag $0x2  }
0x163: {  	s0 =	rddreg [dreg:$0x0];
	s2 =	stileid.u32  }
0x164: {  	s1 =	rddreg [dreg:$0x1];
	p0 =	sne.s32 s2, $0x0  }
0x165: {  	s3 =	rddreg [dreg:$0x2];
	[bflag:$0x3] =	sbarrier.arrive $0xFFFF;
	s2 =	simm.s32 @!p0 $0x1C06  }
0x166: {  	[timem:s3], [sflag:s2] =	dma.local @!p0 [hbm:s0], s1  }
0x167: {  	s0 =	simm.s32 @!p0 $0x6  }
0x168: {  	_ =	swait.ge @!p0 [sflag:s0], s1  }
0x169: {  	s1 =	ssub.s32 @!p0 $0x0, s1;
	[sflag:s0] =	ssyncset.done @!p0 $0x0  }
0x16a: {  	[sflag:s0] =	ssyncadd.s32 @!p0 s1  }
0x16b: {  	[bflag:$0x3] =	sbarrier.arrive $0xFFFF  }
0x16c: {  	_ =	shalt  }

</sc_bundles>
